<compile_context>
chip_gen: v7x
topology: tpu7x:2x2x1
jax: 0.10.2.dev20260603
libtpu: 0.0.44.dev20260713+nightly
codegen_flags: <defaults>
</compile_context>

<pallas_src>
import functools

import jax
import jax.numpy as jnp
from jax import lax
from jax.experimental import pallas as pl
from jax.experimental.pallas import tpu as pltpu
from jax.experimental.pallas import tpu_sc as plsc

N = 10000
E = 320000
D = 128
NC = 2
NS = 16
NW = NC * NS
EPT = E // NW
C1 = 64
NF1 = EPT // C1
CT1 = EPT - NF1 * C1
C3 = 64
KS = 2
ES = E // KS
EPTS = ES // NW
NF3 = EPTS // C3
CT3 = EPTS - NF3 * C3
NPAD = 10240
RPS = NPAD // NS
LANES = 16
NVR = D // LANES

_mesh = plsc.VectorSubcoreMesh(core_axis_name="c", subcore_axis_name="s")


def _mul_rows(nrows, acc, other):
    @pl.loop(0, nrows)
    def _(r):
        for j in range(NVR):
            sl = pl.ds(j * LANES, LANES)
            acc[r, sl] = acc[r, sl] * other[r, sl]


@functools.partial(
    pl.kernel,
    out_type=jax.ShapeDtypeStruct((NC * NPAD, D), jnp.float32),
    mesh=_mesh,
    scratch_types=[
        pltpu.VMEM((C1,), jnp.int32),
        pltpu.VMEM((C1,), jnp.int32),
        pltpu.VMEM((2, C1), jnp.int32),
        pltpu.VMEM((1, CT1), jnp.int32),
        pltpu.VMEM((C1, D), jnp.float32),
        pltpu.VMEM((C1, D), jnp.float32),
        pltpu.VMEM((C1, D), jnp.float32),
        pltpu.VMEM((C1, D), jnp.float32),
        pltpu.VMEM_SHARED((NPAD, D), jnp.float32),
        pltpu.SemaphoreType.DMA,
        pltpu.SemaphoreType.DMA,
        pltpu.SemaphoreType.DMA,
        pltpu.SemaphoreType.DMA,
        pltpu.SemaphoreType.DMA,
        pltpu.SemaphoreType.DMA,
        pltpu.SemaphoreType.DMA,
        pltpu.SemaphoreType.DMA,
        pltpu.SemaphoreType.DMA,
        pltpu.SemaphoreType.DMA,
    ],
)
def _phase1(x_hbm, ea_hbm, src_hbm, dst_hbm, out_hbm,
            si0v, si1v, didx, didx_t, xs0, xs1, ea0, ea1, agg_sh,
            sg0, sg1, se0, se1, ss0, ss1, si0, si1, sd0, sd1):
    cid = lax.axis_index("c")
    sid = lax.axis_index("s")
    wid = cid * NS + sid
    base0 = wid * EPT
    dslot0 = didx.at[0]
    dslot1 = didx.at[1]

    @pl.loop(0, C1)
    def _(r):
        for j in range(NVR):
            ea0[r, pl.ds(j * LANES, LANES)] = jnp.zeros((LANES,), jnp.float32)

    @pl.loop(0, RPS // C1)
    def _(k):
        pltpu.sync_copy(ea0, agg_sh.at[pl.ds(sid * RPS + k * C1, C1)])

    plsc.subcore_barrier()

    def issue_idx(j, siv, si):
        jc = jnp.minimum(j, NF1 - 1)
        pltpu.async_copy(src_hbm.at[pl.ds(base0 + jc * C1, C1)], siv, si)

    def wait_idx(siv, si):
        pltpu.make_async_copy(src_hbm.at[pl.ds(0, C1)], siv, si).wait()

    def issue_didx(j, dslot, sd):
        jc = jnp.minimum(j, NF1 - 1)
        pltpu.async_copy(dst_hbm.at[pl.ds(base0 + jc * C1, C1)], dslot, sd)

    def wait_didx(dslot, sd):
        pltpu.make_async_copy(dst_hbm.at[pl.ds(0, C1)], dslot, sd).wait()

    def issue(j, siv, xs, ea, sg, se):
        jc = jnp.minimum(j, NF1 - 1)
        pltpu.async_copy(x_hbm.at[siv], xs, sg)
        pltpu.async_copy(ea_hbm.at[pl.ds(base0 + jc * C1, C1)], ea, se)

    def wait_loads(siv, xs, ea, sg, se):
        pltpu.make_async_copy(x_hbm.at[siv], xs, sg).wait()
        pltpu.make_async_copy(ea_hbm.at[pl.ds(0, C1)], ea, se).wait()

    def scatter(j, ea, dslot, ss):
        pltpu.async_copy(ea, agg_sh.at[dslot], ss, add=True)

    def wait_scatter(ea, ss):
        pltpu.make_async_copy(ea, agg_sh.at[dslot0], ss).wait()

    pltpu.sync_copy(dst_hbm.at[pl.ds(base0, C1)], dslot0)
    pltpu.sync_copy(dst_hbm.at[pl.ds(base0 + C1, C1)], dslot1)
    pltpu.sync_copy(src_hbm.at[pl.ds(base0, C1)], si0v)
    pltpu.sync_copy(src_hbm.at[pl.ds(base0 + C1, C1)], si1v)
    issue(0, si0v, xs0, ea0, sg0, se0)
    issue(1, si1v, xs1, ea1, sg1, se1)

    wait_loads(si0v, xs0, ea0, sg0, se0)
    issue_idx(2, si0v, si0)
    _mul_rows(C1, ea0, xs0)
    scatter(0, ea0, dslot0, ss0)

    wait_scatter(ea0, ss0)
    issue_didx(2, dslot0, sd0)
    wait_idx(si0v, si0)
    issue(2, si0v, xs0, ea0, sg0, se0)
    wait_loads(si1v, xs1, ea1, sg1, se1)
    issue_idx(3, si1v, si1)
    _mul_rows(C1, ea1, xs1)
    scatter(1, ea1, dslot1, ss1)

    @pl.loop(0, (NF1 - 2) // 2)
    def _(k):
        ja = 2 * k + 2
        wait_scatter(ea1, ss1)
        issue_didx(ja + 1, dslot1, sd1)
        wait_idx(si1v, si1)
        issue(ja + 1, si1v, xs1, ea1, sg1, se1)
        wait_loads(si0v, xs0, ea0, sg0, se0)
        issue_idx(ja + 2, si0v, si0)
        _mul_rows(C1, ea0, xs0)
        wait_didx(dslot0, sd0)
        scatter(ja, ea0, dslot0, ss0)

        jb = 2 * k + 3
        wait_scatter(ea0, ss0)
        issue_didx(jb + 1, dslot0, sd0)
        wait_idx(si0v, si0)
        issue(jb + 1, si0v, xs0, ea0, sg0, se0)
        wait_loads(si1v, xs1, ea1, sg1, se1)
        issue_idx(jb + 2, si1v, si1)
        _mul_rows(C1, ea1, xs1)
        wait_didx(dslot1, sd1)
        scatter(jb, ea1, dslot1, ss1)

    wait_scatter(ea1, ss1)
    wait_didx(dslot0, sd0)
    wait_idx(si1v, si1)
    wait_loads(si0v, xs0, ea0, sg0, se0)

    tbase = base0 + NF1 * C1
    pltpu.sync_copy(src_hbm.at[pl.ds(tbase, CT1)], si0v.at[pl.ds(0, CT1)])
    pltpu.sync_copy(dst_hbm.at[pl.ds(tbase, CT1)], didx_t.at[0])
    pltpu.sync_copy(x_hbm.at[si0v.at[pl.ds(0, CT1)]], xs0.at[pl.ds(0, CT1)])
    pltpu.sync_copy(ea_hbm.at[pl.ds(tbase, CT1)], ea0.at[pl.ds(0, CT1)])
    _mul_rows(CT1, ea0, xs0)
    pltpu.sync_copy(ea0.at[pl.ds(0, CT1)], agg_sh.at[didx_t.at[0]], add=True)

    plsc.subcore_barrier()

    pltpu.sync_copy(agg_sh.at[pl.ds(sid * RPS, RPS)],
                    out_hbm.at[pl.ds(cid * NPAD + sid * RPS, RPS)])


def _make_phase3(ks):
    return functools.partial(
        pl.kernel,
        out_type=jax.ShapeDtypeStruct((ES, D), jnp.float32),
        mesh=_mesh,
        scratch_types=[
            pltpu.VMEM((C3,), jnp.int32),
            pltpu.VMEM((C3,), jnp.int32),
            pltpu.VMEM((C3,), jnp.int32),
            pltpu.VMEM((C3,), jnp.int32),
            pltpu.VMEM((C3, D), jnp.float32),
            pltpu.VMEM((C3, D), jnp.float32),
            pltpu.VMEM((C3, D), jnp.float32),
            pltpu.VMEM((C3, D), jnp.float32),
            pltpu.VMEM_SHARED((NPAD, D), jnp.float32),
            pltpu.SemaphoreType.DMA,
            pltpu.SemaphoreType.DMA,
            pltpu.SemaphoreType.DMA,
            pltpu.SemaphoreType.DMA,
            pltpu.SemaphoreType.DMA,
            pltpu.SemaphoreType.DMA,
            pltpu.SemaphoreType.DMA,
            pltpu.SemaphoreType.DMA,
            pltpu.SemaphoreType.DMA,
            pltpu.SemaphoreType.DMA,
        ],
    )(functools.partial(_phase3_body, ks))


def _phase3_body(ks, na_hbm, src_hbm, dst_hbm, prod_hbm,
                 siv0, siv1, div0, div1, gs0, gs1, gd0, gd1, na_sh,
                 sg0, sg1, sdg0, sdg1, sw0, sw1, si0, si1, sdi0, sdi1):
    cid = lax.axis_index("c")
    sid = lax.axis_index("s")
    wid = cid * NS + sid
    sbase = ks * ES + wid * EPTS

    @pl.when(sid < NS - 1)
    def _():
        pltpu.sync_copy(na_hbm.at[pl.ds(sid * RPS, RPS)],
                        na_sh.at[pl.ds(sid * RPS, RPS)])

    @pl.when(sid == NS - 1)
    def _():
        pltpu.sync_copy(na_hbm.at[pl.ds((NS - 1) * RPS, N - (NS - 1) * RPS)],
                        na_sh.at[pl.ds((NS - 1) * RPS, N - (NS - 1) * RPS)])

    def issue_idx(j, siv, div, si, sdi):
        jc = jnp.minimum(j, NF3 - 1)
        pltpu.async_copy(src_hbm.at[pl.ds(sbase + jc * C3, C3)], siv, si)
        pltpu.async_copy(dst_hbm.at[pl.ds(sbase + jc * C3, C3)], div, sdi)

    def wait_idx(siv, div, si, sdi):
        pltpu.make_async_copy(src_hbm.at[pl.ds(0, C3)], siv, si).wait()
        pltpu.make_async_copy(dst_hbm.at[pl.ds(0, C3)], div, sdi).wait()

    def issue(siv, div, gs, gd, sg, sdg):
        pltpu.async_copy(na_sh.at[siv], gs, sg)
        pltpu.async_copy(na_sh.at[div], gd, sdg)

    def wait_gathers(siv, div, gs, gd, sg, sdg):
        pltpu.make_async_copy(na_sh.at[siv], gs, sg).wait()
        pltpu.make_async_copy(na_sh.at[div], gd, sdg).wait()

    def write(j, gs, sw):
        pltpu.async_copy(gs, prod_hbm.at[pl.ds(wid * EPTS + j * C3, C3)], sw)

    def wait_write(gs, sw):
        pltpu.make_async_copy(gs, prod_hbm.at[pl.ds(0, C3)], sw).wait()

    pltpu.sync_copy(src_hbm.at[pl.ds(sbase, C3)], siv0)
    pltpu.sync_copy(dst_hbm.at[pl.ds(sbase, C3)], div0)
    pltpu.sync_copy(src_hbm.at[pl.ds(sbase + C3, C3)], siv1)
    pltpu.sync_copy(dst_hbm.at[pl.ds(sbase + C3, C3)], div1)
    plsc.subcore_barrier()

    issue(siv0, div0, gs0, gd0, sg0, sdg0)
    issue(siv1, div1, gs1, gd1, sg1, sdg1)

    wait_gathers(siv0, div0, gs0, gd0, sg0, sdg0)
    issue_idx(2, siv0, div0, si0, sdi0)
    _mul_rows(C3, gs0, gd0)
    write(0, gs0, sw0)

    wait_write(gs0, sw0)
    wait_idx(siv0, div0, si0, sdi0)
    issue(siv0, div0, gs0, gd0, sg0, sdg0)
    wait_gathers(siv1, div1, gs1, gd1, sg1, sdg1)
    issue_idx(3, siv1, div1, si1, sdi1)
    _mul_rows(C3, gs1, gd1)
    write(1, gs1, sw1)

    @pl.loop(0, (NF3 - 2) // 2)
    def _(k):
        ja = 2 * k + 2
        wait_write(gs1, sw1)
        wait_idx(siv1, div1, si1, sdi1)
        issue(siv1, div1, gs1, gd1, sg1, sdg1)
        wait_gathers(siv0, div0, gs0, gd0, sg0, sdg0)
        issue_idx(ja + 2, siv0, div0, si0, sdi0)
        _mul_rows(C3, gs0, gd0)
        write(ja, gs0, sw0)

        jb = 2 * k + 3
        wait_write(gs0, sw0)
        wait_idx(siv0, div0, si0, sdi0)
        issue(siv0, div0, gs0, gd0, sg0, sdg0)
        wait_gathers(siv1, div1, gs1, gd1, sg1, sdg1)
        issue_idx(jb + 2, siv1, div1, si1, sdi1)
        _mul_rows(C3, gs1, gd1)
        write(jb, gs1, sw1)

    wait_write(gs1, sw1)
    wait_gathers(siv0, div0, gs0, gd0, sg0, sdg0)
    wait_idx(siv1, div1, si1, sdi1)

    tbase = sbase + NF3 * C3
    pltpu.sync_copy(src_hbm.at[pl.ds(tbase, CT3)], siv0.at[pl.ds(0, CT3)])
    pltpu.sync_copy(dst_hbm.at[pl.ds(tbase, CT3)], div0.at[pl.ds(0, CT3)])
    pltpu.sync_copy(na_sh.at[siv0.at[pl.ds(0, CT3)]], gs0.at[pl.ds(0, CT3)])
    pltpu.sync_copy(na_sh.at[div0.at[pl.ds(0, CT3)]], gd0.at[pl.ds(0, CT3)])
    _mul_rows(CT3, gs0, gd0)
    pltpu.sync_copy(gs0.at[pl.ds(0, CT3)],
                    prod_hbm.at[pl.ds(wid * EPTS + NF3 * C3, CT3)])


def _node_softmax_body(p_ref, x_ref, o_ref):
    a = p_ref[0:N, :] + p_ref[NPAD:NPAD + N, :] + x_ref[...]
    m = jnp.max(a, axis=-1, keepdims=True)
    e = jnp.exp(a - m)
    o_ref[...] = e / jnp.sum(e, axis=-1, keepdims=True)


def _edge_softmax_first(prod_ref, ea_ref, o_ref):
    t = prod_ref[...] + ea_ref[...]
    m = jnp.max(t, axis=-1, keepdims=True)
    e = jnp.exp(t - m)
    o_ref[...] = e / jnp.sum(e, axis=-1, keepdims=True)


def _edge_softmax_next(buf_ref, prod_ref, ea_ref, o_ref):
    del buf_ref
    t = prod_ref[...] + ea_ref[...]
    m = jnp.max(t, axis=-1, keepdims=True)
    e = jnp.exp(t - m)
    o_ref[...] = e / jnp.sum(e, axis=-1, keepdims=True)


_BE = 2000
_BPS = ES // _BE

_PHASE3 = [_make_phase3(k) for k in range(KS)]


def kernel(x, edge_attr, edge_index):
    src = edge_index[0].astype(jnp.int32)
    dst = edge_index[1].astype(jnp.int32)

    partials = _phase1(x, edge_attr, src, dst)

    node_att = pl.pallas_call(
        _node_softmax_body,
        out_shape=jax.ShapeDtypeStruct((N, D), jnp.float32),
    )(partials, x)

    prods = [_PHASE3[k](node_att, src, dst) for k in range(KS)]

    edge_att_new = pl.pallas_call(
        _edge_softmax_first,
        grid=(_BPS,),
        in_specs=[pl.BlockSpec((_BE, D), lambda i: (i, 0))] * 2,
        out_specs=pl.BlockSpec((_BE, D), lambda i: (i, 0)),
        out_shape=jax.ShapeDtypeStruct((E, D), jnp.float32),
    )(prods[0], edge_attr)

    for k in range(1, KS):
        off = k * _BPS
        edge_att_new = pl.pallas_call(
            _edge_softmax_next,
            grid=(_BPS,),
            in_specs=[
                pl.BlockSpec(memory_space=pl.ANY),
                pl.BlockSpec((_BE, D), lambda i: (i, 0)),
                pl.BlockSpec((_BE, D), lambda i, off=off: (i + off, 0)),
            ],
            out_specs=pl.BlockSpec((_BE, D), lambda i, off=off: (i + off, 0)),
            out_shape=jax.ShapeDtypeStruct((E, D), jnp.float32),
            input_output_aliases={0: 0},
        )(edge_att_new, prods[k], edge_attr)

    return node_att, edge_att_new

# --- scband reference (transcript-rebuilt; emitter-appended) ---
"""Pipeline reference for scband-probability-graph-38482906972426 (READ-ONLY COPY).

The authoritative reference and input builder live on the scoring server;
editing this copy changes nothing except your own understanding.
"""

import jax, jax.numpy as jnp
import numpy as np

N_NODES = 10000
N_EDGES = 320000
D = 128

def setup_inputs(seed: int = 0) -> dict:
    key = jax.random.key(seed)
    k1, k2, k3 = jax.random.split(key, 3)
    x = jax.random.normal(k1, (N_NODES, D), dtype=jnp.float32)
    edge_attr = jax.random.normal(k2, (N_EDGES, D), dtype=jnp.float32)
    edge_index = jax.random.randint(k3, (2, N_EDGES), 0, N_NODES, dtype=jnp.int64)
    return {"x": x, "edge_attr": edge_attr, "edge_index": edge_index}

def reference(x, edge_attr, edge_index):
    # DGL update_all: message = edge.att * src.att ; reduce = sum over incoming edges
    src = edge_index[0]
    dst = edge_index[1]
    msg = edge_attr * jnp.take(x, src, axis=0)  # [E, D]
    agg = jax.ops.segment_sum(msg, dst, num_segments=x.shape[0])  # [N, D]
    node_att = jax.nn.softmax(agg + x, axis=1)  # new node 'att'
    # apply_edges: prob = src.att * dst.att + edge.att, softmax over feature dim
    edge_att_new = jax.nn.softmax(
        jnp.take(node_att, src, axis=0) * jnp.take(node_att, dst, axis=0) + edge_attr,
        axis=1,
    )
    return (node_att, edge_att_new)

if __name__ == "__main__":
    import jax
    _d = setup_inputs()
    print(jax.jit(kernel)(*tuple(_d.values())))

</pallas_src>

<mosaic_0001>
#map = affine_map<(d0, d1) -> (0, 0)>
#map1 = affine_map<(d0, d1) -> (0)>
module attributes {stable_mosaic.version = 14 : i64} {
  func.func @_phase3_body(%arg0: i32, %arg1: i32, %arg2: memref<10000x128xf32, #tpu.memory_space<hbm>>, %arg3: memref<320000xi32, #tpu.memory_space<hbm>>, %arg4: memref<320000xi32, #tpu.memory_space<hbm>>, %arg5: memref<160000x128xf32, #tpu.memory_space<hbm>>, %arg6: memref<64xi32, #tpu.memory_space<vmem>>, %arg7: memref<64xi32, #tpu.memory_space<vmem>>, %arg8: memref<64xi32, #tpu.memory_space<vmem>>, %arg9: memref<64xi32, #tpu.memory_space<vmem>>, %arg10: memref<64x128xf32, #tpu.memory_space<vmem>>, %arg11: memref<64x128xf32, #tpu.memory_space<vmem>>, %arg12: memref<64x128xf32, #tpu.memory_space<vmem>>, %arg13: memref<64x128xf32, #tpu.memory_space<vmem>>, %arg14: memref<10240x128xf32, #tpu.memory_space<vmem_shared>>, %arg15: memref<!tpu.dma_semaphore, #tpu.memory_space<semaphore_mem>>, %arg16: memref<!tpu.dma_semaphore, #tpu.memory_space<semaphore_mem>>, %arg17: memref<!tpu.dma_semaphore, #tpu.memory_space<semaphore_mem>>, %arg18: memref<!tpu.dma_semaphore, #tpu.memory_space<semaphore_mem>>, %arg19: memref<!tpu.dma_semaphore, #tpu.memory_space<semaphore_mem>>, %arg20: memref<!tpu.dma_semaphore, #tpu.memory_space<semaphore_mem>>, %arg21: memref<!tpu.dma_semaphore, #tpu.memory_space<semaphore_mem>>, %arg22: memref<!tpu.dma_semaphore, #tpu.memory_space<semaphore_mem>>, %arg23: memref<!tpu.dma_semaphore, #tpu.memory_space<semaphore_mem>>, %arg24: memref<!tpu.dma_semaphore, #tpu.memory_space<semaphore_mem>>) attributes {dimension_semantics = [#tpu.dimension_semantics<core_parallel>, #tpu.dimension_semantics<subcore_parallel>], iteration_bounds = array<i64: 2, 16>, scalar_prefetch = 0 : i64, scratch_operands = 19 : i64, tpu.core_type = #tpu.core_type<sc_vector_subcore>, window_params = [{transform_indices = #map}, {transform_indices = #map1}, {transform_indices = #map1}, {transform_indices = #map}]} {
    %mul3A = arith.constant 16 : i32
    %mul3A_0 = arith.muli %arg0, %mul3A : i32
    %add3A = arith.addi %mul3A_0, %arg1 : i32
    %mul3A_1 = arith.constant 5000 : i32
    %mul3A_2 = arith.muli %add3A, %mul3A_1 : i32
    %add3A_3 = arith.constant 0 : i32
    %add3A_4 = arith.addi %add3A_3, %mul3A_2 : i32
    %lt3A = arith.constant 15 : i32
    %lt3A_5 = arith.cmpi slt, %arg1, %lt3A : i32
    %convert_element_type3A = arith.extui %lt3A_5 : i1 to i32
    %cond3A = arith.constant 0 : i32
    %cond3A_6 = arith.cmpi ne, %convert_element_type3A, %cond3A : i32
    scf.if %cond3A_6 {
      %mul3A_143 = arith.constant 640 : i32
      %mul3A_144 = arith.muli %arg1, %mul3A_143 : i32
      %mul3A_145 = arith.constant 640 : i32
      %mul3A_146 = arith.muli %arg1, %mul3A_145 : i32
      "tpu.region"() ({
        %run_scoped3A = tpu.sem_alloc : memref<!tpu.dma_semaphore, #tpu.memory_space<semaphore_mem>>
        %dma_start3A_147 = arith.constant 0 : i32
        %dma_start3A_148 = tpu.memref_slice %arg14[%mul3A_146, %dma_start3A_147] : memref<10240x128xf32, #tpu.memory_space<vmem_shared>> -> memref<640x128xf32, #tpu.memory_space<vmem_shared>>
        %dma_start3A_149 = arith.constant 0 : i32
        %dma_start3A_150 = tpu.memref_slice %arg2[%mul3A_144, %dma_start3A_149] : memref<10000x128xf32, #tpu.memory_space<hbm>> -> memref<640x128xf32, #tpu.memory_space<hbm>>
        tpu.enqueue_dma source(%dma_start3A_150 : memref<640x128xf32, #tpu.memory_space<hbm>>) target(%dma_start3A_148 : memref<640x128xf32, #tpu.memory_space<vmem_shared>>) target_semaphore(%run_scoped3A : memref<!tpu.dma_semaphore, #tpu.memory_space<semaphore_mem>>)
        %dma_wait3A_151 = arith.constant 0 : i32
        %dma_wait3A_152 = tpu.memref_slice %arg14[%mul3A_146, %dma_wait3A_151] : memref<10240x128xf32, #tpu.memory_space<vmem_shared>> -> memref<640x128xf32, #tpu.memory_space<vmem_shared>>
        %dma_wait3A_153 = arith.constant 0 : i32
        %dma_wait3A_154 = tpu.memref_slice %arg2[%mul3A_144, %dma_wait3A_153] : memref<10000x128xf32, #tpu.memory_space<hbm>> -> memref<640x128xf32, #tpu.memory_space<hbm>>
        tpu.wait_dma2 semaphore(%run_scoped3A : memref<!tpu.dma_semaphore, #tpu.memory_space<semaphore_mem>>) src(%dma_wait3A_154 : memref<640x128xf32, #tpu.memory_space<hbm>>) dst(%dma_wait3A_152 : memref<640x128xf32, #tpu.memory_space<vmem_shared>>)
        tpu.yield
      }) : () -> ()
    } else {
    }
    %eq3A = arith.constant 15 : i32
    %eq3A_7 = arith.cmpi eq, %arg1, %eq3A : i32
    %convert_element_type3A_8 = arith.extui %eq3A_7 : i1 to i32
    %cond3A_9 = arith.constant 0 : i32
    %cond3A_10 = arith.cmpi ne, %convert_element_type3A_8, %cond3A_9 : i32
    scf.if %cond3A_10 {
      "tpu.region"() ({
        %run_scoped3A = tpu.sem_alloc : memref<!tpu.dma_semaphore, #tpu.memory_space<semaphore_mem>>
        %dma_start3A_143 = arith.constant 9600 : i32
        %dma_start3A_144 = arith.constant 0 : i32
        %dma_start3A_145 = tpu.memref_slice %arg14[%dma_start3A_143, %dma_start3A_144] : memref<10240x128xf32, #tpu.memory_space<vmem_shared>> -> memref<400x128xf32, #tpu.memory_space<vmem_shared>>
        %dma_start3A_146 = arith.constant 9600 : i32
        %dma_start3A_147 = arith.constant 0 : i32
        %dma_start3A_148 = tpu.memref_slice %arg2[%dma_start3A_146, %dma_start3A_147] : memref<10000x128xf32, #tpu.memory_space<hbm>> -> memref<400x128xf32, #tpu.memory_space<hbm>>
        tpu.enqueue_dma source(%dma_start3A_148 : memref<400x128xf32, #tpu.memory_space<hbm>>) target(%dma_start3A_145 : memref<400x128xf32, #tpu.memory_space<vmem_shared>>) target_semaphore(%run_scoped3A : memref<!tpu.dma_semaphore, #tpu.memory_space<semaphore_mem>>)
        %dma_wait3A_149 = arith.constant 9600 : i32
        %dma_wait3A_150 = arith.constant 0 : i32
        %dma_wait3A_151 = tpu.memref_slice %arg14[%dma_wait3A_149, %dma_wait3A_150] : memref<10240x128xf32, #tpu.memory_space<vmem_shared>> -> memref<400x128xf32, #tpu.memory_space<vmem_shared>>
        %dma_wait3A_152 = arith.constant 9600 : i32
        %dma_wait3A_153 = arith.constant 0 : i32
        %dma_wait3A_154 = tpu.memref_slice %arg2[%dma_wait3A_152, %dma_wait3A_153] : memref<10000x128xf32, #tpu.memory_space<hbm>> -> memref<400x128xf32, #tpu.memory_space<hbm>>
        tpu.wait_dma2 semaphore(%run_scoped3A : memref<!tpu.dma_semaphore, #tpu.memory_space<semaphore_mem>>) src(%dma_wait3A_154 : memref<400x128xf32, #tpu.memory_space<hbm>>) dst(%dma_wait3A_151 : memref<400x128xf32, #tpu.memory_space<vmem_shared>>)
        tpu.yield
      }) : () -> ()
    } else {
    }
    "tpu.region"() ({
      %run_scoped3A = tpu.sem_alloc : memref<!tpu.dma_semaphore, #tpu.memory_space<semaphore_mem>>
      %dma_start3A_143 = tpu.memref_slice %arg3[%add3A_4] : memref<320000xi32, #tpu.memory_space<hbm>> -> memref<64xi32, #tpu.memory_space<hbm>>
      %dma_start3A_144 = tpu.memref_slice %arg3[%add3A_4] : memref<320000xi32, #tpu.memory_space<hbm>> -> memref<64xi32, #tpu.memory_space<hbm>>
      tpu.enqueue_dma source(%dma_start3A_144 : memref<64xi32, #tpu.memory_space<hbm>>) target(%arg6 : memref<64xi32, #tpu.memory_space<vmem>>) target_semaphore(%run_scoped3A : memref<!tpu.dma_semaphore, #tpu.memory_space<semaphore_mem>>)
      %dma_wait3A_145 = tpu.memref_slice %arg3[%add3A_4] : memref<320000xi32, #tpu.memory_space<hbm>> -> memref<64xi32, #tpu.memory_space<hbm>>
      %dma_wait3A_146 = tpu.memref_slice %arg3[%add3A_4] : memref<320000xi32, #tpu.memory_space<hbm>> -> memref<64xi32, #tpu.memory_space<hbm>>
      tpu.wait_dma2 semaphore(%run_scoped3A : memref<!tpu.dma_semaphore, #tpu.memory_space<semaphore_mem>>) src(%dma_wait3A_146 : memref<64xi32, #tpu.memory_space<hbm>>) dst(%arg6 : memref<64xi32, #tpu.memory_space<vmem>>)
      tpu.yield
    }) : () -> ()
    "tpu.region"() ({
      %run_scoped3A = tpu.sem_alloc : memref<!tpu.dma_semaphore, #tpu.memory_space<semaphore_mem>>
      %dma_start3A_143 = tpu.memref_slice %arg4[%add3A_4] : memref<320000xi32, #tpu.memory_space<hbm>> -> memref<64xi32, #tpu.memory_space<hbm>>
      %dma_start3A_144 = tpu.memref_slice %arg4[%add3A_4] : memref<320000xi32, #tpu.memory_space<hbm>> -> memref<64xi32, #tpu.memory_space<hbm>>
      tpu.enqueue_dma source(%dma_start3A_144 : memref<64xi32, #tpu.memory_space<hbm>>) target(%arg8 : memref<64xi32, #tpu.memory_space<vmem>>) target_semaphore(%run_scoped3A : memref<!tpu.dma_semaphore, #tpu.memory_space<semaphore_mem>>)
      %dma_wait3A_145 = tpu.memref_slice %arg4[%add3A_4] : memref<320000xi32, #tpu.memory_space<hbm>> -> memref<64xi32, #tpu.memory_space<hbm>>
      %dma_wait3A_146 = tpu.memref_slice %arg4[%add3A_4] : memref<320000xi32, #tpu.memory_space<hbm>> -> memref<64xi32, #tpu.memory_space<hbm>>
      tpu.wait_dma2 semaphore(%run_scoped3A : memref<!tpu.dma_semaphore, #tpu.memory_space<semaphore_mem>>) src(%dma_wait3A_146 : memref<64xi32, #tpu.memory_space<hbm>>) dst(%arg8 : memref<64xi32, #tpu.memory_space<vmem>>)
      tpu.yield
    }) : () -> ()
    %add3A_11 = arith.constant 64 : i32
    %add3A_12 = arith.addi %add3A_4, %add3A_11 : i32
    "tpu.region"() ({
      %run_scoped3A = tpu.sem_alloc : memref<!tpu.dma_semaphore, #tpu.memory_space<semaphore_mem>>
      %dma_start3A_143 = tpu.memref_slice %arg3[%add3A_12] : memref<320000xi32, #tpu.memory_space<hbm>> -> memref<64xi32, #tpu.memory_space<hbm>>
      %dma_start3A_144 = tpu.memref_slice %arg3[%add3A_12] : memref<320000xi32, #tpu.memory_space<hbm>> -> memref<64xi32, #tpu.memory_space<hbm>>
      tpu.enqueue_dma source(%dma_start3A_144 : memref<64xi32, #tpu.memory_space<hbm>>) target(%arg7 : memref<64xi32, #tpu.memory_space<vmem>>) target_semaphore(%run_scoped3A : memref<!tpu.dma_semaphore, #tpu.memory_space<semaphore_mem>>)
      %dma_wait3A_145 = tpu.memref_slice %arg3[%add3A_12] : memref<320000xi32, #tpu.memory_space<hbm>> -> memref<64xi32, #tpu.memory_space<hbm>>
      %dma_wait3A_146 = tpu.memref_slice %arg3[%add3A_12] : memref<320000xi32, #tpu.memory_space<hbm>> -> memref<64xi32, #tpu.memory_space<hbm>>
      tpu.wait_dma2 semaphore(%run_scoped3A : memref<!tpu.dma_semaphore, #tpu.memory_space<semaphore_mem>>) src(%dma_wait3A_146 : memref<64xi32, #tpu.memory_space<hbm>>) dst(%arg7 : memref<64xi32, #tpu.memory_space<vmem>>)
      tpu.yield
    }) : () -> ()
    %add3A_13 = arith.constant 64 : i32
    %add3A_14 = arith.addi %add3A_4, %add3A_13 : i32
    "tpu.region"() ({
      %run_scoped3A = tpu.sem_alloc : memref<!tpu.dma_semaphore, #tpu.memory_space<semaphore_mem>>
      %dma_start3A_143 = tpu.memref_slice %arg4[%add3A_14] : memref<320000xi32, #tpu.memory_space<hbm>> -> memref<64xi32, #tpu.memory_space<hbm>>
      %dma_start3A_144 = tpu.memref_slice %arg4[%add3A_14] : memref<320000xi32, #tpu.memory_space<hbm>> -> memref<64xi32, #tpu.memory_space<hbm>>
      tpu.enqueue_dma source(%dma_start3A_144 : memref<64xi32, #tpu.memory_space<hbm>>) target(%arg9 : memref<64xi32, #tpu.memory_space<vmem>>) target_semaphore(%run_scoped3A : memref<!tpu.dma_semaphore, #tpu.memory_space<semaphore_mem>>)
      %dma_wait3A_145 = tpu.memref_slice %arg4[%add3A_14] : memref<320000xi32, #tpu.memory_space<hbm>> -> memref<64xi32, #tpu.memory_space<hbm>>
      %dma_wait3A_146 = tpu.memref_slice %arg4[%add3A_14] : memref<320000xi32, #tpu.memory_space<hbm>> -> memref<64xi32, #tpu.memory_space<hbm>>
      tpu.wait_dma2 semaphore(%run_scoped3A : memref<!tpu.dma_semaphore, #tpu.memory_space<semaphore_mem>>) src(%dma_wait3A_146 : memref<64xi32, #tpu.memory_space<hbm>>) dst(%arg9 : memref<64xi32, #tpu.memory_space<vmem>>)
      tpu.yield
    }) : () -> ()
    %barrier3A = arith.constant 0 : index
    tpu.barrier barrier_id(%barrier3A)
    %dma_start3A = arith.constant 0 : i32
    %dma_start3A_15 = arith.constant 0 : i32
    %dma_start3A_16 = tpu.memref_slice %arg14[%dma_start3A, %dma_start3A_15] : memref<10240x128xf32, #tpu.memory_space<vmem_shared>> -> memref<10240x128xf32, #tpu.memory_space<vmem_shared>>
    tpu.enqueue_indirect_dma source(%dma_start3A_16 : memref<10240x128xf32, #tpu.memory_space<vmem_shared>>) target(%arg10 : memref<64x128xf32, #tpu.memory_space<vmem>>) offsets(%arg6 : memref<64xi32, #tpu.memory_space<vmem>>) semaphore(%arg15 : memref<!tpu.dma_semaphore, #tpu.memory_space<semaphore_mem>>)
    %dma_start3A_17 = arith.constant 0 : i32
    %dma_start3A_18 = arith.constant 0 : i32
    %dma_start3A_19 = tpu.memref_slice %arg14[%dma_start3A_17, %dma_start3A_18] : memref<10240x128xf32, #tpu.memory_space<vmem_shared>> -> memref<10240x128xf32, #tpu.memory_space<vmem_shared>>
    tpu.enqueue_indirect_dma source(%dma_start3A_19 : memref<10240x128xf32, #tpu.memory_space<vmem_shared>>) target(%arg12 : memref<64x128xf32, #tpu.memory_space<vmem>>) offsets(%arg8 : memref<64xi32, #tpu.memory_space<vmem>>) semaphore(%arg17 : memref<!tpu.dma_semaphore, #tpu.memory_space<semaphore_mem>>)
    %dma_start3A_20 = arith.constant 0 : i32
    %dma_start3A_21 = arith.constant 0 : i32
    %dma_start3A_22 = tpu.memref_slice %arg14[%dma_start3A_20, %dma_start3A_21] : memref<10240x128xf32, #tpu.memory_space<vmem_shared>> -> memref<10240x128xf32, #tpu.memory_space<vmem_shared>>
    tpu.enqueue_indirect_dma source(%dma_start3A_22 : memref<10240x128xf32, #tpu.memory_space<vmem_shared>>) target(%arg11 : memref<64x128xf32, #tpu.memory_space<vmem>>) offsets(%arg7 : memref<64xi32, #tpu.memory_space<vmem>>) semaphore(%arg16 : memref<!tpu.dma_semaphore, #tpu.memory_space<semaphore_mem>>)
    %dma_start3A_23 = arith.constant 0 : i32
    %dma_start3A_24 = arith.constant 0 : i32
    %dma_start3A_25 = tpu.memref_slice %arg14[%dma_start3A_23, %dma_start3A_24] : memref<10240x128xf32, #tpu.memory_space<vmem_shared>> -> memref<10240x128xf32, #tpu.memory_space<vmem_shared>>
    tpu.enqueue_indirect_dma source(%dma_start3A_25 : memref<10240x128xf32, #tpu.memory_space<vmem_shared>>) target(%arg13 : memref<64x128xf32, #tpu.memory_space<vmem>>) offsets(%arg9 : memref<64xi32, #tpu.memory_space<vmem>>) semaphore(%arg18 : memref<!tpu.dma_semaphore, #tpu.memory_space<semaphore_mem>>)
    %dma_wait3A = arith.constant 0 : i32
    %dma_wait3A_26 = arith.constant 0 : i32
    %dma_wait3A_27 = tpu.memref_slice %arg14[%dma_wait3A, %dma_wait3A_26] : memref<10240x128xf32, #tpu.memory_space<vmem_shared>> -> memref<10240x128xf32, #tpu.memory_space<vmem_shared>>
    tpu.wait_indirect_dma semaphore(%arg15 : memref<!tpu.dma_semaphore, #tpu.memory_space<semaphore_mem>>) src(%dma_wait3A_27 : memref<10240x128xf32, #tpu.memory_space<vmem_shared>>) dst(%arg10 : memref<64x128xf32, #tpu.memory_space<vmem>>)
    %dma_wait3A_28 = arith.constant 0 : i32
    %dma_wait3A_29 = arith.constant 0 : i32
    %dma_wait3A_30 = tpu.memref_slice %arg14[%dma_wait3A_28, %dma_wait3A_29] : memref<10240x128xf32, #tpu.memory_space<vmem_shared>> -> memref<10240x128xf32, #tpu.memory_space<vmem_shared>>
    tpu.wait_indirect_dma semaphore(%arg17 : memref<!tpu.dma_semaphore, #tpu.memory_space<semaphore_mem>>) src(%dma_wait3A_30 : memref<10240x128xf32, #tpu.memory_space<vmem_shared>>) dst(%arg12 : memref<64x128xf32, #tpu.memory_space<vmem>>)
    %min3A = arith.constant 2 : i32
    %min3A_31 = arith.constant 77 : i32
    %min3A_32 = arith.minsi %min3A, %min3A_31 : i32
    %mul3A_33 = arith.constant 64 : i32
    %mul3A_34 = arith.muli %min3A_32, %mul3A_33 : i32
    %add3A_35 = arith.addi %add3A_4, %mul3A_34 : i32
    %dma_start3A_36 = tpu.memref_slice %arg3[%add3A_35] : memref<320000xi32, #tpu.memory_space<hbm>> -> memref<64xi32, #tpu.memory_space<hbm>>
    %dma_start3A_37 = tpu.memref_slice %arg3[%add3A_35] : memref<320000xi32, #tpu.memory_space<hbm>> -> memref<64xi32, #tpu.memory_space<hbm>>
    tpu.enqueue_dma source(%dma_start3A_37 : memref<64xi32, #tpu.memory_space<hbm>>) target(%arg6 : memref<64xi32, #tpu.memory_space<vmem>>) target_semaphore(%arg21 : memref<!tpu.dma_semaphore, #tpu.memory_space<semaphore_mem>>)
    %mul3A_38 = arith.constant 64 : i32
    %mul3A_39 = arith.muli %min3A_32, %mul3A_38 : i32
    %add3A_40 = arith.addi %add3A_4, %mul3A_39 : i32
    %dma_start3A_41 = tpu.memref_slice %arg4[%add3A_40] : memref<320000xi32, #tpu.memory_space<hbm>> -> memref<64xi32, #tpu.memory_space<hbm>>
    %dma_start3A_42 = tpu.memref_slice %arg4[%add3A_40] : memref<320000xi32, #tpu.memory_space<hbm>> -> memref<64xi32, #tpu.memory_space<hbm>>
    tpu.enqueue_dma source(%dma_start3A_42 : memref<64xi32, #tpu.memory_space<hbm>>) target(%arg8 : memref<64xi32, #tpu.memory_space<vmem>>) target_semaphore(%arg23 : memref<!tpu.dma_semaphore, #tpu.memory_space<semaphore_mem>>)
    %scan3A = arith.constant 0 : i32
    %scan3A_43 = arith.constant 64 : i32
    %scan3A_44 = arith.addi %scan3A, %scan3A_43 : i32
    %scan3A_45 = arith.constant 1 : i32
    scf.for %scan3A_143 = %scan3A to %scan3A_44 step %scan3A_45  : i32 {
      %mul3A_144 = arith.constant 1 : i32
      %mul3A_145 = arith.muli %scan3A_143, %mul3A_144 : i32
      %add3A_146 = arith.constant 0 : i32
      %add3A_147 = arith.addi %add3A_146, %mul3A_145 : i32
      %get3A = arith.index_cast %add3A_147 : i32 to index
      %get3A_148 = arith.constant 0 : index
      %get3A_149 = tpu.vector_load %arg10[%get3A, %get3A_148] {strides = array<i32>} : memref<64x128xf32, #tpu.memory_space<vmem>>, vector<1x16xf32>,
      %get3A_150 = vector.shape_cast %get3A_149 : vector<1x16xf32> to vector<16xf32>
      %get3A_151 = arith.index_cast %add3A_147 : i32 to index
      %get3A_152 = arith.constant 0 : index
      %get3A_153 = tpu.vector_load %arg12[%get3A_151, %get3A_152] {strides = array<i32>} : memref<64x128xf32, #tpu.memory_space<vmem>>, vector<1x16xf32>,
      %get3A_154 = vector.shape_cast %get3A_153 : vector<1x16xf32> to vector<16xf32>
      %mul3A_155 = arith.mulf %get3A_150, %get3A_154 : vector<16xf32>
      %swap3A = arith.index_cast %add3A_147 : i32 to index
      %swap3A_156 = arith.constant 0 : index
      %swap3A_157 = tpu.vector_load %arg10[%swap3A, %swap3A_156] {strides = array<i32>} : memref<64x128xf32, #tpu.memory_space<vmem>>, vector<1x16xf32>,
      %swap3A_158 = vector.shape_cast %swap3A_157 : vector<1x16xf32> to vector<16xf32>
      %swap3A_159 = vector.shape_cast %mul3A_155 : vector<16xf32> to vector<1x16xf32>
      tpu.vector_store %arg10[%swap3A, %swap3A_156], %swap3A_159 {strides = array<i32>} : memref<64x128xf32, #tpu.memory_space<vmem>>, vector<1x16xf32>,
      %get3A_160 = arith.index_cast %add3A_147 : i32 to index
      %get3A_161 = arith.constant 16 : index
      %get3A_162 = tpu.vector_load %arg10[%get3A_160, %get3A_161] {strides = array<i32>} : memref<64x128xf32, #tpu.memory_space<vmem>>, vector<1x16xf32>,
      %get3A_163 = vector.shape_cast %get3A_162 : vector<1x16xf32> to vector<16xf32>
      %get3A_164 = arith.index_cast %add3A_147 : i32 to index
      %get3A_165 = arith.constant 16 : index
      %get3A_166 = tpu.vector_load %arg12[%get3A_164, %get3A_165] {strides = array<i32>} : memref<64x128xf32, #tpu.memory_space<vmem>>, vector<1x16xf32>,
      %get3A_167 = vector.shape_cast %get3A_166 : vector<1x16xf32> to vector<16xf32>
      %mul3A_168 = arith.mulf %get3A_163, %get3A_167 : vector<16xf32>
      %swap3A_169 = arith.index_cast %add3A_147 : i32 to index
      %swap3A_170 = arith.constant 16 : index
      %swap3A_171 = tpu.vector_load %arg10[%swap3A_169, %swap3A_170] {strides = array<i32>} : memref<64x128xf32, #tpu.memory_space<vmem>>, vector<1x16xf32>,
      %swap3A_172 = vector.shape_cast %swap3A_171 : vector<1x16xf32> to vector<16xf32>
      %swap3A_173 = vector.shape_cast %mul3A_168 : vector<16xf32> to vector<1x16xf32>
      tpu.vector_store %arg10[%swap3A_169, %swap3A_170], %swap3A_173 {strides = array<i32>} : memref<64x128xf32, #tpu.memory_space<vmem>>, vector<1x16xf32>,
      %get3A_174 = arith.index_cast %add3A_147 : i32 to index
      %get3A_175 = arith.constant 32 : index
      %get3A_176 = tpu.vector_load %arg10[%get3A_174, %get3A_175] {strides = array<i32>} : memref<64x128xf32, #tpu.memory_space<vmem>>, vector<1x16xf32>,
      %get3A_177 = vector.shape_cast %get3A_176 : vector<1x16xf32> to vector<16xf32>
      %get3A_178 = arith.index_cast %add3A_147 : i32 to index
      %get3A_179 = arith.constant 32 : index
      %get3A_180 = tpu.vector_load %arg12[%get3A_178, %get3A_179] {strides = array<i32>} : memref<64x128xf32, #tpu.memory_space<vmem>>, vector<1x16xf32>,
      %get3A_181 = vector.shape_cast %get3A_180 : vector<1x16xf32> to vector<16xf32>
      %mul3A_182 = arith.mulf %get3A_177, %get3A_181 : vector<16xf32>
      %swap3A_183 = arith.index_cast %add3A_147 : i32 to index
      %swap3A_184 = arith.constant 32 : index
      %swap3A_185 = tpu.vector_load %arg10[%swap3A_183, %swap3A_184] {strides = array<i32>} : memref<64x128xf32, #tpu.memory_space<vmem>>, vector<1x16xf32>,
      %swap3A_186 = vector.shape_cast %swap3A_185 : vector<1x16xf32> to vector<16xf32>
      %swap3A_187 = vector.shape_cast %mul3A_182 : vector<16xf32> to vector<1x16xf32>
      tpu.vector_store %arg10[%swap3A_183, %swap3A_184], %swap3A_187 {strides = array<i32>} : memref<64x128xf32, #tpu.memory_space<vmem>>, vector<1x16xf32>,
      %get3A_188 = arith.index_cast %add3A_147 : i32 to index
      %get3A_189 = arith.constant 48 : index
      %get3A_190 = tpu.vector_load %arg10[%get3A_188, %get3A_189] {strides = array<i32>} : memref<64x128xf32, #tpu.memory_space<vmem>>, vector<1x16xf32>,
      %get3A_191 = vector.shape_cast %get3A_190 : vector<1x16xf32> to vector<16xf32>
      %get3A_192 = arith.index_cast %add3A_147 : i32 to index
      %get3A_193 = arith.constant 48 : index
      %get3A_194 = tpu.vector_load %arg12[%get3A_192, %get3A_193] {strides = array<i32>} : memref<64x128xf32, #tpu.memory_space<vmem>>, vector<1x16xf32>,
      %get3A_195 = vector.shape_cast %get3A_194 : vector<1x16xf32> to vector<16xf32>
      %mul3A_196 = arith.mulf %get3A_191, %get3A_195 : vector<16xf32>
      %swap3A_197 = arith.index_cast %add3A_147 : i32 to index
      %swap3A_198 = arith.constant 48 : index
      %swap3A_199 = tpu.vector_load %arg10[%swap3A_197, %swap3A_198] {strides = array<i32>} : memref<64x128xf32, #tpu.memory_space<vmem>>, vector<1x16xf32>,
      %swap3A_200 = vector.shape_cast %swap3A_199 : vector<1x16xf32> to vector<16xf32>
      %swap3A_201 = vector.shape_cast %mul3A_196 : vector<16xf32> to vector<1x16xf32>
      tpu.vector_store %arg10[%swap3A_197, %swap3A_198], %swap3A_201 {strides = array<i32>} : memref<64x128xf32, #tpu.memory_space<vmem>>, vector<1x16xf32>,
      %get3A_202 = arith.index_cast %add3A_147 : i32 to index
      %get3A_203 = arith.constant 64 : index
      %get3A_204 = tpu.vector_load %arg10[%get3A_202, %get3A_203] {strides = array<i32>} : memref<64x128xf32, #tpu.memory_space<vmem>>, vector<1x16xf32>,
      %get3A_205 = vector.shape_cast %get3A_204 : vector<1x16xf32> to vector<16xf32>
      %get3A_206 = arith.index_cast %add3A_147 : i32 to index
      %get3A_207 = arith.constant 64 : index
      %get3A_208 = tpu.vector_load %arg12[%get3A_206, %get3A_207] {strides = array<i32>} : memref<64x128xf32, #tpu.memory_space<vmem>>, vector<1x16xf32>,
      %get3A_209 = vector.shape_cast %get3A_208 : vector<1x16xf32> to vector<16xf32>
      %mul3A_210 = arith.mulf %get3A_205, %get3A_209 : vector<16xf32>
      %swap3A_211 = arith.index_cast %add3A_147 : i32 to index
      %swap3A_212 = arith.constant 64 : index
      %swap3A_213 = tpu.vector_load %arg10[%swap3A_211, %swap3A_212] {strides = array<i32>} : memref<64x128xf32, #tpu.memory_space<vmem>>, vector<1x16xf32>,
      %swap3A_214 = vector.shape_cast %swap3A_213 : vector<1x16xf32> to vector<16xf32>
      %swap3A_215 = vector.shape_cast %mul3A_210 : vector<16xf32> to vector<1x16xf32>
      tpu.vector_store %arg10[%swap3A_211, %swap3A_212], %swap3A_215 {strides = array<i32>} : memref<64x128xf32, #tpu.memory_space<vmem>>, vector<1x16xf32>,
      %get3A_216 = arith.index_cast %add3A_147 : i32 to index
      %get3A_217 = arith.constant 80 : index
      %get3A_218 = tpu.vector_load %arg10[%get3A_216, %get3A_217] {strides = array<i32>} : memref<64x128xf32, #tpu.memory_space<vmem>>, vector<1x16xf32>,
      %get3A_219 = vector.shape_cast %get3A_218 : vector<1x16xf32> to vector<16xf32>
      %get3A_220 = arith.index_cast %add3A_147 : i32 to index
      %get3A_221 = arith.constant 80 : index
      %get3A_222 = tpu.vector_load %arg12[%get3A_220, %get3A_221] {strides = array<i32>} : memref<64x128xf32, #tpu.memory_space<vmem>>, vector<1x16xf32>,
      %get3A_223 = vector.shape_cast %get3A_222 : vector<1x16xf32> to vector<16xf32>
      %mul3A_224 = arith.mulf %get3A_219, %get3A_223 : vector<16xf32>
      %swap3A_225 = arith.index_cast %add3A_147 : i32 to index
      %swap3A_226 = arith.constant 80 : index
      %swap3A_227 = tpu.vector_load %arg10[%swap3A_225, %swap3A_226] {strides = array<i32>} : memref<64x128xf32, #tpu.memory_space<vmem>>, vector<1x16xf32>,
      %swap3A_228 = vector.shape_cast %swap3A_227 : vector<1x16xf32> to vector<16xf32>
      %swap3A_229 = vector.shape_cast %mul3A_224 : vector<16xf32> to vector<1x16xf32>
      tpu.vector_store %arg10[%swap3A_225, %swap3A_226], %swap3A_229 {strides = array<i32>} : memref<64x128xf32, #tpu.memory_space<vmem>>, vector<1x16xf32>,
      %get3A_230 = arith.index_cast %add3A_147 : i32 to index
      %get3A_231 = arith.constant 96 : index
      %get3A_232 = tpu.vector_load %arg10[%get3A_230, %get3A_231] {strides = array<i32>} : memref<64x128xf32, #tpu.memory_space<vmem>>, vector<1x16xf32>,
      %get3A_233 = vector.shape_cast %get3A_232 : vector<1x16xf32> to vector<16xf32>
      %get3A_234 = arith.index_cast %add3A_147 : i32 to index
      %get3A_235 = arith.constant 96 : index
      %get3A_236 = tpu.vector_load %arg12[%get3A_234, %get3A_235] {strides = array<i32>} : memref<64x128xf32, #tpu.memory_space<vmem>>, vector<1x16xf32>,
      %get3A_237 = vector.shape_cast %get3A_236 : vector<1x16xf32> to vector<16xf32>
      %mul3A_238 = arith.mulf %get3A_233, %get3A_237 : vector<16xf32>
      %swap3A_239 = arith.index_cast %add3A_147 : i32 to index
      %swap3A_240 = arith.constant 96 : index
      %swap3A_241 = tpu.vector_load %arg10[%swap3A_239, %swap3A_240] {strides = array<i32>} : memref<64x128xf32, #tpu.memory_space<vmem>>, vector<1x16xf32>,
      %swap3A_242 = vector.shape_cast %swap3A_241 : vector<1x16xf32> to vector<16xf32>
      %swap3A_243 = vector.shape_cast %mul3A_238 : vector<16xf32> to vector<1x16xf32>
      tpu.vector_store %arg10[%swap3A_239, %swap3A_240], %swap3A_243 {strides = array<i32>} : memref<64x128xf32, #tpu.memory_space<vmem>>, vector<1x16xf32>,
      %get3A_244 = arith.index_cast %add3A_147 : i32 to index
      %get3A_245 = arith.constant 112 : index
      %get3A_246 = tpu.vector_load %arg10[%get3A_244, %get3A_245] {strides = array<i32>} : memref<64x128xf32, #tpu.memory_space<vmem>>, vector<1x16xf32>,
      %get3A_247 = vector.shape_cast %get3A_246 : vector<1x16xf32> to vector<16xf32>
      %get3A_248 = arith.index_cast %add3A_147 : i32 to index
      %get3A_249 = arith.constant 112 : index
      %get3A_250 = tpu.vector_load %arg12[%get3A_248, %get3A_249] {strides = array<i32>} : memref<64x128xf32, #tpu.memory_space<vmem>>, vector<1x16xf32>,
      %get3A_251 = vector.shape_cast %get3A_250 : vector<1x16xf32> to vector<16xf32>
      %mul3A_252 = arith.mulf %get3A_247, %get3A_251 : vector<16xf32>
      %swap3A_253 = arith.index_cast %add3A_147 : i32 to index
      %swap3A_254 = arith.constant 112 : index
      %swap3A_255 = tpu.vector_load %arg10[%swap3A_253, %swap3A_254] {strides = array<i32>} : memref<64x128xf32, #tpu.memory_space<vmem>>, vector<1x16xf32>,
      %swap3A_256 = vector.shape_cast %swap3A_255 : vector<1x16xf32> to vector<16xf32>
      %swap3A_257 = vector.shape_cast %mul3A_252 : vector<16xf32> to vector<1x16xf32>
      tpu.vector_store %arg10[%swap3A_253, %swap3A_254], %swap3A_257 {strides = array<i32>} : memref<64x128xf32, #tpu.memory_space<vmem>>, vector<1x16xf32>,
    }
    %scan3A_46 = arith.constant 64 : i32
    %mul3A_47 = arith.constant 5000 : i32
    %mul3A_48 = arith.muli %add3A, %mul3A_47 : i32
    %add3A_49 = arith.constant 0 : i32
    %add3A_50 = arith.addi %mul3A_48, %add3A_49 : i32
    %dma_start3A_51 = arith.constant 0 : i32
    %dma_start3A_52 = tpu.memref_slice %arg5[%add3A_50, %dma_start3A_51] : memref<160000x128xf32, #tpu.memory_space<hbm>> -> memref<64x128xf32, #tpu.memory_space<hbm>>
    %dma_start3A_53 = arith.constant 0 : i32
    %dma_start3A_54 = tpu.memref_slice %arg5[%add3A_50, %dma_start3A_53] : memref<160000x128xf32, #tpu.memory_space<hbm>> -> memref<64x128xf32, #tpu.memory_space<hbm>>
    tpu.enqueue_dma source(%arg10 : memref<64x128xf32, #tpu.memory_space<vmem>>) target(%dma_start3A_54 : memref<64x128xf32, #tpu.memory_space<hbm>>) target_semaphore(%arg19 : memref<!tpu.dma_semaphore, #tpu.memory_space<semaphore_mem>>)
    %dma_wait3A_55 = arith.constant 0 : i32
    %dma_wait3A_56 = arith.constant 0 : i32
    %dma_wait3A_57 = tpu.memref_slice %arg5[%dma_wait3A_55, %dma_wait3A_56] : memref<160000x128xf32, #tpu.memory_space<hbm>> -> memref<64x128xf32, #tpu.memory_space<hbm>>
    %dma_wait3A_58 = arith.constant 0 : i32
    %dma_wait3A_59 = arith.constant 0 : i32
    %dma_wait3A_60 = tpu.memref_slice %arg5[%dma_wait3A_58, %dma_wait3A_59] : memref<160000x128xf32, #tpu.memory_space<hbm>> -> memref<64x128xf32, #tpu.memory_space<hbm>>
    tpu.wait_dma2 semaphore(%arg19 : memref<!tpu.dma_semaphore, #tpu.memory_space<semaphore_mem>>) src(%arg10 : memref<64x128xf32, #tpu.memory_space<vmem>>) dst(%dma_wait3A_60 : memref<64x128xf32, #tpu.memory_space<hbm>>)
    %dma_wait3A_61 = arith.constant 0 : i32
    %dma_wait3A_62 = tpu.memref_slice %arg3[%dma_wait3A_61] : memref<320000xi32, #tpu.memory_space<hbm>> -> memref<64xi32, #tpu.memory_space<hbm>>
    %dma_wait3A_63 = arith.constant 0 : i32
    %dma_wait3A_64 = tpu.memref_slice %arg3[%dma_wait3A_63] : memref<320000xi32, #tpu.memory_space<hbm>> -> memref<64xi32, #tpu.memory_space<hbm>>
    tpu.wait_dma2 semaphore(%arg21 : memref<!tpu.dma_semaphore, #tpu.memory_space<semaphore_mem>>) src(%dma_wait3A_64 : memref<64xi32, #tpu.memory_space<hbm>>) dst(%arg6 : memref<64xi32, #tpu.memory_space<vmem>>)
    %dma_wait3A_65 = arith.constant 0 : i32
    %dma_wait3A_66 = tpu.memref_slice %arg4[%dma_wait3A_65] : memref<320000xi32, #tpu.memory_space<hbm>> -> memref<64xi32, #tpu.memory_space<hbm>>
    %dma_wait3A_67 = arith.constant 0 : i32
    %dma_wait3A_68 = tpu.memref_slice %arg4[%dma_wait3A_67] : memref<320000xi32, #tpu.memory_space<hbm>> -> memref<64xi32, #tpu.memory_space<hbm>>
    tpu.wait_dma2 semaphore(%arg23 : memref<!tpu.dma_semaphore, #tpu.memory_space<semaphore_mem>>) src(%dma_wait3A_68 : memref<64xi32, #tpu.memory_space<hbm>>) dst(%arg8 : memref<64xi32, #tpu.memory_space<vmem>>)
    %dma_start3A_69 = arith.constant 0 : i32
    %dma_start3A_70 = arith.constant 0 : i32
    %dma_start3A_71 = tpu.memref_slice %arg14[%dma_start3A_69, %dma_start3A_70] : memref<10240x128xf32, #tpu.memory_space<vmem_shared>> -> memref<10240x128xf32, #tpu.memory_space<vmem_shared>>
    tpu.enqueue_indirect_dma source(%dma_start3A_71 : memref<10240x128xf32, #tpu.memory_space<vmem_shared>>) target(%arg10 : memref<64x128xf32, #tpu.memory_space<vmem>>) offsets(%arg6 : memref<64xi32, #tpu.memory_space<vmem>>) semaphore(%arg15 : memref<!tpu.dma_semaphore, #tpu.memory_space<semaphore_mem>>)
    %dma_start3A_72 = arith.constant 0 : i32
    %dma_start3A_73 = arith.constant 0 : i32
    %dma_start3A_74 = tpu.memref_slice %arg14[%dma_start3A_72, %dma_start3A_73] : memref<10240x128xf32, #tpu.memory_space<vmem_shared>> -> memref<10240x128xf32, #tpu.memory_space<vmem_shared>>
    tpu.enqueue_indirect_dma source(%dma_start3A_74 : memref<10240x128xf32, #tpu.memory_space<vmem_shared>>) target(%arg12 : memref<64x128xf32, #tpu.memory_space<vmem>>) offsets(%arg8 : memref<64xi32, #tpu.memory_space<vmem>>) semaphore(%arg17 : memref<!tpu.dma_semaphore, #tpu.memory_space<semaphore_mem>>)
    %dma_wait3A_75 = arith.constant 0 : i32
    %dma_wait3A_76 = arith.constant 0 : i32
    %dma_wait3A_77 = tpu.memref_slice %arg14[%dma_wait3A_75, %dma_wait3A_76] : memref<10240x128xf32, #tpu.memory_space<vmem_shared>> -> memref<10240x128xf32, #tpu.memory_space<vmem_shared>>
    tpu.wait_indirect_dma semaphore(%arg16 : memref<!tpu.dma_semaphore, #tpu.memory_space<semaphore_mem>>) src(%dma_wait3A_77 : memref<10240x128xf32, #tpu.memory_space<vmem_shared>>) dst(%arg11 : memref<64x128xf32, #tpu.memory_space<vmem>>)
    %dma_wait3A_78 = arith.constant 0 : i32
    %dma_wait3A_79 = arith.constant 0 : i32
    %dma_wait3A_80 = tpu.memref_slice %arg14[%dma_wait3A_78, %dma_wait3A_79] : memref<10240x128xf32, #tpu.memory_space<vmem_shared>> -> memref<10240x128xf32, #tpu.memory_space<vmem_shared>>
    tpu.wait_indirect_dma semaphore(%arg18 : memref<!tpu.dma_semaphore, #tpu.memory_space<semaphore_mem>>) src(%dma_wait3A_80 : memref<10240x128xf32, #tpu.memory_space<vmem_shared>>) dst(%arg13 : memref<64x128xf32, #tpu.memory_space<vmem>>)
    %min3A_81 = arith.constant 3 : i32
    %min3A_82 = arith.constant 77 : i32
    %min3A_83 = arith.minsi %min3A_81, %min3A_82 : i32
    %mul3A_84 = arith.constant 64 : i32
    %mul3A_85 = arith.muli %min3A_83, %mul3A_84 : i32
    %add3A_86 = arith.addi %add3A_4, %mul3A_85 : i32
    %dma_start3A_87 = tpu.memref_slice %arg3[%add3A_86] : memref<320000xi32, #tpu.memory_space<hbm>> -> memref<64xi32, #tpu.memory_space<hbm>>
    %dma_start3A_88 = tpu.memref_slice %arg3[%add3A_86] : memref<320000xi32, #tpu.memory_space<hbm>> -> memref<64xi32, #tpu.memory_space<hbm>>
    tpu.enqueue_dma source(%dma_start3A_88 : memref<64xi32, #tpu.memory_space<hbm>>) target(%arg7 : memref<64xi32, #tpu.memory_space<vmem>>) target_semaphore(%arg22 : memref<!tpu.dma_semaphore, #tpu.memory_space<semaphore_mem>>)
    %mul3A_89 = arith.constant 64 : i32
    %mul3A_90 = arith.muli %min3A_83, %mul3A_89 : i32
    %add3A_91 = arith.addi %add3A_4, %mul3A_90 : i32
    %dma_start3A_92 = tpu.memref_slice %arg4[%add3A_91] : memref<320000xi32, #tpu.memory_space<hbm>> -> memref<64xi32, #tpu.memory_space<hbm>>
    %dma_start3A_93 = tpu.memref_slice %arg4[%add3A_91] : memref<320000xi32, #tpu.memory_space<hbm>> -> memref<64xi32, #tpu.memory_space<hbm>>
    tpu.enqueue_dma source(%dma_start3A_93 : memref<64xi32, #tpu.memory_space<hbm>>) target(%arg9 : memref<64xi32, #tpu.memory_space<vmem>>) target_semaphore(%arg24 : memref<!tpu.dma_semaphore, #tpu.memory_space<semaphore_mem>>)
    %scan3A_94 = arith.constant 0 : i32
    %scan3A_95 = arith.constant 64 : i32
    %scan3A_96 = arith.addi %scan3A_94, %scan3A_95 : i32
    %scan3A_97 = arith.constant 1 : i32
    scf.for %scan3A_143 = %scan3A_94 to %scan3A_96 step %scan3A_97  : i32 {
      %mul3A_144 = arith.constant 1 : i32
      %mul3A_145 = arith.muli %scan3A_143, %mul3A_144 : i32
      %add3A_146 = arith.constant 0 : i32
      %add3A_147 = arith.addi %add3A_146, %mul3A_145 : i32
      %get3A = arith.index_cast %add3A_147 : i32 to index
      %get3A_148 = arith.constant 0 : index
      %get3A_149 = tpu.vector_load %arg11[%get3A, %get3A_148] {strides = array<i32>} : memref<64x128xf32, #tpu.memory_space<vmem>>, vector<1x16xf32>,
      %get3A_150 = vector.shape_cast %get3A_149 : vector<1x16xf32> to vector<16xf32>
      %get3A_151 = arith.index_cast %add3A_147 : i32 to index
      %get3A_152 = arith.constant 0 : index
      %get3A_153 = tpu.vector_load %arg13[%get3A_151, %get3A_152] {strides = array<i32>} : memref<64x128xf32, #tpu.memory_space<vmem>>, vector<1x16xf32>,
      %get3A_154 = vector.shape_cast %get3A_153 : vector<1x16xf32> to vector<16xf32>
      %mul3A_155 = arith.mulf %get3A_150, %get3A_154 : vector<16xf32>
      %swap3A = arith.index_cast %add3A_147 : i32 to index
      %swap3A_156 = arith.constant 0 : index
      %swap3A_157 = tpu.vector_load %arg11[%swap3A, %swap3A_156] {strides = array<i32>} : memref<64x128xf32, #tpu.memory_space<vmem>>, vector<1x16xf32>,
      %swap3A_158 = vector.shape_cast %swap3A_157 : vector<1x16xf32> to vector<16xf32>
      %swap3A_159 = vector.shape_cast %mul3A_155 : vector<16xf32> to vector<1x16xf32>
      tpu.vector_store %arg11[%swap3A, %swap3A_156], %swap3A_159 {strides = array<i32>} : memref<64x128xf32, #tpu.memory_space<vmem>>, vector<1x16xf32>,
      %get3A_160 = arith.index_cast %add3A_147 : i32 to index
      %get3A_161 = arith.constant 16 : index
      %get3A_162 = tpu.vector_load %arg11[%get3A_160, %get3A_161] {strides = array<i32>} : memref<64x128xf32, #tpu.memory_space<vmem>>, vector<1x16xf32>,
      %get3A_163 = vector.shape_cast %get3A_162 : vector<1x16xf32> to vector<16xf32>
      %get3A_164 = arith.index_cast %add3A_147 : i32 to index
      %get3A_165 = arith.constant 16 : index
      %get3A_166 = tpu.vector_load %arg13[%get3A_164, %get3A_165] {strides = array<i32>} : memref<64x128xf32, #tpu.memory_space<vmem>>, vector<1x16xf32>,
      %get3A_167 = vector.shape_cast %get3A_166 : vector<1x16xf32> to vector<16xf32>
      %mul3A_168 = arith.mulf %get3A_163, %get3A_167 : vector<16xf32>
      %swap3A_169 = arith.index_cast %add3A_147 : i32 to index
      %swap3A_170 = arith.constant 16 : index
      %swap3A_171 = tpu.vector_load %arg11[%swap3A_169, %swap3A_170] {strides = array<i32>} : memref<64x128xf32, #tpu.memory_space<vmem>>, vector<1x16xf32>,
      %swap3A_172 = vector.shape_cast %swap3A_171 : vector<1x16xf32> to vector<16xf32>
      %swap3A_173 = vector.shape_cast %mul3A_168 : vector<16xf32> to vector<1x16xf32>
      tpu.vector_store %arg11[%swap3A_169, %swap3A_170], %swap3A_173 {strides = array<i32>} : memref<64x128xf32, #tpu.memory_space<vmem>>, vector<1x16xf32>,
      %get3A_174 = arith.index_cast %add3A_147 : i32 to index
      %get3A_175 = arith.constant 32 : index
      %get3A_176 = tpu.vector_load %arg11[%get3A_174, %get3A_175] {strides = array<i32>} : memref<64x128xf32, #tpu.memory_space<vmem>>, vector<1x16xf32>,
      %get3A_177 = vector.shape_cast %get3A_176 : vector<1x16xf32> to vector<16xf32>
      %get3A_178 = arith.index_cast %add3A_147 : i32 to index
      %get3A_179 = arith.constant 32 : index
      %get3A_180 = tpu.vector_load %arg13[%get3A_178, %get3A_179] {strides = array<i32>} : memref<64x128xf32, #tpu.memory_space<vmem>>, vector<1x16xf32>,
      %get3A_181 = vector.shape_cast %get3A_180 : vector<1x16xf32> to vector<16xf32>
      %mul3A_182 = arith.mulf %get3A_177, %get3A_181 : vector<16xf32>
      %swap3A_183 = arith.index_cast %add3A_147 : i32 to index
      %swap3A_184 = arith.constant 32 : index
      %swap3A_185 = tpu.vector_load %arg11[%swap3A_183, %swap3A_184] {strides = array<i32>} : memref<64x128xf32, #tpu.memory_space<vmem>>, vector<1x16xf32>,
      %swap3A_186 = vector.shape_cast %swap3A_185 : vector<1x16xf32> to vector<16xf32>
      %swap3A_187 = vector.shape_cast %mul3A_182 : vector<16xf32> to vector<1x16xf32>
      tpu.vector_store %arg11[%swap3A_183, %swap3A_184], %swap3A_187 {strides = array<i32>} : memref<64x128xf32, #tpu.memory_space<vmem>>, vector<1x16xf32>,
      %get3A_188 = arith.index_cast %add3A_147 : i32 to index
      %get3A_189 = arith.constant 48 : index
      %get3A_190 = tpu.vector_load %arg11[%get3A_188, %get3A_189] {strides = array<i32>} : memref<64x128xf32, #tpu.memory_space<vmem>>, vector<1x16xf32>,
      %get3A_191 = vector.shape_cast %get3A_190 : vector<1x16xf32> to vector<16xf32>
      %get3A_192 = arith.index_cast %add3A_147 : i32 to index
      %get3A_193 = arith.constant 48 : index
      %get3A_194 = tpu.vector_load %arg13[%get3A_192, %get3A_193] {strides = array<i32>} : memref<64x128xf32, #tpu.memory_space<vmem>>, vector<1x16xf32>,
      %get3A_195 = vector.shape_cast %get3A_194 : vector<1x16xf32> to vector<16xf32>
      %mul3A_196 = arith.mulf %get3A_191, %get3A_195 : vector<16xf32>
      %swap3A_197 = arith.index_cast %add3A_147 : i32 to index
      %swap3A_198 = arith.constant 48 : index
      %swap3A_199 = tpu.vector_load %arg11[%swap3A_197, %swap3A_198] {strides = array<i32>} : memref<64x128xf32, #tpu.memory_space<vmem>>, vector<1x16xf32>,
      %swap3A_200 = vector.shape_cast %swap3A_199 : vector<1x16xf32> to vector<16xf32>
      %swap3A_201 = vector.shape_cast %mul3A_196 : vector<16xf32> to vector<1x16xf32>
      tpu.vector_store %arg11[%swap3A_197, %swap3A_198], %swap3A_201 {strides = array<i32>} : memref<64x128xf32, #tpu.memory_space<vmem>>, vector<1x16xf32>,
      %get3A_202 = arith.index_cast %add3A_147 : i32 to index
      %get3A_203 = arith.constant 64 : index
      %get3A_204 = tpu.vector_load %arg11[%get3A_202, %get3A_203] {strides = array<i32>} : memref<64x128xf32, #tpu.memory_space<vmem>>, vector<1x16xf32>,
      %get3A_205 = vector.shape_cast %get3A_204 : vector<1x16xf32> to vector<16xf32>
      %get3A_206 = arith.index_cast %add3A_147 : i32 to index
      %get3A_207 = arith.constant 64 : index
      %get3A_208 = tpu.vector_load %arg13[%get3A_206, %get3A_207] {strides = array<i32>} : memref<64x128xf32, #tpu.memory_space<vmem>>, vector<1x16xf32>,
      %get3A_209 = vector.shape_cast %get3A_208 : vector<1x16xf32> to vector<16xf32>
      %mul3A_210 = arith.mulf %get3A_205, %get3A_209 : vector<16xf32>
      %swap3A_211 = arith.index_cast %add3A_147 : i32 to index
      %swap3A_212 = arith.constant 64 : index
      %swap3A_213 = tpu.vector_load %arg11[%swap3A_211, %swap3A_212] {strides = array<i32>} : memref<64x128xf32, #tpu.memory_space<vmem>>, vector<1x16xf32>,
      %swap3A_214 = vector.shape_cast %swap3A_213 : vector<1x16xf32> to vector<16xf32>
      %swap3A_215 = vector.shape_cast %mul3A_210 : vector<16xf32> to vector<1x16xf32>
      tpu.vector_store %arg11[%swap3A_211, %swap3A_212], %swap3A_215 {strides = array<i32>} : memref<64x128xf32, #tpu.memory_space<vmem>>, vector<1x16xf32>,
      %get3A_216 = arith.index_cast %add3A_147 : i32 to index
      %get3A_217 = arith.constant 80 : index
      %get3A_218 = tpu.vector_load %arg11[%get3A_216, %get3A_217] {strides = array<i32>} : memref<64x128xf32, #tpu.memory_space<vmem>>, vector<1x16xf32>,
      %get3A_219 = vector.shape_cast %get3A_218 : vector<1x16xf32> to vector<16xf32>
      %get3A_220 = arith.index_cast %add3A_147 : i32 to index
      %get3A_221 = arith.constant 80 : index
      %get3A_222 = tpu.vector_load %arg13[%get3A_220, %get3A_221] {strides = array<i32>} : memref<64x128xf32, #tpu.memory_space<vmem>>, vector<1x16xf32>,
      %get3A_223 = vector.shape_cast %get3A_222 : vector<1x16xf32> to vector<16xf32>
      %mul3A_224 = arith.mulf %get3A_219, %get3A_223 : vector<16xf32>
      %swap3A_225 = arith.index_cast %add3A_147 : i32 to index
      %swap3A_226 = arith.constant 80 : index
      %swap3A_227 = tpu.vector_load %arg11[%swap3A_225, %swap3A_226] {strides = array<i32>} : memref<64x128xf32, #tpu.memory_space<vmem>>, vector<1x16xf32>,
      %swap3A_228 = vector.shape_cast %swap3A_227 : vector<1x16xf32> to vector<16xf32>
      %swap3A_229 = vector.shape_cast %mul3A_224 : vector<16xf32> to vector<1x16xf32>
      tpu.vector_store %arg11[%swap3A_225, %swap3A_226], %swap3A_229 {strides = array<i32>} : memref<64x128xf32, #tpu.memory_space<vmem>>, vector<1x16xf32>,
      %get3A_230 = arith.index_cast %add3A_147 : i32 to index
      %get3A_231 = arith.constant 96 : index
      %get3A_232 = tpu.vector_load %arg11[%get3A_230, %get3A_231] {strides = array<i32>} : memref<64x128xf32, #tpu.memory_space<vmem>>, vector<1x16xf32>,
      %get3A_233 = vector.shape_cast %get3A_232 : vector<1x16xf32> to vector<16xf32>
      %get3A_234 = arith.index_cast %add3A_147 : i32 to index
      %get3A_235 = arith.constant 96 : index
      %get3A_236 = tpu.vector_load %arg13[%get3A_234, %get3A_235] {strides = array<i32>} : memref<64x128xf32, #tpu.memory_space<vmem>>, vector<1x16xf32>,
      %get3A_237 = vector.shape_cast %get3A_236 : vector<1x16xf32> to vector<16xf32>
      %mul3A_238 = arith.mulf %get3A_233, %get3A_237 : vector<16xf32>
      %swap3A_239 = arith.index_cast %add3A_147 : i32 to index
      %swap3A_240 = arith.constant 96 : index
      %swap3A_241 = tpu.vector_load %arg11[%swap3A_239, %swap3A_240] {strides = array<i32>} : memref<64x128xf32, #tpu.memory_space<vmem>>, vector<1x16xf32>,
      %swap3A_242 = vector.shape_cast %swap3A_241 : vector<1x16xf32> to vector<16xf32>
      %swap3A_243 = vector.shape_cast %mul3A_238 : vector<16xf32> to vector<1x16xf32>
      tpu.vector_store %arg11[%swap3A_239, %swap3A_240], %swap3A_243 {strides = array<i32>} : memref<64x128xf32, #tpu.memory_space<vmem>>, vector<1x16xf32>,
      %get3A_244 = arith.index_cast %add3A_147 : i32 to index
      %get3A_245 = arith.constant 112 : index
      %get3A_246 = tpu.vector_load %arg11[%get3A_244, %get3A_245] {strides = array<i32>} : memref<64x128xf32, #tpu.memory_space<vmem>>, vector<1x16xf32>,
      %get3A_247 = vector.shape_cast %get3A_246 : vector<1x16xf32> to vector<16xf32>
      %get3A_248 = arith.index_cast %add3A_147 : i32 to index
      %get3A_249 = arith.constant 112 : index
      %get3A_250 = tpu.vector_load %arg13[%get3A_248, %get3A_249] {strides = array<i32>} : memref<64x128xf32, #tpu.memory_space<vmem>>, vector<1x16xf32>,
      %get3A_251 = vector.shape_cast %get3A_250 : vector<1x16xf32> to vector<16xf32>
      %mul3A_252 = arith.mulf %get3A_247, %get3A_251 : vector<16xf32>
      %swap3A_253 = arith.index_cast %add3A_147 : i32 to index
      %swap3A_254 = arith.constant 112 : index
      %swap3A_255 = tpu.vector_load %arg11[%swap3A_253, %swap3A_254] {strides = array<i32>} : memref<64x128xf32, #tpu.memory_space<vmem>>, vector<1x16xf32>,
      %swap3A_256 = vector.shape_cast %swap3A_255 : vector<1x16xf32> to vector<16xf32>
      %swap3A_257 = vector.shape_cast %mul3A_252 : vector<16xf32> to vector<1x16xf32>
      tpu.vector_store %arg11[%swap3A_253, %swap3A_254], %swap3A_257 {strides = array<i32>} : memref<64x128xf32, #tpu.memory_space<vmem>>, vector<1x16xf32>,
    }
    %scan3A_98 = arith.constant 64 : i32
    %mul3A_99 = arith.constant 5000 : i32
    %mul3A_100 = arith.muli %add3A, %mul3A_99 : i32
    %add3A_101 = arith.constant 64 : i32
    %add3A_102 = arith.addi %mul3A_100, %add3A_101 : i32
    %dma_start3A_103 = arith.constant 0 : i32
    %dma_start3A_104 = tpu.memref_slice %arg5[%add3A_102, %dma_start3A_103] : memref<160000x128xf32, #tpu.memory_space<hbm>> -> memref<64x128xf32, #tpu.memory_space<hbm>>
    %dma_start3A_105 = arith.constant 0 : i32
    %dma_start3A_106 = tpu.memref_slice %arg5[%add3A_102, %dma_start3A_105] : memref<160000x128xf32, #tpu.memory_space<hbm>> -> memref<64x128xf32, #tpu.memory_space<hbm>>
    tpu.enqueue_dma source(%arg11 : memref<64x128xf32, #tpu.memory_space<vmem>>) target(%dma_start3A_106 : memref<64x128xf32, #tpu.memory_space<hbm>>) target_semaphore(%arg20 : memref<!tpu.dma_semaphore, #tpu.memory_space<semaphore_mem>>)
    %scan3A_107 = arith.constant 0 : i32
    %scan3A_108 = arith.constant 38 : i32
    %scan3A_109 = arith.addi %scan3A_107, %scan3A_108 : i32
    %scan3A_110 = arith.constant 1 : i32
    scf.for %scan3A_143 = %scan3A_107 to %scan3A_109 step %scan3A_110  : i32 {
      %mul3A_144 = arith.constant 1 : i32
      %mul3A_145 = arith.muli %scan3A_143, %mul3A_144 : i32
      %add3A_146 = arith.constant 0 : i32
      %add3A_147 = arith.addi %add3A_146, %mul3A_145 : i32
      %mul3A_148 = arith.constant 2 : i32
      %mul3A_149 = arith.muli %mul3A_148, %add3A_147 : i32
      %add3A_150 = arith.constant 2 : i32
      %add3A_151 = arith.addi %mul3A_149, %add3A_150 : i32
      %dma_wait3A_152 = arith.constant 0 : i32
      %dma_wait3A_153 = arith.constant 0 : i32
      %dma_wait3A_154 = tpu.memref_slice %arg5[%dma_wait3A_152, %dma_wait3A_153] : memref<160000x128xf32, #tpu.memory_space<hbm>> -> memref<64x128xf32, #tpu.memory_space<hbm>>
      %dma_wait3A_155 = arith.constant 0 : i32
      %dma_wait3A_156 = arith.constant 0 : i32
      %dma_wait3A_157 = tpu.memref_slice %arg5[%dma_wait3A_155, %dma_wait3A_156] : memref<160000x128xf32, #tpu.memory_space<hbm>> -> memref<64x128xf32, #tpu.memory_space<hbm>>
      tpu.wait_dma2 semaphore(%arg20 : memref<!tpu.dma_semaphore, #tpu.memory_space<semaphore_mem>>) src(%arg11 : memref<64x128xf32, #tpu.memory_space<vmem>>) dst(%dma_wait3A_157 : memref<64x128xf32, #tpu.memory_space<hbm>>)
      %dma_wait3A_158 = arith.constant 0 : i32
      %dma_wait3A_159 = tpu.memref_slice %arg3[%dma_wait3A_158] : memref<320000xi32, #tpu.memory_space<hbm>> -> memref<64xi32, #tpu.memory_space<hbm>>
      %dma_wait3A_160 = arith.constant 0 : i32
      %dma_wait3A_161 = tpu.memref_slice %arg3[%dma_wait3A_160] : memref<320000xi32, #tpu.memory_space<hbm>> -> memref<64xi32, #tpu.memory_space<hbm>>
      tpu.wait_dma2 semaphore(%arg22 : memref<!tpu.dma_semaphore, #tpu.memory_space<semaphore_mem>>) src(%dma_wait3A_161 : memref<64xi32, #tpu.memory_space<hbm>>) dst(%arg7 : memref<64xi32, #tpu.memory_space<vmem>>)
      %dma_wait3A_162 = arith.constant 0 : i32
      %dma_wait3A_163 = tpu.memref_slice %arg4[%dma_wait3A_162] : memref<320000xi32, #tpu.memory_space<hbm>> -> memref<64xi32, #tpu.memory_space<hbm>>
      %dma_wait3A_164 = arith.constant 0 : i32
      %dma_wait3A_165 = tpu.memref_slice %arg4[%dma_wait3A_164] : memref<320000xi32, #tpu.memory_space<hbm>> -> memref<64xi32, #tpu.memory_space<hbm>>
      tpu.wait_dma2 semaphore(%arg24 : memref<!tpu.dma_semaphore, #tpu.memory_space<semaphore_mem>>) src(%dma_wait3A_165 : memref<64xi32, #tpu.memory_space<hbm>>) dst(%arg9 : memref<64xi32, #tpu.memory_space<vmem>>)
      %dma_start3A_166 = arith.constant 0 : i32
      %dma_start3A_167 = arith.constant 0 : i32
      %dma_start3A_168 = tpu.memref_slice %arg14[%dma_start3A_166, %dma_start3A_167] : memref<10240x128xf32, #tpu.memory_space<vmem_shared>> -> memref<10240x128xf32, #tpu.memory_space<vmem_shared>>
      tpu.enqueue_indirect_dma source(%dma_start3A_168 : memref<10240x128xf32, #tpu.memory_space<vmem_shared>>) target(%arg11 : memref<64x128xf32, #tpu.memory_space<vmem>>) offsets(%arg7 : memref<64xi32, #tpu.memory_space<vmem>>) semaphore(%arg16 : memref<!tpu.dma_semaphore, #tpu.memory_space<semaphore_mem>>)
      %dma_start3A_169 = arith.constant 0 : i32
      %dma_start3A_170 = arith.constant 0 : i32
      %dma_start3A_171 = tpu.memref_slice %arg14[%dma_start3A_169, %dma_start3A_170] : memref<10240x128xf32, #tpu.memory_space<vmem_shared>> -> memref<10240x128xf32, #tpu.memory_space<vmem_shared>>
      tpu.enqueue_indirect_dma source(%dma_start3A_171 : memref<10240x128xf32, #tpu.memory_space<vmem_shared>>) target(%arg13 : memref<64x128xf32, #tpu.memory_space<vmem>>) offsets(%arg9 : memref<64xi32, #tpu.memory_space<vmem>>) semaphore(%arg18 : memref<!tpu.dma_semaphore, #tpu.memory_space<semaphore_mem>>)
      %dma_wait3A_172 = arith.constant 0 : i32
      %dma_wait3A_173 = arith.constant 0 : i32
      %dma_wait3A_174 = tpu.memref_slice %arg14[%dma_wait3A_172, %dma_wait3A_173] : memref<10240x128xf32, #tpu.memory_space<vmem_shared>> -> memref<10240x128xf32, #tpu.memory_space<vmem_shared>>
      tpu.wait_indirect_dma semaphore(%arg15 : memref<!tpu.dma_semaphore, #tpu.memory_space<semaphore_mem>>) src(%dma_wait3A_174 : memref<10240x128xf32, #tpu.memory_space<vmem_shared>>) dst(%arg10 : memref<64x128xf32, #tpu.memory_space<vmem>>)
      %dma_wait3A_175 = arith.constant 0 : i32
      %dma_wait3A_176 = arith.constant 0 : i32
      %dma_wait3A_177 = tpu.memref_slice %arg14[%dma_wait3A_175, %dma_wait3A_176] : memref<10240x128xf32, #tpu.memory_space<vmem_shared>> -> memref<10240x128xf32, #tpu.memory_space<vmem_shared>>
      tpu.wait_indirect_dma semaphore(%arg17 : memref<!tpu.dma_semaphore, #tpu.memory_space<semaphore_mem>>) src(%dma_wait3A_177 : memref<10240x128xf32, #tpu.memory_space<vmem_shared>>) dst(%arg12 : memref<64x128xf32, #tpu.memory_space<vmem>>)
      %add3A_178 = arith.constant 2 : i32
      %add3A_179 = arith.addi %add3A_151, %add3A_178 : i32
      %min3A_180 = arith.constant 77 : i32
      %min3A_181 = arith.minsi %add3A_179, %min3A_180 : i32
      %mul3A_182 = arith.constant 64 : i32
      %mul3A_183 = arith.muli %min3A_181, %mul3A_182 : i32
      %add3A_184 = arith.addi %add3A_4, %mul3A_183 : i32
      %dma_start3A_185 = tpu.memref_slice %arg3[%add3A_184] : memref<320000xi32, #tpu.memory_space<hbm>> -> memref<64xi32, #tpu.memory_space<hbm>>
      %dma_start3A_186 = tpu.memref_slice %arg3[%add3A_184] : memref<320000xi32, #tpu.memory_space<hbm>> -> memref<64xi32, #tpu.memory_space<hbm>>
      tpu.enqueue_dma source(%dma_start3A_186 : memref<64xi32, #tpu.memory_space<hbm>>) target(%arg6 : memref<64xi32, #tpu.memory_space<vmem>>) target_semaphore(%arg21 : memref<!tpu.dma_semaphore, #tpu.memory_space<semaphore_mem>>)
      %mul3A_187 = arith.constant 64 : i32
      %mul3A_188 = arith.muli %min3A_181, %mul3A_187 : i32
      %add3A_189 = arith.addi %add3A_4, %mul3A_188 : i32
      %dma_start3A_190 = tpu.memref_slice %arg4[%add3A_189] : memref<320000xi32, #tpu.memory_space<hbm>> -> memref<64xi32, #tpu.memory_space<hbm>>
      %dma_start3A_191 = tpu.memref_slice %arg4[%add3A_189] : memref<320000xi32, #tpu.memory_space<hbm>> -> memref<64xi32, #tpu.memory_space<hbm>>
      tpu.enqueue_dma source(%dma_start3A_191 : memref<64xi32, #tpu.memory_space<hbm>>) target(%arg8 : memref<64xi32, #tpu.memory_space<vmem>>) target_semaphore(%arg23 : memref<!tpu.dma_semaphore, #tpu.memory_space<semaphore_mem>>)
      %scan3A_192 = arith.constant 0 : i32
      %scan3A_193 = arith.constant 64 : i32
      %scan3A_194 = arith.addi %scan3A_192, %scan3A_193 : i32
      %scan3A_195 = arith.constant 1 : i32
      scf.for %scan3A_264 = %scan3A_192 to %scan3A_194 step %scan3A_195  : i32 {
        %mul3A_265 = arith.constant 1 : i32
        %mul3A_266 = arith.muli %scan3A_264, %mul3A_265 : i32
        %add3A_267 = arith.constant 0 : i32
        %add3A_268 = arith.addi %add3A_267, %mul3A_266 : i32
        %get3A = arith.index_cast %add3A_268 : i32 to index
        %get3A_269 = arith.constant 0 : index
        %get3A_270 = tpu.vector_load %arg10[%get3A, %get3A_269] {strides = array<i32>} : memref<64x128xf32, #tpu.memory_space<vmem>>, vector<1x16xf32>,
        %get3A_271 = vector.shape_cast %get3A_270 : vector<1x16xf32> to vector<16xf32>
        %get3A_272 = arith.index_cast %add3A_268 : i32 to index
        %get3A_273 = arith.constant 0 : index
        %get3A_274 = tpu.vector_load %arg12[%get3A_272, %get3A_273] {strides = array<i32>} : memref<64x128xf32, #tpu.memory_space<vmem>>, vector<1x16xf32>,
        %get3A_275 = vector.shape_cast %get3A_274 : vector<1x16xf32> to vector<16xf32>
        %mul3A_276 = arith.mulf %get3A_271, %get3A_275 : vector<16xf32>
        %swap3A = arith.index_cast %add3A_268 : i32 to index
        %swap3A_277 = arith.constant 0 : index
        %swap3A_278 = tpu.vector_load %arg10[%swap3A, %swap3A_277] {strides = array<i32>} : memref<64x128xf32, #tpu.memory_space<vmem>>, vector<1x16xf32>,
        %swap3A_279 = vector.shape_cast %swap3A_278 : vector<1x16xf32> to vector<16xf32>
        %swap3A_280 = vector.shape_cast %mul3A_276 : vector<16xf32> to vector<1x16xf32>
        tpu.vector_store %arg10[%swap3A, %swap3A_277], %swap3A_280 {strides = array<i32>} : memref<64x128xf32, #tpu.memory_space<vmem>>, vector<1x16xf32>,
        %get3A_281 = arith.index_cast %add3A_268 : i32 to index
        %get3A_282 = arith.constant 16 : index
        %get3A_283 = tpu.vector_load %arg10[%get3A_281, %get3A_282] {strides = array<i32>} : memref<64x128xf32, #tpu.memory_space<vmem>>, vector<1x16xf32>,
        %get3A_284 = vector.shape_cast %get3A_283 : vector<1x16xf32> to vector<16xf32>
        %get3A_285 = arith.index_cast %add3A_268 : i32 to index
        %get3A_286 = arith.constant 16 : index
        %get3A_287 = tpu.vector_load %arg12[%get3A_285, %get3A_286] {strides = array<i32>} : memref<64x128xf32, #tpu.memory_space<vmem>>, vector<1x16xf32>,
        %get3A_288 = vector.shape_cast %get3A_287 : vector<1x16xf32> to vector<16xf32>
        %mul3A_289 = arith.mulf %get3A_284, %get3A_288 : vector<16xf32>
        %swap3A_290 = arith.index_cast %add3A_268 : i32 to index
        %swap3A_291 = arith.constant 16 : index
        %swap3A_292 = tpu.vector_load %arg10[%swap3A_290, %swap3A_291] {strides = array<i32>} : memref<64x128xf32, #tpu.memory_space<vmem>>, vector<1x16xf32>,
        %swap3A_293 = vector.shape_cast %swap3A_292 : vector<1x16xf32> to vector<16xf32>
        %swap3A_294 = vector.shape_cast %mul3A_289 : vector<16xf32> to vector<1x16xf32>
        tpu.vector_store %arg10[%swap3A_290, %swap3A_291], %swap3A_294 {strides = array<i32>} : memref<64x128xf32, #tpu.memory_space<vmem>>, vector<1x16xf32>,
        %get3A_295 = arith.index_cast %add3A_268 : i32 to index
        %get3A_296 = arith.constant 32 : index
        %get3A_297 = tpu.vector_load %arg10[%get3A_295, %get3A_296] {strides = array<i32>} : memref<64x128xf32, #tpu.memory_space<vmem>>, vector<1x16xf32>,
        %get3A_298 = vector.shape_cast %get3A_297 : vector<1x16xf32> to vector<16xf32>
        %get3A_299 = arith.index_cast %add3A_268 : i32 to index
        %get3A_300 = arith.constant 32 : index
        %get3A_301 = tpu.vector_load %arg12[%get3A_299, %get3A_300] {strides = array<i32>} : memref<64x128xf32, #tpu.memory_space<vmem>>, vector<1x16xf32>,
        %get3A_302 = vector.shape_cast %get3A_301 : vector<1x16xf32> to vector<16xf32>
        %mul3A_303 = arith.mulf %get3A_298, %get3A_302 : vector<16xf32>
        %swap3A_304 = arith.index_cast %add3A_268 : i32 to index
        %swap3A_305 = arith.constant 32 : index
        %swap3A_306 = tpu.vector_load %arg10[%swap3A_304, %swap3A_305] {strides = array<i32>} : memref<64x128xf32, #tpu.memory_space<vmem>>, vector<1x16xf32>,
        %swap3A_307 = vector.shape_cast %swap3A_306 : vector<1x16xf32> to vector<16xf32>
        %swap3A_308 = vector.shape_cast %mul3A_303 : vector<16xf32> to vector<1x16xf32>
        tpu.vector_store %arg10[%swap3A_304, %swap3A_305], %swap3A_308 {strides = array<i32>} : memref<64x128xf32, #tpu.memory_space<vmem>>, vector<1x16xf32>,
        %get3A_309 = arith.index_cast %add3A_268 : i32 to index
        %get3A_310 = arith.constant 48 : index
        %get3A_311 = tpu.vector_load %arg10[%get3A_309, %get3A_310] {strides = array<i32>} : memref<64x128xf32, #tpu.memory_space<vmem>>, vector<1x16xf32>,
        %get3A_312 = vector.shape_cast %get3A_311 : vector<1x16xf32> to vector<16xf32>
        %get3A_313 = arith.index_cast %add3A_268 : i32 to index
        %get3A_314 = arith.constant 48 : index
        %get3A_315 = tpu.vector_load %arg12[%get3A_313, %get3A_314] {strides = array<i32>} : memref<64x128xf32, #tpu.memory_space<vmem>>, vector<1x16xf32>,
        %get3A_316 = vector.shape_cast %get3A_315 : vector<1x16xf32> to vector<16xf32>
        %mul3A_317 = arith.mulf %get3A_312, %get3A_316 : vector<16xf32>
        %swap3A_318 = arith.index_cast %add3A_268 : i32 to index
        %swap3A_319 = arith.constant 48 : index
        %swap3A_320 = tpu.vector_load %arg10[%swap3A_318, %swap3A_319] {strides = array<i32>} : memref<64x128xf32, #tpu.memory_space<vmem>>, vector<1x16xf32>,
        %swap3A_321 = vector.shape_cast %swap3A_320 : vector<1x16xf32> to vector<16xf32>
        %swap3A_322 = vector.shape_cast %mul3A_317 : vector<16xf32> to vector<1x16xf32>
        tpu.vector_store %arg10[%swap3A_318, %swap3A_319], %swap3A_322 {strides = array<i32>} : memref<64x128xf32, #tpu.memory_space<vmem>>, vector<1x16xf32>,
        %get3A_323 = arith.index_cast %add3A_268 : i32 to index
        %get3A_324 = arith.constant 64 : index
        %get3A_325 = tpu.vector_load %arg10[%get3A_323, %get3A_324] {strides = array<i32>} : memref<64x128xf32, #tpu.memory_space<vmem>>, vector<1x16xf32>,
        %get3A_326 = vector.shape_cast %get3A_325 : vector<1x16xf32> to vector<16xf32>
        %get3A_327 = arith.index_cast %add3A_268 : i32 to index
        %get3A_328 = arith.constant 64 : index
        %get3A_329 = tpu.vector_load %arg12[%get3A_327, %get3A_328] {strides = array<i32>} : memref<64x128xf32, #tpu.memory_space<vmem>>, vector<1x16xf32>,
        %get3A_330 = vector.shape_cast %get3A_329 : vector<1x16xf32> to vector<16xf32>
        %mul3A_331 = arith.mulf %get3A_326, %get3A_330 : vector<16xf32>
        %swap3A_332 = arith.index_cast %add3A_268 : i32 to index
        %swap3A_333 = arith.constant 64 : index
        %swap3A_334 = tpu.vector_load %arg10[%swap3A_332, %swap3A_333] {strides = array<i32>} : memref<64x128xf32, #tpu.memory_space<vmem>>, vector<1x16xf32>,
        %swap3A_335 = vector.shape_cast %swap3A_334 : vector<1x16xf32> to vector<16xf32>
        %swap3A_336 = vector.shape_cast %mul3A_331 : vector<16xf32> to vector<1x16xf32>
        tpu.vector_store %arg10[%swap3A_332, %swap3A_333], %swap3A_336 {strides = array<i32>} : memref<64x128xf32, #tpu.memory_space<vmem>>, vector<1x16xf32>,
        %get3A_337 = arith.index_cast %add3A_268 : i32 to index
        %get3A_338 = arith.constant 80 : index
        %get3A_339 = tpu.vector_load %arg10[%get3A_337, %get3A_338] {strides = array<i32>} : memref<64x128xf32, #tpu.memory_space<vmem>>, vector<1x16xf32>,
        %get3A_340 = vector.shape_cast %get3A_339 : vector<1x16xf32> to vector<16xf32>
        %get3A_341 = arith.index_cast %add3A_268 : i32 to index
        %get3A_342 = arith.constant 80 : index
        %get3A_343 = tpu.vector_load %arg12[%get3A_341, %get3A_342] {strides = array<i32>} : memref<64x128xf32, #tpu.memory_space<vmem>>, vector<1x16xf32>,
        %get3A_344 = vector.shape_cast %get3A_343 : vector<1x16xf32> to vector<16xf32>
        %mul3A_345 = arith.mulf %get3A_340, %get3A_344 : vector<16xf32>
        %swap3A_346 = arith.index_cast %add3A_268 : i32 to index
        %swap3A_347 = arith.constant 80 : index
        %swap3A_348 = tpu.vector_load %arg10[%swap3A_346, %swap3A_347] {strides = array<i32>} : memref<64x128xf32, #tpu.memory_space<vmem>>, vector<1x16xf32>,
        %swap3A_349 = vector.shape_cast %swap3A_348 : vector<1x16xf32> to vector<16xf32>
        %swap3A_350 = vector.shape_cast %mul3A_345 : vector<16xf32> to vector<1x16xf32>
        tpu.vector_store %arg10[%swap3A_346, %swap3A_347], %swap3A_350 {strides = array<i32>} : memref<64x128xf32, #tpu.memory_space<vmem>>, vector<1x16xf32>,
        %get3A_351 = arith.index_cast %add3A_268 : i32 to index
        %get3A_352 = arith.constant 96 : index
        %get3A_353 = tpu.vector_load %arg10[%get3A_351, %get3A_352] {strides = array<i32>} : memref<64x128xf32, #tpu.memory_space<vmem>>, vector<1x16xf32>,
        %get3A_354 = vector.shape_cast %get3A_353 : vector<1x16xf32> to vector<16xf32>
        %get3A_355 = arith.index_cast %add3A_268 : i32 to index
        %get3A_356 = arith.constant 96 : index
        %get3A_357 = tpu.vector_load %arg12[%get3A_355, %get3A_356] {strides = array<i32>} : memref<64x128xf32, #tpu.memory_space<vmem>>, vector<1x16xf32>,
        %get3A_358 = vector.shape_cast %get3A_357 : vector<1x16xf32> to vector<16xf32>
        %mul3A_359 = arith.mulf %get3A_354, %get3A_358 : vector<16xf32>
        %swap3A_360 = arith.index_cast %add3A_268 : i32 to index
        %swap3A_361 = arith.constant 96 : index
        %swap3A_362 = tpu.vector_load %arg10[%swap3A_360, %swap3A_361] {strides = array<i32>} : memref<64x128xf32, #tpu.memory_space<vmem>>, vector<1x16xf32>,
        %swap3A_363 = vector.shape_cast %swap3A_362 : vector<1x16xf32> to vector<16xf32>
        %swap3A_364 = vector.shape_cast %mul3A_359 : vector<16xf32> to vector<1x16xf32>
        tpu.vector_store %arg10[%swap3A_360, %swap3A_361], %swap3A_364 {strides = array<i32>} : memref<64x128xf32, #tpu.memory_space<vmem>>, vector<1x16xf32>,
        %get3A_365 = arith.index_cast %add3A_268 : i32 to index
        %get3A_366 = arith.constant 112 : index
        %get3A_367 = tpu.vector_load %arg10[%get3A_365, %get3A_366] {strides = array<i32>} : memref<64x128xf32, #tpu.memory_space<vmem>>, vector<1x16xf32>,
        %get3A_368 = vector.shape_cast %get3A_367 : vector<1x16xf32> to vector<16xf32>
        %get3A_369 = arith.index_cast %add3A_268 : i32 to index
        %get3A_370 = arith.constant 112 : index
        %get3A_371 = tpu.vector_load %arg12[%get3A_369, %get3A_370] {strides = array<i32>} : memref<64x128xf32, #tpu.memory_space<vmem>>, vector<1x16xf32>,
        %get3A_372 = vector.shape_cast %get3A_371 : vector<1x16xf32> to vector<16xf32>
        %mul3A_373 = arith.mulf %get3A_368, %get3A_372 : vector<16xf32>
        %swap3A_374 = arith.index_cast %add3A_268 : i32 to index
        %swap3A_375 = arith.constant 112 : index
        %swap3A_376 = tpu.vector_load %arg10[%swap3A_374, %swap3A_375] {strides = array<i32>} : memref<64x128xf32, #tpu.memory_space<vmem>>, vector<1x16xf32>,
        %swap3A_377 = vector.shape_cast %swap3A_376 : vector<1x16xf32> to vector<16xf32>
        %swap3A_378 = vector.shape_cast %mul3A_373 : vector<16xf32> to vector<1x16xf32>
        tpu.vector_store %arg10[%swap3A_374, %swap3A_375], %swap3A_378 {strides = array<i32>} : memref<64x128xf32, #tpu.memory_space<vmem>>, vector<1x16xf32>,
      }
      %scan3A_196 = arith.constant 64 : i32
      %mul3A_197 = arith.constant 5000 : i32
      %mul3A_198 = arith.muli %add3A, %mul3A_197 : i32
      %mul3A_199 = arith.constant 64 : i32
      %mul3A_200 = arith.muli %add3A_151, %mul3A_199 : i32
      %add3A_201 = arith.addi %mul3A_198, %mul3A_200 : i32
      %dma_start3A_202 = arith.constant 0 : i32
      %dma_start3A_203 = tpu.memref_slice %arg5[%add3A_201, %dma_start3A_202] : memref<160000x128xf32, #tpu.memory_space<hbm>> -> memref<64x128xf32, #tpu.memory_space<hbm>>
      %dma_start3A_204 = arith.constant 0 : i32
      %dma_start3A_205 = tpu.memref_slice %arg5[%add3A_201, %dma_start3A_204] : memref<160000x128xf32, #tpu.memory_space<hbm>> -> memref<64x128xf32, #tpu.memory_space<hbm>>
      tpu.enqueue_dma source(%arg10 : memref<64x128xf32, #tpu.memory_space<vmem>>) target(%dma_start3A_205 : memref<64x128xf32, #tpu.memory_space<hbm>>) target_semaphore(%arg19 : memref<!tpu.dma_semaphore, #tpu.memory_space<semaphore_mem>>)
      %mul3A_206 = arith.constant 2 : i32
      %mul3A_207 = arith.muli %mul3A_206, %add3A_147 : i32
      %add3A_208 = arith.constant 3 : i32
      %add3A_209 = arith.addi %mul3A_207, %add3A_208 : i32
      %dma_wait3A_210 = arith.constant 0 : i32
      %dma_wait3A_211 = arith.constant 0 : i32
      %dma_wait3A_212 = tpu.memref_slice %arg5[%dma_wait3A_210, %dma_wait3A_211] : memref<160000x128xf32, #tpu.memory_space<hbm>> -> memref<64x128xf32, #tpu.memory_space<hbm>>
      %dma_wait3A_213 = arith.constant 0 : i32
      %dma_wait3A_214 = arith.constant 0 : i32
      %dma_wait3A_215 = tpu.memref_slice %arg5[%dma_wait3A_213, %dma_wait3A_214] : memref<160000x128xf32, #tpu.memory_space<hbm>> -> memref<64x128xf32, #tpu.memory_space<hbm>>
      tpu.wait_dma2 semaphore(%arg19 : memref<!tpu.dma_semaphore, #tpu.memory_space<semaphore_mem>>) src(%arg10 : memref<64x128xf32, #tpu.memory_space<vmem>>) dst(%dma_wait3A_215 : memref<64x128xf32, #tpu.memory_space<hbm>>)
      %dma_wait3A_216 = arith.constant 0 : i32
      %dma_wait3A_217 = tpu.memref_slice %arg3[%dma_wait3A_216] : memref<320000xi32, #tpu.memory_space<hbm>> -> memref<64xi32, #tpu.memory_space<hbm>>
      %dma_wait3A_218 = arith.constant 0 : i32
      %dma_wait3A_219 = tpu.memref_slice %arg3[%dma_wait3A_218] : memref<320000xi32, #tpu.memory_space<hbm>> -> memref<64xi32, #tpu.memory_space<hbm>>
      tpu.wait_dma2 semaphore(%arg21 : memref<!tpu.dma_semaphore, #tpu.memory_space<semaphore_mem>>) src(%dma_wait3A_219 : memref<64xi32, #tpu.memory_space<hbm>>) dst(%arg6 : memref<64xi32, #tpu.memory_space<vmem>>)
      %dma_wait3A_220 = arith.constant 0 : i32
      %dma_wait3A_221 = tpu.memref_slice %arg4[%dma_wait3A_220] : memref<320000xi32, #tpu.memory_space<hbm>> -> memref<64xi32, #tpu.memory_space<hbm>>
      %dma_wait3A_222 = arith.constant 0 : i32
      %dma_wait3A_223 = tpu.memref_slice %arg4[%dma_wait3A_222] : memref<320000xi32, #tpu.memory_space<hbm>> -> memref<64xi32, #tpu.memory_space<hbm>>
      tpu.wait_dma2 semaphore(%arg23 : memref<!tpu.dma_semaphore, #tpu.memory_space<semaphore_mem>>) src(%dma_wait3A_223 : memref<64xi32, #tpu.memory_space<hbm>>) dst(%arg8 : memref<64xi32, #tpu.memory_space<vmem>>)
      %dma_start3A_224 = arith.constant 0 : i32
      %dma_start3A_225 = arith.constant 0 : i32
      %dma_start3A_226 = tpu.memref_slice %arg14[%dma_start3A_224, %dma_start3A_225] : memref<10240x128xf32, #tpu.memory_space<vmem_shared>> -> memref<10240x128xf32, #tpu.memory_space<vmem_shared>>
      tpu.enqueue_indirect_dma source(%dma_start3A_226 : memref<10240x128xf32, #tpu.memory_space<vmem_shared>>) target(%arg10 : memref<64x128xf32, #tpu.memory_space<vmem>>) offsets(%arg6 : memref<64xi32, #tpu.memory_space<vmem>>) semaphore(%arg15 : memref<!tpu.dma_semaphore, #tpu.memory_space<semaphore_mem>>)
      %dma_start3A_227 = arith.constant 0 : i32
      %dma_start3A_228 = arith.constant 0 : i32
      %dma_start3A_229 = tpu.memref_slice %arg14[%dma_start3A_227, %dma_start3A_228] : memref<10240x128xf32, #tpu.memory_space<vmem_shared>> -> memref<10240x128xf32, #tpu.memory_space<vmem_shared>>
      tpu.enqueue_indirect_dma source(%dma_start3A_229 : memref<10240x128xf32, #tpu.memory_space<vmem_shared>>) target(%arg12 : memref<64x128xf32, #tpu.memory_space<vmem>>) offsets(%arg8 : memref<64xi32, #tpu.memory_space<vmem>>) semaphore(%arg17 : memref<!tpu.dma_semaphore, #tpu.memory_space<semaphore_mem>>)
      %dma_wait3A_230 = arith.constant 0 : i32
      %dma_wait3A_231 = arith.constant 0 : i32
      %dma_wait3A_232 = tpu.memref_slice %arg14[%dma_wait3A_230, %dma_wait3A_231] : memref<10240x128xf32, #tpu.memory_space<vmem_shared>> -> memref<10240x128xf32, #tpu.memory_space<vmem_shared>>
      tpu.wait_indirect_dma semaphore(%arg16 : memref<!tpu.dma_semaphore, #tpu.memory_space<semaphore_mem>>) src(%dma_wait3A_232 : memref<10240x128xf32, #tpu.memory_space<vmem_shared>>) dst(%arg11 : memref<64x128xf32, #tpu.memory_space<vmem>>)
      %dma_wait3A_233 = arith.constant 0 : i32
      %dma_wait3A_234 = arith.constant 0 : i32
      %dma_wait3A_235 = tpu.memref_slice %arg14[%dma_wait3A_233, %dma_wait3A_234] : memref<10240x128xf32, #tpu.memory_space<vmem_shared>> -> memref<10240x128xf32, #tpu.memory_space<vmem_shared>>
      tpu.wait_indirect_dma semaphore(%arg18 : memref<!tpu.dma_semaphore, #tpu.memory_space<semaphore_mem>>) src(%dma_wait3A_235 : memref<10240x128xf32, #tpu.memory_space<vmem_shared>>) dst(%arg13 : memref<64x128xf32, #tpu.memory_space<vmem>>)
      %add3A_236 = arith.constant 2 : i32
      %add3A_237 = arith.addi %add3A_209, %add3A_236 : i32
      %min3A_238 = arith.constant 77 : i32
      %min3A_239 = arith.minsi %add3A_237, %min3A_238 : i32
      %mul3A_240 = arith.constant 64 : i32
      %mul3A_241 = arith.muli %min3A_239, %mul3A_240 : i32
      %add3A_242 = arith.addi %add3A_4, %mul3A_241 : i32
      %dma_start3A_243 = tpu.memref_slice %arg3[%add3A_242] : memref<320000xi32, #tpu.memory_space<hbm>> -> memref<64xi32, #tpu.memory_space<hbm>>
      %dma_start3A_244 = tpu.memref_slice %arg3[%add3A_242] : memref<320000xi32, #tpu.memory_space<hbm>> -> memref<64xi32, #tpu.memory_space<hbm>>
      tpu.enqueue_dma source(%dma_start3A_244 : memref<64xi32, #tpu.memory_space<hbm>>) target(%arg7 : memref<64xi32, #tpu.memory_space<vmem>>) target_semaphore(%arg22 : memref<!tpu.dma_semaphore, #tpu.memory_space<semaphore_mem>>)
      %mul3A_245 = arith.constant 64 : i32
      %mul3A_246 = arith.muli %min3A_239, %mul3A_245 : i32
      %add3A_247 = arith.addi %add3A_4, %mul3A_246 : i32
      %dma_start3A_248 = tpu.memref_slice %arg4[%add3A_247] : memref<320000xi32, #tpu.memory_space<hbm>> -> memref<64xi32, #tpu.memory_space<hbm>>
      %dma_start3A_249 = tpu.memref_slice %arg4[%add3A_247] : memref<320000xi32, #tpu.memory_space<hbm>> -> memref<64xi32, #tpu.memory_space<hbm>>
      tpu.enqueue_dma source(%dma_start3A_249 : memref<64xi32, #tpu.memory_space<hbm>>) target(%arg9 : memref<64xi32, #tpu.memory_space<vmem>>) target_semaphore(%arg24 : memref<!tpu.dma_semaphore, #tpu.memory_space<semaphore_mem>>)
      %scan3A_250 = arith.constant 0 : i32
      %scan3A_251 = arith.constant 64 : i32
      %scan3A_252 = arith.addi %scan3A_250, %scan3A_251 : i32
      %scan3A_253 = arith.constant 1 : i32
      scf.for %scan3A_264 = %scan3A_250 to %scan3A_252 step %scan3A_253  : i32 {
        %mul3A_265 = arith.constant 1 : i32
        %mul3A_266 = arith.muli %scan3A_264, %mul3A_265 : i32
        %add3A_267 = arith.constant 0 : i32
        %add3A_268 = arith.addi %add3A_267, %mul3A_266 : i32
        %get3A = arith.index_cast %add3A_268 : i32 to index
        %get3A_269 = arith.constant 0 : index
        %get3A_270 = tpu.vector_load %arg11[%get3A, %get3A_269] {strides = array<i32>} : memref<64x128xf32, #tpu.memory_space<vmem>>, vector<1x16xf32>,
        %get3A_271 = vector.shape_cast %get3A_270 : vector<1x16xf32> to vector<16xf32>
        %get3A_272 = arith.index_cast %add3A_268 : i32 to index
        %get3A_273 = arith.constant 0 : index
        %get3A_274 = tpu.vector_load %arg13[%get3A_272, %get3A_273] {strides = array<i32>} : memref<64x128xf32, #tpu.memory_space<vmem>>, vector<1x16xf32>,
        %get3A_275 = vector.shape_cast %get3A_274 : vector<1x16xf32> to vector<16xf32>
        %mul3A_276 = arith.mulf %get3A_271, %get3A_275 : vector<16xf32>
        %swap3A = arith.index_cast %add3A_268 : i32 to index
        %swap3A_277 = arith.constant 0 : index
        %swap3A_278 = tpu.vector_load %arg11[%swap3A, %swap3A_277] {strides = array<i32>} : memref<64x128xf32, #tpu.memory_space<vmem>>, vector<1x16xf32>,
        %swap3A_279 = vector.shape_cast %swap3A_278 : vector<1x16xf32> to vector<16xf32>
        %swap3A_280 = vector.shape_cast %mul3A_276 : vector<16xf32> to vector<1x16xf32>
        tpu.vector_store %arg11[%swap3A, %swap3A_277], %swap3A_280 {strides = array<i32>} : memref<64x128xf32, #tpu.memory_space<vmem>>, vector<1x16xf32>,
        %get3A_281 = arith.index_cast %add3A_268 : i32 to index
        %get3A_282 = arith.constant 16 : index
        %get3A_283 = tpu.vector_load %arg11[%get3A_281, %get3A_282] {strides = array<i32>} : memref<64x128xf32, #tpu.memory_space<vmem>>, vector<1x16xf32>,
        %get3A_284 = vector.shape_cast %get3A_283 : vector<1x16xf32> to vector<16xf32>
        %get3A_285 = arith.index_cast %add3A_268 : i32 to index
        %get3A_286 = arith.constant 16 : index
        %get3A_287 = tpu.vector_load %arg13[%get3A_285, %get3A_286] {strides = array<i32>} : memref<64x128xf32, #tpu.memory_space<vmem>>, vector<1x16xf32>,
        %get3A_288 = vector.shape_cast %get3A_287 : vector<1x16xf32> to vector<16xf32>
        %mul3A_289 = arith.mulf %get3A_284, %get3A_288 : vector<16xf32>
        %swap3A_290 = arith.index_cast %add3A_268 : i32 to index
        %swap3A_291 = arith.constant 16 : index
        %swap3A_292 = tpu.vector_load %arg11[%swap3A_290, %swap3A_291] {strides = array<i32>} : memref<64x128xf32, #tpu.memory_space<vmem>>, vector<1x16xf32>,
        %swap3A_293 = vector.shape_cast %swap3A_292 : vector<1x16xf32> to vector<16xf32>
        %swap3A_294 = vector.shape_cast %mul3A_289 : vector<16xf32> to vector<1x16xf32>
        tpu.vector_store %arg11[%swap3A_290, %swap3A_291], %swap3A_294 {strides = array<i32>} : memref<64x128xf32, #tpu.memory_space<vmem>>, vector<1x16xf32>,
        %get3A_295 = arith.index_cast %add3A_268 : i32 to index
        %get3A_296 = arith.constant 32 : index
        %get3A_297 = tpu.vector_load %arg11[%get3A_295, %get3A_296] {strides = array<i32>} : memref<64x128xf32, #tpu.memory_space<vmem>>, vector<1x16xf32>,
        %get3A_298 = vector.shape_cast %get3A_297 : vector<1x16xf32> to vector<16xf32>
        %get3A_299 = arith.index_cast %add3A_268 : i32 to index
        %get3A_300 = arith.constant 32 : index
        %get3A_301 = tpu.vector_load %arg13[%get3A_299, %get3A_300] {strides = array<i32>} : memref<64x128xf32, #tpu.memory_space<vmem>>, vector<1x16xf32>,
        %get3A_302 = vector.shape_cast %get3A_301 : vector<1x16xf32> to vector<16xf32>
        %mul3A_303 = arith.mulf %get3A_298, %get3A_302 : vector<16xf32>
        %swap3A_304 = arith.index_cast %add3A_268 : i32 to index
        %swap3A_305 = arith.constant 32 : index
        %swap3A_306 = tpu.vector_load %arg11[%swap3A_304, %swap3A_305] {strides = array<i32>} : memref<64x128xf32, #tpu.memory_space<vmem>>, vector<1x16xf32>,
        %swap3A_307 = vector.shape_cast %swap3A_306 : vector<1x16xf32> to vector<16xf32>
        %swap3A_308 = vector.shape_cast %mul3A_303 : vector<16xf32> to vector<1x16xf32>
        tpu.vector_store %arg11[%swap3A_304, %swap3A_305], %swap3A_308 {strides = array<i32>} : memref<64x128xf32, #tpu.memory_space<vmem>>, vector<1x16xf32>,
        %get3A_309 = arith.index_cast %add3A_268 : i32 to index
        %get3A_310 = arith.constant 48 : index
        %get3A_311 = tpu.vector_load %arg11[%get3A_309, %get3A_310] {strides = array<i32>} : memref<64x128xf32, #tpu.memory_space<vmem>>, vector<1x16xf32>,
        %get3A_312 = vector.shape_cast %get3A_311 : vector<1x16xf32> to vector<16xf32>
        %get3A_313 = arith.index_cast %add3A_268 : i32 to index
        %get3A_314 = arith.constant 48 : index
        %get3A_315 = tpu.vector_load %arg13[%get3A_313, %get3A_314] {strides = array<i32>} : memref<64x128xf32, #tpu.memory_space<vmem>>, vector<1x16xf32>,
        %get3A_316 = vector.shape_cast %get3A_315 : vector<1x16xf32> to vector<16xf32>
        %mul3A_317 = arith.mulf %get3A_312, %get3A_316 : vector<16xf32>
        %swap3A_318 = arith.index_cast %add3A_268 : i32 to index
        %swap3A_319 = arith.constant 48 : index
        %swap3A_320 = tpu.vector_load %arg11[%swap3A_318, %swap3A_319] {strides = array<i32>} : memref<64x128xf32, #tpu.memory_space<vmem>>, vector<1x16xf32>,
        %swap3A_321 = vector.shape_cast %swap3A_320 : vector<1x16xf32> to vector<16xf32>
        %swap3A_322 = vector.shape_cast %mul3A_317 : vector<16xf32> to vector<1x16xf32>
        tpu.vector_store %arg11[%swap3A_318, %swap3A_319], %swap3A_322 {strides = array<i32>} : memref<64x128xf32, #tpu.memory_space<vmem>>, vector<1x16xf32>,
        %get3A_323 = arith.index_cast %add3A_268 : i32 to index
        %get3A_324 = arith.constant 64 : index
        %get3A_325 = tpu.vector_load %arg11[%get3A_323, %get3A_324] {strides = array<i32>} : memref<64x128xf32, #tpu.memory_space<vmem>>, vector<1x16xf32>,
        %get3A_326 = vector.shape_cast %get3A_325 : vector<1x16xf32> to vector<16xf32>
        %get3A_327 = arith.index_cast %add3A_268 : i32 to index
        %get3A_328 = arith.constant 64 : index
        %get3A_329 = tpu.vector_load %arg13[%get3A_327, %get3A_328] {strides = array<i32>} : memref<64x128xf32, #tpu.memory_space<vmem>>, vector<1x16xf32>,
        %get3A_330 = vector.shape_cast %get3A_329 : vector<1x16xf32> to vector<16xf32>
        %mul3A_331 = arith.mulf %get3A_326, %get3A_330 : vector<16xf32>
        %swap3A_332 = arith.index_cast %add3A_268 : i32 to index
        %swap3A_333 = arith.constant 64 : index
        %swap3A_334 = tpu.vector_load %arg11[%swap3A_332, %swap3A_333] {strides = array<i32>} : memref<64x128xf32, #tpu.memory_space<vmem>>, vector<1x16xf32>,
        %swap3A_335 = vector.shape_cast %swap3A_334 : vector<1x16xf32> to vector<16xf32>
        %swap3A_336 = vector.shape_cast %mul3A_331 : vector<16xf32> to vector<1x16xf32>
        tpu.vector_store %arg11[%swap3A_332, %swap3A_333], %swap3A_336 {strides = array<i32>} : memref<64x128xf32, #tpu.memory_space<vmem>>, vector<1x16xf32>,
        %get3A_337 = arith.index_cast %add3A_268 : i32 to index
        %get3A_338 = arith.constant 80 : index
        %get3A_339 = tpu.vector_load %arg11[%get3A_337, %get3A_338] {strides = array<i32>} : memref<64x128xf32, #tpu.memory_space<vmem>>, vector<1x16xf32>,
        %get3A_340 = vector.shape_cast %get3A_339 : vector<1x16xf32> to vector<16xf32>
        %get3A_341 = arith.index_cast %add3A_268 : i32 to index
        %get3A_342 = arith.constant 80 : index
        %get3A_343 = tpu.vector_load %arg13[%get3A_341, %get3A_342] {strides = array<i32>} : memref<64x128xf32, #tpu.memory_space<vmem>>, vector<1x16xf32>,
        %get3A_344 = vector.shape_cast %get3A_343 : vector<1x16xf32> to vector<16xf32>
        %mul3A_345 = arith.mulf %get3A_340, %get3A_344 : vector<16xf32>
        %swap3A_346 = arith.index_cast %add3A_268 : i32 to index
        %swap3A_347 = arith.constant 80 : index
        %swap3A_348 = tpu.vector_load %arg11[%swap3A_346, %swap3A_347] {strides = array<i32>} : memref<64x128xf32, #tpu.memory_space<vmem>>, vector<1x16xf32>,
        %swap3A_349 = vector.shape_cast %swap3A_348 : vector<1x16xf32> to vector<16xf32>
        %swap3A_350 = vector.shape_cast %mul3A_345 : vector<16xf32> to vector<1x16xf32>
        tpu.vector_store %arg11[%swap3A_346, %swap3A_347], %swap3A_350 {strides = array<i32>} : memref<64x128xf32, #tpu.memory_space<vmem>>, vector<1x16xf32>,
        %get3A_351 = arith.index_cast %add3A_268 : i32 to index
        %get3A_352 = arith.constant 96 : index
        %get3A_353 = tpu.vector_load %arg11[%get3A_351, %get3A_352] {strides = array<i32>} : memref<64x128xf32, #tpu.memory_space<vmem>>, vector<1x16xf32>,
        %get3A_354 = vector.shape_cast %get3A_353 : vector<1x16xf32> to vector<16xf32>
        %get3A_355 = arith.index_cast %add3A_268 : i32 to index
        %get3A_356 = arith.constant 96 : index
        %get3A_357 = tpu.vector_load %arg13[%get3A_355, %get3A_356] {strides = array<i32>} : memref<64x128xf32, #tpu.memory_space<vmem>>, vector<1x16xf32>,
        %get3A_358 = vector.shape_cast %get3A_357 : vector<1x16xf32> to vector<16xf32>
        %mul3A_359 = arith.mulf %get3A_354, %get3A_358 : vector<16xf32>
        %swap3A_360 = arith.index_cast %add3A_268 : i32 to index
        %swap3A_361 = arith.constant 96 : index
        %swap3A_362 = tpu.vector_load %arg11[%swap3A_360, %swap3A_361] {strides = array<i32>} : memref<64x128xf32, #tpu.memory_space<vmem>>, vector<1x16xf32>,
        %swap3A_363 = vector.shape_cast %swap3A_362 : vector<1x16xf32> to vector<16xf32>
        %swap3A_364 = vector.shape_cast %mul3A_359 : vector<16xf32> to vector<1x16xf32>
        tpu.vector_store %arg11[%swap3A_360, %swap3A_361], %swap3A_364 {strides = array<i32>} : memref<64x128xf32, #tpu.memory_space<vmem>>, vector<1x16xf32>,
        %get3A_365 = arith.index_cast %add3A_268 : i32 to index
        %get3A_366 = arith.constant 112 : index
        %get3A_367 = tpu.vector_load %arg11[%get3A_365, %get3A_366] {strides = array<i32>} : memref<64x128xf32, #tpu.memory_space<vmem>>, vector<1x16xf32>,
        %get3A_368 = vector.shape_cast %get3A_367 : vector<1x16xf32> to vector<16xf32>
        %get3A_369 = arith.index_cast %add3A_268 : i32 to index
        %get3A_370 = arith.constant 112 : index
        %get3A_371 = tpu.vector_load %arg13[%get3A_369, %get3A_370] {strides = array<i32>} : memref<64x128xf32, #tpu.memory_space<vmem>>, vector<1x16xf32>,
        %get3A_372 = vector.shape_cast %get3A_371 : vector<1x16xf32> to vector<16xf32>
        %mul3A_373 = arith.mulf %get3A_368, %get3A_372 : vector<16xf32>
        %swap3A_374 = arith.index_cast %add3A_268 : i32 to index
        %swap3A_375 = arith.constant 112 : index
        %swap3A_376 = tpu.vector_load %arg11[%swap3A_374, %swap3A_375] {strides = array<i32>} : memref<64x128xf32, #tpu.memory_space<vmem>>, vector<1x16xf32>,
        %swap3A_377 = vector.shape_cast %swap3A_376 : vector<1x16xf32> to vector<16xf32>
        %swap3A_378 = vector.shape_cast %mul3A_373 : vector<16xf32> to vector<1x16xf32>
        tpu.vector_store %arg11[%swap3A_374, %swap3A_375], %swap3A_378 {strides = array<i32>} : memref<64x128xf32, #tpu.memory_space<vmem>>, vector<1x16xf32>,
      }
      %scan3A_254 = arith.constant 64 : i32
      %mul3A_255 = arith.constant 5000 : i32
      %mul3A_256 = arith.muli %add3A, %mul3A_255 : i32
      %mul3A_257 = arith.constant 64 : i32
      %mul3A_258 = arith.muli %add3A_209, %mul3A_257 : i32
      %add3A_259 = arith.addi %mul3A_256, %mul3A_258 : i32
      %dma_start3A_260 = arith.constant 0 : i32
      %dma_start3A_261 = tpu.memref_slice %arg5[%add3A_259, %dma_start3A_260] : memref<160000x128xf32, #tpu.memory_space<hbm>> -> memref<64x128xf32, #tpu.memory_space<hbm>>
      %dma_start3A_262 = arith.constant 0 : i32
      %dma_start3A_263 = tpu.memref_slice %arg5[%add3A_259, %dma_start3A_262] : memref<160000x128xf32, #tpu.memory_space<hbm>> -> memref<64x128xf32, #tpu.memory_space<hbm>>
      tpu.enqueue_dma source(%arg11 : memref<64x128xf32, #tpu.memory_space<vmem>>) target(%dma_start3A_263 : memref<64x128xf32, #tpu.memory_space<hbm>>) target_semaphore(%arg20 : memref<!tpu.dma_semaphore, #tpu.memory_space<semaphore_mem>>)
    }
    %scan3A_111 = arith.constant 38 : i32
    %dma_wait3A_112 = arith.constant 0 : i32
    %dma_wait3A_113 = arith.constant 0 : i32
    %dma_wait3A_114 = tpu.memref_slice %arg5[%dma_wait3A_112, %dma_wait3A_113] : memref<160000x128xf32, #tpu.memory_space<hbm>> -> memref<64x128xf32, #tpu.memory_space<hbm>>
    %dma_wait3A_115 = arith.constant 0 : i32
    %dma_wait3A_116 = arith.constant 0 : i32
    %dma_wait3A_117 = tpu.memref_slice %arg5[%dma_wait3A_115, %dma_wait3A_116] : memref<160000x128xf32, #tpu.memory_space<hbm>> -> memref<64x128xf32, #tpu.memory_space<hbm>>
    tpu.wait_dma2 semaphore(%arg20 : memref<!tpu.dma_semaphore, #tpu.memory_space<semaphore_mem>>) src(%arg11 : memref<64x128xf32, #tpu.memory_space<vmem>>) dst(%dma_wait3A_117 : memref<64x128xf32, #tpu.memory_space<hbm>>)
    %dma_wait3A_118 = arith.constant 0 : i32
    %dma_wait3A_119 = arith.constant 0 : i32
    %dma_wait3A_120 = tpu.memref_slice %arg14[%dma_wait3A_118, %dma_wait3A_119] : memref<10240x128xf32, #tpu.memory_space<vmem_shared>> -> memref<10240x128xf32, #tpu.memory_space<vmem_shared>>
    tpu.wait_indirect_dma semaphore(%arg15 : memref<!tpu.dma_semaphore, #tpu.memory_space<semaphore_mem>>) src(%dma_wait3A_120 : memref<10240x128xf32, #tpu.memory_space<vmem_shared>>) dst(%arg10 : memref<64x128xf32, #tpu.memory_space<vmem>>)
    %dma_wait3A_121 = arith.constant 0 : i32
    %dma_wait3A_122 = arith.constant 0 : i32
    %dma_wait3A_123 = tpu.memref_slice %arg14[%dma_wait3A_121, %dma_wait3A_122] : memref<10240x128xf32, #tpu.memory_space<vmem_shared>> -> memref<10240x128xf32, #tpu.memory_space<vmem_shared>>
    tpu.wait_indirect_dma semaphore(%arg17 : memref<!tpu.dma_semaphore, #tpu.memory_space<semaphore_mem>>) src(%dma_wait3A_123 : memref<10240x128xf32, #tpu.memory_space<vmem_shared>>) dst(%arg12 : memref<64x128xf32, #tpu.memory_space<vmem>>)
    %dma_wait3A_124 = arith.constant 0 : i32
    %dma_wait3A_125 = tpu.memref_slice %arg3[%dma_wait3A_124] : memref<320000xi32, #tpu.memory_space<hbm>> -> memref<64xi32, #tpu.memory_space<hbm>>
    %dma_wait3A_126 = arith.constant 0 : i32
    %dma_wait3A_127 = tpu.memref_slice %arg3[%dma_wait3A_126] : memref<320000xi32, #tpu.memory_space<hbm>> -> memref<64xi32, #tpu.memory_space<hbm>>
    tpu.wait_dma2 semaphore(%arg22 : memref<!tpu.dma_semaphore, #tpu.memory_space<semaphore_mem>>) src(%dma_wait3A_127 : memref<64xi32, #tpu.memory_space<hbm>>) dst(%arg7 : memref<64xi32, #tpu.memory_space<vmem>>)
    %dma_wait3A_128 = arith.constant 0 : i32
    %dma_wait3A_129 = tpu.memref_slice %arg4[%dma_wait3A_128] : memref<320000xi32, #tpu.memory_space<hbm>> -> memref<64xi32, #tpu.memory_space<hbm>>
    %dma_wait3A_130 = arith.constant 0 : i32
    %dma_wait3A_131 = tpu.memref_slice %arg4[%dma_wait3A_130] : memref<320000xi32, #tpu.memory_space<hbm>> -> memref<64xi32, #tpu.memory_space<hbm>>
    tpu.wait_dma2 semaphore(%arg24 : memref<!tpu.dma_semaphore, #tpu.memory_space<semaphore_mem>>) src(%dma_wait3A_131 : memref<64xi32, #tpu.memory_space<hbm>>) dst(%arg9 : memref<64xi32, #tpu.memory_space<vmem>>)
    %add3A_132 = arith.constant 4992 : i32
    %add3A_133 = arith.addi %add3A_4, %add3A_132 : i32
    "tpu.region"() ({
      %run_scoped3A = tpu.sem_alloc : memref<!tpu.dma_semaphore, #tpu.memory_space<semaphore_mem>>
      %dma_start3A_143 = arith.constant 0 : i32
      %dma_start3A_144 = tpu.memref_slice %arg6[%dma_start3A_143] : memref<64xi32, #tpu.memory_space<vmem>> -> memref<8xi32, #tpu.memory_space<vmem>>
      %dma_start3A_145 = tpu.memref_slice %arg3[%add3A_133] : memref<320000xi32, #tpu.memory_space<hbm>> -> memref<8xi32, #tpu.memory_space<hbm>>
      %dma_start3A_146 = arith.constant 0 : i32
      %dma_start3A_147 = tpu.memref_slice %arg6[%dma_start3A_146] : memref<64xi32, #tpu.memory_space<vmem>> -> memref<8xi32, #tpu.memory_space<vmem>>
      %dma_start3A_148 = tpu.memref_slice %arg3[%add3A_133] : memref<320000xi32, #tpu.memory_space<hbm>> -> memref<8xi32, #tpu.memory_space<hbm>>
      tpu.enqueue_dma source(%dma_start3A_148 : memref<8xi32, #tpu.memory_space<hbm>>) target(%dma_start3A_147 : memref<8xi32, #tpu.memory_space<vmem>>) target_semaphore(%run_scoped3A : memref<!tpu.dma_semaphore, #tpu.memory_space<semaphore_mem>>)
      %dma_wait3A_149 = arith.constant 0 : i32
      %dma_wait3A_150 = tpu.memref_slice %arg6[%dma_wait3A_149] : memref<64xi32, #tpu.memory_space<vmem>> -> memref<8xi32, #tpu.memory_space<vmem>>
      %dma_wait3A_151 = tpu.memref_slice %arg3[%add3A_133] : memref<320000xi32, #tpu.memory_space<hbm>> -> memref<8xi32, #tpu.memory_space<hbm>>
      %dma_wait3A_152 = arith.constant 0 : i32
      %dma_wait3A_153 = tpu.memref_slice %arg6[%dma_wait3A_152] : memref<64xi32, #tpu.memory_space<vmem>> -> memref<8xi32, #tpu.memory_space<vmem>>
      %dma_wait3A_154 = tpu.memref_slice %arg3[%add3A_133] : memref<320000xi32, #tpu.memory_space<hbm>> -> memref<8xi32, #tpu.memory_space<hbm>>
      tpu.wait_dma2 semaphore(%run_scoped3A : memref<!tpu.dma_semaphore, #tpu.memory_space<semaphore_mem>>) src(%dma_wait3A_154 : memref<8xi32, #tpu.memory_space<hbm>>) dst(%dma_wait3A_153 : memref<8xi32, #tpu.memory_space<vmem>>)
      tpu.yield
    }) : () -> ()
    "tpu.region"() ({
      %run_scoped3A = tpu.sem_alloc : memref<!tpu.dma_semaphore, #tpu.memory_space<semaphore_mem>>
      %dma_start3A_143 = arith.constant 0 : i32
      %dma_start3A_144 = tpu.memref_slice %arg8[%dma_start3A_143] : memref<64xi32, #tpu.memory_space<vmem>> -> memref<8xi32, #tpu.memory_space<vmem>>
      %dma_start3A_145 = tpu.memref_slice %arg4[%add3A_133] : memref<320000xi32, #tpu.memory_space<hbm>> -> memref<8xi32, #tpu.memory_space<hbm>>
      %dma_start3A_146 = arith.constant 0 : i32
      %dma_start3A_147 = tpu.memref_slice %arg8[%dma_start3A_146] : memref<64xi32, #tpu.memory_space<vmem>> -> memref<8xi32, #tpu.memory_space<vmem>>
      %dma_start3A_148 = tpu.memref_slice %arg4[%add3A_133] : memref<320000xi32, #tpu.memory_space<hbm>> -> memref<8xi32, #tpu.memory_space<hbm>>
      tpu.enqueue_dma source(%dma_start3A_148 : memref<8xi32, #tpu.memory_space<hbm>>) target(%dma_start3A_147 : memref<8xi32, #tpu.memory_space<vmem>>) target_semaphore(%run_scoped3A : memref<!tpu.dma_semaphore, #tpu.memory_space<semaphore_mem>>)
      %dma_wait3A_149 = arith.constant 0 : i32
      %dma_wait3A_150 = tpu.memref_slice %arg8[%dma_wait3A_149] : memref<64xi32, #tpu.memory_space<vmem>> -> memref<8xi32, #tpu.memory_space<vmem>>
      %dma_wait3A_151 = tpu.memref_slice %arg4[%add3A_133] : memref<320000xi32, #tpu.memory_space<hbm>> -> memref<8xi32, #tpu.memory_space<hbm>>
      %dma_wait3A_152 = arith.constant 0 : i32
      %dma_wait3A_153 = tpu.memref_slice %arg8[%dma_wait3A_152] : memref<64xi32, #tpu.memory_space<vmem>> -> memref<8xi32, #tpu.memory_space<vmem>>
      %dma_wait3A_154 = tpu.memref_slice %arg4[%add3A_133] : memref<320000xi32, #tpu.memory_space<hbm>> -> memref<8xi32, #tpu.memory_space<hbm>>
      tpu.wait_dma2 semaphore(%run_scoped3A : memref<!tpu.dma_semaphore, #tpu.memory_space<semaphore_mem>>) src(%dma_wait3A_154 : memref<8xi32, #tpu.memory_space<hbm>>) dst(%dma_wait3A_153 : memref<8xi32, #tpu.memory_space<vmem>>)
      tpu.yield
    }) : () -> ()
    "tpu.region"() ({
      %run_scoped3A = tpu.sem_alloc : memref<!tpu.dma_semaphore, #tpu.memory_space<semaphore_mem>>
      %dma_start3A_143 = arith.constant 0 : i32
      %dma_start3A_144 = arith.constant 0 : i32
      %dma_start3A_145 = tpu.memref_slice %arg10[%dma_start3A_143, %dma_start3A_144] : memref<64x128xf32, #tpu.memory_space<vmem>> -> memref<8x128xf32, #tpu.memory_space<vmem>>
      %dma_start3A_146 = arith.constant 0 : i32
      %dma_start3A_147 = tpu.memref_slice %arg6[%dma_start3A_146] : memref<64xi32, #tpu.memory_space<vmem>> -> memref<8xi32, #tpu.memory_space<vmem>>
      %dma_start3A_148 = arith.constant 0 : i32
      %dma_start3A_149 = arith.constant 0 : i32
      %dma_start3A_150 = tpu.memref_slice %arg14[%dma_start3A_148, %dma_start3A_149] : memref<10240x128xf32, #tpu.memory_space<vmem_shared>> -> memref<10240x128xf32, #tpu.memory_space<vmem_shared>>
      tpu.enqueue_indirect_dma source(%dma_start3A_150 : memref<10240x128xf32, #tpu.memory_space<vmem_shared>>) target(%dma_start3A_145 : memref<8x128xf32, #tpu.memory_space<vmem>>) offsets(%dma_start3A_147 : memref<8xi32, #tpu.memory_space<vmem>>) semaphore(%run_scoped3A : memref<!tpu.dma_semaphore, #tpu.memory_space<semaphore_mem>>)
      %dma_wait3A_151 = arith.constant 0 : i32
      %dma_wait3A_152 = arith.constant 0 : i32
      %dma_wait3A_153 = tpu.memref_slice %arg10[%dma_wait3A_151, %dma_wait3A_152] : memref<64x128xf32, #tpu.memory_space<vmem>> -> memref<8x128xf32, #tpu.memory_space<vmem>>
      %dma_wait3A_154 = arith.constant 0 : i32
      %dma_wait3A_155 = tpu.memref_slice %arg6[%dma_wait3A_154] : memref<64xi32, #tpu.memory_space<vmem>> -> memref<8xi32, #tpu.memory_space<vmem>>
      %dma_wait3A_156 = arith.constant 0 : i32
      %dma_wait3A_157 = arith.constant 0 : i32
      %dma_wait3A_158 = tpu.memref_slice %arg14[%dma_wait3A_156, %dma_wait3A_157] : memref<10240x128xf32, #tpu.memory_space<vmem_shared>> -> memref<10240x128xf32, #tpu.memory_space<vmem_shared>>
      tpu.wait_indirect_dma semaphore(%run_scoped3A : memref<!tpu.dma_semaphore, #tpu.memory_space<semaphore_mem>>) src(%dma_wait3A_158 : memref<10240x128xf32, #tpu.memory_space<vmem_shared>>) dst(%dma_wait3A_153 : memref<8x128xf32, #tpu.memory_space<vmem>>)
      tpu.yield
    }) : () -> ()
    "tpu.region"() ({
      %run_scoped3A = tpu.sem_alloc : memref<!tpu.dma_semaphore, #tpu.memory_space<semaphore_mem>>
      %dma_start3A_143 = arith.constant 0 : i32
      %dma_start3A_144 = arith.constant 0 : i32
      %dma_start3A_145 = tpu.memref_slice %arg12[%dma_start3A_143, %dma_start3A_144] : memref<64x128xf32, #tpu.memory_space<vmem>> -> memref<8x128xf32, #tpu.memory_space<vmem>>
      %dma_start3A_146 = arith.constant 0 : i32
      %dma_start3A_147 = tpu.memref_slice %arg8[%dma_start3A_146] : memref<64xi32, #tpu.memory_space<vmem>> -> memref<8xi32, #tpu.memory_space<vmem>>
      %dma_start3A_148 = arith.constant 0 : i32
      %dma_start3A_149 = arith.constant 0 : i32
      %dma_start3A_150 = tpu.memref_slice %arg14[%dma_start3A_148, %dma_start3A_149] : memref<10240x128xf32, #tpu.memory_space<vmem_shared>> -> memref<10240x128xf32, #tpu.memory_space<vmem_shared>>
      tpu.enqueue_indirect_dma source(%dma_start3A_150 : memref<10240x128xf32, #tpu.memory_space<vmem_shared>>) target(%dma_start3A_145 : memref<8x128xf32, #tpu.memory_space<vmem>>) offsets(%dma_start3A_147 : memref<8xi32, #tpu.memory_space<vmem>>) semaphore(%run_scoped3A : memref<!tpu.dma_semaphore, #tpu.memory_space<semaphore_mem>>)
      %dma_wait3A_151 = arith.constant 0 : i32
      %dma_wait3A_152 = arith.constant 0 : i32
      %dma_wait3A_153 = tpu.memref_slice %arg12[%dma_wait3A_151, %dma_wait3A_152] : memref<64x128xf32, #tpu.memory_space<vmem>> -> memref<8x128xf32, #tpu.memory_space<vmem>>
      %dma_wait3A_154 = arith.constant 0 : i32
      %dma_wait3A_155 = tpu.memref_slice %arg8[%dma_wait3A_154] : memref<64xi32, #tpu.memory_space<vmem>> -> memref<8xi32, #tpu.memory_space<vmem>>
      %dma_wait3A_156 = arith.constant 0 : i32
      %dma_wait3A_157 = arith.constant 0 : i32
      %dma_wait3A_158 = tpu.memref_slice %arg14[%dma_wait3A_156, %dma_wait3A_157] : memref<10240x128xf32, #tpu.memory_space<vmem_shared>> -> memref<10240x128xf32, #tpu.memory_space<vmem_shared>>
      tpu.wait_indirect_dma semaphore(%run_scoped3A : memref<!tpu.dma_semaphore, #tpu.memory_space<semaphore_mem>>) src(%dma_wait3A_158 : memref<10240x128xf32, #tpu.memory_space<vmem_shared>>) dst(%dma_wait3A_153 : memref<8x128xf32, #tpu.memory_space<vmem>>)
      tpu.yield
    }) : () -> ()
    %scan3A_134 = arith.constant 0 : i32
    %scan3A_135 = arith.constant 8 : i32
    %scan3A_136 = arith.addi %scan3A_134, %scan3A_135 : i32
    %scan3A_137 = arith.constant 1 : i32
    scf.for %scan3A_143 = %scan3A_134 to %scan3A_136 step %scan3A_137  : i32 {
      %mul3A_144 = arith.constant 1 : i32
      %mul3A_145 = arith.muli %scan3A_143, %mul3A_144 : i32
      %add3A_146 = arith.constant 0 : i32
      %add3A_147 = arith.addi %add3A_146, %mul3A_145 : i32
      %get3A = arith.index_cast %add3A_147 : i32 to index
      %get3A_148 = arith.constant 0 : index
      %get3A_149 = tpu.vector_load %arg10[%get3A, %get3A_148] {strides = array<i32>} : memref<64x128xf32, #tpu.memory_space<vmem>>, vector<1x16xf32>,
      %get3A_150 = vector.shape_cast %get3A_149 : vector<1x16xf32> to vector<16xf32>
      %get3A_151 = arith.index_cast %add3A_147 : i32 to index
      %get3A_152 = arith.constant 0 : index
      %get3A_153 = tpu.vector_load %arg12[%get3A_151, %get3A_152] {strides = array<i32>} : memref<64x128xf32, #tpu.memory_space<vmem>>, vector<1x16xf32>,
      %get3A_154 = vector.shape_cast %get3A_153 : vector<1x16xf32> to vector<16xf32>
      %mul3A_155 = arith.mulf %get3A_150, %get3A_154 : vector<16xf32>
      %swap3A = arith.index_cast %add3A_147 : i32 to index
      %swap3A_156 = arith.constant 0 : index
      %swap3A_157 = tpu.vector_load %arg10[%swap3A, %swap3A_156] {strides = array<i32>} : memref<64x128xf32, #tpu.memory_space<vmem>>, vector<1x16xf32>,
      %swap3A_158 = vector.shape_cast %swap3A_157 : vector<1x16xf32> to vector<16xf32>
      %swap3A_159 = vector.shape_cast %mul3A_155 : vector<16xf32> to vector<1x16xf32>
      tpu.vector_store %arg10[%swap3A, %swap3A_156], %swap3A_159 {strides = array<i32>} : memref<64x128xf32, #tpu.memory_space<vmem>>, vector<1x16xf32>,
      %get3A_160 = arith.index_cast %add3A_147 : i32 to index
      %get3A_161 = arith.constant 16 : index
      %get3A_162 = tpu.vector_load %arg10[%get3A_160, %get3A_161] {strides = array<i32>} : memref<64x128xf32, #tpu.memory_space<vmem>>, vector<1x16xf32>,
      %get3A_163 = vector.shape_cast %get3A_162 : vector<1x16xf32> to vector<16xf32>
      %get3A_164 = arith.index_cast %add3A_147 : i32 to index
      %get3A_165 = arith.constant 16 : index
      %get3A_166 = tpu.vector_load %arg12[%get3A_164, %get3A_165] {strides = array<i32>} : memref<64x128xf32, #tpu.memory_space<vmem>>, vector<1x16xf32>,
      %get3A_167 = vector.shape_cast %get3A_166 : vector<1x16xf32> to vector<16xf32>
      %mul3A_168 = arith.mulf %get3A_163, %get3A_167 : vector<16xf32>
      %swap3A_169 = arith.index_cast %add3A_147 : i32 to index
      %swap3A_170 = arith.constant 16 : index
      %swap3A_171 = tpu.vector_load %arg10[%swap3A_169, %swap3A_170] {strides = array<i32>} : memref<64x128xf32, #tpu.memory_space<vmem>>, vector<1x16xf32>,
      %swap3A_172 = vector.shape_cast %swap3A_171 : vector<1x16xf32> to vector<16xf32>
      %swap3A_173 = vector.shape_cast %mul3A_168 : vector<16xf32> to vector<1x16xf32>
      tpu.vector_store %arg10[%swap3A_169, %swap3A_170], %swap3A_173 {strides = array<i32>} : memref<64x128xf32, #tpu.memory_space<vmem>>, vector<1x16xf32>,
      %get3A_174 = arith.index_cast %add3A_147 : i32 to index
      %get3A_175 = arith.constant 32 : index
      %get3A_176 = tpu.vector_load %arg10[%get3A_174, %get3A_175] {strides = array<i32>} : memref<64x128xf32, #tpu.memory_space<vmem>>, vector<1x16xf32>,
      %get3A_177 = vector.shape_cast %get3A_176 : vector<1x16xf32> to vector<16xf32>
      %get3A_178 = arith.index_cast %add3A_147 : i32 to index
      %get3A_179 = arith.constant 32 : index
      %get3A_180 = tpu.vector_load %arg12[%get3A_178, %get3A_179] {strides = array<i32>} : memref<64x128xf32, #tpu.memory_space<vmem>>, vector<1x16xf32>,
      %get3A_181 = vector.shape_cast %get3A_180 : vector<1x16xf32> to vector<16xf32>
      %mul3A_182 = arith.mulf %get3A_177, %get3A_181 : vector<16xf32>
      %swap3A_183 = arith.index_cast %add3A_147 : i32 to index
      %swap3A_184 = arith.constant 32 : index
      %swap3A_185 = tpu.vector_load %arg10[%swap3A_183, %swap3A_184] {strides = array<i32>} : memref<64x128xf32, #tpu.memory_space<vmem>>, vector<1x16xf32>,
      %swap3A_186 = vector.shape_cast %swap3A_185 : vector<1x16xf32> to vector<16xf32>
      %swap3A_187 = vector.shape_cast %mul3A_182 : vector<16xf32> to vector<1x16xf32>
      tpu.vector_store %arg10[%swap3A_183, %swap3A_184], %swap3A_187 {strides = array<i32>} : memref<64x128xf32, #tpu.memory_space<vmem>>, vector<1x16xf32>,
      %get3A_188 = arith.index_cast %add3A_147 : i32 to index
      %get3A_189 = arith.constant 48 : index
      %get3A_190 = tpu.vector_load %arg10[%get3A_188, %get3A_189] {strides = array<i32>} : memref<64x128xf32, #tpu.memory_space<vmem>>, vector<1x16xf32>,
      %get3A_191 = vector.shape_cast %get3A_190 : vector<1x16xf32> to vector<16xf32>
      %get3A_192 = arith.index_cast %add3A_147 : i32 to index
      %get3A_193 = arith.constant 48 : index
      %get3A_194 = tpu.vector_load %arg12[%get3A_192, %get3A_193] {strides = array<i32>} : memref<64x128xf32, #tpu.memory_space<vmem>>, vector<1x16xf32>,
      %get3A_195 = vector.shape_cast %get3A_194 : vector<1x16xf32> to vector<16xf32>
      %mul3A_196 = arith.mulf %get3A_191, %get3A_195 : vector<16xf32>
      %swap3A_197 = arith.index_cast %add3A_147 : i32 to index
      %swap3A_198 = arith.constant 48 : index
      %swap3A_199 = tpu.vector_load %arg10[%swap3A_197, %swap3A_198] {strides = array<i32>} : memref<64x128xf32, #tpu.memory_space<vmem>>, vector<1x16xf32>,
      %swap3A_200 = vector.shape_cast %swap3A_199 : vector<1x16xf32> to vector<16xf32>
      %swap3A_201 = vector.shape_cast %mul3A_196 : vector<16xf32> to vector<1x16xf32>
      tpu.vector_store %arg10[%swap3A_197, %swap3A_198], %swap3A_201 {strides = array<i32>} : memref<64x128xf32, #tpu.memory_space<vmem>>, vector<1x16xf32>,
      %get3A_202 = arith.index_cast %add3A_147 : i32 to index
      %get3A_203 = arith.constant 64 : index
      %get3A_204 = tpu.vector_load %arg10[%get3A_202, %get3A_203] {strides = array<i32>} : memref<64x128xf32, #tpu.memory_space<vmem>>, vector<1x16xf32>,
      %get3A_205 = vector.shape_cast %get3A_204 : vector<1x16xf32> to vector<16xf32>
      %get3A_206 = arith.index_cast %add3A_147 : i32 to index
      %get3A_207 = arith.constant 64 : index
      %get3A_208 = tpu.vector_load %arg12[%get3A_206, %get3A_207] {strides = array<i32>} : memref<64x128xf32, #tpu.memory_space<vmem>>, vector<1x16xf32>,
      %get3A_209 = vector.shape_cast %get3A_208 : vector<1x16xf32> to vector<16xf32>
      %mul3A_210 = arith.mulf %get3A_205, %get3A_209 : vector<16xf32>
      %swap3A_211 = arith.index_cast %add3A_147 : i32 to index
      %swap3A_212 = arith.constant 64 : index
      %swap3A_213 = tpu.vector_load %arg10[%swap3A_211, %swap3A_212] {strides = array<i32>} : memref<64x128xf32, #tpu.memory_space<vmem>>, vector<1x16xf32>,
      %swap3A_214 = vector.shape_cast %swap3A_213 : vector<1x16xf32> to vector<16xf32>
      %swap3A_215 = vector.shape_cast %mul3A_210 : vector<16xf32> to vector<1x16xf32>
      tpu.vector_store %arg10[%swap3A_211, %swap3A_212], %swap3A_215 {strides = array<i32>} : memref<64x128xf32, #tpu.memory_space<vmem>>, vector<1x16xf32>,
      %get3A_216 = arith.index_cast %add3A_147 : i32 to index
      %get3A_217 = arith.constant 80 : index
      %get3A_218 = tpu.vector_load %arg10[%get3A_216, %get3A_217] {strides = array<i32>} : memref<64x128xf32, #tpu.memory_space<vmem>>, vector<1x16xf32>,
      %get3A_219 = vector.shape_cast %get3A_218 : vector<1x16xf32> to vector<16xf32>
      %get3A_220 = arith.index_cast %add3A_147 : i32 to index
      %get3A_221 = arith.constant 80 : index
      %get3A_222 = tpu.vector_load %arg12[%get3A_220, %get3A_221] {strides = array<i32>} : memref<64x128xf32, #tpu.memory_space<vmem>>, vector<1x16xf32>,
      %get3A_223 = vector.shape_cast %get3A_222 : vector<1x16xf32> to vector<16xf32>
      %mul3A_224 = arith.mulf %get3A_219, %get3A_223 : vector<16xf32>
      %swap3A_225 = arith.index_cast %add3A_147 : i32 to index
      %swap3A_226 = arith.constant 80 : index
      %swap3A_227 = tpu.vector_load %arg10[%swap3A_225, %swap3A_226] {strides = array<i32>} : memref<64x128xf32, #tpu.memory_space<vmem>>, vector<1x16xf32>,
      %swap3A_228 = vector.shape_cast %swap3A_227 : vector<1x16xf32> to vector<16xf32>
      %swap3A_229 = vector.shape_cast %mul3A_224 : vector<16xf32> to vector<1x16xf32>
      tpu.vector_store %arg10[%swap3A_225, %swap3A_226], %swap3A_229 {strides = array<i32>} : memref<64x128xf32, #tpu.memory_space<vmem>>, vector<1x16xf32>,
      %get3A_230 = arith.index_cast %add3A_147 : i32 to index
      %get3A_231 = arith.constant 96 : index
      %get3A_232 = tpu.vector_load %arg10[%get3A_230, %get3A_231] {strides = array<i32>} : memref<64x128xf32, #tpu.memory_space<vmem>>, vector<1x16xf32>,
      %get3A_233 = vector.shape_cast %get3A_232 : vector<1x16xf32> to vector<16xf32>
      %get3A_234 = arith.index_cast %add3A_147 : i32 to index
      %get3A_235 = arith.constant 96 : index
      %get3A_236 = tpu.vector_load %arg12[%get3A_234, %get3A_235] {strides = array<i32>} : memref<64x128xf32, #tpu.memory_space<vmem>>, vector<1x16xf32>,
      %get3A_237 = vector.shape_cast %get3A_236 : vector<1x16xf32> to vector<16xf32>
      %mul3A_238 = arith.mulf %get3A_233, %get3A_237 : vector<16xf32>
      %swap3A_239 = arith.index_cast %add3A_147 : i32 to index
      %swap3A_240 = arith.constant 96 : index
      %swap3A_241 = tpu.vector_load %arg10[%swap3A_239, %swap3A_240] {strides = array<i32>} : memref<64x128xf32, #tpu.memory_space<vmem>>, vector<1x16xf32>,
      %swap3A_242 = vector.shape_cast %swap3A_241 : vector<1x16xf32> to vector<16xf32>
      %swap3A_243 = vector.shape_cast %mul3A_238 : vector<16xf32> to vector<1x16xf32>
      tpu.vector_store %arg10[%swap3A_239, %swap3A_240], %swap3A_243 {strides = array<i32>} : memref<64x128xf32, #tpu.memory_space<vmem>>, vector<1x16xf32>,
      %get3A_244 = arith.index_cast %add3A_147 : i32 to index
      %get3A_245 = arith.constant 112 : index
      %get3A_246 = tpu.vector_load %arg10[%get3A_244, %get3A_245] {strides = array<i32>} : memref<64x128xf32, #tpu.memory_space<vmem>>, vector<1x16xf32>,
      %get3A_247 = vector.shape_cast %get3A_246 : vector<1x16xf32> to vector<16xf32>
      %get3A_248 = arith.index_cast %add3A_147 : i32 to index
      %get3A_249 = arith.constant 112 : index
      %get3A_250 = tpu.vector_load %arg12[%get3A_248, %get3A_249] {strides = array<i32>} : memref<64x128xf32, #tpu.memory_space<vmem>>, vector<1x16xf32>,
      %get3A_251 = vector.shape_cast %get3A_250 : vector<1x16xf32> to vector<16xf32>
      %mul3A_252 = arith.mulf %get3A_247, %get3A_251 : vector<16xf32>
      %swap3A_253 = arith.index_cast %add3A_147 : i32 to index
      %swap3A_254 = arith.constant 112 : index
      %swap3A_255 = tpu.vector_load %arg10[%swap3A_253, %swap3A_254] {strides = array<i32>} : memref<64x128xf32, #tpu.memory_space<vmem>>, vector<1x16xf32>,
      %swap3A_256 = vector.shape_cast %swap3A_255 : vector<1x16xf32> to vector<16xf32>
      %swap3A_257 = vector.shape_cast %mul3A_252 : vector<16xf32> to vector<1x16xf32>
      tpu.vector_store %arg10[%swap3A_253, %swap3A_254], %swap3A_257 {strides = array<i32>} : memref<64x128xf32, #tpu.memory_space<vmem>>, vector<1x16xf32>,
    }
    %scan3A_138 = arith.constant 8 : i32
    %mul3A_139 = arith.constant 5000 : i32
    %mul3A_140 = arith.muli %add3A, %mul3A_139 : i32
    %add3A_141 = arith.constant 4992 : i32
    %add3A_142 = arith.addi %mul3A_140, %add3A_141 : i32
    "tpu.region"() ({
      %run_scoped3A = tpu.sem_alloc : memref<!tpu.dma_semaphore, #tpu.memory_space<semaphore_mem>>
      %dma_start3A_143 = arith.constant 0 : i32
      %dma_start3A_144 = arith.constant 0 : i32
      %dma_start3A_145 = tpu.memref_slice %arg10[%dma_start3A_143, %dma_start3A_144] : memref<64x128xf32, #tpu.memory_space<vmem>> -> memref<8x128xf32, #tpu.memory_space<vmem>>
      %dma_start3A_146 = arith.constant 0 : i32
      %dma_start3A_147 = tpu.memref_slice %arg5[%add3A_142, %dma_start3A_146] : memref<160000x128xf32, #tpu.memory_space<hbm>> -> memref<8x128xf32, #tpu.memory_space<hbm>>
      %dma_start3A_148 = arith.constant 0 : i32
      %dma_start3A_149 = tpu.memref_slice %arg5[%add3A_142, %dma_start3A_148] : memref<160000x128xf32, #tpu.memory_space<hbm>> -> memref<8x128xf32, #tpu.memory_space<hbm>>
      %dma_start3A_150 = arith.constant 0 : i32
      %dma_start3A_151 = arith.constant 0 : i32
      %dma_start3A_152 = tpu.memref_slice %arg10[%dma_start3A_150, %dma_start3A_151] : memref<64x128xf32, #tpu.memory_space<vmem>> -> memref<8x128xf32, #tpu.memory_space<vmem>>
      tpu.enqueue_dma source(%dma_start3A_152 : memref<8x128xf32, #tpu.memory_space<vmem>>) target(%dma_start3A_149 : memref<8x128xf32, #tpu.memory_space<hbm>>) target_semaphore(%run_scoped3A : memref<!tpu.dma_semaphore, #tpu.memory_space<semaphore_mem>>)
      %dma_wait3A_153 = arith.constant 0 : i32
      %dma_wait3A_154 = arith.constant 0 : i32
      %dma_wait3A_155 = tpu.memref_slice %arg10[%dma_wait3A_153, %dma_wait3A_154] : memref<64x128xf32, #tpu.memory_space<vmem>> -> memref<8x128xf32, #tpu.memory_space<vmem>>
      %dma_wait3A_156 = arith.constant 0 : i32
      %dma_wait3A_157 = tpu.memref_slice %arg5[%add3A_142, %dma_wait3A_156] : memref<160000x128xf32, #tpu.memory_space<hbm>> -> memref<8x128xf32, #tpu.memory_space<hbm>>
      %dma_wait3A_158 = arith.constant 0 : i32
      %dma_wait3A_159 = tpu.memref_slice %arg5[%add3A_142, %dma_wait3A_158] : memref<160000x128xf32, #tpu.memory_space<hbm>> -> memref<8x128xf32, #tpu.memory_space<hbm>>
      %dma_wait3A_160 = arith.constant 0 : i32
      %dma_wait3A_161 = arith.constant 0 : i32
      %dma_wait3A_162 = tpu.memref_slice %arg10[%dma_wait3A_160, %dma_wait3A_161] : memref<64x128xf32, #tpu.memory_space<vmem>> -> memref<8x128xf32, #tpu.memory_space<vmem>>
      tpu.wait_dma2 semaphore(%run_scoped3A : memref<!tpu.dma_semaphore, #tpu.memory_space<semaphore_mem>>) src(%dma_wait3A_162 : memref<8x128xf32, #tpu.memory_space<vmem>>) dst(%dma_wait3A_159 : memref<8x128xf32, #tpu.memory_space<hbm>>)
      tpu.yield
    }) : () -> ()
    return
  }
}

#map = affine_map<(d0, d1) -> (0, 0)>
#map1 = affine_map<(d0, d1) -> (0)>
module attributes {stable_mosaic.version = 14 : i64} {
  func.func @_phase3_body(%arg0: i32, %arg1: i32, %arg2: memref<10000x128xf32, #tpu.memory_space<hbm>>, %arg3: memref<320000xi32, #tpu.memory_space<hbm>>, %arg4: memref<320000xi32, #tpu.memory_space<hbm>>, %arg5: memref<160000x128xf32, #tpu.memory_space<hbm>>, %arg6: memref<64xi32, #tpu.memory_space<vmem>>, %arg7: memref<64xi32, #tpu.memory_space<vmem>>, %arg8: memref<64xi32, #tpu.memory_space<vmem>>, %arg9: memref<64xi32, #tpu.memory_space<vmem>>, %arg10: memref<64x128xf32, #tpu.memory_space<vmem>>, %arg11: memref<64x128xf32, #tpu.memory_space<vmem>>, %arg12: memref<64x128xf32, #tpu.memory_space<vmem>>, %arg13: memref<64x128xf32, #tpu.memory_space<vmem>>, %arg14: memref<10240x128xf32, #tpu.memory_space<vmem_shared>>, %arg15: memref<!tpu.dma_semaphore, #tpu.memory_space<semaphore_mem>>, %arg16: memref<!tpu.dma_semaphore, #tpu.memory_space<semaphore_mem>>, %arg17: memref<!tpu.dma_semaphore, #tpu.memory_space<semaphore_mem>>, %arg18: memref<!tpu.dma_semaphore, #tpu.memory_space<semaphore_mem>>, %arg19: memref<!tpu.dma_semaphore, #tpu.memory_space<semaphore_mem>>, %arg20: memref<!tpu.dma_semaphore, #tpu.memory_space<semaphore_mem>>, %arg21: memref<!tpu.dma_semaphore, #tpu.memory_space<semaphore_mem>>, %arg22: memref<!tpu.dma_semaphore, #tpu.memory_space<semaphore_mem>>, %arg23: memref<!tpu.dma_semaphore, #tpu.memory_space<semaphore_mem>>, %arg24: memref<!tpu.dma_semaphore, #tpu.memory_space<semaphore_mem>>) attributes {dimension_semantics = [#tpu.dimension_semantics<core_parallel>, #tpu.dimension_semantics<subcore_parallel>], iteration_bounds = array<i64: 2, 16>, scalar_prefetch = 0 : i64, scratch_operands = 19 : i64, tpu.core_type = #tpu.core_type<sc_vector_subcore>, window_params = [{transform_indices = #map}, {transform_indices = #map1}, {transform_indices = #map1}, {transform_indices = #map}]} {
    %mul3A = arith.constant 16 : i32
    %mul3A_0 = arith.muli %arg0, %mul3A : i32
    %add3A = arith.addi %mul3A_0, %arg1 : i32
    %mul3A_1 = arith.constant 5000 : i32
    %mul3A_2 = arith.muli %add3A, %mul3A_1 : i32
    %add3A_3 = arith.constant 160000 : i32
    %add3A_4 = arith.addi %add3A_3, %mul3A_2 : i32
    %lt3A = arith.constant 15 : i32
    %lt3A_5 = arith.cmpi slt, %arg1, %lt3A : i32
    %convert_element_type3A = arith.extui %lt3A_5 : i1 to i32
    %cond3A = arith.constant 0 : i32
    %cond3A_6 = arith.cmpi ne, %convert_element_type3A, %cond3A : i32
    scf.if %cond3A_6 {
      %mul3A_143 = arith.constant 640 : i32
      %mul3A_144 = arith.muli %arg1, %mul3A_143 : i32
      %mul3A_145 = arith.constant 640 : i32
      %mul3A_146 = arith.muli %arg1, %mul3A_145 : i32
      "tpu.region"() ({
        %run_scoped3A = tpu.sem_alloc : memref<!tpu.dma_semaphore, #tpu.memory_space<semaphore_mem>>
        %dma_start3A_147 = arith.constant 0 : i32
        %dma_start3A_148 = tpu.memref_slice %arg14[%mul3A_146, %dma_start3A_147] : memref<10240x128xf32, #tpu.memory_space<vmem_shared>> -> memref<640x128xf32, #tpu.memory_space<vmem_shared>>
        %dma_start3A_149 = arith.constant 0 : i32
        %dma_start3A_150 = tpu.memref_slice %arg2[%mul3A_144, %dma_start3A_149] : memref<10000x128xf32, #tpu.memory_space<hbm>> -> memref<640x128xf32, #tpu.memory_space<hbm>>
        tpu.enqueue_dma source(%dma_start3A_150 : memref<640x128xf32, #tpu.memory_space<hbm>>) target(%dma_start3A_148 : memref<640x128xf32, #tpu.memory_space<vmem_shared>>) target_semaphore(%run_scoped3A : memref<!tpu.dma_semaphore, #tpu.memory_space<semaphore_mem>>)
        %dma_wait3A_151 = arith.constant 0 : i32
        %dma_wait3A_152 = tpu.memref_slice %arg14[%mul3A_146, %dma_wait3A_151] : memref<10240x128xf32, #tpu.memory_space<vmem_shared>> -> memref<640x128xf32, #tpu.memory_space<vmem_shared>>
        %dma_wait3A_153 = arith.constant 0 : i32
        %dma_wait3A_154 = tpu.memref_slice %arg2[%mul3A_144, %dma_wait3A_153] : memref<10000x128xf32, #tpu.memory_space<hbm>> -> memref<640x128xf32, #tpu.memory_space<hbm>>
        tpu.wait_dma2 semaphore(%run_scoped3A : memref<!tpu.dma_semaphore, #tpu.memory_space<semaphore_mem>>) src(%dma_wait3A_154 : memref<640x128xf32, #tpu.memory_space<hbm>>) dst(%dma_wait3A_152 : memref<640x128xf32, #tpu.memory_space<vmem_shared>>)
        tpu.yield
      }) : () -> ()
    } else {
    }
    %eq3A = arith.constant 15 : i32
    %eq3A_7 = arith.cmpi eq, %arg1, %eq3A : i32
    %convert_element_type3A_8 = arith.extui %eq3A_7 : i1 to i32
    %cond3A_9 = arith.constant 0 : i32
    %cond3A_10 = arith.cmpi ne, %convert_element_type3A_8, %cond3A_9 : i32
    scf.if %cond3A_10 {
      "tpu.region"() ({
        %run_scoped3A = tpu.sem_alloc : memref<!tpu.dma_semaphore, #tpu.memory_space<semaphore_mem>>
        %dma_start3A_143 = arith.constant 9600 : i32
        %dma_start3A_144 = arith.constant 0 : i32
        %dma_start3A_145 = tpu.memref_slice %arg14[%dma_start3A_143, %dma_start3A_144] : memref<10240x128xf32, #tpu.memory_space<vmem_shared>> -> memref<400x128xf32, #tpu.memory_space<vmem_shared>>
        %dma_start3A_146 = arith.constant 9600 : i32
        %dma_start3A_147 = arith.constant 0 : i32
        %dma_start3A_148 = tpu.memref_slice %arg2[%dma_start3A_146, %dma_start3A_147] : memref<10000x128xf32, #tpu.memory_space<hbm>> -> memref<400x128xf32, #tpu.memory_space<hbm>>
        tpu.enqueue_dma source(%dma_start3A_148 : memref<400x128xf32, #tpu.memory_space<hbm>>) target(%dma_start3A_145 : memref<400x128xf32, #tpu.memory_space<vmem_shared>>) target_semaphore(%run_scoped3A : memref<!tpu.dma_semaphore, #tpu.memory_space<semaphore_mem>>)
        %dma_wait3A_149 = arith.constant 9600 : i32
        %dma_wait3A_150 = arith.constant 0 : i32
        %dma_wait3A_151 = tpu.memref_slice %arg14[%dma_wait3A_149, %dma_wait3A_150] : memref<10240x128xf32, #tpu.memory_space<vmem_shared>> -> memref<400x128xf32, #tpu.memory_space<vmem_shared>>
        %dma_wait3A_152 = arith.constant 9600 : i32
        %dma_wait3A_153 = arith.constant 0 : i32
        %dma_wait3A_154 = tpu.memref_slice %arg2[%dma_wait3A_152, %dma_wait3A_153] : memref<10000x128xf32, #tpu.memory_space<hbm>> -> memref<400x128xf32, #tpu.memory_space<hbm>>
        tpu.wait_dma2 semaphore(%run_scoped3A : memref<!tpu.dma_semaphore, #tpu.memory_space<semaphore_mem>>) src(%dma_wait3A_154 : memref<400x128xf32, #tpu.memory_space<hbm>>) dst(%dma_wait3A_151 : memref<400x128xf32, #tpu.memory_space<vmem_shared>>)
        tpu.yield
      }) : () -> ()
    } else {
    }
    "tpu.region"() ({
      %run_scoped3A = tpu.sem_alloc : memref<!tpu.dma_semaphore, #tpu.memory_space<semaphore_mem>>
      %dma_start3A_143 = tpu.memref_slice %arg3[%add3A_4] : memref<320000xi32, #tpu.memory_space<hbm>> -> memref<64xi32, #tpu.memory_space<hbm>>
      %dma_start3A_144 = tpu.memref_slice %arg3[%add3A_4] : memref<320000xi32, #tpu.memory_space<hbm>> -> memref<64xi32, #tpu.memory_space<hbm>>
      tpu.enqueue_dma source(%dma_start3A_144 : memref<64xi32, #tpu.memory_space<hbm>>) target(%arg6 : memref<64xi32, #tpu.memory_space<vmem>>) target_semaphore(%run_scoped3A : memref<!tpu.dma_semaphore, #tpu.memory_space<semaphore_mem>>)
      %dma_wait3A_145 = tpu.memref_slice %arg3[%add3A_4] : memref<320000xi32, #tpu.memory_space<hbm>> -> memref<64xi32, #tpu.memory_space<hbm>>
      %dma_wait3A_146 = tpu.memref_slice %arg3[%add3A_4] : memref<320000xi32, #tpu.memory_space<hbm>> -> memref<64xi32, #tpu.memory_space<hbm>>
      tpu.wait_dma2 semaphore(%run_scoped3A : memref<!tpu.dma_semaphore, #tpu.memory_space<semaphore_mem>>) src(%dma_wait3A_146 : memref<64xi32, #tpu.memory_space<hbm>>) dst(%arg6 : memref<64xi32, #tpu.memory_space<vmem>>)
      tpu.yield
    }) : () -> ()
    "tpu.region"() ({
      %run_scoped3A = tpu.sem_alloc : memref<!tpu.dma_semaphore, #tpu.memory_space<semaphore_mem>>
      %dma_start3A_143 = tpu.memref_slice %arg4[%add3A_4] : memref<320000xi32, #tpu.memory_space<hbm>> -> memref<64xi32, #tpu.memory_space<hbm>>
      %dma_start3A_144 = tpu.memref_slice %arg4[%add3A_4] : memref<320000xi32, #tpu.memory_space<hbm>> -> memref<64xi32, #tpu.memory_space<hbm>>
      tpu.enqueue_dma source(%dma_start3A_144 : memref<64xi32, #tpu.memory_space<hbm>>) target(%arg8 : memref<64xi32, #tpu.memory_space<vmem>>) target_semaphore(%run_scoped3A : memref<!tpu.dma_semaphore, #tpu.memory_space<semaphore_mem>>)
      %dma_wait3A_145 = tpu.memref_slice %arg4[%add3A_4] : memref<320000xi32, #tpu.memory_space<hbm>> -> memref<64xi32, #tpu.memory_space<hbm>>
      %dma_wait3A_146 = tpu.memref_slice %arg4[%add3A_4] : memref<320000xi32, #tpu.memory_space<hbm>> -> memref<64xi32, #tpu.memory_space<hbm>>
      tpu.wait_dma2 semaphore(%run_scoped3A : memref<!tpu.dma_semaphore, #tpu.memory_space<semaphore_mem>>) src(%dma_wait3A_146 : memref<64xi32, #tpu.memory_space<hbm>>) dst(%arg8 : memref<64xi32, #tpu.memory_space<vmem>>)
      tpu.yield
    }) : () -> ()
    %add3A_11 = arith.constant 64 : i32
    %add3A_12 = arith.addi %add3A_4, %add3A_11 : i32
    "tpu.region"() ({
      %run_scoped3A = tpu.sem_alloc : memref<!tpu.dma_semaphore, #tpu.memory_space<semaphore_mem>>
      %dma_start3A_143 = tpu.memref_slice %arg3[%add3A_12] : memref<320000xi32, #tpu.memory_space<hbm>> -> memref<64xi32, #tpu.memory_space<hbm>>
      %dma_start3A_144 = tpu.memref_slice %arg3[%add3A_12] : memref<320000xi32, #tpu.memory_space<hbm>> -> memref<64xi32, #tpu.memory_space<hbm>>
      tpu.enqueue_dma source(%dma_start3A_144 : memref<64xi32, #tpu.memory_space<hbm>>) target(%arg7 : memref<64xi32, #tpu.memory_space<vmem>>) target_semaphore(%run_scoped3A : memref<!tpu.dma_semaphore, #tpu.memory_space<semaphore_mem>>)
      %dma_wait3A_145 = tpu.memref_slice %arg3[%add3A_12] : memref<320000xi32, #tpu.memory_space<hbm>> -> memref<64xi32, #tpu.memory_space<hbm>>
      %dma_wait3A_146 = tpu.memref_slice %arg3[%add3A_12] : memref<320000xi32, #tpu.memory_space<hbm>> -> memref<64xi32, #tpu.memory_space<hbm>>
      tpu.wait_dma2 semaphore(%run_scoped3A : memref<!tpu.dma_semaphore, #tpu.memory_space<semaphore_mem>>) src(%dma_wait3A_146 : memref<64xi32, #tpu.memory_space<hbm>>) dst(%arg7 : memref<64xi32, #tpu.memory_space<vmem>>)
      tpu.yield
    }) : () -> ()
    %add3A_13 = arith.constant 64 : i32
    %add3A_14 = arith.addi %add3A_4, %add3A_13 : i32
    "tpu.region"() ({
      %run_scoped3A = tpu.sem_alloc : memref<!tpu.dma_semaphore, #tpu.memory_space<semaphore_mem>>
      %dma_start3A_143 = tpu.memref_slice %arg4[%add3A_14] : memref<320000xi32, #tpu.memory_space<hbm>> -> memref<64xi32, #tpu.memory_space<hbm>>
      %dma_start3A_144 = tpu.memref_slice %arg4[%add3A_14] : memref<320000xi32, #tpu.memory_space<hbm>> -> memref<64xi32, #tpu.memory_space<hbm>>
      tpu.enqueue_dma source(%dma_start3A_144 : memref<64xi32, #tpu.memory_space<hbm>>) target(%arg9 : memref<64xi32, #tpu.memory_space<vmem>>) target_semaphore(%run_scoped3A : memref<!tpu.dma_semaphore, #tpu.memory_space<semaphore_mem>>)
      %dma_wait3A_145 = tpu.memref_slice %arg4[%add3A_14] : memref<320000xi32, #tpu.memory_space<hbm>> -> memref<64xi32, #tpu.memory_space<hbm>>
      %dma_wait3A_146 = tpu.memref_slice %arg4[%add3A_14] : memref<320000xi32, #tpu.memory_space<hbm>> -> memref<64xi32, #tpu.memory_space<hbm>>
      tpu.wait_dma2 semaphore(%run_scoped3A : memref<!tpu.dma_semaphore, #tpu.memory_space<semaphore_mem>>) src(%dma_wait3A_146 : memref<64xi32, #tpu.memory_space<hbm>>) dst(%arg9 : memref<64xi32, #tpu.memory_space<vmem>>)
      tpu.yield
    }) : () -> ()
    %barrier3A = arith.constant 0 : index
    tpu.barrier barrier_id(%barrier3A)
    %dma_start3A = arith.constant 0 : i32
    %dma_start3A_15 = arith.constant 0 : i32
    %dma_start3A_16 = tpu.memref_slice %arg14[%dma_start3A, %dma_start3A_15] : memref<10240x128xf32, #tpu.memory_space<vmem_shared>> -> memref<10240x128xf32, #tpu.memory_space<vmem_shared>>
    tpu.enqueue_indirect_dma source(%dma_start3A_16 : memref<10240x128xf32, #tpu.memory_space<vmem_shared>>) target(%arg10 : memref<64x128xf32, #tpu.memory_space<vmem>>) offsets(%arg6 : memref<64xi32, #tpu.memory_space<vmem>>) semaphore(%arg15 : memref<!tpu.dma_semaphore, #tpu.memory_space<semaphore_mem>>)
    %dma_start3A_17 = arith.constant 0 : i32
    %dma_start3A_18 = arith.constant 0 : i32
    %dma_start3A_19 = tpu.memref_slice %arg14[%dma_start3A_17, %dma_start3A_18] : memref<10240x128xf32, #tpu.memory_space<vmem_shared>> -> memref<10240x128xf32, #tpu.memory_space<vmem_shared>>
    tpu.enqueue_indirect_dma source(%dma_start3A_19 : memref<10240x128xf32, #tpu.memory_space<vmem_shared>>) target(%arg12 : memref<64x128xf32, #tpu.memory_space<vmem>>) offsets(%arg8 : memref<64xi32, #tpu.memory_space<vmem>>) semaphore(%arg17 : memref<!tpu.dma_semaphore, #tpu.memory_space<semaphore_mem>>)
    %dma_start3A_20 = arith.constant 0 : i32
    %dma_start3A_21 = arith.constant 0 : i32
    %dma_start3A_22 = tpu.memref_slice %arg14[%dma_start3A_20, %dma_start3A_21] : memref<10240x128xf32, #tpu.memory_space<vmem_shared>> -> memref<10240x128xf32, #tpu.memory_space<vmem_shared>>
    tpu.enqueue_indirect_dma source(%dma_start3A_22 : memref<10240x128xf32, #tpu.memory_space<vmem_shared>>) target(%arg11 : memref<64x128xf32, #tpu.memory_space<vmem>>) offsets(%arg7 : memref<64xi32, #tpu.memory_space<vmem>>) semaphore(%arg16 : memref<!tpu.dma_semaphore, #tpu.memory_space<semaphore_mem>>)
    %dma_start3A_23 = arith.constant 0 : i32
    %dma_start3A_24 = arith.constant 0 : i32
    %dma_start3A_25 = tpu.memref_slice %arg14[%dma_start3A_23, %dma_start3A_24] : memref<10240x128xf32, #tpu.memory_space<vmem_shared>> -> memref<10240x128xf32, #tpu.memory_space<vmem_shared>>
    tpu.enqueue_indirect_dma source(%dma_start3A_25 : memref<10240x128xf32, #tpu.memory_space<vmem_shared>>) target(%arg13 : memref<64x128xf32, #tpu.memory_space<vmem>>) offsets(%arg9 : memref<64xi32, #tpu.memory_space<vmem>>) semaphore(%arg18 : memref<!tpu.dma_semaphore, #tpu.memory_space<semaphore_mem>>)
    %dma_wait3A = arith.constant 0 : i32
    %dma_wait3A_26 = arith.constant 0 : i32
    %dma_wait3A_27 = tpu.memref_slice %arg14[%dma_wait3A, %dma_wait3A_26] : memref<10240x128xf32, #tpu.memory_space<vmem_shared>> -> memref<10240x128xf32, #tpu.memory_space<vmem_shared>>
    tpu.wait_indirect_dma semaphore(%arg15 : memref<!tpu.dma_semaphore, #tpu.memory_space<semaphore_mem>>) src(%dma_wait3A_27 : memref<10240x128xf32, #tpu.memory_space<vmem_shared>>) dst(%arg10 : memref<64x128xf32, #tpu.memory_space<vmem>>)
    %dma_wait3A_28 = arith.constant 0 : i32
    %dma_wait3A_29 = arith.constant 0 : i32
    %dma_wait3A_30 = tpu.memref_slice %arg14[%dma_wait3A_28, %dma_wait3A_29] : memref<10240x128xf32, #tpu.memory_space<vmem_shared>> -> memref<10240x128xf32, #tpu.memory_space<vmem_shared>>
    tpu.wait_indirect_dma semaphore(%arg17 : memref<!tpu.dma_semaphore, #tpu.memory_space<semaphore_mem>>) src(%dma_wait3A_30 : memref<10240x128xf32, #tpu.memory_space<vmem_shared>>) dst(%arg12 : memref<64x128xf32, #tpu.memory_space<vmem>>)
    %min3A = arith.constant 2 : i32
    %min3A_31 = arith.constant 77 : i32
    %min3A_32 = arith.minsi %min3A, %min3A_31 : i32
    %mul3A_33 = arith.constant 64 : i32
    %mul3A_34 = arith.muli %min3A_32, %mul3A_33 : i32
    %add3A_35 = arith.addi %add3A_4, %mul3A_34 : i32
    %dma_start3A_36 = tpu.memref_slice %arg3[%add3A_35] : memref<320000xi32, #tpu.memory_space<hbm>> -> memref<64xi32, #tpu.memory_space<hbm>>
    %dma_start3A_37 = tpu.memref_slice %arg3[%add3A_35] : memref<320000xi32, #tpu.memory_space<hbm>> -> memref<64xi32, #tpu.memory_space<hbm>>
    tpu.enqueue_dma source(%dma_start3A_37 : memref<64xi32, #tpu.memory_space<hbm>>) target(%arg6 : memref<64xi32, #tpu.memory_space<vmem>>) target_semaphore(%arg21 : memref<!tpu.dma_semaphore, #tpu.memory_space<semaphore_mem>>)
    %mul3A_38 = arith.constant 64 : i32
    %mul3A_39 = arith.muli %min3A_32, %mul3A_38 : i32
    %add3A_40 = arith.addi %add3A_4, %mul3A_39 : i32
    %dma_start3A_41 = tpu.memref_slice %arg4[%add3A_40] : memref<320000xi32, #tpu.memory_space<hbm>> -> memref<64xi32, #tpu.memory_space<hbm>>
    %dma_start3A_42 = tpu.memref_slice %arg4[%add3A_40] : memref<320000xi32, #tpu.memory_space<hbm>> -> memref<64xi32, #tpu.memory_space<hbm>>
    tpu.enqueue_dma source(%dma_start3A_42 : memref<64xi32, #tpu.memory_space<hbm>>) target(%arg8 : memref<64xi32, #tpu.memory_space<vmem>>) target_semaphore(%arg23 : memref<!tpu.dma_semaphore, #tpu.memory_space<semaphore_mem>>)
    %scan3A = arith.constant 0 : i32
    %scan3A_43 = arith.constant 64 : i32
    %scan3A_44 = arith.addi %scan3A, %scan3A_43 : i32
    %scan3A_45 = arith.constant 1 : i32
    scf.for %scan3A_143 = %scan3A to %scan3A_44 step %scan3A_45  : i32 {
      %mul3A_144 = arith.constant 1 : i32
      %mul3A_145 = arith.muli %scan3A_143, %mul3A_144 : i32
      %add3A_146 = arith.constant 0 : i32
      %add3A_147 = arith.addi %add3A_146, %mul3A_145 : i32
      %get3A = arith.index_cast %add3A_147 : i32 to index
      %get3A_148 = arith.constant 0 : index
      %get3A_149 = tpu.vector_load %arg10[%get3A, %get3A_148] {strides = array<i32>} : memref<64x128xf32, #tpu.memory_space<vmem>>, vector<1x16xf32>,
      %get3A_150 = vector.shape_cast %get3A_149 : vector<1x16xf32> to vector<16xf32>
      %get3A_151 = arith.index_cast %add3A_147 : i32 to index
      %get3A_152 = arith.constant 0 : index
      %get3A_153 = tpu.vector_load %arg12[%get3A_151, %get3A_152] {strides = array<i32>} : memref<64x128xf32, #tpu.memory_space<vmem>>, vector<1x16xf32>,
      %get3A_154 = vector.shape_cast %get3A_153 : vector<1x16xf32> to vector<16xf32>
      %mul3A_155 = arith.mulf %get3A_150, %get3A_154 : vector<16xf32>
      %swap3A = arith.index_cast %add3A_147 : i32 to index
      %swap3A_156 = arith.constant 0 : index
      %swap3A_157 = tpu.vector_load %arg10[%swap3A, %swap3A_156] {strides = array<i32>} : memref<64x128xf32, #tpu.memory_space<vmem>>, vector<1x16xf32>,
      %swap3A_158 = vector.shape_cast %swap3A_157 : vector<1x16xf32> to vector<16xf32>
      %swap3A_159 = vector.shape_cast %mul3A_155 : vector<16xf32> to vector<1x16xf32>
      tpu.vector_store %arg10[%swap3A, %swap3A_156], %swap3A_159 {strides = array<i32>} : memref<64x128xf32, #tpu.memory_space<vmem>>, vector<1x16xf32>,
      %get3A_160 = arith.index_cast %add3A_147 : i32 to index
      %get3A_161 = arith.constant 16 : index
      %get3A_162 = tpu.vector_load %arg10[%get3A_160, %get3A_161] {strides = array<i32>} : memref<64x128xf32, #tpu.memory_space<vmem>>, vector<1x16xf32>,
      %get3A_163 = vector.shape_cast %get3A_162 : vector<1x16xf32> to vector<16xf32>
      %get3A_164 = arith.index_cast %add3A_147 : i32 to index
      %get3A_165 = arith.constant 16 : index
      %get3A_166 = tpu.vector_load %arg12[%get3A_164, %get3A_165] {strides = array<i32>} : memref<64x128xf32, #tpu.memory_space<vmem>>, vector<1x16xf32>,
      %get3A_167 = vector.shape_cast %get3A_166 : vector<1x16xf32> to vector<16xf32>
      %mul3A_168 = arith.mulf %get3A_163, %get3A_167 : vector<16xf32>
      %swap3A_169 = arith.index_cast %add3A_147 : i32 to index
      %swap3A_170 = arith.constant 16 : index
      %swap3A_171 = tpu.vector_load %arg10[%swap3A_169, %swap3A_170] {strides = array<i32>} : memref<64x128xf32, #tpu.memory_space<vmem>>, vector<1x16xf32>,
      %swap3A_172 = vector.shape_cast %swap3A_171 : vector<1x16xf32> to vector<16xf32>
      %swap3A_173 = vector.shape_cast %mul3A_168 : vector<16xf32> to vector<1x16xf32>
      tpu.vector_store %arg10[%swap3A_169, %swap3A_170], %swap3A_173 {strides = array<i32>} : memref<64x128xf32, #tpu.memory_space<vmem>>, vector<1x16xf32>,
      %get3A_174 = arith.index_cast %add3A_147 : i32 to index
      %get3A_175 = arith.constant 32 : index
      %get3A_176 = tpu.vector_load %arg10[%get3A_174, %get3A_175] {strides = array<i32>} : memref<64x128xf32, #tpu.memory_space<vmem>>, vector<1x16xf32>,
      %get3A_177 = vector.shape_cast %get3A_176 : vector<1x16xf32> to vector<16xf32>
      %get3A_178 = arith.index_cast %add3A_147 : i32 to index
      %get3A_179 = arith.constant 32 : index
      %get3A_180 = tpu.vector_load %arg12[%get3A_178, %get3A_179] {strides = array<i32>} : memref<64x128xf32, #tpu.memory_space<vmem>>, vector<1x16xf32>,
      %get3A_181 = vector.shape_cast %get3A_180 : vector<1x16xf32> to vector<16xf32>
      %mul3A_182 = arith.mulf %get3A_177, %get3A_181 : vector<16xf32>
      %swap3A_183 = arith.index_cast %add3A_147 : i32 to index
      %swap3A_184 = arith.constant 32 : index
      %swap3A_185 = tpu.vector_load %arg10[%swap3A_183, %swap3A_184] {strides = array<i32>} : memref<64x128xf32, #tpu.memory_space<vmem>>, vector<1x16xf32>,
      %swap3A_186 = vector.shape_cast %swap3A_185 : vector<1x16xf32> to vector<16xf32>
      %swap3A_187 = vector.shape_cast %mul3A_182 : vector<16xf32> to vector<1x16xf32>
      tpu.vector_store %arg10[%swap3A_183, %swap3A_184], %swap3A_187 {strides = array<i32>} : memref<64x128xf32, #tpu.memory_space<vmem>>, vector<1x16xf32>,
      %get3A_188 = arith.index_cast %add3A_147 : i32 to index
      %get3A_189 = arith.constant 48 : index
      %get3A_190 = tpu.vector_load %arg10[%get3A_188, %get3A_189] {strides = array<i32>} : memref<64x128xf32, #tpu.memory_space<vmem>>, vector<1x16xf32>,
      %get3A_191 = vector.shape_cast %get3A_190 : vector<1x16xf32> to vector<16xf32>
      %get3A_192 = arith.index_cast %add3A_147 : i32 to index
      %get3A_193 = arith.constant 48 : index
      %get3A_194 = tpu.vector_load %arg12[%get3A_192, %get3A_193] {strides = array<i32>} : memref<64x128xf32, #tpu.memory_space<vmem>>, vector<1x16xf32>,
      %get3A_195 = vector.shape_cast %get3A_194 : vector<1x16xf32> to vector<16xf32>
      %mul3A_196 = arith.mulf %get3A_191, %get3A_195 : vector<16xf32>
      %swap3A_197 = arith.index_cast %add3A_147 : i32 to index
      %swap3A_198 = arith.constant 48 : index
      %swap3A_199 = tpu.vector_load %arg10[%swap3A_197, %swap3A_198] {strides = array<i32>} : memref<64x128xf32, #tpu.memory_space<vmem>>, vector<1x16xf32>,
      %swap3A_200 = vector.shape_cast %swap3A_199 : vector<1x16xf32> to vector<16xf32>
      %swap3A_201 = vector.shape_cast %mul3A_196 : vector<16xf32> to vector<1x16xf32>
      tpu.vector_store %arg10[%swap3A_197, %swap3A_198], %swap3A_201 {strides = array<i32>} : memref<64x128xf32, #tpu.memory_space<vmem>>, vector<1x16xf32>,
      %get3A_202 = arith.index_cast %add3A_147 : i32 to index
      %get3A_203 = arith.constant 64 : index
      %get3A_204 = tpu.vector_load %arg10[%get3A_202, %get3A_203] {strides = array<i32>} : memref<64x128xf32, #tpu.memory_space<vmem>>, vector<1x16xf32>,
      %get3A_205 = vector.shape_cast %get3A_204 : vector<1x16xf32> to vector<16xf32>
      %get3A_206 = arith.index_cast %add3A_147 : i32 to index
      %get3A_207 = arith.constant 64 : index
      %get3A_208 = tpu.vector_load %arg12[%get3A_206, %get3A_207] {strides = array<i32>} : memref<64x128xf32, #tpu.memory_space<vmem>>, vector<1x16xf32>,
      %get3A_209 = vector.shape_cast %get3A_208 : vector<1x16xf32> to vector<16xf32>
      %mul3A_210 = arith.mulf %get3A_205, %get3A_209 : vector<16xf32>
      %swap3A_211 = arith.index_cast %add3A_147 : i32 to index
      %swap3A_212 = arith.constant 64 : index
      %swap3A_213 = tpu.vector_load %arg10[%swap3A_211, %swap3A_212] {strides = array<i32>} : memref<64x128xf32, #tpu.memory_space<vmem>>, vector<1x16xf32>,
      %swap3A_214 = vector.shape_cast %swap3A_213 : vector<1x16xf32> to vector<16xf32>
      %swap3A_215 = vector.shape_cast %mul3A_210 : vector<16xf32> to vector<1x16xf32>
      tpu.vector_store %arg10[%swap3A_211, %swap3A_212], %swap3A_215 {strides = array<i32>} : memref<64x128xf32, #tpu.memory_space<vmem>>, vector<1x16xf32>,
      %get3A_216 = arith.index_cast %add3A_147 : i32 to index
      %get3A_217 = arith.constant 80 : index
      %get3A_218 = tpu.vector_load %arg10[%get3A_216, %get3A_217] {strides = array<i32>} : memref<64x128xf32, #tpu.memory_space<vmem>>, vector<1x16xf32>,
      %get3A_219 = vector.shape_cast %get3A_218 : vector<1x16xf32> to vector<16xf32>
      %get3A_220 = arith.index_cast %add3A_147 : i32 to index
      %get3A_221 = arith.constant 80 : index
      %get3A_222 = tpu.vector_load %arg12[%get3A_220, %get3A_221] {strides = array<i32>} : memref<64x128xf32, #tpu.memory_space<vmem>>, vector<1x16xf32>,
      %get3A_223 = vector.shape_cast %get3A_222 : vector<1x16xf32> to vector<16xf32>
      %mul3A_224 = arith.mulf %get3A_219, %get3A_223 : vector<16xf32>
      %swap3A_225 = arith.index_cast %add3A_147 : i32 to index
      %swap3A_226 = arith.constant 80 : index
      %swap3A_227 = tpu.vector_load %arg10[%swap3A_225, %swap3A_226] {strides = array<i32>} : memref<64x128xf32, #tpu.memory_space<vmem>>, vector<1x16xf32>,
      %swap3A_228 = vector.shape_cast %swap3A_227 : vector<1x16xf32> to vector<16xf32>
      %swap3A_229 = vector.shape_cast %mul3A_224 : vector<16xf32> to vector<1x16xf32>
      tpu.vector_store %arg10[%swap3A_225, %swap3A_226], %swap3A_229 {strides = array<i32>} : memref<64x128xf32, #tpu.memory_space<vmem>>, vector<1x16xf32>,
      %get3A_230 = arith.index_cast %add3A_147 : i32 to index
      %get3A_231 = arith.constant 96 : index
      %get3A_232 = tpu.vector_load %arg10[%get3A_230, %get3A_231] {strides = array<i32>} : memref<64x128xf32, #tpu.memory_space<vmem>>, vector<1x16xf32>,
      %get3A_233 = vector.shape_cast %get3A_232 : vector<1x16xf32> to vector<16xf32>
      %get3A_234 = arith.index_cast %add3A_147 : i32 to index
      %get3A_235 = arith.constant 96 : index
      %get3A_236 = tpu.vector_load %arg12[%get3A_234, %get3A_235] {strides = array<i32>} : memref<64x128xf32, #tpu.memory_space<vmem>>, vector<1x16xf32>,
      %get3A_237 = vector.shape_cast %get3A_236 : vector<1x16xf32> to vector<16xf32>
      %mul3A_238 = arith.mulf %get3A_233, %get3A_237 : vector<16xf32>
      %swap3A_239 = arith.index_cast %add3A_147 : i32 to index
      %swap3A_240 = arith.constant 96 : index
      %swap3A_241 = tpu.vector_load %arg10[%swap3A_239, %swap3A_240] {strides = array<i32>} : memref<64x128xf32, #tpu.memory_space<vmem>>, vector<1x16xf32>,
      %swap3A_242 = vector.shape_cast %swap3A_241 : vector<1x16xf32> to vector<16xf32>
      %swap3A_243 = vector.shape_cast %mul3A_238 : vector<16xf32> to vector<1x16xf32>
      tpu.vector_store %arg10[%swap3A_239, %swap3A_240], %swap3A_243 {strides = array<i32>} : memref<64x128xf32, #tpu.memory_space<vmem>>, vector<1x16xf32>,
      %get3A_244 = arith.index_cast %add3A_147 : i32 to index
      %get3A_245 = arith.constant 112 : index
      %get3A_246 = tpu.vector_load %arg10[%get3A_244, %get3A_245] {strides = array<i32>} : memref<64x128xf32, #tpu.memory_space<vmem>>, vector<1x16xf32>,
      %get3A_247 = vector.shape_cast %get3A_246 : vector<1x16xf32> to vector<16xf32>
      %get3A_248 = arith.index_cast %add3A_147 : i32 to index
      %get3A_249 = arith.constant 112 : index
      %get3A_250 = tpu.vector_load %arg12[%get3A_248, %get3A_249] {strides = array<i32>} : memref<64x128xf32, #tpu.memory_space<vmem>>, vector<1x16xf32>,
      %get3A_251 = vector.shape_cast %get3A_250 : vector<1x16xf32> to vector<16xf32>
      %mul3A_252 = arith.mulf %get3A_247, %get3A_251 : vector<16xf32>
      %swap3A_253 = arith.index_cast %add3A_147 : i32 to index
      %swap3A_254 = arith.constant 112 : index
      %swap3A_255 = tpu.vector_load %arg10[%swap3A_253, %swap3A_254] {strides = array<i32>} : memref<64x128xf32, #tpu.memory_space<vmem>>, vector<1x16xf32>,
      %swap3A_256 = vector.shape_cast %swap3A_255 : vector<1x16xf32> to vector<16xf32>
      %swap3A_257 = vector.shape_cast %mul3A_252 : vector<16xf32> to vector<1x16xf32>
      tpu.vector_store %arg10[%swap3A_253, %swap3A_254], %swap3A_257 {strides = array<i32>} : memref<64x128xf32, #tpu.memory_space<vmem>>, vector<1x16xf32>,
    }
    %scan3A_46 = arith.constant 64 : i32
    %mul3A_47 = arith.constant 5000 : i32
    %mul3A_48 = arith.muli %add3A, %mul3A_47 : i32
    %add3A_49 = arith.constant 0 : i32
    %add3A_50 = arith.addi %mul3A_48, %add3A_49 : i32
    %dma_start3A_51 = arith.constant 0 : i32
    %dma_start3A_52 = tpu.memref_slice %arg5[%add3A_50, %dma_start3A_51] : memref<160000x128xf32, #tpu.memory_space<hbm>> -> memref<64x128xf32, #tpu.memory_space<hbm>>
    %dma_start3A_53 = arith.constant 0 : i32
    %dma_start3A_54 = tpu.memref_slice %arg5[%add3A_50, %dma_start3A_53] : memref<160000x128xf32, #tpu.memory_space<hbm>> -> memref<64x128xf32, #tpu.memory_space<hbm>>
    tpu.enqueue_dma source(%arg10 : memref<64x128xf32, #tpu.memory_space<vmem>>) target(%dma_start3A_54 : memref<64x128xf32, #tpu.memory_space<hbm>>) target_semaphore(%arg19 : memref<!tpu.dma_semaphore, #tpu.memory_space<semaphore_mem>>)
    %dma_wait3A_55 = arith.constant 0 : i32
    %dma_wait3A_56 = arith.constant 0 : i32
    %dma_wait3A_57 = tpu.memref_slice %arg5[%dma_wait3A_55, %dma_wait3A_56] : memref<160000x128xf32, #tpu.memory_space<hbm>> -> memref<64x128xf32, #tpu.memory_space<hbm>>
    %dma_wait3A_58 = arith.constant 0 : i32
    %dma_wait3A_59 = arith.constant 0 : i32
    %dma_wait3A_60 = tpu.memref_slice %arg5[%dma_wait3A_58, %dma_wait3A_59] : memref<160000x128xf32, #tpu.memory_space<hbm>> -> memref<64x128xf32, #tpu.memory_space<hbm>>
    tpu.wait_dma2 semaphore(%arg19 : memref<!tpu.dma_semaphore, #tpu.memory_space<semaphore_mem>>) src(%arg10 : memref<64x128xf32, #tpu.memory_space<vmem>>) dst(%dma_wait3A_60 : memref<64x128xf32, #tpu.memory_space<hbm>>)
    %dma_wait3A_61 = arith.constant 0 : i32
    %dma_wait3A_62 = tpu.memref_slice %arg3[%dma_wait3A_61] : memref<320000xi32, #tpu.memory_space<hbm>> -> memref<64xi32, #tpu.memory_space<hbm>>
    %dma_wait3A_63 = arith.constant 0 : i32
    %dma_wait3A_64 = tpu.memref_slice %arg3[%dma_wait3A_63] : memref<320000xi32, #tpu.memory_space<hbm>> -> memref<64xi32, #tpu.memory_space<hbm>>
    tpu.wait_dma2 semaphore(%arg21 : memref<!tpu.dma_semaphore, #tpu.memory_space<semaphore_mem>>) src(%dma_wait3A_64 : memref<64xi32, #tpu.memory_space<hbm>>) dst(%arg6 : memref<64xi32, #tpu.memory_space<vmem>>)
    %dma_wait3A_65 = arith.constant 0 : i32
    %dma_wait3A_66 = tpu.memref_slice %arg4[%dma_wait3A_65] : memref<320000xi32, #tpu.memory_space<hbm>> -> memref<64xi32, #tpu.memory_space<hbm>>
    %dma_wait3A_67 = arith.constant 0 : i32
    %dma_wait3A_68 = tpu.memref_slice %arg4[%dma_wait3A_67] : memref<320000xi32, #tpu.memory_space<hbm>> -> memref<64xi32, #tpu.memory_space<hbm>>
    tpu.wait_dma2 semaphore(%arg23 : memref<!tpu.dma_semaphore, #tpu.memory_space<semaphore_mem>>) src(%dma_wait3A_68 : memref<64xi32, #tpu.memory_space<hbm>>) dst(%arg8 : memref<64xi32, #tpu.memory_space<vmem>>)
    %dma_start3A_69 = arith.constant 0 : i32
    %dma_start3A_70 = arith.constant 0 : i32
    %dma_start3A_71 = tpu.memref_slice %arg14[%dma_start3A_69, %dma_start3A_70] : memref<10240x128xf32, #tpu.memory_space<vmem_shared>> -> memref<10240x128xf32, #tpu.memory_space<vmem_shared>>
    tpu.enqueue_indirect_dma source(%dma_start3A_71 : memref<10240x128xf32, #tpu.memory_space<vmem_shared>>) target(%arg10 : memref<64x128xf32, #tpu.memory_space<vmem>>) offsets(%arg6 : memref<64xi32, #tpu.memory_space<vmem>>) semaphore(%arg15 : memref<!tpu.dma_semaphore, #tpu.memory_space<semaphore_mem>>)
    %dma_start3A_72 = arith.constant 0 : i32
    %dma_start3A_73 = arith.constant 0 : i32
    %dma_start3A_74 = tpu.memref_slice %arg14[%dma_start3A_72, %dma_start3A_73] : memref<10240x128xf32, #tpu.memory_space<vmem_shared>> -> memref<10240x128xf32, #tpu.memory_space<vmem_shared>>
    tpu.enqueue_indirect_dma source(%dma_start3A_74 : memref<10240x128xf32, #tpu.memory_space<vmem_shared>>) target(%arg12 : memref<64x128xf32, #tpu.memory_space<vmem>>) offsets(%arg8 : memref<64xi32, #tpu.memory_space<vmem>>) semaphore(%arg17 : memref<!tpu.dma_semaphore, #tpu.memory_space<semaphore_mem>>)
    %dma_wait3A_75 = arith.constant 0 : i32
    %dma_wait3A_76 = arith.constant 0 : i32
    %dma_wait3A_77 = tpu.memref_slice %arg14[%dma_wait3A_75, %dma_wait3A_76] : memref<10240x128xf32, #tpu.memory_space<vmem_shared>> -> memref<10240x128xf32, #tpu.memory_space<vmem_shared>>
    tpu.wait_indirect_dma semaphore(%arg16 : memref<!tpu.dma_semaphore, #tpu.memory_space<semaphore_mem>>) src(%dma_wait3A_77 : memref<10240x128xf32, #tpu.memory_space<vmem_shared>>) dst(%arg11 : memref<64x128xf32, #tpu.memory_space<vmem>>)
    %dma_wait3A_78 = arith.constant 0 : i32
    %dma_wait3A_79 = arith.constant 0 : i32
    %dma_wait3A_80 = tpu.memref_slice %arg14[%dma_wait3A_78, %dma_wait3A_79] : memref<10240x128xf32, #tpu.memory_space<vmem_shared>> -> memref<10240x128xf32, #tpu.memory_space<vmem_shared>>
    tpu.wait_indirect_dma semaphore(%arg18 : memref<!tpu.dma_semaphore, #tpu.memory_space<semaphore_mem>>) src(%dma_wait3A_80 : memref<10240x128xf32, #tpu.memory_space<vmem_shared>>) dst(%arg13 : memref<64x128xf32, #tpu.memory_space<vmem>>)
    %min3A_81 = arith.constant 3 : i32
    %min3A_82 = arith.constant 77 : i32
    %min3A_83 = arith.minsi %min3A_81, %min3A_82 : i32
    %mul3A_84 = arith.constant 64 : i32
    %mul3A_85 = arith.muli %min3A_83, %mul3A_84 : i32
    %add3A_86 = arith.addi %add3A_4, %mul3A_85 : i32
    %dma_start3A_87 = tpu.memref_slice %arg3[%add3A_86] : memref<320000xi32, #tpu.memory_space<hbm>> -> memref<64xi32, #tpu.memory_space<hbm>>
    %dma_start3A_88 = tpu.memref_slice %arg3[%add3A_86] : memref<320000xi32, #tpu.memory_space<hbm>> -> memref<64xi32, #tpu.memory_space<hbm>>
    tpu.enqueue_dma source(%dma_start3A_88 : memref<64xi32, #tpu.memory_space<hbm>>) target(%arg7 : memref<64xi32, #tpu.memory_space<vmem>>) target_semaphore(%arg22 : memref<!tpu.dma_semaphore, #tpu.memory_space<semaphore_mem>>)
    %mul3A_89 = arith.constant 64 : i32
    %mul3A_90 = arith.muli %min3A_83, %mul3A_89 : i32
    %add3A_91 = arith.addi %add3A_4, %mul3A_90 : i32
    %dma_start3A_92 = tpu.memref_slice %arg4[%add3A_91] : memref<320000xi32, #tpu.memory_space<hbm>> -> memref<64xi32, #tpu.memory_space<hbm>>
    %dma_start3A_93 = tpu.memref_slice %arg4[%add3A_91] : memref<320000xi32, #tpu.memory_space<hbm>> -> memref<64xi32, #tpu.memory_space<hbm>>
    tpu.enqueue_dma source(%dma_start3A_93 : memref<64xi32, #tpu.memory_space<hbm>>) target(%arg9 : memref<64xi32, #tpu.memory_space<vmem>>) target_semaphore(%arg24 : memref<!tpu.dma_semaphore, #tpu.memory_space<semaphore_mem>>)
    %scan3A_94 = arith.constant 0 : i32
    %scan3A_95 = arith.constant 64 : i32
    %scan3A_96 = arith.addi %scan3A_94, %scan3A_95 : i32
    %scan3A_97 = arith.constant 1 : i32
    scf.for %scan3A_143 = %scan3A_94 to %scan3A_96 step %scan3A_97  : i32 {
      %mul3A_144 = arith.constant 1 : i32
      %mul3A_145 = arith.muli %scan3A_143, %mul3A_144 : i32
      %add3A_146 = arith.constant 0 : i32
      %add3A_147 = arith.addi %add3A_146, %mul3A_145 : i32
      %get3A = arith.index_cast %add3A_147 : i32 to index
      %get3A_148 = arith.constant 0 : index
      %get3A_149 = tpu.vector_load %arg11[%get3A, %get3A_148] {strides = array<i32>} : memref<64x128xf32, #tpu.memory_space<vmem>>, vector<1x16xf32>,
      %get3A_150 = vector.shape_cast %get3A_149 : vector<1x16xf32> to vector<16xf32>
      %get3A_151 = arith.index_cast %add3A_147 : i32 to index
      %get3A_152 = arith.constant 0 : index
      %get3A_153 = tpu.vector_load %arg13[%get3A_151, %get3A_152] {strides = array<i32>} : memref<64x128xf32, #tpu.memory_space<vmem>>, vector<1x16xf32>,
      %get3A_154 = vector.shape_cast %get3A_153 : vector<1x16xf32> to vector<16xf32>
      %mul3A_155 = arith.mulf %get3A_150, %get3A_154 : vector<16xf32>
      %swap3A = arith.index_cast %add3A_147 : i32 to index
      %swap3A_156 = arith.constant 0 : index
      %swap3A_157 = tpu.vector_load %arg11[%swap3A, %swap3A_156] {strides = array<i32>} : memref<64x128xf32, #tpu.memory_space<vmem>>, vector<1x16xf32>,
      %swap3A_158 = vector.shape_cast %swap3A_157 : vector<1x16xf32> to vector<16xf32>
      %swap3A_159 = vector.shape_cast %mul3A_155 : vector<16xf32> to vector<1x16xf32>
      tpu.vector_store %arg11[%swap3A, %swap3A_156], %swap3A_159 {strides = array<i32>} : memref<64x128xf32, #tpu.memory_space<vmem>>, vector<1x16xf32>,
      %get3A_160 = arith.index_cast %add3A_147 : i32 to index
      %get3A_161 = arith.constant 16 : index
      %get3A_162 = tpu.vector_load %arg11[%get3A_160, %get3A_161] {strides = array<i32>} : memref<64x128xf32, #tpu.memory_space<vmem>>, vector<1x16xf32>,
      %get3A_163 = vector.shape_cast %get3A_162 : vector<1x16xf32> to vector<16xf32>
      %get3A_164 = arith.index_cast %add3A_147 : i32 to index
      %get3A_165 = arith.constant 16 : index
      %get3A_166 = tpu.vector_load %arg13[%get3A_164, %get3A_165] {strides = array<i32>} : memref<64x128xf32, #tpu.memory_space<vmem>>, vector<1x16xf32>,
      %get3A_167 = vector.shape_cast %get3A_166 : vector<1x16xf32> to vector<16xf32>
      %mul3A_168 = arith.mulf %get3A_163, %get3A_167 : vector<16xf32>
      %swap3A_169 = arith.index_cast %add3A_147 : i32 to index
      %swap3A_170 = arith.constant 16 : index
      %swap3A_171 = tpu.vector_load %arg11[%swap3A_169, %swap3A_170] {strides = array<i32>} : memref<64x128xf32, #tpu.memory_space<vmem>>, vector<1x16xf32>,
      %swap3A_172 = vector.shape_cast %swap3A_171 : vector<1x16xf32> to vector<16xf32>
      %swap3A_173 = vector.shape_cast %mul3A_168 : vector<16xf32> to vector<1x16xf32>
      tpu.vector_store %arg11[%swap3A_169, %swap3A_170], %swap3A_173 {strides = array<i32>} : memref<64x128xf32, #tpu.memory_space<vmem>>, vector<1x16xf32>,
      %get3A_174 = arith.index_cast %add3A_147 : i32 to index
      %get3A_175 = arith.constant 32 : index
      %get3A_176 = tpu.vector_load %arg11[%get3A_174, %get3A_175] {strides = array<i32>} : memref<64x128xf32, #tpu.memory_space<vmem>>, vector<1x16xf32>,
      %get3A_177 = vector.shape_cast %get3A_176 : vector<1x16xf32> to vector<16xf32>
      %get3A_178 = arith.index_cast %add3A_147 : i32 to index
      %get3A_179 = arith.constant 32 : index
      %get3A_180 = tpu.vector_load %arg13[%get3A_178, %get3A_179] {strides = array<i32>} : memref<64x128xf32, #tpu.memory_space<vmem>>, vector<1x16xf32>,
      %get3A_181 = vector.shape_cast %get3A_180 : vector<1x16xf32> to vector<16xf32>
      %mul3A_182 = arith.mulf %get3A_177, %get3A_181 : vector<16xf32>
      %swap3A_183 = arith.index_cast %add3A_147 : i32 to index
      %swap3A_184 = arith.constant 32 : index
      %swap3A_185 = tpu.vector_load %arg11[%swap3A_183, %swap3A_184] {strides = array<i32>} : memref<64x128xf32, #tpu.memory_space<vmem>>, vector<1x16xf32>,
      %swap3A_186 = vector.shape_cast %swap3A_185 : vector<1x16xf32> to vector<16xf32>
      %swap3A_187 = vector.shape_cast %mul3A_182 : vector<16xf32> to vector<1x16xf32>
      tpu.vector_store %arg11[%swap3A_183, %swap3A_184], %swap3A_187 {strides = array<i32>} : memref<64x128xf32, #tpu.memory_space<vmem>>, vector<1x16xf32>,
      %get3A_188 = arith.index_cast %add3A_147 : i32 to index
      %get3A_189 = arith.constant 48 : index
      %get3A_190 = tpu.vector_load %arg11[%get3A_188, %get3A_189] {strides = array<i32>} : memref<64x128xf32, #tpu.memory_space<vmem>>, vector<1x16xf32>,
      %get3A_191 = vector.shape_cast %get3A_190 : vector<1x16xf32> to vector<16xf32>
      %get3A_192 = arith.index_cast %add3A_147 : i32 to index
      %get3A_193 = arith.constant 48 : index
      %get3A_194 = tpu.vector_load %arg13[%get3A_192, %get3A_193] {strides = array<i32>} : memref<64x128xf32, #tpu.memory_space<vmem>>, vector<1x16xf32>,
      %get3A_195 = vector.shape_cast %get3A_194 : vector<1x16xf32> to vector<16xf32>
      %mul3A_196 = arith.mulf %get3A_191, %get3A_195 : vector<16xf32>
      %swap3A_197 = arith.index_cast %add3A_147 : i32 to index
      %swap3A_198 = arith.constant 48 : index
      %swap3A_199 = tpu.vector_load %arg11[%swap3A_197, %swap3A_198] {strides = array<i32>} : memref<64x128xf32, #tpu.memory_space<vmem>>, vector<1x16xf32>,
      %swap3A_200 = vector.shape_cast %swap3A_199 : vector<1x16xf32> to vector<16xf32>
      %swap3A_201 = vector.shape_cast %mul3A_196 : vector<16xf32> to vector<1x16xf32>
      tpu.vector_store %arg11[%swap3A_197, %swap3A_198], %swap3A_201 {strides = array<i32>} : memref<64x128xf32, #tpu.memory_space<vmem>>, vector<1x16xf32>,
      %get3A_202 = arith.index_cast %add3A_147 : i32 to index
      %get3A_203 = arith.constant 64 : index
      %get3A_204 = tpu.vector_load %arg11[%get3A_202, %get3A_203] {strides = array<i32>} : memref<64x128xf32, #tpu.memory_space<vmem>>, vector<1x16xf32>,
      %get3A_205 = vector.shape_cast %get3A_204 : vector<1x16xf32> to vector<16xf32>
      %get3A_206 = arith.index_cast %add3A_147 : i32 to index
      %get3A_207 = arith.constant 64 : index
      %get3A_208 = tpu.vector_load %arg13[%get3A_206, %get3A_207] {strides = array<i32>} : memref<64x128xf32, #tpu.memory_space<vmem>>, vector<1x16xf32>,
      %get3A_209 = vector.shape_cast %get3A_208 : vector<1x16xf32> to vector<16xf32>
      %mul3A_210 = arith.mulf %get3A_205, %get3A_209 : vector<16xf32>
      %swap3A_211 = arith.index_cast %add3A_147 : i32 to index
      %swap3A_212 = arith.constant 64 : index
      %swap3A_213 = tpu.vector_load %arg11[%swap3A_211, %swap3A_212] {strides = array<i32>} : memref<64x128xf32, #tpu.memory_space<vmem>>, vector<1x16xf32>,
      %swap3A_214 = vector.shape_cast %swap3A_213 : vector<1x16xf32> to vector<16xf32>
      %swap3A_215 = vector.shape_cast %mul3A_210 : vector<16xf32> to vector<1x16xf32>
      tpu.vector_store %arg11[%swap3A_211, %swap3A_212], %swap3A_215 {strides = array<i32>} : memref<64x128xf32, #tpu.memory_space<vmem>>, vector<1x16xf32>,
      %get3A_216 = arith.index_cast %add3A_147 : i32 to index
      %get3A_217 = arith.constant 80 : index
      %get3A_218 = tpu.vector_load %arg11[%get3A_216, %get3A_217] {strides = array<i32>} : memref<64x128xf32, #tpu.memory_space<vmem>>, vector<1x16xf32>,
      %get3A_219 = vector.shape_cast %get3A_218 : vector<1x16xf32> to vector<16xf32>
      %get3A_220 = arith.index_cast %add3A_147 : i32 to index
      %get3A_221 = arith.constant 80 : index
      %get3A_222 = tpu.vector_load %arg13[%get3A_220, %get3A_221] {strides = array<i32>} : memref<64x128xf32, #tpu.memory_space<vmem>>, vector<1x16xf32>,
      %get3A_223 = vector.shape_cast %get3A_222 : vector<1x16xf32> to vector<16xf32>
      %mul3A_224 = arith.mulf %get3A_219, %get3A_223 : vector<16xf32>
      %swap3A_225 = arith.index_cast %add3A_147 : i32 to index
      %swap3A_226 = arith.constant 80 : index
      %swap3A_227 = tpu.vector_load %arg11[%swap3A_225, %swap3A_226] {strides = array<i32>} : memref<64x128xf32, #tpu.memory_space<vmem>>, vector<1x16xf32>,
      %swap3A_228 = vector.shape_cast %swap3A_227 : vector<1x16xf32> to vector<16xf32>
      %swap3A_229 = vector.shape_cast %mul3A_224 : vector<16xf32> to vector<1x16xf32>
      tpu.vector_store %arg11[%swap3A_225, %swap3A_226], %swap3A_229 {strides = array<i32>} : memref<64x128xf32, #tpu.memory_space<vmem>>, vector<1x16xf32>,
      %get3A_230 = arith.index_cast %add3A_147 : i32 to index
      %get3A_231 = arith.constant 96 : index
      %get3A_232 = tpu.vector_load %arg11[%get3A_230, %get3A_231] {strides = array<i32>} : memref<64x128xf32, #tpu.memory_space<vmem>>, vector<1x16xf32>,
      %get3A_233 = vector.shape_cast %get3A_232 : vector<1x16xf32> to vector<16xf32>
      %get3A_234 = arith.index_cast %add3A_147 : i32 to index
      %get3A_235 = arith.constant 96 : index
      %get3A_236 = tpu.vector_load %arg13[%get3A_234, %get3A_235] {strides = array<i32>} : memref<64x128xf32, #tpu.memory_space<vmem>>, vector<1x16xf32>,
      %get3A_237 = vector.shape_cast %get3A_236 : vector<1x16xf32> to vector<16xf32>
      %mul3A_238 = arith.mulf %get3A_233, %get3A_237 : vector<16xf32>
      %swap3A_239 = arith.index_cast %add3A_147 : i32 to index
      %swap3A_240 = arith.constant 96 : index
      %swap3A_241 = tpu.vector_load %arg11[%swap3A_239, %swap3A_240] {strides = array<i32>} : memref<64x128xf32, #tpu.memory_space<vmem>>, vector<1x16xf32>,
      %swap3A_242 = vector.shape_cast %swap3A_241 : vector<1x16xf32> to vector<16xf32>
      %swap3A_243 = vector.shape_cast %mul3A_238 : vector<16xf32> to vector<1x16xf32>
      tpu.vector_store %arg11[%swap3A_239, %swap3A_240], %swap3A_243 {strides = array<i32>} : memref<64x128xf32, #tpu.memory_space<vmem>>, vector<1x16xf32>,
      %get3A_244 = arith.index_cast %add3A_147 : i32 to index
      %get3A_245 = arith.constant 112 : index
      %get3A_246 = tpu.vector_load %arg11[%get3A_244, %get3A_245] {strides = array<i32>} : memref<64x128xf32, #tpu.memory_space<vmem>>, vector<1x16xf32>,
      %get3A_247 = vector.shape_cast %get3A_246 : vector<1x16xf32> to vector<16xf32>
      %get3A_248 = arith.index_cast %add3A_147 : i32 to index
      %get3A_249 = arith.constant 112 : index
      %get3A_250 = tpu.vector_load %arg13[%get3A_248, %get3A_249] {strides = array<i32>} : memref<64x128xf32, #tpu.memory_space<vmem>>, vector<1x16xf32>,
      %get3A_251 = vector.shape_cast %get3A_250 : vector<1x16xf32> to vector<16xf32>
      %mul3A_252 = arith.mulf %get3A_247, %get3A_251 : vector<16xf32>
      %swap3A_253 = arith.index_cast %add3A_147 : i32 to index
      %swap3A_254 = arith.constant 112 : index
      %swap3A_255 = tpu.vector_load %arg11[%swap3A_253, %swap3A_254] {strides = array<i32>} : memref<64x128xf32, #tpu.memory_space<vmem>>, vector<1x16xf32>,
      %swap3A_256 = vector.shape_cast %swap3A_255 : vector<1x16xf32> to vector<16xf32>
      %swap3A_257 = vector.shape_cast %mul3A_252 : vector<16xf32> to vector<1x16xf32>
      tpu.vector_store %arg11[%swap3A_253, %swap3A_254], %swap3A_257 {strides = array<i32>} : memref<64x128xf32, #tpu.memory_space<vmem>>, vector<1x16xf32>,
    }
    %scan3A_98 = arith.constant 64 : i32
    %mul3A_99 = arith.constant 5000 : i32
    %mul3A_100 = arith.muli %add3A, %mul3A_99 : i32
    %add3A_101 = arith.constant 64 : i32
    %add3A_102 = arith.addi %mul3A_100, %add3A_101 : i32
    %dma_start3A_103 = arith.constant 0 : i32
    %dma_start3A_104 = tpu.memref_slice %arg5[%add3A_102, %dma_start3A_103] : memref<160000x128xf32, #tpu.memory_space<hbm>> -> memref<64x128xf32, #tpu.memory_space<hbm>>
    %dma_start3A_105 = arith.constant 0 : i32
    %dma_start3A_106 = tpu.memref_slice %arg5[%add3A_102, %dma_start3A_105] : memref<160000x128xf32, #tpu.memory_space<hbm>> -> memref<64x128xf32, #tpu.memory_space<hbm>>
    tpu.enqueue_dma source(%arg11 : memref<64x128xf32, #tpu.memory_space<vmem>>) target(%dma_start3A_106 : memref<64x128xf32, #tpu.memory_space<hbm>>) target_semaphore(%arg20 : memref<!tpu.dma_semaphore, #tpu.memory_space<semaphore_mem>>)
    %scan3A_107 = arith.constant 0 : i32
    %scan3A_108 = arith.constant 38 : i32
    %scan3A_109 = arith.addi %scan3A_107, %scan3A_108 : i32
    %scan3A_110 = arith.constant 1 : i32
    scf.for %scan3A_143 = %scan3A_107 to %scan3A_109 step %scan3A_110  : i32 {
      %mul3A_144 = arith.constant 1 : i32
      %mul3A_145 = arith.muli %scan3A_143, %mul3A_144 : i32
      %add3A_146 = arith.constant 0 : i32
      %add3A_147 = arith.addi %add3A_146, %mul3A_145 : i32
      %mul3A_148 = arith.constant 2 : i32
      %mul3A_149 = arith.muli %mul3A_148, %add3A_147 : i32
      %add3A_150 = arith.constant 2 : i32
      %add3A_151 = arith.addi %mul3A_149, %add3A_150 : i32
      %dma_wait3A_152 = arith.constant 0 : i32
      %dma_wait3A_153 = arith.constant 0 : i32
      %dma_wait3A_154 = tpu.memref_slice %arg5[%dma_wait3A_152, %dma_wait3A_153] : memref<160000x128xf32, #tpu.memory_space<hbm>> -> memref<64x128xf32, #tpu.memory_space<hbm>>
      %dma_wait3A_155 = arith.constant 0 : i32
      %dma_wait3A_156 = arith.constant 0 : i32
      %dma_wait3A_157 = tpu.memref_slice %arg5[%dma_wait3A_155, %dma_wait3A_156] : memref<160000x128xf32, #tpu.memory_space<hbm>> -> memref<64x128xf32, #tpu.memory_space<hbm>>
      tpu.wait_dma2 semaphore(%arg20 : memref<!tpu.dma_semaphore, #tpu.memory_space<semaphore_mem>>) src(%arg11 : memref<64x128xf32, #tpu.memory_space<vmem>>) dst(%dma_wait3A_157 : memref<64x128xf32, #tpu.memory_space<hbm>>)
      %dma_wait3A_158 = arith.constant 0 : i32
      %dma_wait3A_159 = tpu.memref_slice %arg3[%dma_wait3A_158] : memref<320000xi32, #tpu.memory_space<hbm>> -> memref<64xi32, #tpu.memory_space<hbm>>
      %dma_wait3A_160 = arith.constant 0 : i32
      %dma_wait3A_161 = tpu.memref_slice %arg3[%dma_wait3A_160] : memref<320000xi32, #tpu.memory_space<hbm>> -> memref<64xi32, #tpu.memory_space<hbm>>
      tpu.wait_dma2 semaphore(%arg22 : memref<!tpu.dma_semaphore, #tpu.memory_space<semaphore_mem>>) src(%dma_wait3A_161 : memref<64xi32, #tpu.memory_space<hbm>>) dst(%arg7 : memref<64xi32, #tpu.memory_space<vmem>>)
      %dma_wait3A_162 = arith.constant 0 : i32
      %dma_wait3A_163 = tpu.memref_slice %arg4[%dma_wait3A_162] : memref<320000xi32, #tpu.memory_space<hbm>> -> memref<64xi32, #tpu.memory_space<hbm>>
      %dma_wait3A_164 = arith.constant 0 : i32
      %dma_wait3A_165 = tpu.memref_slice %arg4[%dma_wait3A_164] : memref<320000xi32, #tpu.memory_space<hbm>> -> memref<64xi32, #tpu.memory_space<hbm>>
      tpu.wait_dma2 semaphore(%arg24 : memref<!tpu.dma_semaphore, #tpu.memory_space<semaphore_mem>>) src(%dma_wait3A_165 : memref<64xi32, #tpu.memory_space<hbm>>) dst(%arg9 : memref<64xi32, #tpu.memory_space<vmem>>)
      %dma_start3A_166 = arith.constant 0 : i32
      %dma_start3A_167 = arith.constant 0 : i32
      %dma_start3A_168 = tpu.memref_slice %arg14[%dma_start3A_166, %dma_start3A_167] : memref<10240x128xf32, #tpu.memory_space<vmem_shared>> -> memref<10240x128xf32, #tpu.memory_space<vmem_shared>>
      tpu.enqueue_indirect_dma source(%dma_start3A_168 : memref<10240x128xf32, #tpu.memory_space<vmem_shared>>) target(%arg11 : memref<64x128xf32, #tpu.memory_space<vmem>>) offsets(%arg7 : memref<64xi32, #tpu.memory_space<vmem>>) semaphore(%arg16 : memref<!tpu.dma_semaphore, #tpu.memory_space<semaphore_mem>>)
      %dma_start3A_169 = arith.constant 0 : i32
      %dma_start3A_170 = arith.constant 0 : i32
      %dma_start3A_171 = tpu.memref_slice %arg14[%dma_start3A_169, %dma_start3A_170] : memref<10240x128xf32, #tpu.memory_space<vmem_shared>> -> memref<10240x128xf32, #tpu.memory_space<vmem_shared>>
      tpu.enqueue_indirect_dma source(%dma_start3A_171 : memref<10240x128xf32, #tpu.memory_space<vmem_shared>>) target(%arg13 : memref<64x128xf32, #tpu.memory_space<vmem>>) offsets(%arg9 : memref<64xi32, #tpu.memory_space<vmem>>) semaphore(%arg18 : memref<!tpu.dma_semaphore, #tpu.memory_space<semaphore_mem>>)
      %dma_wait3A_172 = arith.constant 0 : i32
      %dma_wait3A_173 = arith.constant 0 : i32
      %dma_wait3A_174 = tpu.memref_slice %arg14[%dma_wait3A_172, %dma_wait3A_173] : memref<10240x128xf32, #tpu.memory_space<vmem_shared>> -> memref<10240x128xf32, #tpu.memory_space<vmem_shared>>
      tpu.wait_indirect_dma semaphore(%arg15 : memref<!tpu.dma_semaphore, #tpu.memory_space<semaphore_mem>>) src(%dma_wait3A_174 : memref<10240x128xf32, #tpu.memory_space<vmem_shared>>) dst(%arg10 : memref<64x128xf32, #tpu.memory_space<vmem>>)
      %dma_wait3A_175 = arith.constant 0 : i32
      %dma_wait3A_176 = arith.constant 0 : i32
      %dma_wait3A_177 = tpu.memref_slice %arg14[%dma_wait3A_175, %dma_wait3A_176] : memref<10240x128xf32, #tpu.memory_space<vmem_shared>> -> memref<10240x128xf32, #tpu.memory_space<vmem_shared>>
      tpu.wait_indirect_dma semaphore(%arg17 : memref<!tpu.dma_semaphore, #tpu.memory_space<semaphore_mem>>) src(%dma_wait3A_177 : memref<10240x128xf32, #tpu.memory_space<vmem_shared>>) dst(%arg12 : memref<64x128xf32, #tpu.memory_space<vmem>>)
      %add3A_178 = arith.constant 2 : i32
      %add3A_179 = arith.addi %add3A_151, %add3A_178 : i32
      %min3A_180 = arith.constant 77 : i32
      %min3A_181 = arith.minsi %add3A_179, %min3A_180 : i32
      %mul3A_182 = arith.constant 64 : i32
      %mul3A_183 = arith.muli %min3A_181, %mul3A_182 : i32
      %add3A_184 = arith.addi %add3A_4, %mul3A_183 : i32
      %dma_start3A_185 = tpu.memref_slice %arg3[%add3A_184] : memref<320000xi32, #tpu.memory_space<hbm>> -> memref<64xi32, #tpu.memory_space<hbm>>
      %dma_start3A_186 = tpu.memref_slice %arg3[%add3A_184] : memref<320000xi32, #tpu.memory_space<hbm>> -> memref<64xi32, #tpu.memory_space<hbm>>
      tpu.enqueue_dma source(%dma_start3A_186 : memref<64xi32, #tpu.memory_space<hbm>>) target(%arg6 : memref<64xi32, #tpu.memory_space<vmem>>) target_semaphore(%arg21 : memref<!tpu.dma_semaphore, #tpu.memory_space<semaphore_mem>>)
      %mul3A_187 = arith.constant 64 : i32
      %mul3A_188 = arith.muli %min3A_181, %mul3A_187 : i32
      %add3A_189 = arith.addi %add3A_4, %mul3A_188 : i32
      %dma_start3A_190 = tpu.memref_slice %arg4[%add3A_189] : memref<320000xi32, #tpu.memory_space<hbm>> -> memref<64xi32, #tpu.memory_space<hbm>>
      %dma_start3A_191 = tpu.memref_slice %arg4[%add3A_189] : memref<320000xi32, #tpu.memory_space<hbm>> -> memref<64xi32, #tpu.memory_space<hbm>>
      tpu.enqueue_dma source(%dma_start3A_191 : memref<64xi32, #tpu.memory_space<hbm>>) target(%arg8 : memref<64xi32, #tpu.memory_space<vmem>>) target_semaphore(%arg23 : memref<!tpu.dma_semaphore, #tpu.memory_space<semaphore_mem>>)
      %scan3A_192 = arith.constant 0 : i32
      %scan3A_193 = arith.constant 64 : i32
      %scan3A_194 = arith.addi %scan3A_192, %scan3A_193 : i32
      %scan3A_195 = arith.constant 1 : i32
      scf.for %scan3A_264 = %scan3A_192 to %scan3A_194 step %scan3A_195  : i32 {
        %mul3A_265 = arith.constant 1 : i32
        %mul3A_266 = arith.muli %scan3A_264, %mul3A_265 : i32
        %add3A_267 = arith.constant 0 : i32
        %add3A_268 = arith.addi %add3A_267, %mul3A_266 : i32
        %get3A = arith.index_cast %add3A_268 : i32 to index
        %get3A_269 = arith.constant 0 : index
        %get3A_270 = tpu.vector_load %arg10[%get3A, %get3A_269] {strides = array<i32>} : memref<64x128xf32, #tpu.memory_space<vmem>>, vector<1x16xf32>,
        %get3A_271 = vector.shape_cast %get3A_270 : vector<1x16xf32> to vector<16xf32>
        %get3A_272 = arith.index_cast %add3A_268 : i32 to index
        %get3A_273 = arith.constant 0 : index
        %get3A_274 = tpu.vector_load %arg12[%get3A_272, %get3A_273] {strides = array<i32>} : memref<64x128xf32, #tpu.memory_space<vmem>>, vector<1x16xf32>,
        %get3A_275 = vector.shape_cast %get3A_274 : vector<1x16xf32> to vector<16xf32>
        %mul3A_276 = arith.mulf %get3A_271, %get3A_275 : vector<16xf32>
        %swap3A = arith.index_cast %add3A_268 : i32 to index
        %swap3A_277 = arith.constant 0 : index
        %swap3A_278 = tpu.vector_load %arg10[%swap3A, %swap3A_277] {strides = array<i32>} : memref<64x128xf32, #tpu.memory_space<vmem>>, vector<1x16xf32>,
        %swap3A_279 = vector.shape_cast %swap3A_278 : vector<1x16xf32> to vector<16xf32>
        %swap3A_280 = vector.shape_cast %mul3A_276 : vector<16xf32> to vector<1x16xf32>
        tpu.vector_store %arg10[%swap3A, %swap3A_277], %swap3A_280 {strides = array<i32>} : memref<64x128xf32, #tpu.memory_space<vmem>>, vector<1x16xf32>,
        %get3A_281 = arith.index_cast %add3A_268 : i32 to index
        %get3A_282 = arith.constant 16 : index
        %get3A_283 = tpu.vector_load %arg10[%get3A_281, %get3A_282] {strides = array<i32>} : memref<64x128xf32, #tpu.memory_space<vmem>>, vector<1x16xf32>,
        %get3A_284 = vector.shape_cast %get3A_283 : vector<1x16xf32> to vector<16xf32>
        %get3A_285 = arith.index_cast %add3A_268 : i32 to index
        %get3A_286 = arith.constant 16 : index
        %get3A_287 = tpu.vector_load %arg12[%get3A_285, %get3A_286] {strides = array<i32>} : memref<64x128xf32, #tpu.memory_space<vmem>>, vector<1x16xf32>,
        %get3A_288 = vector.shape_cast %get3A_287 : vector<1x16xf32> to vector<16xf32>
        %mul3A_289 = arith.mulf %get3A_284, %get3A_288 : vector<16xf32>
        %swap3A_290 = arith.index_cast %add3A_268 : i32 to index
        %swap3A_291 = arith.constant 16 : index
        %swap3A_292 = tpu.vector_load %arg10[%swap3A_290, %swap3A_291] {strides = array<i32>} : memref<64x128xf32, #tpu.memory_space<vmem>>, vector<1x16xf32>,
        %swap3A_293 = vector.shape_cast %swap3A_292 : vector<1x16xf32> to vector<16xf32>
        %swap3A_294 = vector.shape_cast %mul3A_289 : vector<16xf32> to vector<1x16xf32>
        tpu.vector_store %arg10[%swap3A_290, %swap3A_291], %swap3A_294 {strides = array<i32>} : memref<64x128xf32, #tpu.memory_space<vmem>>, vector<1x16xf32>,
        %get3A_295 = arith.index_cast %add3A_268 : i32 to index
        %get3A_296 = arith.constant 32 : index
        %get3A_297 = tpu.vector_load %arg10[%get3A_295, %get3A_296] {strides = array<i32>} : memref<64x128xf32, #tpu.memory_space<vmem>>, vector<1x16xf32>,
        %get3A_298 = vector.shape_cast %get3A_297 : vector<1x16xf32> to vector<16xf32>
        %get3A_299 = arith.index_cast %add3A_268 : i32 to index
        %get3A_300 = arith.constant 32 : index
        %get3A_301 = tpu.vector_load %arg12[%get3A_299, %get3A_300] {strides = array<i32>} : memref<64x128xf32, #tpu.memory_space<vmem>>, vector<1x16xf32>,
        %get3A_302 = vector.shape_cast %get3A_301 : vector<1x16xf32> to vector<16xf32>
        %mul3A_303 = arith.mulf %get3A_298, %get3A_302 : vector<16xf32>
        %swap3A_304 = arith.index_cast %add3A_268 : i32 to index
        %swap3A_305 = arith.constant 32 : index
        %swap3A_306 = tpu.vector_load %arg10[%swap3A_304, %swap3A_305] {strides = array<i32>} : memref<64x128xf32, #tpu.memory_space<vmem>>, vector<1x16xf32>,
        %swap3A_307 = vector.shape_cast %swap3A_306 : vector<1x16xf32> to vector<16xf32>
        %swap3A_308 = vector.shape_cast %mul3A_303 : vector<16xf32> to vector<1x16xf32>
        tpu.vector_store %arg10[%swap3A_304, %swap3A_305], %swap3A_308 {strides = array<i32>} : memref<64x128xf32, #tpu.memory_space<vmem>>, vector<1x16xf32>,
        %get3A_309 = arith.index_cast %add3A_268 : i32 to index
        %get3A_310 = arith.constant 48 : index
        %get3A_311 = tpu.vector_load %arg10[%get3A_309, %get3A_310] {strides = array<i32>} : memref<64x128xf32, #tpu.memory_space<vmem>>, vector<1x16xf32>,
        %get3A_312 = vector.shape_cast %get3A_311 : vector<1x16xf32> to vector<16xf32>
        %get3A_313 = arith.index_cast %add3A_268 : i32 to index
        %get3A_314 = arith.constant 48 : index
        %get3A_315 = tpu.vector_load %arg12[%get3A_313, %get3A_314] {strides = array<i32>} : memref<64x128xf32, #tpu.memory_space<vmem>>, vector<1x16xf32>,
        %get3A_316 = vector.shape_cast %get3A_315 : vector<1x16xf32> to vector<16xf32>
        %mul3A_317 = arith.mulf %get3A_312, %get3A_316 : vector<16xf32>
        %swap3A_318 = arith.index_cast %add3A_268 : i32 to index
        %swap3A_319 = arith.constant 48 : index
        %swap3A_320 = tpu.vector_load %arg10[%swap3A_318, %swap3A_319] {strides = array<i32>} : memref<64x128xf32, #tpu.memory_space<vmem>>, vector<1x16xf32>,
        %swap3A_321 = vector.shape_cast %swap3A_320 : vector<1x16xf32> to vector<16xf32>
        %swap3A_322 = vector.shape_cast %mul3A_317 : vector<16xf32> to vector<1x16xf32>
        tpu.vector_store %arg10[%swap3A_318, %swap3A_319], %swap3A_322 {strides = array<i32>} : memref<64x128xf32, #tpu.memory_space<vmem>>, vector<1x16xf32>,
        %get3A_323 = arith.index_cast %add3A_268 : i32 to index
        %get3A_324 = arith.constant 64 : index
        %get3A_325 = tpu.vector_load %arg10[%get3A_323, %get3A_324] {strides = array<i32>} : memref<64x128xf32, #tpu.memory_space<vmem>>, vector<1x16xf32>,
        %get3A_326 = vector.shape_cast %get3A_325 : vector<1x16xf32> to vector<16xf32>
        %get3A_327 = arith.index_cast %add3A_268 : i32 to index
        %get3A_328 = arith.constant 64 : index
        %get3A_329 = tpu.vector_load %arg12[%get3A_327, %get3A_328] {strides = array<i32>} : memref<64x128xf32, #tpu.memory_space<vmem>>, vector<1x16xf32>,
        %get3A_330 = vector.shape_cast %get3A_329 : vector<1x16xf32> to vector<16xf32>
        %mul3A_331 = arith.mulf %get3A_326, %get3A_330 : vector<16xf32>
        %swap3A_332 = arith.index_cast %add3A_268 : i32 to index
        %swap3A_333 = arith.constant 64 : index
        %swap3A_334 = tpu.vector_load %arg10[%swap3A_332, %swap3A_333] {strides = array<i32>} : memref<64x128xf32, #tpu.memory_space<vmem>>, vector<1x16xf32>,
        %swap3A_335 = vector.shape_cast %swap3A_334 : vector<1x16xf32> to vector<16xf32>
        %swap3A_336 = vector.shape_cast %mul3A_331 : vector<16xf32> to vector<1x16xf32>
        tpu.vector_store %arg10[%swap3A_332, %swap3A_333], %swap3A_336 {strides = array<i32>} : memref<64x128xf32, #tpu.memory_space<vmem>>, vector<1x16xf32>,
        %get3A_337 = arith.index_cast %add3A_268 : i32 to index
        %get3A_338 = arith.constant 80 : index
        %get3A_339 = tpu.vector_load %arg10[%get3A_337, %get3A_338] {strides = array<i32>} : memref<64x128xf32, #tpu.memory_space<vmem>>, vector<1x16xf32>,
        %get3A_340 = vector.shape_cast %get3A_339 : vector<1x16xf32> to vector<16xf32>
        %get3A_341 = arith.index_cast %add3A_268 : i32 to index
        %get3A_342 = arith.constant 80 : index
        %get3A_343 = tpu.vector_load %arg12[%get3A_341, %get3A_342] {strides = array<i32>} : memref<64x128xf32, #tpu.memory_space<vmem>>, vector<1x16xf32>,
        %get3A_344 = vector.shape_cast %get3A_343 : vector<1x16xf32> to vector<16xf32>
        %mul3A_345 = arith.mulf %get3A_340, %get3A_344 : vector<16xf32>
        %swap3A_346 = arith.index_cast %add3A_268 : i32 to index
        %swap3A_347 = arith.constant 80 : index
        %swap3A_348 = tpu.vector_load %arg10[%swap3A_346, %swap3A_347] {strides = array<i32>} : memref<64x128xf32, #tpu.memory_space<vmem>>, vector<1x16xf32>,
        %swap3A_349 = vector.shape_cast %swap3A_348 : vector<1x16xf32> to vector<16xf32>
        %swap3A_350 = vector.shape_cast %mul3A_345 : vector<16xf32> to vector<1x16xf32>
        tpu.vector_store %arg10[%swap3A_346, %swap3A_347], %swap3A_350 {strides = array<i32>} : memref<64x128xf32, #tpu.memory_space<vmem>>, vector<1x16xf32>,
        %get3A_351 = arith.index_cast %add3A_268 : i32 to index
        %get3A_352 = arith.constant 96 : index
        %get3A_353 = tpu.vector_load %arg10[%get3A_351, %get3A_352] {strides = array<i32>} : memref<64x128xf32, #tpu.memory_space<vmem>>, vector<1x16xf32>,
        %get3A_354 = vector.shape_cast %get3A_353 : vector<1x16xf32> to vector<16xf32>
        %get3A_355 = arith.index_cast %add3A_268 : i32 to index
        %get3A_356 = arith.constant 96 : index
        %get3A_357 = tpu.vector_load %arg12[%get3A_355, %get3A_356] {strides = array<i32>} : memref<64x128xf32, #tpu.memory_space<vmem>>, vector<1x16xf32>,
        %get3A_358 = vector.shape_cast %get3A_357 : vector<1x16xf32> to vector<16xf32>
        %mul3A_359 = arith.mulf %get3A_354, %get3A_358 : vector<16xf32>
        %swap3A_360 = arith.index_cast %add3A_268 : i32 to index
        %swap3A_361 = arith.constant 96 : index
        %swap3A_362 = tpu.vector_load %arg10[%swap3A_360, %swap3A_361] {strides = array<i32>} : memref<64x128xf32, #tpu.memory_space<vmem>>, vector<1x16xf32>,
        %swap3A_363 = vector.shape_cast %swap3A_362 : vector<1x16xf32> to vector<16xf32>
        %swap3A_364 = vector.shape_cast %mul3A_359 : vector<16xf32> to vector<1x16xf32>
        tpu.vector_store %arg10[%swap3A_360, %swap3A_361], %swap3A_364 {strides = array<i32>} : memref<64x128xf32, #tpu.memory_space<vmem>>, vector<1x16xf32>,
        %get3A_365 = arith.index_cast %add3A_268 : i32 to index
        %get3A_366 = arith.constant 112 : index
        %get3A_367 = tpu.vector_load %arg10[%get3A_365, %get3A_366] {strides = array<i32>} : memref<64x128xf32, #tpu.memory_space<vmem>>, vector<1x16xf32>,
        %get3A_368 = vector.shape_cast %get3A_367 : vector<1x16xf32> to vector<16xf32>
        %get3A_369 = arith.index_cast %add3A_268 : i32 to index
        %get3A_370 = arith.constant 112 : index
        %get3A_371 = tpu.vector_load %arg12[%get3A_369, %get3A_370] {strides = array<i32>} : memref<64x128xf32, #tpu.memory_space<vmem>>, vector<1x16xf32>,
        %get3A_372 = vector.shape_cast %get3A_371 : vector<1x16xf32> to vector<16xf32>
        %mul3A_373 = arith.mulf %get3A_368, %get3A_372 : vector<16xf32>
        %swap3A_374 = arith.index_cast %add3A_268 : i32 to index
        %swap3A_375 = arith.constant 112 : index
        %swap3A_376 = tpu.vector_load %arg10[%swap3A_374, %swap3A_375] {strides = array<i32>} : memref<64x128xf32, #tpu.memory_space<vmem>>, vector<1x16xf32>,
        %swap3A_377 = vector.shape_cast %swap3A_376 : vector<1x16xf32> to vector<16xf32>
        %swap3A_378 = vector.shape_cast %mul3A_373 : vector<16xf32> to vector<1x16xf32>
        tpu.vector_store %arg10[%swap3A_374, %swap3A_375], %swap3A_378 {strides = array<i32>} : memref<64x128xf32, #tpu.memory_space<vmem>>, vector<1x16xf32>,
      }
      %scan3A_196 = arith.constant 64 : i32
      %mul3A_197 = arith.constant 5000 : i32
      %mul3A_198 = arith.muli %add3A, %mul3A_197 : i32
      %mul3A_199 = arith.constant 64 : i32
      %mul3A_200 = arith.muli %add3A_151, %mul3A_199 : i32
      %add3A_201 = arith.addi %mul3A_198, %mul3A_200 : i32
      %dma_start3A_202 = arith.constant 0 : i32
      %dma_start3A_203 = tpu.memref_slice %arg5[%add3A_201, %dma_start3A_202] : memref<160000x128xf32, #tpu.memory_space<hbm>> -> memref<64x128xf32, #tpu.memory_space<hbm>>
      %dma_start3A_204 = arith.constant 0 : i32
      %dma_start3A_205 = tpu.memref_slice %arg5[%add3A_201, %dma_start3A_204] : memref<160000x128xf32, #tpu.memory_space<hbm>> -> memref<64x128xf32, #tpu.memory_space<hbm>>
      tpu.enqueue_dma source(%arg10 : memref<64x128xf32, #tpu.memory_space<vmem>>) target(%dma_start3A_205 : memref<64x128xf32, #tpu.memory_space<hbm>>) target_semaphore(%arg19 : memref<!tpu.dma_semaphore, #tpu.memory_space<semaphore_mem>>)
      %mul3A_206 = arith.constant 2 : i32
      %mul3A_207 = arith.muli %mul3A_206, %add3A_147 : i32
      %add3A_208 = arith.constant 3 : i32
      %add3A_209 = arith.addi %mul3A_207, %add3A_208 : i32
      %dma_wait3A_210 = arith.constant 0 : i32
      %dma_wait3A_211 = arith.constant 0 : i32
      %dma_wait3A_212 = tpu.memref_slice %arg5[%dma_wait3A_210, %dma_wait3A_211] : memref<160000x128xf32, #tpu.memory_space<hbm>> -> memref<64x128xf32, #tpu.memory_space<hbm>>
      %dma_wait3A_213 = arith.constant 0 : i32
      %dma_wait3A_214 = arith.constant 0 : i32
      %dma_wait3A_215 = tpu.memref_slice %arg5[%dma_wait3A_213, %dma_wait3A_214] : memref<160000x128xf32, #tpu.memory_space<hbm>> -> memref<64x128xf32, #tpu.memory_space<hbm>>
      tpu.wait_dma2 semaphore(%arg19 : memref<!tpu.dma_semaphore, #tpu.memory_space<semaphore_mem>>) src(%arg10 : memref<64x128xf32, #tpu.memory_space<vmem>>) dst(%dma_wait3A_215 : memref<64x128xf32, #tpu.memory_space<hbm>>)
      %dma_wait3A_216 = arith.constant 0 : i32
      %dma_wait3A_217 = tpu.memref_slice %arg3[%dma_wait3A_216] : memref<320000xi32, #tpu.memory_space<hbm>> -> memref<64xi32, #tpu.memory_space<hbm>>
      %dma_wait3A_218 = arith.constant 0 : i32
      %dma_wait3A_219 = tpu.memref_slice %arg3[%dma_wait3A_218] : memref<320000xi32, #tpu.memory_space<hbm>> -> memref<64xi32, #tpu.memory_space<hbm>>
      tpu.wait_dma2 semaphore(%arg21 : memref<!tpu.dma_semaphore, #tpu.memory_space<semaphore_mem>>) src(%dma_wait3A_219 : memref<64xi32, #tpu.memory_space<hbm>>) dst(%arg6 : memref<64xi32, #tpu.memory_space<vmem>>)
      %dma_wait3A_220 = arith.constant 0 : i32
      %dma_wait3A_221 = tpu.memref_slice %arg4[%dma_wait3A_220] : memref<320000xi32, #tpu.memory_space<hbm>> -> memref<64xi32, #tpu.memory_space<hbm>>
      %dma_wait3A_222 = arith.constant 0 : i32
      %dma_wait3A_223 = tpu.memref_slice %arg4[%dma_wait3A_222] : memref<320000xi32, #tpu.memory_space<hbm>> -> memref<64xi32, #tpu.memory_space<hbm>>
      tpu.wait_dma2 semaphore(%arg23 : memref<!tpu.dma_semaphore, #tpu.memory_space<semaphore_mem>>) src(%dma_wait3A_223 : memref<64xi32, #tpu.memory_space<hbm>>) dst(%arg8 : memref<64xi32, #tpu.memory_space<vmem>>)
      %dma_start3A_224 = arith.constant 0 : i32
      %dma_start3A_225 = arith.constant 0 : i32
      %dma_start3A_226 = tpu.memref_slice %arg14[%dma_start3A_224, %dma_start3A_225] : memref<10240x128xf32, #tpu.memory_space<vmem_shared>> -> memref<10240x128xf32, #tpu.memory_space<vmem_shared>>
      tpu.enqueue_indirect_dma source(%dma_start3A_226 : memref<10240x128xf32, #tpu.memory_space<vmem_shared>>) target(%arg10 : memref<64x128xf32, #tpu.memory_space<vmem>>) offsets(%arg6 : memref<64xi32, #tpu.memory_space<vmem>>) semaphore(%arg15 : memref<!tpu.dma_semaphore, #tpu.memory_space<semaphore_mem>>)
      %dma_start3A_227 = arith.constant 0 : i32
      %dma_start3A_228 = arith.constant 0 : i32
      %dma_start3A_229 = tpu.memref_slice %arg14[%dma_start3A_227, %dma_start3A_228] : memref<10240x128xf32, #tpu.memory_space<vmem_shared>> -> memref<10240x128xf32, #tpu.memory_space<vmem_shared>>
      tpu.enqueue_indirect_dma source(%dma_start3A_229 : memref<10240x128xf32, #tpu.memory_space<vmem_shared>>) target(%arg12 : memref<64x128xf32, #tpu.memory_space<vmem>>) offsets(%arg8 : memref<64xi32, #tpu.memory_space<vmem>>) semaphore(%arg17 : memref<!tpu.dma_semaphore, #tpu.memory_space<semaphore_mem>>)
      %dma_wait3A_230 = arith.constant 0 : i32
      %dma_wait3A_231 = arith.constant 0 : i32
      %dma_wait3A_232 = tpu.memref_slice %arg14[%dma_wait3A_230, %dma_wait3A_231] : memref<10240x128xf32, #tpu.memory_space<vmem_shared>> -> memref<10240x128xf32, #tpu.memory_space<vmem_shared>>
      tpu.wait_indirect_dma semaphore(%arg16 : memref<!tpu.dma_semaphore, #tpu.memory_space<semaphore_mem>>) src(%dma_wait3A_232 : memref<10240x128xf32, #tpu.memory_space<vmem_shared>>) dst(%arg11 : memref<64x128xf32, #tpu.memory_space<vmem>>)
      %dma_wait3A_233 = arith.constant 0 : i32
      %dma_wait3A_234 = arith.constant 0 : i32
      %dma_wait3A_235 = tpu.memref_slice %arg14[%dma_wait3A_233, %dma_wait3A_234] : memref<10240x128xf32, #tpu.memory_space<vmem_shared>> -> memref<10240x128xf32, #tpu.memory_space<vmem_shared>>
      tpu.wait_indirect_dma semaphore(%arg18 : memref<!tpu.dma_semaphore, #tpu.memory_space<semaphore_mem>>) src(%dma_wait3A_235 : memref<10240x128xf32, #tpu.memory_space<vmem_shared>>) dst(%arg13 : memref<64x128xf32, #tpu.memory_space<vmem>>)
      %add3A_236 = arith.constant 2 : i32
      %add3A_237 = arith.addi %add3A_209, %add3A_236 : i32
      %min3A_238 = arith.constant 77 : i32
      %min3A_239 = arith.minsi %add3A_237, %min3A_238 : i32
      %mul3A_240 = arith.constant 64 : i32
      %mul3A_241 = arith.muli %min3A_239, %mul3A_240 : i32
      %add3A_242 = arith.addi %add3A_4, %mul3A_241 : i32
      %dma_start3A_243 = tpu.memref_slice %arg3[%add3A_242] : memref<320000xi32, #tpu.memory_space<hbm>> -> memref<64xi32, #tpu.memory_space<hbm>>
      %dma_start3A_244 = tpu.memref_slice %arg3[%add3A_242] : memref<320000xi32, #tpu.memory_space<hbm>> -> memref<64xi32, #tpu.memory_space<hbm>>
      tpu.enqueue_dma source(%dma_start3A_244 : memref<64xi32, #tpu.memory_space<hbm>>) target(%arg7 : memref<64xi32, #tpu.memory_space<vmem>>) target_semaphore(%arg22 : memref<!tpu.dma_semaphore, #tpu.memory_space<semaphore_mem>>)
      %mul3A_245 = arith.constant 64 : i32
      %mul3A_246 = arith.muli %min3A_239, %mul3A_245 : i32
      %add3A_247 = arith.addi %add3A_4, %mul3A_246 : i32
      %dma_start3A_248 = tpu.memref_slice %arg4[%add3A_247] : memref<320000xi32, #tpu.memory_space<hbm>> -> memref<64xi32, #tpu.memory_space<hbm>>
      %dma_start3A_249 = tpu.memref_slice %arg4[%add3A_247] : memref<320000xi32, #tpu.memory_space<hbm>> -> memref<64xi32, #tpu.memory_space<hbm>>
      tpu.enqueue_dma source(%dma_start3A_249 : memref<64xi32, #tpu.memory_space<hbm>>) target(%arg9 : memref<64xi32, #tpu.memory_space<vmem>>) target_semaphore(%arg24 : memref<!tpu.dma_semaphore, #tpu.memory_space<semaphore_mem>>)
      %scan3A_250 = arith.constant 0 : i32
      %scan3A_251 = arith.constant 64 : i32
      %scan3A_252 = arith.addi %scan3A_250, %scan3A_251 : i32
      %scan3A_253 = arith.constant 1 : i32
      scf.for %scan3A_264 = %scan3A_250 to %scan3A_252 step %scan3A_253  : i32 {
        %mul3A_265 = arith.constant 1 : i32
        %mul3A_266 = arith.muli %scan3A_264, %mul3A_265 : i32
        %add3A_267 = arith.constant 0 : i32
        %add3A_268 = arith.addi %add3A_267, %mul3A_266 : i32
        %get3A = arith.index_cast %add3A_268 : i32 to index
        %get3A_269 = arith.constant 0 : index
        %get3A_270 = tpu.vector_load %arg11[%get3A, %get3A_269] {strides = array<i32>} : memref<64x128xf32, #tpu.memory_space<vmem>>, vector<1x16xf32>,
        %get3A_271 = vector.shape_cast %get3A_270 : vector<1x16xf32> to vector<16xf32>
        %get3A_272 = arith.index_cast %add3A_268 : i32 to index
        %get3A_273 = arith.constant 0 : index
        %get3A_274 = tpu.vector_load %arg13[%get3A_272, %get3A_273] {strides = array<i32>} : memref<64x128xf32, #tpu.memory_space<vmem>>, vector<1x16xf32>,
        %get3A_275 = vector.shape_cast %get3A_274 : vector<1x16xf32> to vector<16xf32>
        %mul3A_276 = arith.mulf %get3A_271, %get3A_275 : vector<16xf32>
        %swap3A = arith.index_cast %add3A_268 : i32 to index
        %swap3A_277 = arith.constant 0 : index
        %swap3A_278 = tpu.vector_load %arg11[%swap3A, %swap3A_277] {strides = array<i32>} : memref<64x128xf32, #tpu.memory_space<vmem>>, vector<1x16xf32>,
        %swap3A_279 = vector.shape_cast %swap3A_278 : vector<1x16xf32> to vector<16xf32>
        %swap3A_280 = vector.shape_cast %mul3A_276 : vector<16xf32> to vector<1x16xf32>
        tpu.vector_store %arg11[%swap3A, %swap3A_277], %swap3A_280 {strides = array<i32>} : memref<64x128xf32, #tpu.memory_space<vmem>>, vector<1x16xf32>,
        %get3A_281 = arith.index_cast %add3A_268 : i32 to index
        %get3A_282 = arith.constant 16 : index
        %get3A_283 = tpu.vector_load %arg11[%get3A_281, %get3A_282] {strides = array<i32>} : memref<64x128xf32, #tpu.memory_space<vmem>>, vector<1x16xf32>,
        %get3A_284 = vector.shape_cast %get3A_283 : vector<1x16xf32> to vector<16xf32>
        %get3A_285 = arith.index_cast %add3A_268 : i32 to index
        %get3A_286 = arith.constant 16 : index
        %get3A_287 = tpu.vector_load %arg13[%get3A_285, %get3A_286] {strides = array<i32>} : memref<64x128xf32, #tpu.memory_space<vmem>>, vector<1x16xf32>,
        %get3A_288 = vector.shape_cast %get3A_287 : vector<1x16xf32> to vector<16xf32>
        %mul3A_289 = arith.mulf %get3A_284, %get3A_288 : vector<16xf32>
        %swap3A_290 = arith.index_cast %add3A_268 : i32 to index
        %swap3A_291 = arith.constant 16 : index
        %swap3A_292 = tpu.vector_load %arg11[%swap3A_290, %swap3A_291] {strides = array<i32>} : memref<64x128xf32, #tpu.memory_space<vmem>>, vector<1x16xf32>,
        %swap3A_293 = vector.shape_cast %swap3A_292 : vector<1x16xf32> to vector<16xf32>
        %swap3A_294 = vector.shape_cast %mul3A_289 : vector<16xf32> to vector<1x16xf32>
        tpu.vector_store %arg11[%swap3A_290, %swap3A_291], %swap3A_294 {strides = array<i32>} : memref<64x128xf32, #tpu.memory_space<vmem>>, vector<1x16xf32>,
        %get3A_295 = arith.index_cast %add3A_268 : i32 to index
        %get3A_296 = arith.constant 32 : index
        %get3A_297 = tpu.vector_load %arg11[%get3A_295, %get3A_296] {strides = array<i32>} : memref<64x128xf32, #tpu.memory_space<vmem>>, vector<1x16xf32>,
        %get3A_298 = vector.shape_cast %get3A_297 : vector<1x16xf32> to vector<16xf32>
        %get3A_299 = arith.index_cast %add3A_268 : i32 to index
        %get3A_300 = arith.constant 32 : index
        %get3A_301 = tpu.vector_load %arg13[%get3A_299, %get3A_300] {strides = array<i32>} : memref<64x128xf32, #tpu.memory_space<vmem>>, vector<1x16xf32>,
        %get3A_302 = vector.shape_cast %get3A_301 : vector<1x16xf32> to vector<16xf32>
        %mul3A_303 = arith.mulf %get3A_298, %get3A_302 : vector<16xf32>
        %swap3A_304 = arith.index_cast %add3A_268 : i32 to index
        %swap3A_305 = arith.constant 32 : index
        %swap3A_306 = tpu.vector_load %arg11[%swap3A_304, %swap3A_305] {strides = array<i32>} : memref<64x128xf32, #tpu.memory_space<vmem>>, vector<1x16xf32>,
        %swap3A_307 = vector.shape_cast %swap3A_306 : vector<1x16xf32> to vector<16xf32>
        %swap3A_308 = vector.shape_cast %mul3A_303 : vector<16xf32> to vector<1x16xf32>
        tpu.vector_store %arg11[%swap3A_304, %swap3A_305], %swap3A_308 {strides = array<i32>} : memref<64x128xf32, #tpu.memory_space<vmem>>, vector<1x16xf32>,
        %get3A_309 = arith.index_cast %add3A_268 : i32 to index
        %get3A_310 = arith.constant 48 : index
        %get3A_311 = tpu.vector_load %arg11[%get3A_309, %get3A_310] {strides = array<i32>} : memref<64x128xf32, #tpu.memory_space<vmem>>, vector<1x16xf32>,
        %get3A_312 = vector.shape_cast %get3A_311 : vector<1x16xf32> to vector<16xf32>
        %get3A_313 = arith.index_cast %add3A_268 : i32 to index
        %get3A_314 = arith.constant 48 : index
        %get3A_315 = tpu.vector_load %arg13[%get3A_313, %get3A_314] {strides = array<i32>} : memref<64x128xf32, #tpu.memory_space<vmem>>, vector<1x16xf32>,
        %get3A_316 = vector.shape_cast %get3A_315 : vector<1x16xf32> to vector<16xf32>
        %mul3A_317 = arith.mulf %get3A_312, %get3A_316 : vector<16xf32>
        %swap3A_318 = arith.index_cast %add3A_268 : i32 to index
        %swap3A_319 = arith.constant 48 : index
        %swap3A_320 = tpu.vector_load %arg11[%swap3A_318, %swap3A_319] {strides = array<i32>} : memref<64x128xf32, #tpu.memory_space<vmem>>, vector<1x16xf32>,
        %swap3A_321 = vector.shape_cast %swap3A_320 : vector<1x16xf32> to vector<16xf32>
        %swap3A_322 = vector.shape_cast %mul3A_317 : vector<16xf32> to vector<1x16xf32>
        tpu.vector_store %arg11[%swap3A_318, %swap3A_319], %swap3A_322 {strides = array<i32>} : memref<64x128xf32, #tpu.memory_space<vmem>>, vector<1x16xf32>,
        %get3A_323 = arith.index_cast %add3A_268 : i32 to index
        %get3A_324 = arith.constant 64 : index
        %get3A_325 = tpu.vector_load %arg11[%get3A_323, %get3A_324] {strides = array<i32>} : memref<64x128xf32, #tpu.memory_space<vmem>>, vector<1x16xf32>,
        %get3A_326 = vector.shape_cast %get3A_325 : vector<1x16xf32> to vector<16xf32>
        %get3A_327 = arith.index_cast %add3A_268 : i32 to index
        %get3A_328 = arith.constant 64 : index
        %get3A_329 = tpu.vector_load %arg13[%get3A_327, %get3A_328] {strides = array<i32>} : memref<64x128xf32, #tpu.memory_space<vmem>>, vector<1x16xf32>,
        %get3A_330 = vector.shape_cast %get3A_329 : vector<1x16xf32> to vector<16xf32>
        %mul3A_331 = arith.mulf %get3A_326, %get3A_330 : vector<16xf32>
        %swap3A_332 = arith.index_cast %add3A_268 : i32 to index
        %swap3A_333 = arith.constant 64 : index
        %swap3A_334 = tpu.vector_load %arg11[%swap3A_332, %swap3A_333] {strides = array<i32>} : memref<64x128xf32, #tpu.memory_space<vmem>>, vector<1x16xf32>,
        %swap3A_335 = vector.shape_cast %swap3A_334 : vector<1x16xf32> to vector<16xf32>
        %swap3A_336 = vector.shape_cast %mul3A_331 : vector<16xf32> to vector<1x16xf32>
        tpu.vector_store %arg11[%swap3A_332, %swap3A_333], %swap3A_336 {strides = array<i32>} : memref<64x128xf32, #tpu.memory_space<vmem>>, vector<1x16xf32>,
        %get3A_337 = arith.index_cast %add3A_268 : i32 to index
        %get3A_338 = arith.constant 80 : index
        %get3A_339 = tpu.vector_load %arg11[%get3A_337, %get3A_338] {strides = array<i32>} : memref<64x128xf32, #tpu.memory_space<vmem>>, vector<1x16xf32>,
        %get3A_340 = vector.shape_cast %get3A_339 : vector<1x16xf32> to vector<16xf32>
        %get3A_341 = arith.index_cast %add3A_268 : i32 to index
        %get3A_342 = arith.constant 80 : index
        %get3A_343 = tpu.vector_load %arg13[%get3A_341, %get3A_342] {strides = array<i32>} : memref<64x128xf32, #tpu.memory_space<vmem>>, vector<1x16xf32>,
        %get3A_344 = vector.shape_cast %get3A_343 : vector<1x16xf32> to vector<16xf32>
        %mul3A_345 = arith.mulf %get3A_340, %get3A_344 : vector<16xf32>
        %swap3A_346 = arith.index_cast %add3A_268 : i32 to index
        %swap3A_347 = arith.constant 80 : index
        %swap3A_348 = tpu.vector_load %arg11[%swap3A_346, %swap3A_347] {strides = array<i32>} : memref<64x128xf32, #tpu.memory_space<vmem>>, vector<1x16xf32>,
        %swap3A_349 = vector.shape_cast %swap3A_348 : vector<1x16xf32> to vector<16xf32>
        %swap3A_350 = vector.shape_cast %mul3A_345 : vector<16xf32> to vector<1x16xf32>
        tpu.vector_store %arg11[%swap3A_346, %swap3A_347], %swap3A_350 {strides = array<i32>} : memref<64x128xf32, #tpu.memory_space<vmem>>, vector<1x16xf32>,
        %get3A_351 = arith.index_cast %add3A_268 : i32 to index
        %get3A_352 = arith.constant 96 : index
        %get3A_353 = tpu.vector_load %arg11[%get3A_351, %get3A_352] {strides = array<i32>} : memref<64x128xf32, #tpu.memory_space<vmem>>, vector<1x16xf32>,
        %get3A_354 = vector.shape_cast %get3A_353 : vector<1x16xf32> to vector<16xf32>
        %get3A_355 = arith.index_cast %add3A_268 : i32 to index
        %get3A_356 = arith.constant 96 : index
        %get3A_357 = tpu.vector_load %arg13[%get3A_355, %get3A_356] {strides = array<i32>} : memref<64x128xf32, #tpu.memory_space<vmem>>, vector<1x16xf32>,
        %get3A_358 = vector.shape_cast %get3A_357 : vector<1x16xf32> to vector<16xf32>
        %mul3A_359 = arith.mulf %get3A_354, %get3A_358 : vector<16xf32>
        %swap3A_360 = arith.index_cast %add3A_268 : i32 to index
        %swap3A_361 = arith.constant 96 : index
        %swap3A_362 = tpu.vector_load %arg11[%swap3A_360, %swap3A_361] {strides = array<i32>} : memref<64x128xf32, #tpu.memory_space<vmem>>, vector<1x16xf32>,
        %swap3A_363 = vector.shape_cast %swap3A_362 : vector<1x16xf32> to vector<16xf32>
        %swap3A_364 = vector.shape_cast %mul3A_359 : vector<16xf32> to vector<1x16xf32>
        tpu.vector_store %arg11[%swap3A_360, %swap3A_361], %swap3A_364 {strides = array<i32>} : memref<64x128xf32, #tpu.memory_space<vmem>>, vector<1x16xf32>,
        %get3A_365 = arith.index_cast %add3A_268 : i32 to index
        %get3A_366 = arith.constant 112 : index
        %get3A_367 = tpu.vector_load %arg11[%get3A_365, %get3A_366] {strides = array<i32>} : memref<64x128xf32, #tpu.memory_space<vmem>>, vector<1x16xf32>,
        %get3A_368 = vector.shape_cast %get3A_367 : vector<1x16xf32> to vector<16xf32>
        %get3A_369 = arith.index_cast %add3A_268 : i32 to index
        %get3A_370 = arith.constant 112 : index
        %get3A_371 = tpu.vector_load %arg13[%get3A_369, %get3A_370] {strides = array<i32>} : memref<64x128xf32, #tpu.memory_space<vmem>>, vector<1x16xf32>,
        %get3A_372 = vector.shape_cast %get3A_371 : vector<1x16xf32> to vector<16xf32>
        %mul3A_373 = arith.mulf %get3A_368, %get3A_372 : vector<16xf32>
        %swap3A_374 = arith.index_cast %add3A_268 : i32 to index
        %swap3A_375 = arith.constant 112 : index
        %swap3A_376 = tpu.vector_load %arg11[%swap3A_374, %swap3A_375] {strides = array<i32>} : memref<64x128xf32, #tpu.memory_space<vmem>>, vector<1x16xf32>,
        %swap3A_377 = vector.shape_cast %swap3A_376 : vector<1x16xf32> to vector<16xf32>
        %swap3A_378 = vector.shape_cast %mul3A_373 : vector<16xf32> to vector<1x16xf32>
        tpu.vector_store %arg11[%swap3A_374, %swap3A_375], %swap3A_378 {strides = array<i32>} : memref<64x128xf32, #tpu.memory_space<vmem>>, vector<1x16xf32>,
      }
      %scan3A_254 = arith.constant 64 : i32
      %mul3A_255 = arith.constant 5000 : i32
      %mul3A_256 = arith.muli %add3A, %mul3A_255 : i32
      %mul3A_257 = arith.constant 64 : i32
      %mul3A_258 = arith.muli %add3A_209, %mul3A_257 : i32
      %add3A_259 = arith.addi %mul3A_256, %mul3A_258 : i32
      %dma_start3A_260 = arith.constant 0 : i32
      %dma_start3A_261 = tpu.memref_slice %arg5[%add3A_259, %dma_start3A_260] : memref<160000x128xf32, #tpu.memory_space<hbm>> -> memref<64x128xf32, #tpu.memory_space<hbm>>
      %dma_start3A_262 = arith.constant 0 : i32
      %dma_start3A_263 = tpu.memref_slice %arg5[%add3A_259, %dma_start3A_262] : memref<160000x128xf32, #tpu.memory_space<hbm>> -> memref<64x128xf32, #tpu.memory_space<hbm>>
      tpu.enqueue_dma source(%arg11 : memref<64x128xf32, #tpu.memory_space<vmem>>) target(%dma_start3A_263 : memref<64x128xf32, #tpu.memory_space<hbm>>) target_semaphore(%arg20 : memref<!tpu.dma_semaphore, #tpu.memory_space<semaphore_mem>>)
    }
    %scan3A_111 = arith.constant 38 : i32
    %dma_wait3A_112 = arith.constant 0 : i32
    %dma_wait3A_113 = arith.constant 0 : i32
    %dma_wait3A_114 = tpu.memref_slice %arg5[%dma_wait3A_112, %dma_wait3A_113] : memref<160000x128xf32, #tpu.memory_space<hbm>> -> memref<64x128xf32, #tpu.memory_space<hbm>>
    %dma_wait3A_115 = arith.constant 0 : i32
    %dma_wait3A_116 = arith.constant 0 : i32
    %dma_wait3A_117 = tpu.memref_slice %arg5[%dma_wait3A_115, %dma_wait3A_116] : memref<160000x128xf32, #tpu.memory_space<hbm>> -> memref<64x128xf32, #tpu.memory_space<hbm>>
    tpu.wait_dma2 semaphore(%arg20 : memref<!tpu.dma_semaphore, #tpu.memory_space<semaphore_mem>>) src(%arg11 : memref<64x128xf32, #tpu.memory_space<vmem>>) dst(%dma_wait3A_117 : memref<64x128xf32, #tpu.memory_space<hbm>>)
    %dma_wait3A_118 = arith.constant 0 : i32
    %dma_wait3A_119 = arith.constant 0 : i32
    %dma_wait3A_120 = tpu.memref_slice %arg14[%dma_wait3A_118, %dma_wait3A_119] : memref<10240x128xf32, #tpu.memory_space<vmem_shared>> -> memref<10240x128xf32, #tpu.memory_space<vmem_shared>>
    tpu.wait_indirect_dma semaphore(%arg15 : memref<!tpu.dma_semaphore, #tpu.memory_space<semaphore_mem>>) src(%dma_wait3A_120 : memref<10240x128xf32, #tpu.memory_space<vmem_shared>>) dst(%arg10 : memref<64x128xf32, #tpu.memory_space<vmem>>)
    %dma_wait3A_121 = arith.constant 0 : i32
    %dma_wait3A_122 = arith.constant 0 : i32
    %dma_wait3A_123 = tpu.memref_slice %arg14[%dma_wait3A_121, %dma_wait3A_122] : memref<10240x128xf32, #tpu.memory_space<vmem_shared>> -> memref<10240x128xf32, #tpu.memory_space<vmem_shared>>
    tpu.wait_indirect_dma semaphore(%arg17 : memref<!tpu.dma_semaphore, #tpu.memory_space<semaphore_mem>>) src(%dma_wait3A_123 : memref<10240x128xf32, #tpu.memory_space<vmem_shared>>) dst(%arg12 : memref<64x128xf32, #tpu.memory_space<vmem>>)
    %dma_wait3A_124 = arith.constant 0 : i32
    %dma_wait3A_125 = tpu.memref_slice %arg3[%dma_wait3A_124] : memref<320000xi32, #tpu.memory_space<hbm>> -> memref<64xi32, #tpu.memory_space<hbm>>
    %dma_wait3A_126 = arith.constant 0 : i32
    %dma_wait3A_127 = tpu.memref_slice %arg3[%dma_wait3A_126] : memref<320000xi32, #tpu.memory_space<hbm>> -> memref<64xi32, #tpu.memory_space<hbm>>
    tpu.wait_dma2 semaphore(%arg22 : memref<!tpu.dma_semaphore, #tpu.memory_space<semaphore_mem>>) src(%dma_wait3A_127 : memref<64xi32, #tpu.memory_space<hbm>>) dst(%arg7 : memref<64xi32, #tpu.memory_space<vmem>>)
    %dma_wait3A_128 = arith.constant 0 : i32
    %dma_wait3A_129 = tpu.memref_slice %arg4[%dma_wait3A_128] : memref<320000xi32, #tpu.memory_space<hbm>> -> memref<64xi32, #tpu.memory_space<hbm>>
    %dma_wait3A_130 = arith.constant 0 : i32
    %dma_wait3A_131 = tpu.memref_slice %arg4[%dma_wait3A_130] : memref<320000xi32, #tpu.memory_space<hbm>> -> memref<64xi32, #tpu.memory_space<hbm>>
    tpu.wait_dma2 semaphore(%arg24 : memref<!tpu.dma_semaphore, #tpu.memory_space<semaphore_mem>>) src(%dma_wait3A_131 : memref<64xi32, #tpu.memory_space<hbm>>) dst(%arg9 : memref<64xi32, #tpu.memory_space<vmem>>)
    %add3A_132 = arith.constant 4992 : i32
    %add3A_133 = arith.addi %add3A_4, %add3A_132 : i32
    "tpu.region"() ({
      %run_scoped3A = tpu.sem_alloc : memref<!tpu.dma_semaphore, #tpu.memory_space<semaphore_mem>>
      %dma_start3A_143 = arith.constant 0 : i32
      %dma_start3A_144 = tpu.memref_slice %arg6[%dma_start3A_143] : memref<64xi32, #tpu.memory_space<vmem>> -> memref<8xi32, #tpu.memory_space<vmem>>
      %dma_start3A_145 = tpu.memref_slice %arg3[%add3A_133] : memref<320000xi32, #tpu.memory_space<hbm>> -> memref<8xi32, #tpu.memory_space<hbm>>
      %dma_start3A_146 = arith.constant 0 : i32
      %dma_start3A_147 = tpu.memref_slice %arg6[%dma_start3A_146] : memref<64xi32, #tpu.memory_space<vmem>> -> memref<8xi32, #tpu.memory_space<vmem>>
      %dma_start3A_148 = tpu.memref_slice %arg3[%add3A_133] : memref<320000xi32, #tpu.memory_space<hbm>> -> memref<8xi32, #tpu.memory_space<hbm>>
      tpu.enqueue_dma source(%dma_start3A_148 : memref<8xi32, #tpu.memory_space<hbm>>) target(%dma_start3A_147 : memref<8xi32, #tpu.memory_space<vmem>>) target_semaphore(%run_scoped3A : memref<!tpu.dma_semaphore, #tpu.memory_space<semaphore_mem>>)
      %dma_wait3A_149 = arith.constant 0 : i32
      %dma_wait3A_150 = tpu.memref_slice %arg6[%dma_wait3A_149] : memref<64xi32, #tpu.memory_space<vmem>> -> memref<8xi32, #tpu.memory_space<vmem>>
      %dma_wait3A_151 = tpu.memref_slice %arg3[%add3A_133] : memref<320000xi32, #tpu.memory_space<hbm>> -> memref<8xi32, #tpu.memory_space<hbm>>
      %dma_wait3A_152 = arith.constant 0 : i32
      %dma_wait3A_153 = tpu.memref_slice %arg6[%dma_wait3A_152] : memref<64xi32, #tpu.memory_space<vmem>> -> memref<8xi32, #tpu.memory_space<vmem>>
      %dma_wait3A_154 = tpu.memref_slice %arg3[%add3A_133] : memref<320000xi32, #tpu.memory_space<hbm>> -> memref<8xi32, #tpu.memory_space<hbm>>
      tpu.wait_dma2 semaphore(%run_scoped3A : memref<!tpu.dma_semaphore, #tpu.memory_space<semaphore_mem>>) src(%dma_wait3A_154 : memref<8xi32, #tpu.memory_space<hbm>>) dst(%dma_wait3A_153 : memref<8xi32, #tpu.memory_space<vmem>>)
      tpu.yield
    }) : () -> ()
    "tpu.region"() ({
      %run_scoped3A = tpu.sem_alloc : memref<!tpu.dma_semaphore, #tpu.memory_space<semaphore_mem>>
      %dma_start3A_143 = arith.constant 0 : i32
      %dma_start3A_144 = tpu.memref_slice %arg8[%dma_start3A_143] : memref<64xi32, #tpu.memory_space<vmem>> -> memref<8xi32, #tpu.memory_space<vmem>>
      %dma_start3A_145 = tpu.memref_slice %arg4[%add3A_133] : memref<320000xi32, #tpu.memory_space<hbm>> -> memref<8xi32, #tpu.memory_space<hbm>>
      %dma_start3A_146 = arith.constant 0 : i32
      %dma_start3A_147 = tpu.memref_slice %arg8[%dma_start3A_146] : memref<64xi32, #tpu.memory_space<vmem>> -> memref<8xi32, #tpu.memory_space<vmem>>
      %dma_start3A_148 = tpu.memref_slice %arg4[%add3A_133] : memref<320000xi32, #tpu.memory_space<hbm>> -> memref<8xi32, #tpu.memory_space<hbm>>
      tpu.enqueue_dma source(%dma_start3A_148 : memref<8xi32, #tpu.memory_space<hbm>>) target(%dma_start3A_147 : memref<8xi32, #tpu.memory_space<vmem>>) target_semaphore(%run_scoped3A : memref<!tpu.dma_semaphore, #tpu.memory_space<semaphore_mem>>)
      %dma_wait3A_149 = arith.constant 0 : i32
      %dma_wait3A_150 = tpu.memref_slice %arg8[%dma_wait3A_149] : memref<64xi32, #tpu.memory_space<vmem>> -> memref<8xi32, #tpu.memory_space<vmem>>
      %dma_wait3A_151 = tpu.memref_slice %arg4[%add3A_133] : memref<320000xi32, #tpu.memory_space<hbm>> -> memref<8xi32, #tpu.memory_space<hbm>>
      %dma_wait3A_152 = arith.constant 0 : i32
      %dma_wait3A_153 = tpu.memref_slice %arg8[%dma_wait3A_152] : memref<64xi32, #tpu.memory_space<vmem>> -> memref<8xi32, #tpu.memory_space<vmem>>
      %dma_wait3A_154 = tpu.memref_slice %arg4[%add3A_133] : memref<320000xi32, #tpu.memory_space<hbm>> -> memref<8xi32, #tpu.memory_space<hbm>>
      tpu.wait_dma2 semaphore(%run_scoped3A : memref<!tpu.dma_semaphore, #tpu.memory_space<semaphore_mem>>) src(%dma_wait3A_154 : memref<8xi32, #tpu.memory_space<hbm>>) dst(%dma_wait3A_153 : memref<8xi32, #tpu.memory_space<vmem>>)
      tpu.yield
    }) : () -> ()
    "tpu.region"() ({
      %run_scoped3A = tpu.sem_alloc : memref<!tpu.dma_semaphore, #tpu.memory_space<semaphore_mem>>
      %dma_start3A_143 = arith.constant 0 : i32
      %dma_start3A_144 = arith.constant 0 : i32
      %dma_start3A_145 = tpu.memref_slice %arg10[%dma_start3A_143, %dma_start3A_144] : memref<64x128xf32, #tpu.memory_space<vmem>> -> memref<8x128xf32, #tpu.memory_space<vmem>>
      %dma_start3A_146 = arith.constant 0 : i32
      %dma_start3A_147 = tpu.memref_slice %arg6[%dma_start3A_146] : memref<64xi32, #tpu.memory_space<vmem>> -> memref<8xi32, #tpu.memory_space<vmem>>
      %dma_start3A_148 = arith.constant 0 : i32
      %dma_start3A_149 = arith.constant 0 : i32
      %dma_start3A_150 = tpu.memref_slice %arg14[%dma_start3A_148, %dma_start3A_149] : memref<10240x128xf32, #tpu.memory_space<vmem_shared>> -> memref<10240x128xf32, #tpu.memory_space<vmem_shared>>
      tpu.enqueue_indirect_dma source(%dma_start3A_150 : memref<10240x128xf32, #tpu.memory_space<vmem_shared>>) target(%dma_start3A_145 : memref<8x128xf32, #tpu.memory_space<vmem>>) offsets(%dma_start3A_147 : memref<8xi32, #tpu.memory_space<vmem>>) semaphore(%run_scoped3A : memref<!tpu.dma_semaphore, #tpu.memory_space<semaphore_mem>>)
      %dma_wait3A_151 = arith.constant 0 : i32
      %dma_wait3A_152 = arith.constant 0 : i32
      %dma_wait3A_153 = tpu.memref_slice %arg10[%dma_wait3A_151, %dma_wait3A_152] : memref<64x128xf32, #tpu.memory_space<vmem>> -> memref<8x128xf32, #tpu.memory_space<vmem>>
      %dma_wait3A_154 = arith.constant 0 : i32
      %dma_wait3A_155 = tpu.memref_slice %arg6[%dma_wait3A_154] : memref<64xi32, #tpu.memory_space<vmem>> -> memref<8xi32, #tpu.memory_space<vmem>>
      %dma_wait3A_156 = arith.constant 0 : i32
      %dma_wait3A_157 = arith.constant 0 : i32
      %dma_wait3A_158 = tpu.memref_slice %arg14[%dma_wait3A_156, %dma_wait3A_157] : memref<10240x128xf32, #tpu.memory_space<vmem_shared>> -> memref<10240x128xf32, #tpu.memory_space<vmem_shared>>
      tpu.wait_indirect_dma semaphore(%run_scoped3A : memref<!tpu.dma_semaphore, #tpu.memory_space<semaphore_mem>>) src(%dma_wait3A_158 : memref<10240x128xf32, #tpu.memory_space<vmem_shared>>) dst(%dma_wait3A_153 : memref<8x128xf32, #tpu.memory_space<vmem>>)
      tpu.yield
    }) : () -> ()
    "tpu.region"() ({
      %run_scoped3A = tpu.sem_alloc : memref<!tpu.dma_semaphore, #tpu.memory_space<semaphore_mem>>
      %dma_start3A_143 = arith.constant 0 : i32
      %dma_start3A_144 = arith.constant 0 : i32
      %dma_start3A_145 = tpu.memref_slice %arg12[%dma_start3A_143, %dma_start3A_144] : memref<64x128xf32, #tpu.memory_space<vmem>> -> memref<8x128xf32, #tpu.memory_space<vmem>>
      %dma_start3A_146 = arith.constant 0 : i32
      %dma_start3A_147 = tpu.memref_slice %arg8[%dma_start3A_146] : memref<64xi32, #tpu.memory_space<vmem>> -> memref<8xi32, #tpu.memory_space<vmem>>
      %dma_start3A_148 = arith.constant 0 : i32
      %dma_start3A_149 = arith.constant 0 : i32
      %dma_start3A_150 = tpu.memref_slice %arg14[%dma_start3A_148, %dma_start3A_149] : memref<10240x128xf32, #tpu.memory_space<vmem_shared>> -> memref<10240x128xf32, #tpu.memory_space<vmem_shared>>
      tpu.enqueue_indirect_dma source(%dma_start3A_150 : memref<10240x128xf32, #tpu.memory_space<vmem_shared>>) target(%dma_start3A_145 : memref<8x128xf32, #tpu.memory_space<vmem>>) offsets(%dma_start3A_147 : memref<8xi32, #tpu.memory_space<vmem>>) semaphore(%run_scoped3A : memref<!tpu.dma_semaphore, #tpu.memory_space<semaphore_mem>>)
      %dma_wait3A_151 = arith.constant 0 : i32
      %dma_wait3A_152 = arith.constant 0 : i32
      %dma_wait3A_153 = tpu.memref_slice %arg12[%dma_wait3A_151, %dma_wait3A_152] : memref<64x128xf32, #tpu.memory_space<vmem>> -> memref<8x128xf32, #tpu.memory_space<vmem>>
      %dma_wait3A_154 = arith.constant 0 : i32
      %dma_wait3A_155 = tpu.memref_slice %arg8[%dma_wait3A_154] : memref<64xi32, #tpu.memory_space<vmem>> -> memref<8xi32, #tpu.memory_space<vmem>>
      %dma_wait3A_156 = arith.constant 0 : i32
      %dma_wait3A_157 = arith.constant 0 : i32
      %dma_wait3A_158 = tpu.memref_slice %arg14[%dma_wait3A_156, %dma_wait3A_157] : memref<10240x128xf32, #tpu.memory_space<vmem_shared>> -> memref<10240x128xf32, #tpu.memory_space<vmem_shared>>
      tpu.wait_indirect_dma semaphore(%run_scoped3A : memref<!tpu.dma_semaphore, #tpu.memory_space<semaphore_mem>>) src(%dma_wait3A_158 : memref<10240x128xf32, #tpu.memory_space<vmem_shared>>) dst(%dma_wait3A_153 : memref<8x128xf32, #tpu.memory_space<vmem>>)
      tpu.yield
    }) : () -> ()
    %scan3A_134 = arith.constant 0 : i32
    %scan3A_135 = arith.constant 8 : i32
    %scan3A_136 = arith.addi %scan3A_134, %scan3A_135 : i32
    %scan3A_137 = arith.constant 1 : i32
    scf.for %scan3A_143 = %scan3A_134 to %scan3A_136 step %scan3A_137  : i32 {
      %mul3A_144 = arith.constant 1 : i32
      %mul3A_145 = arith.muli %scan3A_143, %mul3A_144 : i32
      %add3A_146 = arith.constant 0 : i32
      %add3A_147 = arith.addi %add3A_146, %mul3A_145 : i32
      %get3A = arith.index_cast %add3A_147 : i32 to index
      %get3A_148 = arith.constant 0 : index
      %get3A_149 = tpu.vector_load %arg10[%get3A, %get3A_148] {strides = array<i32>} : memref<64x128xf32, #tpu.memory_space<vmem>>, vector<1x16xf32>,
      %get3A_150 = vector.shape_cast %get3A_149 : vector<1x16xf32> to vector<16xf32>
      %get3A_151 = arith.index_cast %add3A_147 : i32 to index
      %get3A_152 = arith.constant 0 : index
      %get3A_153 = tpu.vector_load %arg12[%get3A_151, %get3A_152] {strides = array<i32>} : memref<64x128xf32, #tpu.memory_space<vmem>>, vector<1x16xf32>,
      %get3A_154 = vector.shape_cast %get3A_153 : vector<1x16xf32> to vector<16xf32>
      %mul3A_155 = arith.mulf %get3A_150, %get3A_154 : vector<16xf32>
      %swap3A = arith.index_cast %add3A_147 : i32 to index
      %swap3A_156 = arith.constant 0 : index
      %swap3A_157 = tpu.vector_load %arg10[%swap3A, %swap3A_156] {strides = array<i32>} : memref<64x128xf32, #tpu.memory_space<vmem>>, vector<1x16xf32>,
      %swap3A_158 = vector.shape_cast %swap3A_157 : vector<1x16xf32> to vector<16xf32>
      %swap3A_159 = vector.shape_cast %mul3A_155 : vector<16xf32> to vector<1x16xf32>
      tpu.vector_store %arg10[%swap3A, %swap3A_156], %swap3A_159 {strides = array<i32>} : memref<64x128xf32, #tpu.memory_space<vmem>>, vector<1x16xf32>,
      %get3A_160 = arith.index_cast %add3A_147 : i32 to index
      %get3A_161 = arith.constant 16 : index
      %get3A_162 = tpu.vector_load %arg10[%get3A_160, %get3A_161] {strides = array<i32>} : memref<64x128xf32, #tpu.memory_space<vmem>>, vector<1x16xf32>,
      %get3A_163 = vector.shape_cast %get3A_162 : vector<1x16xf32> to vector<16xf32>
      %get3A_164 = arith.index_cast %add3A_147 : i32 to index
      %get3A_165 = arith.constant 16 : index
      %get3A_166 = tpu.vector_load %arg12[%get3A_164, %get3A_165] {strides = array<i32>} : memref<64x128xf32, #tpu.memory_space<vmem>>, vector<1x16xf32>,
      %get3A_167 = vector.shape_cast %get3A_166 : vector<1x16xf32> to vector<16xf32>
      %mul3A_168 = arith.mulf %get3A_163, %get3A_167 : vector<16xf32>
      %swap3A_169 = arith.index_cast %add3A_147 : i32 to index
      %swap3A_170 = arith.constant 16 : index
      %swap3A_171 = tpu.vector_load %arg10[%swap3A_169, %swap3A_170] {strides = array<i32>} : memref<64x128xf32, #tpu.memory_space<vmem>>, vector<1x16xf32>,
      %swap3A_172 = vector.shape_cast %swap3A_171 : vector<1x16xf32> to vector<16xf32>
      %swap3A_173 = vector.shape_cast %mul3A_168 : vector<16xf32> to vector<1x16xf32>
      tpu.vector_store %arg10[%swap3A_169, %swap3A_170], %swap3A_173 {strides = array<i32>} : memref<64x128xf32, #tpu.memory_space<vmem>>, vector<1x16xf32>,
      %get3A_174 = arith.index_cast %add3A_147 : i32 to index
      %get3A_175 = arith.constant 32 : index
      %get3A_176 = tpu.vector_load %arg10[%get3A_174, %get3A_175] {strides = array<i32>} : memref<64x128xf32, #tpu.memory_space<vmem>>, vector<1x16xf32>,
      %get3A_177 = vector.shape_cast %get3A_176 : vector<1x16xf32> to vector<16xf32>
      %get3A_178 = arith.index_cast %add3A_147 : i32 to index
      %get3A_179 = arith.constant 32 : index
      %get3A_180 = tpu.vector_load %arg12[%get3A_178, %get3A_179] {strides = array<i32>} : memref<64x128xf32, #tpu.memory_space<vmem>>, vector<1x16xf32>,
      %get3A_181 = vector.shape_cast %get3A_180 : vector<1x16xf32> to vector<16xf32>
      %mul3A_182 = arith.mulf %get3A_177, %get3A_181 : vector<16xf32>
      %swap3A_183 = arith.index_cast %add3A_147 : i32 to index
      %swap3A_184 = arith.constant 32 : index
      %swap3A_185 = tpu.vector_load %arg10[%swap3A_183, %swap3A_184] {strides = array<i32>} : memref<64x128xf32, #tpu.memory_space<vmem>>, vector<1x16xf32>,
      %swap3A_186 = vector.shape_cast %swap3A_185 : vector<1x16xf32> to vector<16xf32>
      %swap3A_187 = vector.shape_cast %mul3A_182 : vector<16xf32> to vector<1x16xf32>
      tpu.vector_store %arg10[%swap3A_183, %swap3A_184], %swap3A_187 {strides = array<i32>} : memref<64x128xf32, #tpu.memory_space<vmem>>, vector<1x16xf32>,
      %get3A_188 = arith.index_cast %add3A_147 : i32 to index
      %get3A_189 = arith.constant 48 : index
      %get3A_190 = tpu.vector_load %arg10[%get3A_188, %get3A_189] {strides = array<i32>} : memref<64x128xf32, #tpu.memory_space<vmem>>, vector<1x16xf32>,
      %get3A_191 = vector.shape_cast %get3A_190 : vector<1x16xf32> to vector<16xf32>
      %get3A_192 = arith.index_cast %add3A_147 : i32 to index
      %get3A_193 = arith.constant 48 : index
      %get3A_194 = tpu.vector_load %arg12[%get3A_192, %get3A_193] {strides = array<i32>} : memref<64x128xf32, #tpu.memory_space<vmem>>, vector<1x16xf32>,
      %get3A_195 = vector.shape_cast %get3A_194 : vector<1x16xf32> to vector<16xf32>
      %mul3A_196 = arith.mulf %get3A_191, %get3A_195 : vector<16xf32>
      %swap3A_197 = arith.index_cast %add3A_147 : i32 to index
      %swap3A_198 = arith.constant 48 : index
      %swap3A_199 = tpu.vector_load %arg10[%swap3A_197, %swap3A_198] {strides = array<i32>} : memref<64x128xf32, #tpu.memory_space<vmem>>, vector<1x16xf32>,
      %swap3A_200 = vector.shape_cast %swap3A_199 : vector<1x16xf32> to vector<16xf32>
      %swap3A_201 = vector.shape_cast %mul3A_196 : vector<16xf32> to vector<1x16xf32>
      tpu.vector_store %arg10[%swap3A_197, %swap3A_198], %swap3A_201 {strides = array<i32>} : memref<64x128xf32, #tpu.memory_space<vmem>>, vector<1x16xf32>,
      %get3A_202 = arith.index_cast %add3A_147 : i32 to index
      %get3A_203 = arith.constant 64 : index
      %get3A_204 = tpu.vector_load %arg10[%get3A_202, %get3A_203] {strides = array<i32>} : memref<64x128xf32, #tpu.memory_space<vmem>>, vector<1x16xf32>,
      %get3A_205 = vector.shape_cast %get3A_204 : vector<1x16xf32> to vector<16xf32>
      %get3A_206 = arith.index_cast %add3A_147 : i32 to index
      %get3A_207 = arith.constant 64 : index
      %get3A_208 = tpu.vector_load %arg12[%get3A_206, %get3A_207] {strides = array<i32>} : memref<64x128xf32, #tpu.memory_space<vmem>>, vector<1x16xf32>,
      %get3A_209 = vector.shape_cast %get3A_208 : vector<1x16xf32> to vector<16xf32>
      %mul3A_210 = arith.mulf %get3A_205, %get3A_209 : vector<16xf32>
      %swap3A_211 = arith.index_cast %add3A_147 : i32 to index
      %swap3A_212 = arith.constant 64 : index
      %swap3A_213 = tpu.vector_load %arg10[%swap3A_211, %swap3A_212] {strides = array<i32>} : memref<64x128xf32, #tpu.memory_space<vmem>>, vector<1x16xf32>,
      %swap3A_214 = vector.shape_cast %swap3A_213 : vector<1x16xf32> to vector<16xf32>
      %swap3A_215 = vector.shape_cast %mul3A_210 : vector<16xf32> to vector<1x16xf32>
      tpu.vector_store %arg10[%swap3A_211, %swap3A_212], %swap3A_215 {strides = array<i32>} : memref<64x128xf32, #tpu.memory_space<vmem>>, vector<1x16xf32>,
      %get3A_216 = arith.index_cast %add3A_147 : i32 to index
      %get3A_217 = arith.constant 80 : index
      %get3A_218 = tpu.vector_load %arg10[%get3A_216, %get3A_217] {strides = array<i32>} : memref<64x128xf32, #tpu.memory_space<vmem>>, vector<1x16xf32>,
      %get3A_219 = vector.shape_cast %get3A_218 : vector<1x16xf32> to vector<16xf32>
      %get3A_220 = arith.index_cast %add3A_147 : i32 to index
      %get3A_221 = arith.constant 80 : index
      %get3A_222 = tpu.vector_load %arg12[%get3A_220, %get3A_221] {strides = array<i32>} : memref<64x128xf32, #tpu.memory_space<vmem>>, vector<1x16xf32>,
      %get3A_223 = vector.shape_cast %get3A_222 : vector<1x16xf32> to vector<16xf32>
      %mul3A_224 = arith.mulf %get3A_219, %get3A_223 : vector<16xf32>
      %swap3A_225 = arith.index_cast %add3A_147 : i32 to index
      %swap3A_226 = arith.constant 80 : index
      %swap3A_227 = tpu.vector_load %arg10[%swap3A_225, %swap3A_226] {strides = array<i32>} : memref<64x128xf32, #tpu.memory_space<vmem>>, vector<1x16xf32>,
      %swap3A_228 = vector.shape_cast %swap3A_227 : vector<1x16xf32> to vector<16xf32>
      %swap3A_229 = vector.shape_cast %mul3A_224 : vector<16xf32> to vector<1x16xf32>
      tpu.vector_store %arg10[%swap3A_225, %swap3A_226], %swap3A_229 {strides = array<i32>} : memref<64x128xf32, #tpu.memory_space<vmem>>, vector<1x16xf32>,
      %get3A_230 = arith.index_cast %add3A_147 : i32 to index
      %get3A_231 = arith.constant 96 : index
      %get3A_232 = tpu.vector_load %arg10[%get3A_230, %get3A_231] {strides = array<i32>} : memref<64x128xf32, #tpu.memory_space<vmem>>, vector<1x16xf32>,
      %get3A_233 = vector.shape_cast %get3A_232 : vector<1x16xf32> to vector<16xf32>
      %get3A_234 = arith.index_cast %add3A_147 : i32 to index
      %get3A_235 = arith.constant 96 : index
      %get3A_236 = tpu.vector_load %arg12[%get3A_234, %get3A_235] {strides = array<i32>} : memref<64x128xf32, #tpu.memory_space<vmem>>, vector<1x16xf32>,
      %get3A_237 = vector.shape_cast %get3A_236 : vector<1x16xf32> to vector<16xf32>
      %mul3A_238 = arith.mulf %get3A_233, %get3A_237 : vector<16xf32>
      %swap3A_239 = arith.index_cast %add3A_147 : i32 to index
      %swap3A_240 = arith.constant 96 : index
      %swap3A_241 = tpu.vector_load %arg10[%swap3A_239, %swap3A_240] {strides = array<i32>} : memref<64x128xf32, #tpu.memory_space<vmem>>, vector<1x16xf32>,
      %swap3A_242 = vector.shape_cast %swap3A_241 : vector<1x16xf32> to vector<16xf32>
      %swap3A_243 = vector.shape_cast %mul3A_238 : vector<16xf32> to vector<1x16xf32>
      tpu.vector_store %arg10[%swap3A_239, %swap3A_240], %swap3A_243 {strides = array<i32>} : memref<64x128xf32, #tpu.memory_space<vmem>>, vector<1x16xf32>,
      %get3A_244 = arith.index_cast %add3A_147 : i32 to index
      %get3A_245 = arith.constant 112 : index
      %get3A_246 = tpu.vector_load %arg10[%get3A_244, %get3A_245] {strides = array<i32>} : memref<64x128xf32, #tpu.memory_space<vmem>>, vector<1x16xf32>,
      %get3A_247 = vector.shape_cast %get3A_246 : vector<1x16xf32> to vector<16xf32>
      %get3A_248 = arith.index_cast %add3A_147 : i32 to index
      %get3A_249 = arith.constant 112 : index
      %get3A_250 = tpu.vector_load %arg12[%get3A_248, %get3A_249] {strides = array<i32>} : memref<64x128xf32, #tpu.memory_space<vmem>>, vector<1x16xf32>,
      %get3A_251 = vector.shape_cast %get3A_250 : vector<1x16xf32> to vector<16xf32>
      %mul3A_252 = arith.mulf %get3A_247, %get3A_251 : vector<16xf32>
      %swap3A_253 = arith.index_cast %add3A_147 : i32 to index
      %swap3A_254 = arith.constant 112 : index
      %swap3A_255 = tpu.vector_load %arg10[%swap3A_253, %swap3A_254] {strides = array<i32>} : memref<64x128xf32, #tpu.memory_space<vmem>>, vector<1x16xf32>,
      %swap3A_256 = vector.shape_cast %swap3A_255 : vector<1x16xf32> to vector<16xf32>
      %swap3A_257 = vector.shape_cast %mul3A_252 : vector<16xf32> to vector<1x16xf32>
      tpu.vector_store %arg10[%swap3A_253, %swap3A_254], %swap3A_257 {strides = array<i32>} : memref<64x128xf32, #tpu.memory_space<vmem>>, vector<1x16xf32>,
    }
    %scan3A_138 = arith.constant 8 : i32
    %mul3A_139 = arith.constant 5000 : i32
    %mul3A_140 = arith.muli %add3A, %mul3A_139 : i32
    %add3A_141 = arith.constant 4992 : i32
    %add3A_142 = arith.addi %mul3A_140, %add3A_141 : i32
    "tpu.region"() ({
      %run_scoped3A = tpu.sem_alloc : memref<!tpu.dma_semaphore, #tpu.memory_space<semaphore_mem>>
      %dma_start3A_143 = arith.constant 0 : i32
      %dma_start3A_144 = arith.constant 0 : i32
      %dma_start3A_145 = tpu.memref_slice %arg10[%dma_start3A_143, %dma_start3A_144] : memref<64x128xf32, #tpu.memory_space<vmem>> -> memref<8x128xf32, #tpu.memory_space<vmem>>
      %dma_start3A_146 = arith.constant 0 : i32
      %dma_start3A_147 = tpu.memref_slice %arg5[%add3A_142, %dma_start3A_146] : memref<160000x128xf32, #tpu.memory_space<hbm>> -> memref<8x128xf32, #tpu.memory_space<hbm>>
      %dma_start3A_148 = arith.constant 0 : i32
      %dma_start3A_149 = tpu.memref_slice %arg5[%add3A_142, %dma_start3A_148] : memref<160000x128xf32, #tpu.memory_space<hbm>> -> memref<8x128xf32, #tpu.memory_space<hbm>>
      %dma_start3A_150 = arith.constant 0 : i32
      %dma_start3A_151 = arith.constant 0 : i32
      %dma_start3A_152 = tpu.memref_slice %arg10[%dma_start3A_150, %dma_start3A_151] : memref<64x128xf32, #tpu.memory_space<vmem>> -> memref<8x128xf32, #tpu.memory_space<vmem>>
      tpu.enqueue_dma source(%dma_start3A_152 : memref<8x128xf32, #tpu.memory_space<vmem>>) target(%dma_start3A_149 : memref<8x128xf32, #tpu.memory_space<hbm>>) target_semaphore(%run_scoped3A : memref<!tpu.dma_semaphore, #tpu.memory_space<semaphore_mem>>)
      %dma_wait3A_153 = arith.constant 0 : i32
      %dma_wait3A_154 = arith.constant 0 : i32
      %dma_wait3A_155 = tpu.memref_slice %arg10[%dma_wait3A_153, %dma_wait3A_154] : memref<64x128xf32, #tpu.memory_space<vmem>> -> memref<8x128xf32, #tpu.memory_space<vmem>>
      %dma_wait3A_156 = arith.constant 0 : i32
      %dma_wait3A_157 = tpu.memref_slice %arg5[%add3A_142, %dma_wait3A_156] : memref<160000x128xf32, #tpu.memory_space<hbm>> -> memref<8x128xf32, #tpu.memory_space<hbm>>
      %dma_wait3A_158 = arith.constant 0 : i32
      %dma_wait3A_159 = tpu.memref_slice %arg5[%add3A_142, %dma_wait3A_158] : memref<160000x128xf32, #tpu.memory_space<hbm>> -> memref<8x128xf32, #tpu.memory_space<hbm>>
      %dma_wait3A_160 = arith.constant 0 : i32
      %dma_wait3A_161 = arith.constant 0 : i32
      %dma_wait3A_162 = tpu.memref_slice %arg10[%dma_wait3A_160, %dma_wait3A_161] : memref<64x128xf32, #tpu.memory_space<vmem>> -> memref<8x128xf32, #tpu.memory_space<vmem>>
      tpu.wait_dma2 semaphore(%run_scoped3A : memref<!tpu.dma_semaphore, #tpu.memory_space<semaphore_mem>>) src(%dma_wait3A_162 : memref<8x128xf32, #tpu.memory_space<vmem>>) dst(%dma_wait3A_159 : memref<8x128xf32, #tpu.memory_space<hbm>>)
      tpu.yield
    }) : () -> ()
    return
  }
}

#map = affine_map<(d0, d1) -> (0, 0)>
#map1 = affine_map<(d0, d1) -> (0)>
module attributes {stable_mosaic.version = 14 : i64} {
  func.func @_phase1(%arg0: i32, %arg1: i32, %arg2: memref<10000x128xf32, #tpu.memory_space<hbm>>, %arg3: memref<320000x128xf32, #tpu.memory_space<hbm>>, %arg4: memref<320000xi32, #tpu.memory_space<hbm>>, %arg5: memref<320000xi32, #tpu.memory_space<hbm>>, %arg6: memref<20480x128xf32, #tpu.memory_space<hbm>>, %arg7: memref<64xi32, #tpu.memory_space<vmem>>, %arg8: memref<64xi32, #tpu.memory_space<vmem>>, %arg9: memref<2x64xi32, #tpu.memory_space<vmem>>, %arg10: memref<1x16xi32, #tpu.memory_space<vmem>>, %arg11: memref<64x128xf32, #tpu.memory_space<vmem>>, %arg12: memref<64x128xf32, #tpu.memory_space<vmem>>, %arg13: memref<64x128xf32, #tpu.memory_space<vmem>>, %arg14: memref<64x128xf32, #tpu.memory_space<vmem>>, %arg15: memref<10240x128xf32, #tpu.memory_space<vmem_shared>>, %arg16: memref<!tpu.dma_semaphore, #tpu.memory_space<semaphore_mem>>, %arg17: memref<!tpu.dma_semaphore, #tpu.memory_space<semaphore_mem>>, %arg18: memref<!tpu.dma_semaphore, #tpu.memory_space<semaphore_mem>>, %arg19: memref<!tpu.dma_semaphore, #tpu.memory_space<semaphore_mem>>, %arg20: memref<!tpu.dma_semaphore, #tpu.memory_space<semaphore_mem>>, %arg21: memref<!tpu.dma_semaphore, #tpu.memory_space<semaphore_mem>>, %arg22: memref<!tpu.dma_semaphore, #tpu.memory_space<semaphore_mem>>, %arg23: memref<!tpu.dma_semaphore, #tpu.memory_space<semaphore_mem>>, %arg24: memref<!tpu.dma_semaphore, #tpu.memory_space<semaphore_mem>>, %arg25: memref<!tpu.dma_semaphore, #tpu.memory_space<semaphore_mem>>) attributes {dimension_semantics = [#tpu.dimension_semantics<core_parallel>, #tpu.dimension_semantics<subcore_parallel>], iteration_bounds = array<i64: 2, 16>, scalar_prefetch = 0 : i64, scratch_operands = 19 : i64, tpu.core_type = #tpu.core_type<sc_vector_subcore>, window_params = [{transform_indices = #map}, {transform_indices = #map}, {transform_indices = #map1}, {transform_indices = #map1}, {transform_indices = #map}]} {
    %mul3A = arith.constant 16 : i32
    %mul3A_0 = arith.muli %arg0, %mul3A : i32
    %add3A = arith.addi %mul3A_0, %arg1 : i32
    %mul3A_1 = arith.constant 10000 : i32
    %mul3A_2 = arith.muli %add3A, %mul3A_1 : i32
    %scan3A = arith.constant 0 : i32
    %scan3A_3 = arith.constant 64 : i32
    %scan3A_4 = arith.addi %scan3A, %scan3A_3 : i32
    %scan3A_5 = arith.constant 1 : i32
    scf.for %scan3A_192 = %scan3A to %scan3A_4 step %scan3A_5  : i32 {
      %mul3A_193 = arith.constant 1 : i32
      %mul3A_194 = arith.muli %scan3A_192, %mul3A_193 : i32
      %add3A_195 = arith.constant 0 : i32
      %add3A_196 = arith.addi %add3A_195, %mul3A_194 : i32
      %broadcast_in_dim3A = arith.constant 0.000000e+00 : f32
      %broadcast_in_dim3A_197 = vector.broadcast %broadcast_in_dim3A : f32 to vector<16xf32>
      %swap3A = arith.index_cast %add3A_196 : i32 to index
      %swap3A_198 = arith.constant 0 : index
      %swap3A_199 = tpu.vector_load %arg13[%swap3A, %swap3A_198] {strides = array<i32>} : memref<64x128xf32, #tpu.memory_space<vmem>>, vector<1x16xf32>,
      %swap3A_200 = vector.shape_cast %swap3A_199 : vector<1x16xf32> to vector<16xf32>
      %swap3A_201 = vector.shape_cast %broadcast_in_dim3A_197 : vector<16xf32> to vector<1x16xf32>
      tpu.vector_store %arg13[%swap3A, %swap3A_198], %swap3A_201 {strides = array<i32>} : memref<64x128xf32, #tpu.memory_space<vmem>>, vector<1x16xf32>,
      %broadcast_in_dim3A_202 = arith.constant 0.000000e+00 : f32
      %broadcast_in_dim3A_203 = vector.broadcast %broadcast_in_dim3A_202 : f32 to vector<16xf32>
      %swap3A_204 = arith.index_cast %add3A_196 : i32 to index
      %swap3A_205 = arith.constant 16 : index
      %swap3A_206 = tpu.vector_load %arg13[%swap3A_204, %swap3A_205] {strides = array<i32>} : memref<64x128xf32, #tpu.memory_space<vmem>>, vector<1x16xf32>,
      %swap3A_207 = vector.shape_cast %swap3A_206 : vector<1x16xf32> to vector<16xf32>
      %swap3A_208 = vector.shape_cast %broadcast_in_dim3A_203 : vector<16xf32> to vector<1x16xf32>
      tpu.vector_store %arg13[%swap3A_204, %swap3A_205], %swap3A_208 {strides = array<i32>} : memref<64x128xf32, #tpu.memory_space<vmem>>, vector<1x16xf32>,
      %broadcast_in_dim3A_209 = arith.constant 0.000000e+00 : f32
      %broadcast_in_dim3A_210 = vector.broadcast %broadcast_in_dim3A_209 : f32 to vector<16xf32>
      %swap3A_211 = arith.index_cast %add3A_196 : i32 to index
      %swap3A_212 = arith.constant 32 : index
      %swap3A_213 = tpu.vector_load %arg13[%swap3A_211, %swap3A_212] {strides = array<i32>} : memref<64x128xf32, #tpu.memory_space<vmem>>, vector<1x16xf32>,
      %swap3A_214 = vector.shape_cast %swap3A_213 : vector<1x16xf32> to vector<16xf32>
      %swap3A_215 = vector.shape_cast %broadcast_in_dim3A_210 : vector<16xf32> to vector<1x16xf32>
      tpu.vector_store %arg13[%swap3A_211, %swap3A_212], %swap3A_215 {strides = array<i32>} : memref<64x128xf32, #tpu.memory_space<vmem>>, vector<1x16xf32>,
      %broadcast_in_dim3A_216 = arith.constant 0.000000e+00 : f32
      %broadcast_in_dim3A_217 = vector.broadcast %broadcast_in_dim3A_216 : f32 to vector<16xf32>
      %swap3A_218 = arith.index_cast %add3A_196 : i32 to index
      %swap3A_219 = arith.constant 48 : index
      %swap3A_220 = tpu.vector_load %arg13[%swap3A_218, %swap3A_219] {strides = array<i32>} : memref<64x128xf32, #tpu.memory_space<vmem>>, vector<1x16xf32>,
      %swap3A_221 = vector.shape_cast %swap3A_220 : vector<1x16xf32> to vector<16xf32>
      %swap3A_222 = vector.shape_cast %broadcast_in_dim3A_217 : vector<16xf32> to vector<1x16xf32>
      tpu.vector_store %arg13[%swap3A_218, %swap3A_219], %swap3A_222 {strides = array<i32>} : memref<64x128xf32, #tpu.memory_space<vmem>>, vector<1x16xf32>,
      %broadcast_in_dim3A_223 = arith.constant 0.000000e+00 : f32
      %broadcast_in_dim3A_224 = vector.broadcast %broadcast_in_dim3A_223 : f32 to vector<16xf32>
      %swap3A_225 = arith.index_cast %add3A_196 : i32 to index
      %swap3A_226 = arith.constant 64 : index
      %swap3A_227 = tpu.vector_load %arg13[%swap3A_225, %swap3A_226] {strides = array<i32>} : memref<64x128xf32, #tpu.memory_space<vmem>>, vector<1x16xf32>,
      %swap3A_228 = vector.shape_cast %swap3A_227 : vector<1x16xf32> to vector<16xf32>
      %swap3A_229 = vector.shape_cast %broadcast_in_dim3A_224 : vector<16xf32> to vector<1x16xf32>
      tpu.vector_store %arg13[%swap3A_225, %swap3A_226], %swap3A_229 {strides = array<i32>} : memref<64x128xf32, #tpu.memory_space<vmem>>, vector<1x16xf32>,
      %broadcast_in_dim3A_230 = arith.constant 0.000000e+00 : f32
      %broadcast_in_dim3A_231 = vector.broadcast %broadcast_in_dim3A_230 : f32 to vector<16xf32>
      %swap3A_232 = arith.index_cast %add3A_196 : i32 to index
      %swap3A_233 = arith.constant 80 : index
      %swap3A_234 = tpu.vector_load %arg13[%swap3A_232, %swap3A_233] {strides = array<i32>} : memref<64x128xf32, #tpu.memory_space<vmem>>, vector<1x16xf32>,
      %swap3A_235 = vector.shape_cast %swap3A_234 : vector<1x16xf32> to vector<16xf32>
      %swap3A_236 = vector.shape_cast %broadcast_in_dim3A_231 : vector<16xf32> to vector<1x16xf32>
      tpu.vector_store %arg13[%swap3A_232, %swap3A_233], %swap3A_236 {strides = array<i32>} : memref<64x128xf32, #tpu.memory_space<vmem>>, vector<1x16xf32>,
      %broadcast_in_dim3A_237 = arith.constant 0.000000e+00 : f32
      %broadcast_in_dim3A_238 = vector.broadcast %broadcast_in_dim3A_237 : f32 to vector<16xf32>
      %swap3A_239 = arith.index_cast %add3A_196 : i32 to index
      %swap3A_240 = arith.constant 96 : index
      %swap3A_241 = tpu.vector_load %arg13[%swap3A_239, %swap3A_240] {strides = array<i32>} : memref<64x128xf32, #tpu.memory_space<vmem>>, vector<1x16xf32>,
      %swap3A_242 = vector.shape_cast %swap3A_241 : vector<1x16xf32> to vector<16xf32>
      %swap3A_243 = vector.shape_cast %broadcast_in_dim3A_238 : vector<16xf32> to vector<1x16xf32>
      tpu.vector_store %arg13[%swap3A_239, %swap3A_240], %swap3A_243 {strides = array<i32>} : memref<64x128xf32, #tpu.memory_space<vmem>>, vector<1x16xf32>,
      %broadcast_in_dim3A_244 = arith.constant 0.000000e+00 : f32
      %broadcast_in_dim3A_245 = vector.broadcast %broadcast_in_dim3A_244 : f32 to vector<16xf32>
      %swap3A_246 = arith.index_cast %add3A_196 : i32 to index
      %swap3A_247 = arith.constant 112 : index
      %swap3A_248 = tpu.vector_load %arg13[%swap3A_246, %swap3A_247] {strides = array<i32>} : memref<64x128xf32, #tpu.memory_space<vmem>>, vector<1x16xf32>,
      %swap3A_249 = vector.shape_cast %swap3A_248 : vector<1x16xf32> to vector<16xf32>
      %swap3A_250 = vector.shape_cast %broadcast_in_dim3A_245 : vector<16xf32> to vector<1x16xf32>
      tpu.vector_store %arg13[%swap3A_246, %swap3A_247], %swap3A_250 {strides = array<i32>} : memref<64x128xf32, #tpu.memory_space<vmem>>, vector<1x16xf32>,
    }
    %scan3A_6 = arith.constant 64 : i32
    %scan3A_7 = arith.constant 0 : i32
    %scan3A_8 = arith.constant 10 : i32
    %scan3A_9 = arith.addi %scan3A_7, %scan3A_8 : i32
    %scan3A_10 = arith.constant 1 : i32
    scf.for %scan3A_192 = %scan3A_7 to %scan3A_9 step %scan3A_10  : i32 {
      %mul3A_193 = arith.constant 1 : i32
      %mul3A_194 = arith.muli %scan3A_192, %mul3A_193 : i32
      %add3A_195 = arith.constant 0 : i32
      %add3A_196 = arith.addi %add3A_195, %mul3A_194 : i32
      %mul3A_197 = arith.constant 640 : i32
      %mul3A_198 = arith.muli %arg1, %mul3A_197 : i32
      %mul3A_199 = arith.constant 64 : i32
      %mul3A_200 = arith.muli %add3A_196, %mul3A_199 : i32
      %add3A_201 = arith.addi %mul3A_198, %mul3A_200 : i32
      "tpu.region"() ({
        %run_scoped3A_202 = tpu.sem_alloc : memref<!tpu.dma_semaphore, #tpu.memory_space<semaphore_mem>>
        %dma_start3A_203 = arith.constant 0 : i32
        %dma_start3A_204 = tpu.memref_slice %arg15[%add3A_201, %dma_start3A_203] : memref<10240x128xf32, #tpu.memory_space<vmem_shared>> -> memref<64x128xf32, #tpu.memory_space<vmem_shared>>
        %dma_start3A_205 = arith.constant 0 : i32
        %dma_start3A_206 = tpu.memref_slice %arg15[%add3A_201, %dma_start3A_205] : memref<10240x128xf32, #tpu.memory_space<vmem_shared>> -> memref<64x128xf32, #tpu.memory_space<vmem_shared>>
        tpu.enqueue_dma source(%arg13 : memref<64x128xf32, #tpu.memory_space<vmem>>) target(%dma_start3A_206 : memref<64x128xf32, #tpu.memory_space<vmem_shared>>) target_semaphore(%run_scoped3A_202 : memref<!tpu.dma_semaphore, #tpu.memory_space<semaphore_mem>>)
        %dma_wait3A_207 = arith.constant 0 : i32
        %dma_wait3A_208 = tpu.memref_slice %arg15[%add3A_201, %dma_wait3A_207] : memref<10240x128xf32, #tpu.memory_space<vmem_shared>> -> memref<64x128xf32, #tpu.memory_space<vmem_shared>>
        %dma_wait3A_209 = arith.constant 0 : i32
        %dma_wait3A_210 = tpu.memref_slice %arg15[%add3A_201, %dma_wait3A_209] : memref<10240x128xf32, #tpu.memory_space<vmem_shared>> -> memref<64x128xf32, #tpu.memory_space<vmem_shared>>
        tpu.wait_dma2 semaphore(%run_scoped3A_202 : memref<!tpu.dma_semaphore, #tpu.memory_space<semaphore_mem>>) src(%arg13 : memref<64x128xf32, #tpu.memory_space<vmem>>) dst(%dma_wait3A_210 : memref<64x128xf32, #tpu.memory_space<vmem_shared>>)
        tpu.yield
      }) : () -> ()
    }
    %scan3A_11 = arith.constant 10 : i32
    %barrier3A = arith.constant 0 : index
    tpu.barrier barrier_id(%barrier3A)
    %run_scoped3A = arith.constant 0 : i32
    "tpu.region"() ({
      %run_scoped3A_192 = tpu.sem_alloc : memref<!tpu.dma_semaphore, #tpu.memory_space<semaphore_mem>>
      %dma_start3A_193 = arith.constant 0 : i32
      %dma_start3A_194 = tpu.memref_slice %arg9[%run_scoped3A, %dma_start3A_193] : memref<2x64xi32, #tpu.memory_space<vmem>> -> memref<1x64xi32, #tpu.memory_space<vmem>>
      %dma_start3A_195 = tpu.memref_squeeze %dma_start3A_194 : memref<1x64xi32, #tpu.memory_space<vmem>> -> memref<64xi32, #tpu.memory_space<vmem>>
      %dma_start3A_196 = tpu.memref_slice %arg5[%mul3A_2] : memref<320000xi32, #tpu.memory_space<hbm>> -> memref<64xi32, #tpu.memory_space<hbm>>
      %dma_start3A_197 = arith.constant 0 : i32
      %dma_start3A_198 = tpu.memref_slice %arg9[%run_scoped3A, %dma_start3A_197] : memref<2x64xi32, #tpu.memory_space<vmem>> -> memref<1x64xi32, #tpu.memory_space<vmem>>
      %dma_start3A_199 = tpu.memref_squeeze %dma_start3A_198 : memref<1x64xi32, #tpu.memory_space<vmem>> -> memref<64xi32, #tpu.memory_space<vmem>>
      %dma_start3A_200 = tpu.memref_slice %arg5[%mul3A_2] : memref<320000xi32, #tpu.memory_space<hbm>> -> memref<64xi32, #tpu.memory_space<hbm>>
      tpu.enqueue_dma source(%dma_start3A_200 : memref<64xi32, #tpu.memory_space<hbm>>) target(%dma_start3A_199 : memref<64xi32, #tpu.memory_space<vmem>>) target_semaphore(%run_scoped3A_192 : memref<!tpu.dma_semaphore, #tpu.memory_space<semaphore_mem>>)
      %dma_wait3A_201 = arith.constant 0 : i32
      %dma_wait3A_202 = tpu.memref_slice %arg9[%run_scoped3A, %dma_wait3A_201] : memref<2x64xi32, #tpu.memory_space<vmem>> -> memref<1x64xi32, #tpu.memory_space<vmem>>
      %dma_wait3A_203 = tpu.memref_squeeze %dma_wait3A_202 : memref<1x64xi32, #tpu.memory_space<vmem>> -> memref<64xi32, #tpu.memory_space<vmem>>
      %dma_wait3A_204 = tpu.memref_slice %arg5[%mul3A_2] : memref<320000xi32, #tpu.memory_space<hbm>> -> memref<64xi32, #tpu.memory_space<hbm>>
      %dma_wait3A_205 = arith.constant 0 : i32
      %dma_wait3A_206 = tpu.memref_slice %arg9[%run_scoped3A, %dma_wait3A_205] : memref<2x64xi32, #tpu.memory_space<vmem>> -> memref<1x64xi32, #tpu.memory_space<vmem>>
      %dma_wait3A_207 = tpu.memref_squeeze %dma_wait3A_206 : memref<1x64xi32, #tpu.memory_space<vmem>> -> memref<64xi32, #tpu.memory_space<vmem>>
      %dma_wait3A_208 = tpu.memref_slice %arg5[%mul3A_2] : memref<320000xi32, #tpu.memory_space<hbm>> -> memref<64xi32, #tpu.memory_space<hbm>>
      tpu.wait_dma2 semaphore(%run_scoped3A_192 : memref<!tpu.dma_semaphore, #tpu.memory_space<semaphore_mem>>) src(%dma_wait3A_208 : memref<64xi32, #tpu.memory_space<hbm>>) dst(%dma_wait3A_207 : memref<64xi32, #tpu.memory_space<vmem>>)
      tpu.yield
    }) : () -> ()
    %add3A_12 = arith.constant 64 : i32
    %add3A_13 = arith.addi %mul3A_2, %add3A_12 : i32
    %run_scoped3A_14 = arith.constant 1 : i32
    "tpu.region"() ({
      %run_scoped3A_192 = tpu.sem_alloc : memref<!tpu.dma_semaphore, #tpu.memory_space<semaphore_mem>>
      %dma_start3A_193 = arith.constant 0 : i32
      %dma_start3A_194 = tpu.memref_slice %arg9[%run_scoped3A_14, %dma_start3A_193] : memref<2x64xi32, #tpu.memory_space<vmem>> -> memref<1x64xi32, #tpu.memory_space<vmem>>
      %dma_start3A_195 = tpu.memref_squeeze %dma_start3A_194 : memref<1x64xi32, #tpu.memory_space<vmem>> -> memref<64xi32, #tpu.memory_space<vmem>>
      %dma_start3A_196 = tpu.memref_slice %arg5[%add3A_13] : memref<320000xi32, #tpu.memory_space<hbm>> -> memref<64xi32, #tpu.memory_space<hbm>>
      %dma_start3A_197 = arith.constant 0 : i32
      %dma_start3A_198 = tpu.memref_slice %arg9[%run_scoped3A_14, %dma_start3A_197] : memref<2x64xi32, #tpu.memory_space<vmem>> -> memref<1x64xi32, #tpu.memory_space<vmem>>
      %dma_start3A_199 = tpu.memref_squeeze %dma_start3A_198 : memref<1x64xi32, #tpu.memory_space<vmem>> -> memref<64xi32, #tpu.memory_space<vmem>>
      %dma_start3A_200 = tpu.memref_slice %arg5[%add3A_13] : memref<320000xi32, #tpu.memory_space<hbm>> -> memref<64xi32, #tpu.memory_space<hbm>>
      tpu.enqueue_dma source(%dma_start3A_200 : memref<64xi32, #tpu.memory_space<hbm>>) target(%dma_start3A_199 : memref<64xi32, #tpu.memory_space<vmem>>) target_semaphore(%run_scoped3A_192 : memref<!tpu.dma_semaphore, #tpu.memory_space<semaphore_mem>>)
      %dma_wait3A_201 = arith.constant 0 : i32
      %dma_wait3A_202 = tpu.memref_slice %arg9[%run_scoped3A_14, %dma_wait3A_201] : memref<2x64xi32, #tpu.memory_space<vmem>> -> memref<1x64xi32, #tpu.memory_space<vmem>>
      %dma_wait3A_203 = tpu.memref_squeeze %dma_wait3A_202 : memref<1x64xi32, #tpu.memory_space<vmem>> -> memref<64xi32, #tpu.memory_space<vmem>>
      %dma_wait3A_204 = tpu.memref_slice %arg5[%add3A_13] : memref<320000xi32, #tpu.memory_space<hbm>> -> memref<64xi32, #tpu.memory_space<hbm>>
      %dma_wait3A_205 = arith.constant 0 : i32
      %dma_wait3A_206 = tpu.memref_slice %arg9[%run_scoped3A_14, %dma_wait3A_205] : memref<2x64xi32, #tpu.memory_space<vmem>> -> memref<1x64xi32, #tpu.memory_space<vmem>>
      %dma_wait3A_207 = tpu.memref_squeeze %dma_wait3A_206 : memref<1x64xi32, #tpu.memory_space<vmem>> -> memref<64xi32, #tpu.memory_space<vmem>>
      %dma_wait3A_208 = tpu.memref_slice %arg5[%add3A_13] : memref<320000xi32, #tpu.memory_space<hbm>> -> memref<64xi32, #tpu.memory_space<hbm>>
      tpu.wait_dma2 semaphore(%run_scoped3A_192 : memref<!tpu.dma_semaphore, #tpu.memory_space<semaphore_mem>>) src(%dma_wait3A_208 : memref<64xi32, #tpu.memory_space<hbm>>) dst(%dma_wait3A_207 : memref<64xi32, #tpu.memory_space<vmem>>)
      tpu.yield
    }) : () -> ()
    "tpu.region"() ({
      %run_scoped3A_192 = tpu.sem_alloc : memref<!tpu.dma_semaphore, #tpu.memory_space<semaphore_mem>>
      %dma_start3A_193 = tpu.memref_slice %arg4[%mul3A_2] : memref<320000xi32, #tpu.memory_space<hbm>> -> memref<64xi32, #tpu.memory_space<hbm>>
      %dma_start3A_194 = tpu.memref_slice %arg4[%mul3A_2] : memref<320000xi32, #tpu.memory_space<hbm>> -> memref<64xi32, #tpu.memory_space<hbm>>
      tpu.enqueue_dma source(%dma_start3A_194 : memref<64xi32, #tpu.memory_space<hbm>>) target(%arg7 : memref<64xi32, #tpu.memory_space<vmem>>) target_semaphore(%run_scoped3A_192 : memref<!tpu.dma_semaphore, #tpu.memory_space<semaphore_mem>>)
      %dma_wait3A_195 = tpu.memref_slice %arg4[%mul3A_2] : memref<320000xi32, #tpu.memory_space<hbm>> -> memref<64xi32, #tpu.memory_space<hbm>>
      %dma_wait3A_196 = tpu.memref_slice %arg4[%mul3A_2] : memref<320000xi32, #tpu.memory_space<hbm>> -> memref<64xi32, #tpu.memory_space<hbm>>
      tpu.wait_dma2 semaphore(%run_scoped3A_192 : memref<!tpu.dma_semaphore, #tpu.memory_space<semaphore_mem>>) src(%dma_wait3A_196 : memref<64xi32, #tpu.memory_space<hbm>>) dst(%arg7 : memref<64xi32, #tpu.memory_space<vmem>>)
      tpu.yield
    }) : () -> ()
    %add3A_15 = arith.constant 64 : i32
    %add3A_16 = arith.addi %mul3A_2, %add3A_15 : i32
    "tpu.region"() ({
      %run_scoped3A_192 = tpu.sem_alloc : memref<!tpu.dma_semaphore, #tpu.memory_space<semaphore_mem>>
      %dma_start3A_193 = tpu.memref_slice %arg4[%add3A_16] : memref<320000xi32, #tpu.memory_space<hbm>> -> memref<64xi32, #tpu.memory_space<hbm>>
      %dma_start3A_194 = tpu.memref_slice %arg4[%add3A_16] : memref<320000xi32, #tpu.memory_space<hbm>> -> memref<64xi32, #tpu.memory_space<hbm>>
      tpu.enqueue_dma source(%dma_start3A_194 : memref<64xi32, #tpu.memory_space<hbm>>) target(%arg8 : memref<64xi32, #tpu.memory_space<vmem>>) target_semaphore(%run_scoped3A_192 : memref<!tpu.dma_semaphore, #tpu.memory_space<semaphore_mem>>)
      %dma_wait3A_195 = tpu.memref_slice %arg4[%add3A_16] : memref<320000xi32, #tpu.memory_space<hbm>> -> memref<64xi32, #tpu.memory_space<hbm>>
      %dma_wait3A_196 = tpu.memref_slice %arg4[%add3A_16] : memref<320000xi32, #tpu.memory_space<hbm>> -> memref<64xi32, #tpu.memory_space<hbm>>
      tpu.wait_dma2 semaphore(%run_scoped3A_192 : memref<!tpu.dma_semaphore, #tpu.memory_space<semaphore_mem>>) src(%dma_wait3A_196 : memref<64xi32, #tpu.memory_space<hbm>>) dst(%arg8 : memref<64xi32, #tpu.memory_space<vmem>>)
      tpu.yield
    }) : () -> ()
    %min3A = arith.constant 0 : i32
    %min3A_17 = arith.constant 155 : i32
    %min3A_18 = arith.minsi %min3A, %min3A_17 : i32
    %dma_start3A = arith.constant 0 : i32
    %dma_start3A_19 = arith.constant 0 : i32
    %dma_start3A_20 = tpu.memref_slice %arg2[%dma_start3A, %dma_start3A_19] : memref<10000x128xf32, #tpu.memory_space<hbm>> -> memref<10000x128xf32, #tpu.memory_space<hbm>>
    tpu.enqueue_indirect_dma source(%dma_start3A_20 : memref<10000x128xf32, #tpu.memory_space<hbm>>) target(%arg11 : memref<64x128xf32, #tpu.memory_space<vmem>>) offsets(%arg7 : memref<64xi32, #tpu.memory_space<vmem>>) semaphore(%arg16 : memref<!tpu.dma_semaphore, #tpu.memory_space<semaphore_mem>>)
    %mul3A_21 = arith.constant 64 : i32
    %mul3A_22 = arith.muli %min3A_18, %mul3A_21 : i32
    %add3A_23 = arith.addi %mul3A_2, %mul3A_22 : i32
    %dma_start3A_24 = arith.constant 0 : i32
    %dma_start3A_25 = tpu.memref_slice %arg3[%add3A_23, %dma_start3A_24] : memref<320000x128xf32, #tpu.memory_space<hbm>> -> memref<64x128xf32, #tpu.memory_space<hbm>>
    %dma_start3A_26 = arith.constant 0 : i32
    %dma_start3A_27 = tpu.memref_slice %arg3[%add3A_23, %dma_start3A_26] : memref<320000x128xf32, #tpu.memory_space<hbm>> -> memref<64x128xf32, #tpu.memory_space<hbm>>
    tpu.enqueue_dma source(%dma_start3A_27 : memref<64x128xf32, #tpu.memory_space<hbm>>) target(%arg13 : memref<64x128xf32, #tpu.memory_space<vmem>>) target_semaphore(%arg18 : memref<!tpu.dma_semaphore, #tpu.memory_space<semaphore_mem>>)
    %min3A_28 = arith.constant 1 : i32
    %min3A_29 = arith.constant 155 : i32
    %min3A_30 = arith.minsi %min3A_28, %min3A_29 : i32
    %dma_start3A_31 = arith.constant 0 : i32
    %dma_start3A_32 = arith.constant 0 : i32
    %dma_start3A_33 = tpu.memref_slice %arg2[%dma_start3A_31, %dma_start3A_32] : memref<10000x128xf32, #tpu.memory_space<hbm>> -> memref<10000x128xf32, #tpu.memory_space<hbm>>
    tpu.enqueue_indirect_dma source(%dma_start3A_33 : memref<10000x128xf32, #tpu.memory_space<hbm>>) target(%arg12 : memref<64x128xf32, #tpu.memory_space<vmem>>) offsets(%arg8 : memref<64xi32, #tpu.memory_space<vmem>>) semaphore(%arg17 : memref<!tpu.dma_semaphore, #tpu.memory_space<semaphore_mem>>)
    %mul3A_34 = arith.constant 64 : i32
    %mul3A_35 = arith.muli %min3A_30, %mul3A_34 : i32
    %add3A_36 = arith.addi %mul3A_2, %mul3A_35 : i32
    %dma_start3A_37 = arith.constant 0 : i32
    %dma_start3A_38 = tpu.memref_slice %arg3[%add3A_36, %dma_start3A_37] : memref<320000x128xf32, #tpu.memory_space<hbm>> -> memref<64x128xf32, #tpu.memory_space<hbm>>
    %dma_start3A_39 = arith.constant 0 : i32
    %dma_start3A_40 = tpu.memref_slice %arg3[%add3A_36, %dma_start3A_39] : memref<320000x128xf32, #tpu.memory_space<hbm>> -> memref<64x128xf32, #tpu.memory_space<hbm>>
    tpu.enqueue_dma source(%dma_start3A_40 : memref<64x128xf32, #tpu.memory_space<hbm>>) target(%arg14 : memref<64x128xf32, #tpu.memory_space<vmem>>) target_semaphore(%arg19 : memref<!tpu.dma_semaphore, #tpu.memory_space<semaphore_mem>>)
    %dma_wait3A = arith.constant 0 : i32
    %dma_wait3A_41 = arith.constant 0 : i32
    %dma_wait3A_42 = tpu.memref_slice %arg2[%dma_wait3A, %dma_wait3A_41] : memref<10000x128xf32, #tpu.memory_space<hbm>> -> memref<10000x128xf32, #tpu.memory_space<hbm>>
    tpu.wait_indirect_dma semaphore(%arg16 : memref<!tpu.dma_semaphore, #tpu.memory_space<semaphore_mem>>) src(%dma_wait3A_42 : memref<10000x128xf32, #tpu.memory_space<hbm>>) dst(%arg11 : memref<64x128xf32, #tpu.memory_space<vmem>>)
    %dma_wait3A_43 = arith.constant 0 : i32
    %dma_wait3A_44 = arith.constant 0 : i32
    %dma_wait3A_45 = tpu.memref_slice %arg3[%dma_wait3A_43, %dma_wait3A_44] : memref<320000x128xf32, #tpu.memory_space<hbm>> -> memref<64x128xf32, #tpu.memory_space<hbm>>
    %dma_wait3A_46 = arith.constant 0 : i32
    %dma_wait3A_47 = arith.constant 0 : i32
    %dma_wait3A_48 = tpu.memref_slice %arg3[%dma_wait3A_46, %dma_wait3A_47] : memref<320000x128xf32, #tpu.memory_space<hbm>> -> memref<64x128xf32, #tpu.memory_space<hbm>>
    tpu.wait_dma2 semaphore(%arg18 : memref<!tpu.dma_semaphore, #tpu.memory_space<semaphore_mem>>) src(%dma_wait3A_48 : memref<64x128xf32, #tpu.memory_space<hbm>>) dst(%arg13 : memref<64x128xf32, #tpu.memory_space<vmem>>)
    %min3A_49 = arith.constant 2 : i32
    %min3A_50 = arith.constant 155 : i32
    %min3A_51 = arith.minsi %min3A_49, %min3A_50 : i32
    %mul3A_52 = arith.constant 64 : i32
    %mul3A_53 = arith.muli %min3A_51, %mul3A_52 : i32
    %add3A_54 = arith.addi %mul3A_2, %mul3A_53 : i32
    %dma_start3A_55 = tpu.memref_slice %arg4[%add3A_54] : memref<320000xi32, #tpu.memory_space<hbm>> -> memref<64xi32, #tpu.memory_space<hbm>>
    %dma_start3A_56 = tpu.memref_slice %arg4[%add3A_54] : memref<320000xi32, #tpu.memory_space<hbm>> -> memref<64xi32, #tpu.memory_space<hbm>>
    tpu.enqueue_dma source(%dma_start3A_56 : memref<64xi32, #tpu.memory_space<hbm>>) target(%arg7 : memref<64xi32, #tpu.memory_space<vmem>>) target_semaphore(%arg22 : memref<!tpu.dma_semaphore, #tpu.memory_space<semaphore_mem>>)
    %scan3A_57 = arith.constant 0 : i32
    %scan3A_58 = arith.constant 64 : i32
    %scan3A_59 = arith.addi %scan3A_57, %scan3A_58 : i32
    %scan3A_60 = arith.constant 1 : i32
    scf.for %scan3A_192 = %scan3A_57 to %scan3A_59 step %scan3A_60  : i32 {
      %mul3A_193 = arith.constant 1 : i32
      %mul3A_194 = arith.muli %scan3A_192, %mul3A_193 : i32
      %add3A_195 = arith.constant 0 : i32
      %add3A_196 = arith.addi %add3A_195, %mul3A_194 : i32
      %get3A = arith.index_cast %add3A_196 : i32 to index
      %get3A_197 = arith.constant 0 : index
      %get3A_198 = tpu.vector_load %arg13[%get3A, %get3A_197] {strides = array<i32>} : memref<64x128xf32, #tpu.memory_space<vmem>>, vector<1x16xf32>,
      %get3A_199 = vector.shape_cast %get3A_198 : vector<1x16xf32> to vector<16xf32>
      %get3A_200 = arith.index_cast %add3A_196 : i32 to index
      %get3A_201 = arith.constant 0 : index
      %get3A_202 = tpu.vector_load %arg11[%get3A_200, %get3A_201] {strides = array<i32>} : memref<64x128xf32, #tpu.memory_space<vmem>>, vector<1x16xf32>,
      %get3A_203 = vector.shape_cast %get3A_202 : vector<1x16xf32> to vector<16xf32>
      %mul3A_204 = arith.mulf %get3A_199, %get3A_203 : vector<16xf32>
      %swap3A = arith.index_cast %add3A_196 : i32 to index
      %swap3A_205 = arith.constant 0 : index
      %swap3A_206 = tpu.vector_load %arg13[%swap3A, %swap3A_205] {strides = array<i32>} : memref<64x128xf32, #tpu.memory_space<vmem>>, vector<1x16xf32>,
      %swap3A_207 = vector.shape_cast %swap3A_206 : vector<1x16xf32> to vector<16xf32>
      %swap3A_208 = vector.shape_cast %mul3A_204 : vector<16xf32> to vector<1x16xf32>
      tpu.vector_store %arg13[%swap3A, %swap3A_205], %swap3A_208 {strides = array<i32>} : memref<64x128xf32, #tpu.memory_space<vmem>>, vector<1x16xf32>,
      %get3A_209 = arith.index_cast %add3A_196 : i32 to index
      %get3A_210 = arith.constant 16 : index
      %get3A_211 = tpu.vector_load %arg13[%get3A_209, %get3A_210] {strides = array<i32>} : memref<64x128xf32, #tpu.memory_space<vmem>>, vector<1x16xf32>,
      %get3A_212 = vector.shape_cast %get3A_211 : vector<1x16xf32> to vector<16xf32>
      %get3A_213 = arith.index_cast %add3A_196 : i32 to index
      %get3A_214 = arith.constant 16 : index
      %get3A_215 = tpu.vector_load %arg11[%get3A_213, %get3A_214] {strides = array<i32>} : memref<64x128xf32, #tpu.memory_space<vmem>>, vector<1x16xf32>,
      %get3A_216 = vector.shape_cast %get3A_215 : vector<1x16xf32> to vector<16xf32>
      %mul3A_217 = arith.mulf %get3A_212, %get3A_216 : vector<16xf32>
      %swap3A_218 = arith.index_cast %add3A_196 : i32 to index
      %swap3A_219 = arith.constant 16 : index
      %swap3A_220 = tpu.vector_load %arg13[%swap3A_218, %swap3A_219] {strides = array<i32>} : memref<64x128xf32, #tpu.memory_space<vmem>>, vector<1x16xf32>,
      %swap3A_221 = vector.shape_cast %swap3A_220 : vector<1x16xf32> to vector<16xf32>
      %swap3A_222 = vector.shape_cast %mul3A_217 : vector<16xf32> to vector<1x16xf32>
      tpu.vector_store %arg13[%swap3A_218, %swap3A_219], %swap3A_222 {strides = array<i32>} : memref<64x128xf32, #tpu.memory_space<vmem>>, vector<1x16xf32>,
      %get3A_223 = arith.index_cast %add3A_196 : i32 to index
      %get3A_224 = arith.constant 32 : index
      %get3A_225 = tpu.vector_load %arg13[%get3A_223, %get3A_224] {strides = array<i32>} : memref<64x128xf32, #tpu.memory_space<vmem>>, vector<1x16xf32>,
      %get3A_226 = vector.shape_cast %get3A_225 : vector<1x16xf32> to vector<16xf32>
      %get3A_227 = arith.index_cast %add3A_196 : i32 to index
      %get3A_228 = arith.constant 32 : index
      %get3A_229 = tpu.vector_load %arg11[%get3A_227, %get3A_228] {strides = array<i32>} : memref<64x128xf32, #tpu.memory_space<vmem>>, vector<1x16xf32>,
      %get3A_230 = vector.shape_cast %get3A_229 : vector<1x16xf32> to vector<16xf32>
      %mul3A_231 = arith.mulf %get3A_226, %get3A_230 : vector<16xf32>
      %swap3A_232 = arith.index_cast %add3A_196 : i32 to index
      %swap3A_233 = arith.constant 32 : index
      %swap3A_234 = tpu.vector_load %arg13[%swap3A_232, %swap3A_233] {strides = array<i32>} : memref<64x128xf32, #tpu.memory_space<vmem>>, vector<1x16xf32>,
      %swap3A_235 = vector.shape_cast %swap3A_234 : vector<1x16xf32> to vector<16xf32>
      %swap3A_236 = vector.shape_cast %mul3A_231 : vector<16xf32> to vector<1x16xf32>
      tpu.vector_store %arg13[%swap3A_232, %swap3A_233], %swap3A_236 {strides = array<i32>} : memref<64x128xf32, #tpu.memory_space<vmem>>, vector<1x16xf32>,
      %get3A_237 = arith.index_cast %add3A_196 : i32 to index
      %get3A_238 = arith.constant 48 : index
      %get3A_239 = tpu.vector_load %arg13[%get3A_237, %get3A_238] {strides = array<i32>} : memref<64x128xf32, #tpu.memory_space<vmem>>, vector<1x16xf32>,
      %get3A_240 = vector.shape_cast %get3A_239 : vector<1x16xf32> to vector<16xf32>
      %get3A_241 = arith.index_cast %add3A_196 : i32 to index
      %get3A_242 = arith.constant 48 : index
      %get3A_243 = tpu.vector_load %arg11[%get3A_241, %get3A_242] {strides = array<i32>} : memref<64x128xf32, #tpu.memory_space<vmem>>, vector<1x16xf32>,
      %get3A_244 = vector.shape_cast %get3A_243 : vector<1x16xf32> to vector<16xf32>
      %mul3A_245 = arith.mulf %get3A_240, %get3A_244 : vector<16xf32>
      %swap3A_246 = arith.index_cast %add3A_196 : i32 to index
      %swap3A_247 = arith.constant 48 : index
      %swap3A_248 = tpu.vector_load %arg13[%swap3A_246, %swap3A_247] {strides = array<i32>} : memref<64x128xf32, #tpu.memory_space<vmem>>, vector<1x16xf32>,
      %swap3A_249 = vector.shape_cast %swap3A_248 : vector<1x16xf32> to vector<16xf32>
      %swap3A_250 = vector.shape_cast %mul3A_245 : vector<16xf32> to vector<1x16xf32>
      tpu.vector_store %arg13[%swap3A_246, %swap3A_247], %swap3A_250 {strides = array<i32>} : memref<64x128xf32, #tpu.memory_space<vmem>>, vector<1x16xf32>,
      %get3A_251 = arith.index_cast %add3A_196 : i32 to index
      %get3A_252 = arith.constant 64 : index
      %get3A_253 = tpu.vector_load %arg13[%get3A_251, %get3A_252] {strides = array<i32>} : memref<64x128xf32, #tpu.memory_space<vmem>>, vector<1x16xf32>,
      %get3A_254 = vector.shape_cast %get3A_253 : vector<1x16xf32> to vector<16xf32>
      %get3A_255 = arith.index_cast %add3A_196 : i32 to index
      %get3A_256 = arith.constant 64 : index
      %get3A_257 = tpu.vector_load %arg11[%get3A_255, %get3A_256] {strides = array<i32>} : memref<64x128xf32, #tpu.memory_space<vmem>>, vector<1x16xf32>,
      %get3A_258 = vector.shape_cast %get3A_257 : vector<1x16xf32> to vector<16xf32>
      %mul3A_259 = arith.mulf %get3A_254, %get3A_258 : vector<16xf32>
      %swap3A_260 = arith.index_cast %add3A_196 : i32 to index
      %swap3A_261 = arith.constant 64 : index
      %swap3A_262 = tpu.vector_load %arg13[%swap3A_260, %swap3A_261] {strides = array<i32>} : memref<64x128xf32, #tpu.memory_space<vmem>>, vector<1x16xf32>,
      %swap3A_263 = vector.shape_cast %swap3A_262 : vector<1x16xf32> to vector<16xf32>
      %swap3A_264 = vector.shape_cast %mul3A_259 : vector<16xf32> to vector<1x16xf32>
      tpu.vector_store %arg13[%swap3A_260, %swap3A_261], %swap3A_264 {strides = array<i32>} : memref<64x128xf32, #tpu.memory_space<vmem>>, vector<1x16xf32>,
      %get3A_265 = arith.index_cast %add3A_196 : i32 to index
      %get3A_266 = arith.constant 80 : index
      %get3A_267 = tpu.vector_load %arg13[%get3A_265, %get3A_266] {strides = array<i32>} : memref<64x128xf32, #tpu.memory_space<vmem>>, vector<1x16xf32>,
      %get3A_268 = vector.shape_cast %get3A_267 : vector<1x16xf32> to vector<16xf32>
      %get3A_269 = arith.index_cast %add3A_196 : i32 to index
      %get3A_270 = arith.constant 80 : index
      %get3A_271 = tpu.vector_load %arg11[%get3A_269, %get3A_270] {strides = array<i32>} : memref<64x128xf32, #tpu.memory_space<vmem>>, vector<1x16xf32>,
      %get3A_272 = vector.shape_cast %get3A_271 : vector<1x16xf32> to vector<16xf32>
      %mul3A_273 = arith.mulf %get3A_268, %get3A_272 : vector<16xf32>
      %swap3A_274 = arith.index_cast %add3A_196 : i32 to index
      %swap3A_275 = arith.constant 80 : index
      %swap3A_276 = tpu.vector_load %arg13[%swap3A_274, %swap3A_275] {strides = array<i32>} : memref<64x128xf32, #tpu.memory_space<vmem>>, vector<1x16xf32>,
      %swap3A_277 = vector.shape_cast %swap3A_276 : vector<1x16xf32> to vector<16xf32>
      %swap3A_278 = vector.shape_cast %mul3A_273 : vector<16xf32> to vector<1x16xf32>
      tpu.vector_store %arg13[%swap3A_274, %swap3A_275], %swap3A_278 {strides = array<i32>} : memref<64x128xf32, #tpu.memory_space<vmem>>, vector<1x16xf32>,
      %get3A_279 = arith.index_cast %add3A_196 : i32 to index
      %get3A_280 = arith.constant 96 : index
      %get3A_281 = tpu.vector_load %arg13[%get3A_279, %get3A_280] {strides = array<i32>} : memref<64x128xf32, #tpu.memory_space<vmem>>, vector<1x16xf32>,
      %get3A_282 = vector.shape_cast %get3A_281 : vector<1x16xf32> to vector<16xf32>
      %get3A_283 = arith.index_cast %add3A_196 : i32 to index
      %get3A_284 = arith.constant 96 : index
      %get3A_285 = tpu.vector_load %arg11[%get3A_283, %get3A_284] {strides = array<i32>} : memref<64x128xf32, #tpu.memory_space<vmem>>, vector<1x16xf32>,
      %get3A_286 = vector.shape_cast %get3A_285 : vector<1x16xf32> to vector<16xf32>
      %mul3A_287 = arith.mulf %get3A_282, %get3A_286 : vector<16xf32>
      %swap3A_288 = arith.index_cast %add3A_196 : i32 to index
      %swap3A_289 = arith.constant 96 : index
      %swap3A_290 = tpu.vector_load %arg13[%swap3A_288, %swap3A_289] {strides = array<i32>} : memref<64x128xf32, #tpu.memory_space<vmem>>, vector<1x16xf32>,
      %swap3A_291 = vector.shape_cast %swap3A_290 : vector<1x16xf32> to vector<16xf32>
      %swap3A_292 = vector.shape_cast %mul3A_287 : vector<16xf32> to vector<1x16xf32>
      tpu.vector_store %arg13[%swap3A_288, %swap3A_289], %swap3A_292 {strides = array<i32>} : memref<64x128xf32, #tpu.memory_space<vmem>>, vector<1x16xf32>,
      %get3A_293 = arith.index_cast %add3A_196 : i32 to index
      %get3A_294 = arith.constant 112 : index
      %get3A_295 = tpu.vector_load %arg13[%get3A_293, %get3A_294] {strides = array<i32>} : memref<64x128xf32, #tpu.memory_space<vmem>>, vector<1x16xf32>,
      %get3A_296 = vector.shape_cast %get3A_295 : vector<1x16xf32> to vector<16xf32>
      %get3A_297 = arith.index_cast %add3A_196 : i32 to index
      %get3A_298 = arith.constant 112 : index
      %get3A_299 = tpu.vector_load %arg11[%get3A_297, %get3A_298] {strides = array<i32>} : memref<64x128xf32, #tpu.memory_space<vmem>>, vector<1x16xf32>,
      %get3A_300 = vector.shape_cast %get3A_299 : vector<1x16xf32> to vector<16xf32>
      %mul3A_301 = arith.mulf %get3A_296, %get3A_300 : vector<16xf32>
      %swap3A_302 = arith.index_cast %add3A_196 : i32 to index
      %swap3A_303 = arith.constant 112 : index
      %swap3A_304 = tpu.vector_load %arg13[%swap3A_302, %swap3A_303] {strides = array<i32>} : memref<64x128xf32, #tpu.memory_space<vmem>>, vector<1x16xf32>,
      %swap3A_305 = vector.shape_cast %swap3A_304 : vector<1x16xf32> to vector<16xf32>
      %swap3A_306 = vector.shape_cast %mul3A_301 : vector<16xf32> to vector<1x16xf32>
      tpu.vector_store %arg13[%swap3A_302, %swap3A_303], %swap3A_306 {strides = array<i32>} : memref<64x128xf32, #tpu.memory_space<vmem>>, vector<1x16xf32>,
    }
    %scan3A_61 = arith.constant 64 : i32
    %dma_start3A_62 = arith.constant 0 : i32
    %dma_start3A_63 = arith.constant 0 : i32
    %dma_start3A_64 = tpu.memref_slice %arg9[%dma_start3A_62, %dma_start3A_63] : memref<2x64xi32, #tpu.memory_space<vmem>> -> memref<1x64xi32, #tpu.memory_space<vmem>>
    %dma_start3A_65 = tpu.memref_squeeze %dma_start3A_64 : memref<1x64xi32, #tpu.memory_space<vmem>> -> memref<64xi32, #tpu.memory_space<vmem>>
    %dma_start3A_66 = arith.constant 0 : i32
    %dma_start3A_67 = arith.constant 0 : i32
    %dma_start3A_68 = tpu.memref_slice %arg15[%dma_start3A_66, %dma_start3A_67] : memref<10240x128xf32, #tpu.memory_space<vmem_shared>> -> memref<10240x128xf32, #tpu.memory_space<vmem_shared>>
    tpu.enqueue_indirect_dma source(%arg13 : memref<64x128xf32, #tpu.memory_space<vmem>>) target(%dma_start3A_68 : memref<10240x128xf32, #tpu.memory_space<vmem_shared>>) offsets(%dma_start3A_65 : memref<64xi32, #tpu.memory_space<vmem>>) semaphore(%arg20 : memref<!tpu.dma_semaphore, #tpu.memory_space<semaphore_mem>>) {add = true}
    %dma_wait3A_69 = arith.constant 0 : i32
    %dma_wait3A_70 = arith.constant 0 : i32
    %dma_wait3A_71 = tpu.memref_slice %arg9[%dma_wait3A_69, %dma_wait3A_70] : memref<2x64xi32, #tpu.memory_space<vmem>> -> memref<1x64xi32, #tpu.memory_space<vmem>>
    %dma_wait3A_72 = tpu.memref_squeeze %dma_wait3A_71 : memref<1x64xi32, #tpu.memory_space<vmem>> -> memref<64xi32, #tpu.memory_space<vmem>>
    %dma_wait3A_73 = arith.constant 0 : i32
    %dma_wait3A_74 = arith.constant 0 : i32
    %dma_wait3A_75 = tpu.memref_slice %arg15[%dma_wait3A_73, %dma_wait3A_74] : memref<10240x128xf32, #tpu.memory_space<vmem_shared>> -> memref<10240x128xf32, #tpu.memory_space<vmem_shared>>
    tpu.wait_indirect_dma semaphore(%arg20 : memref<!tpu.dma_semaphore, #tpu.memory_space<semaphore_mem>>) src(%arg13 : memref<64x128xf32, #tpu.memory_space<vmem>>) dst(%dma_wait3A_75 : memref<10240x128xf32, #tpu.memory_space<vmem_shared>>)
    %min3A_76 = arith.constant 2 : i32
    %min3A_77 = arith.constant 155 : i32
    %min3A_78 = arith.minsi %min3A_76, %min3A_77 : i32
    %mul3A_79 = arith.constant 64 : i32
    %mul3A_80 = arith.muli %min3A_78, %mul3A_79 : i32
    %add3A_81 = arith.addi %mul3A_2, %mul3A_80 : i32
    %dma_start3A_82 = arith.constant 0 : i32
    %dma_start3A_83 = arith.constant 0 : i32
    %dma_start3A_84 = tpu.memref_slice %arg9[%dma_start3A_82, %dma_start3A_83] : memref<2x64xi32, #tpu.memory_space<vmem>> -> memref<1x64xi32, #tpu.memory_space<vmem>>
    %dma_start3A_85 = tpu.memref_squeeze %dma_start3A_84 : memref<1x64xi32, #tpu.memory_space<vmem>> -> memref<64xi32, #tpu.memory_space<vmem>>
    %dma_start3A_86 = tpu.memref_slice %arg5[%add3A_81] : memref<320000xi32, #tpu.memory_space<hbm>> -> memref<64xi32, #tpu.memory_space<hbm>>
    %dma_start3A_87 = arith.constant 0 : i32
    %dma_start3A_88 = tpu.memref_slice %arg9[%dma_start3A_82, %dma_start3A_87] : memref<2x64xi32, #tpu.memory_space<vmem>> -> memref<1x64xi32, #tpu.memory_space<vmem>>
    %dma_start3A_89 = tpu.memref_squeeze %dma_start3A_88 : memref<1x64xi32, #tpu.memory_space<vmem>> -> memref<64xi32, #tpu.memory_space<vmem>>
    %dma_start3A_90 = tpu.memref_slice %arg5[%add3A_81] : memref<320000xi32, #tpu.memory_space<hbm>> -> memref<64xi32, #tpu.memory_space<hbm>>
    tpu.enqueue_dma source(%dma_start3A_90 : memref<64xi32, #tpu.memory_space<hbm>>) target(%dma_start3A_89 : memref<64xi32, #tpu.memory_space<vmem>>) target_semaphore(%arg24 : memref<!tpu.dma_semaphore, #tpu.memory_space<semaphore_mem>>)
    %dma_wait3A_91 = arith.constant 0 : i32
    %dma_wait3A_92 = tpu.memref_slice %arg4[%dma_wait3A_91] : memref<320000xi32, #tpu.memory_space<hbm>> -> memref<64xi32, #tpu.memory_space<hbm>>
    %dma_wait3A_93 = arith.constant 0 : i32
    %dma_wait3A_94 = tpu.memref_slice %arg4[%dma_wait3A_93] : memref<320000xi32, #tpu.memory_space<hbm>> -> memref<64xi32, #tpu.memory_space<hbm>>
    tpu.wait_dma2 semaphore(%arg22 : memref<!tpu.dma_semaphore, #tpu.memory_space<semaphore_mem>>) src(%dma_wait3A_94 : memref<64xi32, #tpu.memory_space<hbm>>) dst(%arg7 : memref<64xi32, #tpu.memory_space<vmem>>)
    %min3A_95 = arith.constant 2 : i32
    %min3A_96 = arith.constant 155 : i32
    %min3A_97 = arith.minsi %min3A_95, %min3A_96 : i32
    %dma_start3A_98 = arith.constant 0 : i32
    %dma_start3A_99 = arith.constant 0 : i32
    %dma_start3A_100 = tpu.memref_slice %arg2[%dma_start3A_98, %dma_start3A_99] : memref<10000x128xf32, #tpu.memory_space<hbm>> -> memref<10000x128xf32, #tpu.memory_space<hbm>>
    tpu.enqueue_indirect_dma source(%dma_start3A_100 : memref<10000x128xf32, #tpu.memory_space<hbm>>) target(%arg11 : memref<64x128xf32, #tpu.memory_space<vmem>>) offsets(%arg7 : memref<64xi32, #tpu.memory_space<vmem>>) semaphore(%arg16 : memref<!tpu.dma_semaphore, #tpu.memory_space<semaphore_mem>>)
    %mul3A_101 = arith.constant 64 : i32
    %mul3A_102 = arith.muli %min3A_97, %mul3A_101 : i32
    %add3A_103 = arith.addi %mul3A_2, %mul3A_102 : i32
    %dma_start3A_104 = arith.constant 0 : i32
    %dma_start3A_105 = tpu.memref_slice %arg3[%add3A_103, %dma_start3A_104] : memref<320000x128xf32, #tpu.memory_space<hbm>> -> memref<64x128xf32, #tpu.memory_space<hbm>>
    %dma_start3A_106 = arith.constant 0 : i32
    %dma_start3A_107 = tpu.memref_slice %arg3[%add3A_103, %dma_start3A_106] : memref<320000x128xf32, #tpu.memory_space<hbm>> -> memref<64x128xf32, #tpu.memory_space<hbm>>
    tpu.enqueue_dma source(%dma_start3A_107 : memref<64x128xf32, #tpu.memory_space<hbm>>) target(%arg13 : memref<64x128xf32, #tpu.memory_space<vmem>>) target_semaphore(%arg18 : memref<!tpu.dma_semaphore, #tpu.memory_space<semaphore_mem>>)
    %dma_wait3A_108 = arith.constant 0 : i32
    %dma_wait3A_109 = arith.constant 0 : i32
    %dma_wait3A_110 = tpu.memref_slice %arg2[%dma_wait3A_108, %dma_wait3A_109] : memref<10000x128xf32, #tpu.memory_space<hbm>> -> memref<10000x128xf32, #tpu.memory_space<hbm>>
    tpu.wait_indirect_dma semaphore(%arg17 : memref<!tpu.dma_semaphore, #tpu.memory_space<semaphore_mem>>) src(%dma_wait3A_110 : memref<10000x128xf32, #tpu.memory_space<hbm>>) dst(%arg12 : memref<64x128xf32, #tpu.memory_space<vmem>>)
    %dma_wait3A_111 = arith.constant 0 : i32
    %dma_wait3A_112 = arith.constant 0 : i32
    %dma_wait3A_113 = tpu.memref_slice %arg3[%dma_wait3A_111, %dma_wait3A_112] : memref<320000x128xf32, #tpu.memory_space<hbm>> -> memref<64x128xf32, #tpu.memory_space<hbm>>
    %dma_wait3A_114 = arith.constant 0 : i32
    %dma_wait3A_115 = arith.constant 0 : i32
    %dma_wait3A_116 = tpu.memref_slice %arg3[%dma_wait3A_114, %dma_wait3A_115] : memref<320000x128xf32, #tpu.memory_space<hbm>> -> memref<64x128xf32, #tpu.memory_space<hbm>>
    tpu.wait_dma2 semaphore(%arg19 : memref<!tpu.dma_semaphore, #tpu.memory_space<semaphore_mem>>) src(%dma_wait3A_116 : memref<64x128xf32, #tpu.memory_space<hbm>>) dst(%arg14 : memref<64x128xf32, #tpu.memory_space<vmem>>)
    %min3A_117 = arith.constant 3 : i32
    %min3A_118 = arith.constant 155 : i32
    %min3A_119 = arith.minsi %min3A_117, %min3A_118 : i32
    %mul3A_120 = arith.constant 64 : i32
    %mul3A_121 = arith.muli %min3A_119, %mul3A_120 : i32
    %add3A_122 = arith.addi %mul3A_2, %mul3A_121 : i32
    %dma_start3A_123 = tpu.memref_slice %arg4[%add3A_122] : memref<320000xi32, #tpu.memory_space<hbm>> -> memref<64xi32, #tpu.memory_space<hbm>>
    %dma_start3A_124 = tpu.memref_slice %arg4[%add3A_122] : memref<320000xi32, #tpu.memory_space<hbm>> -> memref<64xi32, #tpu.memory_space<hbm>>
    tpu.enqueue_dma source(%dma_start3A_124 : memref<64xi32, #tpu.memory_space<hbm>>) target(%arg8 : memref<64xi32, #tpu.memory_space<vmem>>) target_semaphore(%arg23 : memref<!tpu.dma_semaphore, #tpu.memory_space<semaphore_mem>>)
    %scan3A_125 = arith.constant 0 : i32
    %scan3A_126 = arith.constant 64 : i32
    %scan3A_127 = arith.addi %scan3A_125, %scan3A_126 : i32
    %scan3A_128 = arith.constant 1 : i32
    scf.for %scan3A_192 = %scan3A_125 to %scan3A_127 step %scan3A_128  : i32 {
      %mul3A_193 = arith.constant 1 : i32
      %mul3A_194 = arith.muli %scan3A_192, %mul3A_193 : i32
      %add3A_195 = arith.constant 0 : i32
      %add3A_196 = arith.addi %add3A_195, %mul3A_194 : i32
      %get3A = arith.index_cast %add3A_196 : i32 to index
      %get3A_197 = arith.constant 0 : index
      %get3A_198 = tpu.vector_load %arg14[%get3A, %get3A_197] {strides = array<i32>} : memref<64x128xf32, #tpu.memory_space<vmem>>, vector<1x16xf32>,
      %get3A_199 = vector.shape_cast %get3A_198 : vector<1x16xf32> to vector<16xf32>
      %get3A_200 = arith.index_cast %add3A_196 : i32 to index
      %get3A_201 = arith.constant 0 : index
      %get3A_202 = tpu.vector_load %arg12[%get3A_200, %get3A_201] {strides = array<i32>} : memref<64x128xf32, #tpu.memory_space<vmem>>, vector<1x16xf32>,
      %get3A_203 = vector.shape_cast %get3A_202 : vector<1x16xf32> to vector<16xf32>
      %mul3A_204 = arith.mulf %get3A_199, %get3A_203 : vector<16xf32>
      %swap3A = arith.index_cast %add3A_196 : i32 to index
      %swap3A_205 = arith.constant 0 : index
      %swap3A_206 = tpu.vector_load %arg14[%swap3A, %swap3A_205] {strides = array<i32>} : memref<64x128xf32, #tpu.memory_space<vmem>>, vector<1x16xf32>,
      %swap3A_207 = vector.shape_cast %swap3A_206 : vector<1x16xf32> to vector<16xf32>
      %swap3A_208 = vector.shape_cast %mul3A_204 : vector<16xf32> to vector<1x16xf32>
      tpu.vector_store %arg14[%swap3A, %swap3A_205], %swap3A_208 {strides = array<i32>} : memref<64x128xf32, #tpu.memory_space<vmem>>, vector<1x16xf32>,
      %get3A_209 = arith.index_cast %add3A_196 : i32 to index
      %get3A_210 = arith.constant 16 : index
      %get3A_211 = tpu.vector_load %arg14[%get3A_209, %get3A_210] {strides = array<i32>} : memref<64x128xf32, #tpu.memory_space<vmem>>, vector<1x16xf32>,
      %get3A_212 = vector.shape_cast %get3A_211 : vector<1x16xf32> to vector<16xf32>
      %get3A_213 = arith.index_cast %add3A_196 : i32 to index
      %get3A_214 = arith.constant 16 : index
      %get3A_215 = tpu.vector_load %arg12[%get3A_213, %get3A_214] {strides = array<i32>} : memref<64x128xf32, #tpu.memory_space<vmem>>, vector<1x16xf32>,
      %get3A_216 = vector.shape_cast %get3A_215 : vector<1x16xf32> to vector<16xf32>
      %mul3A_217 = arith.mulf %get3A_212, %get3A_216 : vector<16xf32>
      %swap3A_218 = arith.index_cast %add3A_196 : i32 to index
      %swap3A_219 = arith.constant 16 : index
      %swap3A_220 = tpu.vector_load %arg14[%swap3A_218, %swap3A_219] {strides = array<i32>} : memref<64x128xf32, #tpu.memory_space<vmem>>, vector<1x16xf32>,
      %swap3A_221 = vector.shape_cast %swap3A_220 : vector<1x16xf32> to vector<16xf32>
      %swap3A_222 = vector.shape_cast %mul3A_217 : vector<16xf32> to vector<1x16xf32>
      tpu.vector_store %arg14[%swap3A_218, %swap3A_219], %swap3A_222 {strides = array<i32>} : memref<64x128xf32, #tpu.memory_space<vmem>>, vector<1x16xf32>,
      %get3A_223 = arith.index_cast %add3A_196 : i32 to index
      %get3A_224 = arith.constant 32 : index
      %get3A_225 = tpu.vector_load %arg14[%get3A_223, %get3A_224] {strides = array<i32>} : memref<64x128xf32, #tpu.memory_space<vmem>>, vector<1x16xf32>,
      %get3A_226 = vector.shape_cast %get3A_225 : vector<1x16xf32> to vector<16xf32>
      %get3A_227 = arith.index_cast %add3A_196 : i32 to index
      %get3A_228 = arith.constant 32 : index
      %get3A_229 = tpu.vector_load %arg12[%get3A_227, %get3A_228] {strides = array<i32>} : memref<64x128xf32, #tpu.memory_space<vmem>>, vector<1x16xf32>,
      %get3A_230 = vector.shape_cast %get3A_229 : vector<1x16xf32> to vector<16xf32>
      %mul3A_231 = arith.mulf %get3A_226, %get3A_230 : vector<16xf32>
      %swap3A_232 = arith.index_cast %add3A_196 : i32 to index
      %swap3A_233 = arith.constant 32 : index
      %swap3A_234 = tpu.vector_load %arg14[%swap3A_232, %swap3A_233] {strides = array<i32>} : memref<64x128xf32, #tpu.memory_space<vmem>>, vector<1x16xf32>,
      %swap3A_235 = vector.shape_cast %swap3A_234 : vector<1x16xf32> to vector<16xf32>
      %swap3A_236 = vector.shape_cast %mul3A_231 : vector<16xf32> to vector<1x16xf32>
      tpu.vector_store %arg14[%swap3A_232, %swap3A_233], %swap3A_236 {strides = array<i32>} : memref<64x128xf32, #tpu.memory_space<vmem>>, vector<1x16xf32>,
      %get3A_237 = arith.index_cast %add3A_196 : i32 to index
      %get3A_238 = arith.constant 48 : index
      %get3A_239 = tpu.vector_load %arg14[%get3A_237, %get3A_238] {strides = array<i32>} : memref<64x128xf32, #tpu.memory_space<vmem>>, vector<1x16xf32>,
      %get3A_240 = vector.shape_cast %get3A_239 : vector<1x16xf32> to vector<16xf32>
      %get3A_241 = arith.index_cast %add3A_196 : i32 to index
      %get3A_242 = arith.constant 48 : index
      %get3A_243 = tpu.vector_load %arg12[%get3A_241, %get3A_242] {strides = array<i32>} : memref<64x128xf32, #tpu.memory_space<vmem>>, vector<1x16xf32>,
      %get3A_244 = vector.shape_cast %get3A_243 : vector<1x16xf32> to vector<16xf32>
      %mul3A_245 = arith.mulf %get3A_240, %get3A_244 : vector<16xf32>
      %swap3A_246 = arith.index_cast %add3A_196 : i32 to index
      %swap3A_247 = arith.constant 48 : index
      %swap3A_248 = tpu.vector_load %arg14[%swap3A_246, %swap3A_247] {strides = array<i32>} : memref<64x128xf32, #tpu.memory_space<vmem>>, vector<1x16xf32>,
      %swap3A_249 = vector.shape_cast %swap3A_248 : vector<1x16xf32> to vector<16xf32>
      %swap3A_250 = vector.shape_cast %mul3A_245 : vector<16xf32> to vector<1x16xf32>
      tpu.vector_store %arg14[%swap3A_246, %swap3A_247], %swap3A_250 {strides = array<i32>} : memref<64x128xf32, #tpu.memory_space<vmem>>, vector<1x16xf32>,
      %get3A_251 = arith.index_cast %add3A_196 : i32 to index
      %get3A_252 = arith.constant 64 : index
      %get3A_253 = tpu.vector_load %arg14[%get3A_251, %get3A_252] {strides = array<i32>} : memref<64x128xf32, #tpu.memory_space<vmem>>, vector<1x16xf32>,
      %get3A_254 = vector.shape_cast %get3A_253 : vector<1x16xf32> to vector<16xf32>
      %get3A_255 = arith.index_cast %add3A_196 : i32 to index
      %get3A_256 = arith.constant 64 : index
      %get3A_257 = tpu.vector_load %arg12[%get3A_255, %get3A_256] {strides = array<i32>} : memref<64x128xf32, #tpu.memory_space<vmem>>, vector<1x16xf32>,
      %get3A_258 = vector.shape_cast %get3A_257 : vector<1x16xf32> to vector<16xf32>
      %mul3A_259 = arith.mulf %get3A_254, %get3A_258 : vector<16xf32>
      %swap3A_260 = arith.index_cast %add3A_196 : i32 to index
      %swap3A_261 = arith.constant 64 : index
      %swap3A_262 = tpu.vector_load %arg14[%swap3A_260, %swap3A_261] {strides = array<i32>} : memref<64x128xf32, #tpu.memory_space<vmem>>, vector<1x16xf32>,
      %swap3A_263 = vector.shape_cast %swap3A_262 : vector<1x16xf32> to vector<16xf32>
      %swap3A_264 = vector.shape_cast %mul3A_259 : vector<16xf32> to vector<1x16xf32>
      tpu.vector_store %arg14[%swap3A_260, %swap3A_261], %swap3A_264 {strides = array<i32>} : memref<64x128xf32, #tpu.memory_space<vmem>>, vector<1x16xf32>,
      %get3A_265 = arith.index_cast %add3A_196 : i32 to index
      %get3A_266 = arith.constant 80 : index
      %get3A_267 = tpu.vector_load %arg14[%get3A_265, %get3A_266] {strides = array<i32>} : memref<64x128xf32, #tpu.memory_space<vmem>>, vector<1x16xf32>,
      %get3A_268 = vector.shape_cast %get3A_267 : vector<1x16xf32> to vector<16xf32>
      %get3A_269 = arith.index_cast %add3A_196 : i32 to index
      %get3A_270 = arith.constant 80 : index
      %get3A_271 = tpu.vector_load %arg12[%get3A_269, %get3A_270] {strides = array<i32>} : memref<64x128xf32, #tpu.memory_space<vmem>>, vector<1x16xf32>,
      %get3A_272 = vector.shape_cast %get3A_271 : vector<1x16xf32> to vector<16xf32>
      %mul3A_273 = arith.mulf %get3A_268, %get3A_272 : vector<16xf32>
      %swap3A_274 = arith.index_cast %add3A_196 : i32 to index
      %swap3A_275 = arith.constant 80 : index
      %swap3A_276 = tpu.vector_load %arg14[%swap3A_274, %swap3A_275] {strides = array<i32>} : memref<64x128xf32, #tpu.memory_space<vmem>>, vector<1x16xf32>,
      %swap3A_277 = vector.shape_cast %swap3A_276 : vector<1x16xf32> to vector<16xf32>
      %swap3A_278 = vector.shape_cast %mul3A_273 : vector<16xf32> to vector<1x16xf32>
      tpu.vector_store %arg14[%swap3A_274, %swap3A_275], %swap3A_278 {strides = array<i32>} : memref<64x128xf32, #tpu.memory_space<vmem>>, vector<1x16xf32>,
      %get3A_279 = arith.index_cast %add3A_196 : i32 to index
      %get3A_280 = arith.constant 96 : index
      %get3A_281 = tpu.vector_load %arg14[%get3A_279, %get3A_280] {strides = array<i32>} : memref<64x128xf32, #tpu.memory_space<vmem>>, vector<1x16xf32>,
      %get3A_282 = vector.shape_cast %get3A_281 : vector<1x16xf32> to vector<16xf32>
      %get3A_283 = arith.index_cast %add3A_196 : i32 to index
      %get3A_284 = arith.constant 96 : index
      %get3A_285 = tpu.vector_load %arg12[%get3A_283, %get3A_284] {strides = array<i32>} : memref<64x128xf32, #tpu.memory_space<vmem>>, vector<1x16xf32>,
      %get3A_286 = vector.shape_cast %get3A_285 : vector<1x16xf32> to vector<16xf32>
      %mul3A_287 = arith.mulf %get3A_282, %get3A_286 : vector<16xf32>
      %swap3A_288 = arith.index_cast %add3A_196 : i32 to index
      %swap3A_289 = arith.constant 96 : index
      %swap3A_290 = tpu.vector_load %arg14[%swap3A_288, %swap3A_289] {strides = array<i32>} : memref<64x128xf32, #tpu.memory_space<vmem>>, vector<1x16xf32>,
      %swap3A_291 = vector.shape_cast %swap3A_290 : vector<1x16xf32> to vector<16xf32>
      %swap3A_292 = vector.shape_cast %mul3A_287 : vector<16xf32> to vector<1x16xf32>
      tpu.vector_store %arg14[%swap3A_288, %swap3A_289], %swap3A_292 {strides = array<i32>} : memref<64x128xf32, #tpu.memory_space<vmem>>, vector<1x16xf32>,
      %get3A_293 = arith.index_cast %add3A_196 : i32 to index
      %get3A_294 = arith.constant 112 : index
      %get3A_295 = tpu.vector_load %arg14[%get3A_293, %get3A_294] {strides = array<i32>} : memref<64x128xf32, #tpu.memory_space<vmem>>, vector<1x16xf32>,
      %get3A_296 = vector.shape_cast %get3A_295 : vector<1x16xf32> to vector<16xf32>
      %get3A_297 = arith.index_cast %add3A_196 : i32 to index
      %get3A_298 = arith.constant 112 : index
      %get3A_299 = tpu.vector_load %arg12[%get3A_297, %get3A_298] {strides = array<i32>} : memref<64x128xf32, #tpu.memory_space<vmem>>, vector<1x16xf32>,
      %get3A_300 = vector.shape_cast %get3A_299 : vector<1x16xf32> to vector<16xf32>
      %mul3A_301 = arith.mulf %get3A_296, %get3A_300 : vector<16xf32>
      %swap3A_302 = arith.index_cast %add3A_196 : i32 to index
      %swap3A_303 = arith.constant 112 : index
      %swap3A_304 = tpu.vector_load %arg14[%swap3A_302, %swap3A_303] {strides = array<i32>} : memref<64x128xf32, #tpu.memory_space<vmem>>, vector<1x16xf32>,
      %swap3A_305 = vector.shape_cast %swap3A_304 : vector<1x16xf32> to vector<16xf32>
      %swap3A_306 = vector.shape_cast %mul3A_301 : vector<16xf32> to vector<1x16xf32>
      tpu.vector_store %arg14[%swap3A_302, %swap3A_303], %swap3A_306 {strides = array<i32>} : memref<64x128xf32, #tpu.memory_space<vmem>>, vector<1x16xf32>,
    }
    %scan3A_129 = arith.constant 64 : i32
    %dma_start3A_130 = arith.constant 1 : i32
    %dma_start3A_131 = arith.constant 0 : i32
    %dma_start3A_132 = tpu.memref_slice %arg9[%dma_start3A_130, %dma_start3A_131] : memref<2x64xi32, #tpu.memory_space<vmem>> -> memref<1x64xi32, #tpu.memory_space<vmem>>
    %dma_start3A_133 = tpu.memref_squeeze %dma_start3A_132 : memref<1x64xi32, #tpu.memory_space<vmem>> -> memref<64xi32, #tpu.memory_space<vmem>>
    %dma_start3A_134 = arith.constant 0 : i32
    %dma_start3A_135 = arith.constant 0 : i32
    %dma_start3A_136 = tpu.memref_slice %arg15[%dma_start3A_134, %dma_start3A_135] : memref<10240x128xf32, #tpu.memory_space<vmem_shared>> -> memref<10240x128xf32, #tpu.memory_space<vmem_shared>>
    tpu.enqueue_indirect_dma source(%arg14 : memref<64x128xf32, #tpu.memory_space<vmem>>) target(%dma_start3A_136 : memref<10240x128xf32, #tpu.memory_space<vmem_shared>>) offsets(%dma_start3A_133 : memref<64xi32, #tpu.memory_space<vmem>>) semaphore(%arg21 : memref<!tpu.dma_semaphore, #tpu.memory_space<semaphore_mem>>) {add = true}
    %scan3A_137 = arith.constant 0 : i32
    %scan3A_138 = arith.constant 1 : i32
    %scan3A_139 = arith.constant 0 : i32
    %scan3A_140 = arith.constant 77 : i32
    %scan3A_141 = arith.addi %scan3A_139, %scan3A_140 : i32
    %scan3A_142 = arith.constant 1 : i32
    scf.for %scan3A_192 = %scan3A_139 to %scan3A_141 step %scan3A_142  : i32 {
      %mul3A_193 = arith.constant 1 : i32
      %mul3A_194 = arith.muli %scan3A_192, %mul3A_193 : i32
      %add3A_195 = arith.constant 0 : i32
      %add3A_196 = arith.addi %add3A_195, %mul3A_194 : i32
      %mul3A_197 = arith.constant 2 : i32
      %mul3A_198 = arith.muli %mul3A_197, %add3A_196 : i32
      %add3A_199 = arith.constant 2 : i32
      %add3A_200 = arith.addi %mul3A_198, %add3A_199 : i32
      %dma_wait3A_201 = arith.constant 0 : i32
      %dma_wait3A_202 = tpu.memref_slice %arg9[%scan3A_137, %dma_wait3A_201] : memref<2x64xi32, #tpu.memory_space<vmem>> -> memref<1x64xi32, #tpu.memory_space<vmem>>
      %dma_wait3A_203 = tpu.memref_squeeze %dma_wait3A_202 : memref<1x64xi32, #tpu.memory_space<vmem>> -> memref<64xi32, #tpu.memory_space<vmem>>
      %dma_wait3A_204 = arith.constant 0 : i32
      %dma_wait3A_205 = arith.constant 0 : i32
      %dma_wait3A_206 = tpu.memref_slice %arg15[%dma_wait3A_204, %dma_wait3A_205] : memref<10240x128xf32, #tpu.memory_space<vmem_shared>> -> memref<10240x128xf32, #tpu.memory_space<vmem_shared>>
      tpu.wait_indirect_dma semaphore(%arg21 : memref<!tpu.dma_semaphore, #tpu.memory_space<semaphore_mem>>) src(%arg14 : memref<64x128xf32, #tpu.memory_space<vmem>>) dst(%dma_wait3A_206 : memref<10240x128xf32, #tpu.memory_space<vmem_shared>>)
      %add3A_207 = arith.constant 1 : i32
      %add3A_208 = arith.addi %add3A_200, %add3A_207 : i32
      %min3A_209 = arith.constant 155 : i32
      %min3A_210 = arith.minsi %add3A_208, %min3A_209 : i32
      %mul3A_211 = arith.constant 64 : i32
      %mul3A_212 = arith.muli %min3A_210, %mul3A_211 : i32
      %add3A_213 = arith.addi %mul3A_2, %mul3A_212 : i32
      %dma_start3A_214 = arith.constant 0 : i32
      %dma_start3A_215 = tpu.memref_slice %arg9[%scan3A_138, %dma_start3A_214] : memref<2x64xi32, #tpu.memory_space<vmem>> -> memref<1x64xi32, #tpu.memory_space<vmem>>
      %dma_start3A_216 = tpu.memref_squeeze %dma_start3A_215 : memref<1x64xi32, #tpu.memory_space<vmem>> -> memref<64xi32, #tpu.memory_space<vmem>>
      %dma_start3A_217 = tpu.memref_slice %arg5[%add3A_213] : memref<320000xi32, #tpu.memory_space<hbm>> -> memref<64xi32, #tpu.memory_space<hbm>>
      %dma_start3A_218 = arith.constant 0 : i32
      %dma_start3A_219 = tpu.memref_slice %arg9[%scan3A_138, %dma_start3A_218] : memref<2x64xi32, #tpu.memory_space<vmem>> -> memref<1x64xi32, #tpu.memory_space<vmem>>
      %dma_start3A_220 = tpu.memref_squeeze %dma_start3A_219 : memref<1x64xi32, #tpu.memory_space<vmem>> -> memref<64xi32, #tpu.memory_space<vmem>>
      %dma_start3A_221 = tpu.memref_slice %arg5[%add3A_213] : memref<320000xi32, #tpu.memory_space<hbm>> -> memref<64xi32, #tpu.memory_space<hbm>>
      tpu.enqueue_dma source(%dma_start3A_221 : memref<64xi32, #tpu.memory_space<hbm>>) target(%dma_start3A_220 : memref<64xi32, #tpu.memory_space<vmem>>) target_semaphore(%arg25 : memref<!tpu.dma_semaphore, #tpu.memory_space<semaphore_mem>>)
      %dma_wait3A_222 = arith.constant 0 : i32
      %dma_wait3A_223 = tpu.memref_slice %arg4[%dma_wait3A_222] : memref<320000xi32, #tpu.memory_space<hbm>> -> memref<64xi32, #tpu.memory_space<hbm>>
      %dma_wait3A_224 = arith.constant 0 : i32
      %dma_wait3A_225 = tpu.memref_slice %arg4[%dma_wait3A_224] : memref<320000xi32, #tpu.memory_space<hbm>> -> memref<64xi32, #tpu.memory_space<hbm>>
      tpu.wait_dma2 semaphore(%arg23 : memref<!tpu.dma_semaphore, #tpu.memory_space<semaphore_mem>>) src(%dma_wait3A_225 : memref<64xi32, #tpu.memory_space<hbm>>) dst(%arg8 : memref<64xi32, #tpu.memory_space<vmem>>)
      %add3A_226 = arith.constant 1 : i32
      %add3A_227 = arith.addi %add3A_200, %add3A_226 : i32
      %min3A_228 = arith.constant 155 : i32
      %min3A_229 = arith.minsi %add3A_227, %min3A_228 : i32
      %dma_start3A_230 = arith.constant 0 : i32
      %dma_start3A_231 = arith.constant 0 : i32
      %dma_start3A_232 = tpu.memref_slice %arg2[%dma_start3A_230, %dma_start3A_231] : memref<10000x128xf32, #tpu.memory_space<hbm>> -> memref<10000x128xf32, #tpu.memory_space<hbm>>
      tpu.enqueue_indirect_dma source(%dma_start3A_232 : memref<10000x128xf32, #tpu.memory_space<hbm>>) target(%arg12 : memref<64x128xf32, #tpu.memory_space<vmem>>) offsets(%arg8 : memref<64xi32, #tpu.memory_space<vmem>>) semaphore(%arg17 : memref<!tpu.dma_semaphore, #tpu.memory_space<semaphore_mem>>)
      %mul3A_233 = arith.constant 64 : i32
      %mul3A_234 = arith.muli %min3A_229, %mul3A_233 : i32
      %add3A_235 = arith.addi %mul3A_2, %mul3A_234 : i32
      %dma_start3A_236 = arith.constant 0 : i32
      %dma_start3A_237 = tpu.memref_slice %arg3[%add3A_235, %dma_start3A_236] : memref<320000x128xf32, #tpu.memory_space<hbm>> -> memref<64x128xf32, #tpu.memory_space<hbm>>
      %dma_start3A_238 = arith.constant 0 : i32
      %dma_start3A_239 = tpu.memref_slice %arg3[%add3A_235, %dma_start3A_238] : memref<320000x128xf32, #tpu.memory_space<hbm>> -> memref<64x128xf32, #tpu.memory_space<hbm>>
      tpu.enqueue_dma source(%dma_start3A_239 : memref<64x128xf32, #tpu.memory_space<hbm>>) target(%arg14 : memref<64x128xf32, #tpu.memory_space<vmem>>) target_semaphore(%arg19 : memref<!tpu.dma_semaphore, #tpu.memory_space<semaphore_mem>>)
      %dma_wait3A_240 = arith.constant 0 : i32
      %dma_wait3A_241 = arith.constant 0 : i32
      %dma_wait3A_242 = tpu.memref_slice %arg2[%dma_wait3A_240, %dma_wait3A_241] : memref<10000x128xf32, #tpu.memory_space<hbm>> -> memref<10000x128xf32, #tpu.memory_space<hbm>>
      tpu.wait_indirect_dma semaphore(%arg16 : memref<!tpu.dma_semaphore, #tpu.memory_space<semaphore_mem>>) src(%dma_wait3A_242 : memref<10000x128xf32, #tpu.memory_space<hbm>>) dst(%arg11 : memref<64x128xf32, #tpu.memory_space<vmem>>)
      %dma_wait3A_243 = arith.constant 0 : i32
      %dma_wait3A_244 = arith.constant 0 : i32
      %dma_wait3A_245 = tpu.memref_slice %arg3[%dma_wait3A_243, %dma_wait3A_244] : memref<320000x128xf32, #tpu.memory_space<hbm>> -> memref<64x128xf32, #tpu.memory_space<hbm>>
      %dma_wait3A_246 = arith.constant 0 : i32
      %dma_wait3A_247 = arith.constant 0 : i32
      %dma_wait3A_248 = tpu.memref_slice %arg3[%dma_wait3A_246, %dma_wait3A_247] : memref<320000x128xf32, #tpu.memory_space<hbm>> -> memref<64x128xf32, #tpu.memory_space<hbm>>
      tpu.wait_dma2 semaphore(%arg18 : memref<!tpu.dma_semaphore, #tpu.memory_space<semaphore_mem>>) src(%dma_wait3A_248 : memref<64x128xf32, #tpu.memory_space<hbm>>) dst(%arg13 : memref<64x128xf32, #tpu.memory_space<vmem>>)
      %add3A_249 = arith.constant 2 : i32
      %add3A_250 = arith.addi %add3A_200, %add3A_249 : i32
      %min3A_251 = arith.constant 155 : i32
      %min3A_252 = arith.minsi %add3A_250, %min3A_251 : i32
      %mul3A_253 = arith.constant 64 : i32
      %mul3A_254 = arith.muli %min3A_252, %mul3A_253 : i32
      %add3A_255 = arith.addi %mul3A_2, %mul3A_254 : i32
      %dma_start3A_256 = tpu.memref_slice %arg4[%add3A_255] : memref<320000xi32, #tpu.memory_space<hbm>> -> memref<64xi32, #tpu.memory_space<hbm>>
      %dma_start3A_257 = tpu.memref_slice %arg4[%add3A_255] : memref<320000xi32, #tpu.memory_space<hbm>> -> memref<64xi32, #tpu.memory_space<hbm>>
      tpu.enqueue_dma source(%dma_start3A_257 : memref<64xi32, #tpu.memory_space<hbm>>) target(%arg7 : memref<64xi32, #tpu.memory_space<vmem>>) target_semaphore(%arg22 : memref<!tpu.dma_semaphore, #tpu.memory_space<semaphore_mem>>)
      %scan3A_258 = arith.constant 0 : i32
      %scan3A_259 = arith.constant 64 : i32
      %scan3A_260 = arith.addi %scan3A_258, %scan3A_259 : i32
      %scan3A_261 = arith.constant 1 : i32
      scf.for %scan3A_361 = %scan3A_258 to %scan3A_260 step %scan3A_261  : i32 {
        %mul3A_362 = arith.constant 1 : i32
        %mul3A_363 = arith.muli %scan3A_361, %mul3A_362 : i32
        %add3A_364 = arith.constant 0 : i32
        %add3A_365 = arith.addi %add3A_364, %mul3A_363 : i32
        %get3A = arith.index_cast %add3A_365 : i32 to index
        %get3A_366 = arith.constant 0 : index
        %get3A_367 = tpu.vector_load %arg13[%get3A, %get3A_366] {strides = array<i32>} : memref<64x128xf32, #tpu.memory_space<vmem>>, vector<1x16xf32>,
        %get3A_368 = vector.shape_cast %get3A_367 : vector<1x16xf32> to vector<16xf32>
        %get3A_369 = arith.index_cast %add3A_365 : i32 to index
        %get3A_370 = arith.constant 0 : index
        %get3A_371 = tpu.vector_load %arg11[%get3A_369, %get3A_370] {strides = array<i32>} : memref<64x128xf32, #tpu.memory_space<vmem>>, vector<1x16xf32>,
        %get3A_372 = vector.shape_cast %get3A_371 : vector<1x16xf32> to vector<16xf32>
        %mul3A_373 = arith.mulf %get3A_368, %get3A_372 : vector<16xf32>
        %swap3A = arith.index_cast %add3A_365 : i32 to index
        %swap3A_374 = arith.constant 0 : index
        %swap3A_375 = tpu.vector_load %arg13[%swap3A, %swap3A_374] {strides = array<i32>} : memref<64x128xf32, #tpu.memory_space<vmem>>, vector<1x16xf32>,
        %swap3A_376 = vector.shape_cast %swap3A_375 : vector<1x16xf32> to vector<16xf32>
        %swap3A_377 = vector.shape_cast %mul3A_373 : vector<16xf32> to vector<1x16xf32>
        tpu.vector_store %arg13[%swap3A, %swap3A_374], %swap3A_377 {strides = array<i32>} : memref<64x128xf32, #tpu.memory_space<vmem>>, vector<1x16xf32>,
        %get3A_378 = arith.index_cast %add3A_365 : i32 to index
        %get3A_379 = arith.constant 16 : index
        %get3A_380 = tpu.vector_load %arg13[%get3A_378, %get3A_379] {strides = array<i32>} : memref<64x128xf32, #tpu.memory_space<vmem>>, vector<1x16xf32>,
        %get3A_381 = vector.shape_cast %get3A_380 : vector<1x16xf32> to vector<16xf32>
        %get3A_382 = arith.index_cast %add3A_365 : i32 to index
        %get3A_383 = arith.constant 16 : index
        %get3A_384 = tpu.vector_load %arg11[%get3A_382, %get3A_383] {strides = array<i32>} : memref<64x128xf32, #tpu.memory_space<vmem>>, vector<1x16xf32>,
        %get3A_385 = vector.shape_cast %get3A_384 : vector<1x16xf32> to vector<16xf32>
        %mul3A_386 = arith.mulf %get3A_381, %get3A_385 : vector<16xf32>
        %swap3A_387 = arith.index_cast %add3A_365 : i32 to index
        %swap3A_388 = arith.constant 16 : index
        %swap3A_389 = tpu.vector_load %arg13[%swap3A_387, %swap3A_388] {strides = array<i32>} : memref<64x128xf32, #tpu.memory_space<vmem>>, vector<1x16xf32>,
        %swap3A_390 = vector.shape_cast %swap3A_389 : vector<1x16xf32> to vector<16xf32>
        %swap3A_391 = vector.shape_cast %mul3A_386 : vector<16xf32> to vector<1x16xf32>
        tpu.vector_store %arg13[%swap3A_387, %swap3A_388], %swap3A_391 {strides = array<i32>} : memref<64x128xf32, #tpu.memory_space<vmem>>, vector<1x16xf32>,
        %get3A_392 = arith.index_cast %add3A_365 : i32 to index
        %get3A_393 = arith.constant 32 : index
        %get3A_394 = tpu.vector_load %arg13[%get3A_392, %get3A_393] {strides = array<i32>} : memref<64x128xf32, #tpu.memory_space<vmem>>, vector<1x16xf32>,
        %get3A_395 = vector.shape_cast %get3A_394 : vector<1x16xf32> to vector<16xf32>
        %get3A_396 = arith.index_cast %add3A_365 : i32 to index
        %get3A_397 = arith.constant 32 : index
        %get3A_398 = tpu.vector_load %arg11[%get3A_396, %get3A_397] {strides = array<i32>} : memref<64x128xf32, #tpu.memory_space<vmem>>, vector<1x16xf32>,
        %get3A_399 = vector.shape_cast %get3A_398 : vector<1x16xf32> to vector<16xf32>
        %mul3A_400 = arith.mulf %get3A_395, %get3A_399 : vector<16xf32>
        %swap3A_401 = arith.index_cast %add3A_365 : i32 to index
        %swap3A_402 = arith.constant 32 : index
        %swap3A_403 = tpu.vector_load %arg13[%swap3A_401, %swap3A_402] {strides = array<i32>} : memref<64x128xf32, #tpu.memory_space<vmem>>, vector<1x16xf32>,
        %swap3A_404 = vector.shape_cast %swap3A_403 : vector<1x16xf32> to vector<16xf32>
        %swap3A_405 = vector.shape_cast %mul3A_400 : vector<16xf32> to vector<1x16xf32>
        tpu.vector_store %arg13[%swap3A_401, %swap3A_402], %swap3A_405 {strides = array<i32>} : memref<64x128xf32, #tpu.memory_space<vmem>>, vector<1x16xf32>,
        %get3A_406 = arith.index_cast %add3A_365 : i32 to index
        %get3A_407 = arith.constant 48 : index
        %get3A_408 = tpu.vector_load %arg13[%get3A_406, %get3A_407] {strides = array<i32>} : memref<64x128xf32, #tpu.memory_space<vmem>>, vector<1x16xf32>,
        %get3A_409 = vector.shape_cast %get3A_408 : vector<1x16xf32> to vector<16xf32>
        %get3A_410 = arith.index_cast %add3A_365 : i32 to index
        %get3A_411 = arith.constant 48 : index
        %get3A_412 = tpu.vector_load %arg11[%get3A_410, %get3A_411] {strides = array<i32>} : memref<64x128xf32, #tpu.memory_space<vmem>>, vector<1x16xf32>,
        %get3A_413 = vector.shape_cast %get3A_412 : vector<1x16xf32> to vector<16xf32>
        %mul3A_414 = arith.mulf %get3A_409, %get3A_413 : vector<16xf32>
        %swap3A_415 = arith.index_cast %add3A_365 : i32 to index
        %swap3A_416 = arith.constant 48 : index
        %swap3A_417 = tpu.vector_load %arg13[%swap3A_415, %swap3A_416] {strides = array<i32>} : memref<64x128xf32, #tpu.memory_space<vmem>>, vector<1x16xf32>,
        %swap3A_418 = vector.shape_cast %swap3A_417 : vector<1x16xf32> to vector<16xf32>
        %swap3A_419 = vector.shape_cast %mul3A_414 : vector<16xf32> to vector<1x16xf32>
        tpu.vector_store %arg13[%swap3A_415, %swap3A_416], %swap3A_419 {strides = array<i32>} : memref<64x128xf32, #tpu.memory_space<vmem>>, vector<1x16xf32>,
        %get3A_420 = arith.index_cast %add3A_365 : i32 to index
        %get3A_421 = arith.constant 64 : index
        %get3A_422 = tpu.vector_load %arg13[%get3A_420, %get3A_421] {strides = array<i32>} : memref<64x128xf32, #tpu.memory_space<vmem>>, vector<1x16xf32>,
        %get3A_423 = vector.shape_cast %get3A_422 : vector<1x16xf32> to vector<16xf32>
        %get3A_424 = arith.index_cast %add3A_365 : i32 to index
        %get3A_425 = arith.constant 64 : index
        %get3A_426 = tpu.vector_load %arg11[%get3A_424, %get3A_425] {strides = array<i32>} : memref<64x128xf32, #tpu.memory_space<vmem>>, vector<1x16xf32>,
        %get3A_427 = vector.shape_cast %get3A_426 : vector<1x16xf32> to vector<16xf32>
        %mul3A_428 = arith.mulf %get3A_423, %get3A_427 : vector<16xf32>
        %swap3A_429 = arith.index_cast %add3A_365 : i32 to index
        %swap3A_430 = arith.constant 64 : index
        %swap3A_431 = tpu.vector_load %arg13[%swap3A_429, %swap3A_430] {strides = array<i32>} : memref<64x128xf32, #tpu.memory_space<vmem>>, vector<1x16xf32>,
        %swap3A_432 = vector.shape_cast %swap3A_431 : vector<1x16xf32> to vector<16xf32>
        %swap3A_433 = vector.shape_cast %mul3A_428 : vector<16xf32> to vector<1x16xf32>
        tpu.vector_store %arg13[%swap3A_429, %swap3A_430], %swap3A_433 {strides = array<i32>} : memref<64x128xf32, #tpu.memory_space<vmem>>, vector<1x16xf32>,
        %get3A_434 = arith.index_cast %add3A_365 : i32 to index
        %get3A_435 = arith.constant 80 : index
        %get3A_436 = tpu.vector_load %arg13[%get3A_434, %get3A_435] {strides = array<i32>} : memref<64x128xf32, #tpu.memory_space<vmem>>, vector<1x16xf32>,
        %get3A_437 = vector.shape_cast %get3A_436 : vector<1x16xf32> to vector<16xf32>
        %get3A_438 = arith.index_cast %add3A_365 : i32 to index
        %get3A_439 = arith.constant 80 : index
        %get3A_440 = tpu.vector_load %arg11[%get3A_438, %get3A_439] {strides = array<i32>} : memref<64x128xf32, #tpu.memory_space<vmem>>, vector<1x16xf32>,
        %get3A_441 = vector.shape_cast %get3A_440 : vector<1x16xf32> to vector<16xf32>
        %mul3A_442 = arith.mulf %get3A_437, %get3A_441 : vector<16xf32>
        %swap3A_443 = arith.index_cast %add3A_365 : i32 to index
        %swap3A_444 = arith.constant 80 : index
        %swap3A_445 = tpu.vector_load %arg13[%swap3A_443, %swap3A_444] {strides = array<i32>} : memref<64x128xf32, #tpu.memory_space<vmem>>, vector<1x16xf32>,
        %swap3A_446 = vector.shape_cast %swap3A_445 : vector<1x16xf32> to vector<16xf32>
        %swap3A_447 = vector.shape_cast %mul3A_442 : vector<16xf32> to vector<1x16xf32>
        tpu.vector_store %arg13[%swap3A_443, %swap3A_444], %swap3A_447 {strides = array<i32>} : memref<64x128xf32, #tpu.memory_space<vmem>>, vector<1x16xf32>,
        %get3A_448 = arith.index_cast %add3A_365 : i32 to index
        %get3A_449 = arith.constant 96 : index
        %get3A_450 = tpu.vector_load %arg13[%get3A_448, %get3A_449] {strides = array<i32>} : memref<64x128xf32, #tpu.memory_space<vmem>>, vector<1x16xf32>,
        %get3A_451 = vector.shape_cast %get3A_450 : vector<1x16xf32> to vector<16xf32>
        %get3A_452 = arith.index_cast %add3A_365 : i32 to index
        %get3A_453 = arith.constant 96 : index
        %get3A_454 = tpu.vector_load %arg11[%get3A_452, %get3A_453] {strides = array<i32>} : memref<64x128xf32, #tpu.memory_space<vmem>>, vector<1x16xf32>,
        %get3A_455 = vector.shape_cast %get3A_454 : vector<1x16xf32> to vector<16xf32>
        %mul3A_456 = arith.mulf %get3A_451, %get3A_455 : vector<16xf32>
        %swap3A_457 = arith.index_cast %add3A_365 : i32 to index
        %swap3A_458 = arith.constant 96 : index
        %swap3A_459 = tpu.vector_load %arg13[%swap3A_457, %swap3A_458] {strides = array<i32>} : memref<64x128xf32, #tpu.memory_space<vmem>>, vector<1x16xf32>,
        %swap3A_460 = vector.shape_cast %swap3A_459 : vector<1x16xf32> to vector<16xf32>
        %swap3A_461 = vector.shape_cast %mul3A_456 : vector<16xf32> to vector<1x16xf32>
        tpu.vector_store %arg13[%swap3A_457, %swap3A_458], %swap3A_461 {strides = array<i32>} : memref<64x128xf32, #tpu.memory_space<vmem>>, vector<1x16xf32>,
        %get3A_462 = arith.index_cast %add3A_365 : i32 to index
        %get3A_463 = arith.constant 112 : index
        %get3A_464 = tpu.vector_load %arg13[%get3A_462, %get3A_463] {strides = array<i32>} : memref<64x128xf32, #tpu.memory_space<vmem>>, vector<1x16xf32>,
        %get3A_465 = vector.shape_cast %get3A_464 : vector<1x16xf32> to vector<16xf32>
        %get3A_466 = arith.index_cast %add3A_365 : i32 to index
        %get3A_467 = arith.constant 112 : index
        %get3A_468 = tpu.vector_load %arg11[%get3A_466, %get3A_467] {strides = array<i32>} : memref<64x128xf32, #tpu.memory_space<vmem>>, vector<1x16xf32>,
        %get3A_469 = vector.shape_cast %get3A_468 : vector<1x16xf32> to vector<16xf32>
        %mul3A_470 = arith.mulf %get3A_465, %get3A_469 : vector<16xf32>
        %swap3A_471 = arith.index_cast %add3A_365 : i32 to index
        %swap3A_472 = arith.constant 112 : index
        %swap3A_473 = tpu.vector_load %arg13[%swap3A_471, %swap3A_472] {strides = array<i32>} : memref<64x128xf32, #tpu.memory_space<vmem>>, vector<1x16xf32>,
        %swap3A_474 = vector.shape_cast %swap3A_473 : vector<1x16xf32> to vector<16xf32>
        %swap3A_475 = vector.shape_cast %mul3A_470 : vector<16xf32> to vector<1x16xf32>
        tpu.vector_store %arg13[%swap3A_471, %swap3A_472], %swap3A_475 {strides = array<i32>} : memref<64x128xf32, #tpu.memory_space<vmem>>, vector<1x16xf32>,
      }
      %scan3A_262 = arith.constant 64 : i32
      %dma_wait3A_263 = arith.constant 0 : i32
      %dma_wait3A_264 = tpu.memref_slice %arg9[%scan3A_137, %dma_wait3A_263] : memref<2x64xi32, #tpu.memory_space<vmem>> -> memref<1x64xi32, #tpu.memory_space<vmem>>
      %dma_wait3A_265 = tpu.memref_squeeze %dma_wait3A_264 : memref<1x64xi32, #tpu.memory_space<vmem>> -> memref<64xi32, #tpu.memory_space<vmem>>
      %dma_wait3A_266 = arith.constant 0 : i32
      %dma_wait3A_267 = tpu.memref_slice %arg5[%dma_wait3A_266] : memref<320000xi32, #tpu.memory_space<hbm>> -> memref<64xi32, #tpu.memory_space<hbm>>
      %dma_wait3A_268 = arith.constant 0 : i32
      %dma_wait3A_269 = tpu.memref_slice %arg9[%scan3A_137, %dma_wait3A_268] : memref<2x64xi32, #tpu.memory_space<vmem>> -> memref<1x64xi32, #tpu.memory_space<vmem>>
      %dma_wait3A_270 = tpu.memref_squeeze %dma_wait3A_269 : memref<1x64xi32, #tpu.memory_space<vmem>> -> memref<64xi32, #tpu.memory_space<vmem>>
      %dma_wait3A_271 = arith.constant 0 : i32
      %dma_wait3A_272 = tpu.memref_slice %arg5[%dma_wait3A_271] : memref<320000xi32, #tpu.memory_space<hbm>> -> memref<64xi32, #tpu.memory_space<hbm>>
      tpu.wait_dma2 semaphore(%arg24 : memref<!tpu.dma_semaphore, #tpu.memory_space<semaphore_mem>>) src(%dma_wait3A_272 : memref<64xi32, #tpu.memory_space<hbm>>) dst(%dma_wait3A_270 : memref<64xi32, #tpu.memory_space<vmem>>)
      %dma_start3A_273 = arith.constant 0 : i32
      %dma_start3A_274 = tpu.memref_slice %arg9[%scan3A_137, %dma_start3A_273] : memref<2x64xi32, #tpu.memory_space<vmem>> -> memref<1x64xi32, #tpu.memory_space<vmem>>
      %dma_start3A_275 = tpu.memref_squeeze %dma_start3A_274 : memref<1x64xi32, #tpu.memory_space<vmem>> -> memref<64xi32, #tpu.memory_space<vmem>>
      %dma_start3A_276 = arith.constant 0 : i32
      %dma_start3A_277 = arith.constant 0 : i32
      %dma_start3A_278 = tpu.memref_slice %arg15[%dma_start3A_276, %dma_start3A_277] : memref<10240x128xf32, #tpu.memory_space<vmem_shared>> -> memref<10240x128xf32, #tpu.memory_space<vmem_shared>>
      tpu.enqueue_indirect_dma source(%arg13 : memref<64x128xf32, #tpu.memory_space<vmem>>) target(%dma_start3A_278 : memref<10240x128xf32, #tpu.memory_space<vmem_shared>>) offsets(%dma_start3A_275 : memref<64xi32, #tpu.memory_space<vmem>>) semaphore(%arg20 : memref<!tpu.dma_semaphore, #tpu.memory_space<semaphore_mem>>) {add = true}
      %mul3A_279 = arith.constant 2 : i32
      %mul3A_280 = arith.muli %mul3A_279, %add3A_196 : i32
      %add3A_281 = arith.constant 3 : i32
      %add3A_282 = arith.addi %mul3A_280, %add3A_281 : i32
      %dma_wait3A_283 = arith.constant 0 : i32
      %dma_wait3A_284 = tpu.memref_slice %arg9[%scan3A_137, %dma_wait3A_283] : memref<2x64xi32, #tpu.memory_space<vmem>> -> memref<1x64xi32, #tpu.memory_space<vmem>>
      %dma_wait3A_285 = tpu.memref_squeeze %dma_wait3A_284 : memref<1x64xi32, #tpu.memory_space<vmem>> -> memref<64xi32, #tpu.memory_space<vmem>>
      %dma_wait3A_286 = arith.constant 0 : i32
      %dma_wait3A_287 = arith.constant 0 : i32
      %dma_wait3A_288 = tpu.memref_slice %arg15[%dma_wait3A_286, %dma_wait3A_287] : memref<10240x128xf32, #tpu.memory_space<vmem_shared>> -> memref<10240x128xf32, #tpu.memory_space<vmem_shared>>
      tpu.wait_indirect_dma semaphore(%arg20 : memref<!tpu.dma_semaphore, #tpu.memory_space<semaphore_mem>>) src(%arg13 : memref<64x128xf32, #tpu.memory_space<vmem>>) dst(%dma_wait3A_288 : memref<10240x128xf32, #tpu.memory_space<vmem_shared>>)
      %add3A_289 = arith.constant 1 : i32
      %add3A_290 = arith.addi %add3A_282, %add3A_289 : i32
      %min3A_291 = arith.constant 155 : i32
      %min3A_292 = arith.minsi %add3A_290, %min3A_291 : i32
      %mul3A_293 = arith.constant 64 : i32
      %mul3A_294 = arith.muli %min3A_292, %mul3A_293 : i32
      %add3A_295 = arith.addi %mul3A_2, %mul3A_294 : i32
      %dma_start3A_296 = arith.constant 0 : i32
      %dma_start3A_297 = tpu.memref_slice %arg9[%scan3A_137, %dma_start3A_296] : memref<2x64xi32, #tpu.memory_space<vmem>> -> memref<1x64xi32, #tpu.memory_space<vmem>>
      %dma_start3A_298 = tpu.memref_squeeze %dma_start3A_297 : memref<1x64xi32, #tpu.memory_space<vmem>> -> memref<64xi32, #tpu.memory_space<vmem>>
      %dma_start3A_299 = tpu.memref_slice %arg5[%add3A_295] : memref<320000xi32, #tpu.memory_space<hbm>> -> memref<64xi32, #tpu.memory_space<hbm>>
      %dma_start3A_300 = arith.constant 0 : i32
      %dma_start3A_301 = tpu.memref_slice %arg9[%scan3A_137, %dma_start3A_300] : memref<2x64xi32, #tpu.memory_space<vmem>> -> memref<1x64xi32, #tpu.memory_space<vmem>>
      %dma_start3A_302 = tpu.memref_squeeze %dma_start3A_301 : memref<1x64xi32, #tpu.memory_space<vmem>> -> memref<64xi32, #tpu.memory_space<vmem>>
      %dma_start3A_303 = tpu.memref_slice %arg5[%add3A_295] : memref<320000xi32, #tpu.memory_space<hbm>> -> memref<64xi32, #tpu.memory_space<hbm>>
      tpu.enqueue_dma source(%dma_start3A_303 : memref<64xi32, #tpu.memory_space<hbm>>) target(%dma_start3A_302 : memref<64xi32, #tpu.memory_space<vmem>>) target_semaphore(%arg24 : memref<!tpu.dma_semaphore, #tpu.memory_space<semaphore_mem>>)
      %dma_wait3A_304 = arith.constant 0 : i32
      %dma_wait3A_305 = tpu.memref_slice %arg4[%dma_wait3A_304] : memref<320000xi32, #tpu.memory_space<hbm>> -> memref<64xi32, #tpu.memory_space<hbm>>
      %dma_wait3A_306 = arith.constant 0 : i32
      %dma_wait3A_307 = tpu.memref_slice %arg4[%dma_wait3A_306] : memref<320000xi32, #tpu.memory_space<hbm>> -> memref<64xi32, #tpu.memory_space<hbm>>
      tpu.wait_dma2 semaphore(%arg22 : memref<!tpu.dma_semaphore, #tpu.memory_space<semaphore_mem>>) src(%dma_wait3A_307 : memref<64xi32, #tpu.memory_space<hbm>>) dst(%arg7 : memref<64xi32, #tpu.memory_space<vmem>>)
      %add3A_308 = arith.constant 1 : i32
      %add3A_309 = arith.addi %add3A_282, %add3A_308 : i32
      %min3A_310 = arith.constant 155 : i32
      %min3A_311 = arith.minsi %add3A_309, %min3A_310 : i32
      %dma_start3A_312 = arith.constant 0 : i32
      %dma_start3A_313 = arith.constant 0 : i32
      %dma_start3A_314 = tpu.memref_slice %arg2[%dma_start3A_312, %dma_start3A_313] : memref<10000x128xf32, #tpu.memory_space<hbm>> -> memref<10000x128xf32, #tpu.memory_space<hbm>>
      tpu.enqueue_indirect_dma source(%dma_start3A_314 : memref<10000x128xf32, #tpu.memory_space<hbm>>) target(%arg11 : memref<64x128xf32, #tpu.memory_space<vmem>>) offsets(%arg7 : memref<64xi32, #tpu.memory_space<vmem>>) semaphore(%arg16 : memref<!tpu.dma_semaphore, #tpu.memory_space<semaphore_mem>>)
      %mul3A_315 = arith.constant 64 : i32
      %mul3A_316 = arith.muli %min3A_311, %mul3A_315 : i32
      %add3A_317 = arith.addi %mul3A_2, %mul3A_316 : i32
      %dma_start3A_318 = arith.constant 0 : i32
      %dma_start3A_319 = tpu.memref_slice %arg3[%add3A_317, %dma_start3A_318] : memref<320000x128xf32, #tpu.memory_space<hbm>> -> memref<64x128xf32, #tpu.memory_space<hbm>>
      %dma_start3A_320 = arith.constant 0 : i32
      %dma_start3A_321 = tpu.memref_slice %arg3[%add3A_317, %dma_start3A_320] : memref<320000x128xf32, #tpu.memory_space<hbm>> -> memref<64x128xf32, #tpu.memory_space<hbm>>
      tpu.enqueue_dma source(%dma_start3A_321 : memref<64x128xf32, #tpu.memory_space<hbm>>) target(%arg13 : memref<64x128xf32, #tpu.memory_space<vmem>>) target_semaphore(%arg18 : memref<!tpu.dma_semaphore, #tpu.memory_space<semaphore_mem>>)
      %dma_wait3A_322 = arith.constant 0 : i32
      %dma_wait3A_323 = arith.constant 0 : i32
      %dma_wait3A_324 = tpu.memref_slice %arg2[%dma_wait3A_322, %dma_wait3A_323] : memref<10000x128xf32, #tpu.memory_space<hbm>> -> memref<10000x128xf32, #tpu.memory_space<hbm>>
      tpu.wait_indirect_dma semaphore(%arg17 : memref<!tpu.dma_semaphore, #tpu.memory_space<semaphore_mem>>) src(%dma_wait3A_324 : memref<10000x128xf32, #tpu.memory_space<hbm>>) dst(%arg12 : memref<64x128xf32, #tpu.memory_space<vmem>>)
      %dma_wait3A_325 = arith.constant 0 : i32
      %dma_wait3A_326 = arith.constant 0 : i32
      %dma_wait3A_327 = tpu.memref_slice %arg3[%dma_wait3A_325, %dma_wait3A_326] : memref<320000x128xf32, #tpu.memory_space<hbm>> -> memref<64x128xf32, #tpu.memory_space<hbm>>
      %dma_wait3A_328 = arith.constant 0 : i32
      %dma_wait3A_329 = arith.constant 0 : i32
      %dma_wait3A_330 = tpu.memref_slice %arg3[%dma_wait3A_328, %dma_wait3A_329] : memref<320000x128xf32, #tpu.memory_space<hbm>> -> memref<64x128xf32, #tpu.memory_space<hbm>>
      tpu.wait_dma2 semaphore(%arg19 : memref<!tpu.dma_semaphore, #tpu.memory_space<semaphore_mem>>) src(%dma_wait3A_330 : memref<64x128xf32, #tpu.memory_space<hbm>>) dst(%arg14 : memref<64x128xf32, #tpu.memory_space<vmem>>)
      %add3A_331 = arith.constant 2 : i32
      %add3A_332 = arith.addi %add3A_282, %add3A_331 : i32
      %min3A_333 = arith.constant 155 : i32
      %min3A_334 = arith.minsi %add3A_332, %min3A_333 : i32
      %mul3A_335 = arith.constant 64 : i32
      %mul3A_336 = arith.muli %min3A_334, %mul3A_335 : i32
      %add3A_337 = arith.addi %mul3A_2, %mul3A_336 : i32
      %dma_start3A_338 = tpu.memref_slice %arg4[%add3A_337] : memref<320000xi32, #tpu.memory_space<hbm>> -> memref<64xi32, #tpu.memory_space<hbm>>
      %dma_start3A_339 = tpu.memref_slice %arg4[%add3A_337] : memref<320000xi32, #tpu.memory_space<hbm>> -> memref<64xi32, #tpu.memory_space<hbm>>
      tpu.enqueue_dma source(%dma_start3A_339 : memref<64xi32, #tpu.memory_space<hbm>>) target(%arg8 : memref<64xi32, #tpu.memory_space<vmem>>) target_semaphore(%arg23 : memref<!tpu.dma_semaphore, #tpu.memory_space<semaphore_mem>>)
      %scan3A_340 = arith.constant 0 : i32
      %scan3A_341 = arith.constant 64 : i32
      %scan3A_342 = arith.addi %scan3A_340, %scan3A_341 : i32
      %scan3A_343 = arith.constant 1 : i32
      scf.for %scan3A_361 = %scan3A_340 to %scan3A_342 step %scan3A_343  : i32 {
        %mul3A_362 = arith.constant 1 : i32
        %mul3A_363 = arith.muli %scan3A_361, %mul3A_362 : i32
        %add3A_364 = arith.constant 0 : i32
        %add3A_365 = arith.addi %add3A_364, %mul3A_363 : i32
        %get3A = arith.index_cast %add3A_365 : i32 to index
        %get3A_366 = arith.constant 0 : index
        %get3A_367 = tpu.vector_load %arg14[%get3A, %get3A_366] {strides = array<i32>} : memref<64x128xf32, #tpu.memory_space<vmem>>, vector<1x16xf32>,
        %get3A_368 = vector.shape_cast %get3A_367 : vector<1x16xf32> to vector<16xf32>
        %get3A_369 = arith.index_cast %add3A_365 : i32 to index
        %get3A_370 = arith.constant 0 : index
        %get3A_371 = tpu.vector_load %arg12[%get3A_369, %get3A_370] {strides = array<i32>} : memref<64x128xf32, #tpu.memory_space<vmem>>, vector<1x16xf32>,
        %get3A_372 = vector.shape_cast %get3A_371 : vector<1x16xf32> to vector<16xf32>
        %mul3A_373 = arith.mulf %get3A_368, %get3A_372 : vector<16xf32>
        %swap3A = arith.index_cast %add3A_365 : i32 to index
        %swap3A_374 = arith.constant 0 : index
        %swap3A_375 = tpu.vector_load %arg14[%swap3A, %swap3A_374] {strides = array<i32>} : memref<64x128xf32, #tpu.memory_space<vmem>>, vector<1x16xf32>,
        %swap3A_376 = vector.shape_cast %swap3A_375 : vector<1x16xf32> to vector<16xf32>
        %swap3A_377 = vector.shape_cast %mul3A_373 : vector<16xf32> to vector<1x16xf32>
        tpu.vector_store %arg14[%swap3A, %swap3A_374], %swap3A_377 {strides = array<i32>} : memref<64x128xf32, #tpu.memory_space<vmem>>, vector<1x16xf32>,
        %get3A_378 = arith.index_cast %add3A_365 : i32 to index
        %get3A_379 = arith.constant 16 : index
        %get3A_380 = tpu.vector_load %arg14[%get3A_378, %get3A_379] {strides = array<i32>} : memref<64x128xf32, #tpu.memory_space<vmem>>, vector<1x16xf32>,
        %get3A_381 = vector.shape_cast %get3A_380 : vector<1x16xf32> to vector<16xf32>
        %get3A_382 = arith.index_cast %add3A_365 : i32 to index
        %get3A_383 = arith.constant 16 : index
        %get3A_384 = tpu.vector_load %arg12[%get3A_382, %get3A_383] {strides = array<i32>} : memref<64x128xf32, #tpu.memory_space<vmem>>, vector<1x16xf32>,
        %get3A_385 = vector.shape_cast %get3A_384 : vector<1x16xf32> to vector<16xf32>
        %mul3A_386 = arith.mulf %get3A_381, %get3A_385 : vector<16xf32>
        %swap3A_387 = arith.index_cast %add3A_365 : i32 to index
        %swap3A_388 = arith.constant 16 : index
        %swap3A_389 = tpu.vector_load %arg14[%swap3A_387, %swap3A_388] {strides = array<i32>} : memref<64x128xf32, #tpu.memory_space<vmem>>, vector<1x16xf32>,
        %swap3A_390 = vector.shape_cast %swap3A_389 : vector<1x16xf32> to vector<16xf32>
        %swap3A_391 = vector.shape_cast %mul3A_386 : vector<16xf32> to vector<1x16xf32>
        tpu.vector_store %arg14[%swap3A_387, %swap3A_388], %swap3A_391 {strides = array<i32>} : memref<64x128xf32, #tpu.memory_space<vmem>>, vector<1x16xf32>,
        %get3A_392 = arith.index_cast %add3A_365 : i32 to index
        %get3A_393 = arith.constant 32 : index
        %get3A_394 = tpu.vector_load %arg14[%get3A_392, %get3A_393] {strides = array<i32>} : memref<64x128xf32, #tpu.memory_space<vmem>>, vector<1x16xf32>,
        %get3A_395 = vector.shape_cast %get3A_394 : vector<1x16xf32> to vector<16xf32>
        %get3A_396 = arith.index_cast %add3A_365 : i32 to index
        %get3A_397 = arith.constant 32 : index
        %get3A_398 = tpu.vector_load %arg12[%get3A_396, %get3A_397] {strides = array<i32>} : memref<64x128xf32, #tpu.memory_space<vmem>>, vector<1x16xf32>,
        %get3A_399 = vector.shape_cast %get3A_398 : vector<1x16xf32> to vector<16xf32>
        %mul3A_400 = arith.mulf %get3A_395, %get3A_399 : vector<16xf32>
        %swap3A_401 = arith.index_cast %add3A_365 : i32 to index
        %swap3A_402 = arith.constant 32 : index
        %swap3A_403 = tpu.vector_load %arg14[%swap3A_401, %swap3A_402] {strides = array<i32>} : memref<64x128xf32, #tpu.memory_space<vmem>>, vector<1x16xf32>,
        %swap3A_404 = vector.shape_cast %swap3A_403 : vector<1x16xf32> to vector<16xf32>
        %swap3A_405 = vector.shape_cast %mul3A_400 : vector<16xf32> to vector<1x16xf32>
        tpu.vector_store %arg14[%swap3A_401, %swap3A_402], %swap3A_405 {strides = array<i32>} : memref<64x128xf32, #tpu.memory_space<vmem>>, vector<1x16xf32>,
        %get3A_406 = arith.index_cast %add3A_365 : i32 to index
        %get3A_407 = arith.constant 48 : index
        %get3A_408 = tpu.vector_load %arg14[%get3A_406, %get3A_407] {strides = array<i32>} : memref<64x128xf32, #tpu.memory_space<vmem>>, vector<1x16xf32>,
        %get3A_409 = vector.shape_cast %get3A_408 : vector<1x16xf32> to vector<16xf32>
        %get3A_410 = arith.index_cast %add3A_365 : i32 to index
        %get3A_411 = arith.constant 48 : index
        %get3A_412 = tpu.vector_load %arg12[%get3A_410, %get3A_411] {strides = array<i32>} : memref<64x128xf32, #tpu.memory_space<vmem>>, vector<1x16xf32>,
        %get3A_413 = vector.shape_cast %get3A_412 : vector<1x16xf32> to vector<16xf32>
        %mul3A_414 = arith.mulf %get3A_409, %get3A_413 : vector<16xf32>
        %swap3A_415 = arith.index_cast %add3A_365 : i32 to index
        %swap3A_416 = arith.constant 48 : index
        %swap3A_417 = tpu.vector_load %arg14[%swap3A_415, %swap3A_416] {strides = array<i32>} : memref<64x128xf32, #tpu.memory_space<vmem>>, vector<1x16xf32>,
        %swap3A_418 = vector.shape_cast %swap3A_417 : vector<1x16xf32> to vector<16xf32>
        %swap3A_419 = vector.shape_cast %mul3A_414 : vector<16xf32> to vector<1x16xf32>
        tpu.vector_store %arg14[%swap3A_415, %swap3A_416], %swap3A_419 {strides = array<i32>} : memref<64x128xf32, #tpu.memory_space<vmem>>, vector<1x16xf32>,
        %get3A_420 = arith.index_cast %add3A_365 : i32 to index
        %get3A_421 = arith.constant 64 : index
        %get3A_422 = tpu.vector_load %arg14[%get3A_420, %get3A_421] {strides = array<i32>} : memref<64x128xf32, #tpu.memory_space<vmem>>, vector<1x16xf32>,
        %get3A_423 = vector.shape_cast %get3A_422 : vector<1x16xf32> to vector<16xf32>
        %get3A_424 = arith.index_cast %add3A_365 : i32 to index
        %get3A_425 = arith.constant 64 : index
        %get3A_426 = tpu.vector_load %arg12[%get3A_424, %get3A_425] {strides = array<i32>} : memref<64x128xf32, #tpu.memory_space<vmem>>, vector<1x16xf32>,
        %get3A_427 = vector.shape_cast %get3A_426 : vector<1x16xf32> to vector<16xf32>
        %mul3A_428 = arith.mulf %get3A_423, %get3A_427 : vector<16xf32>
        %swap3A_429 = arith.index_cast %add3A_365 : i32 to index
        %swap3A_430 = arith.constant 64 : index
        %swap3A_431 = tpu.vector_load %arg14[%swap3A_429, %swap3A_430] {strides = array<i32>} : memref<64x128xf32, #tpu.memory_space<vmem>>, vector<1x16xf32>,
        %swap3A_432 = vector.shape_cast %swap3A_431 : vector<1x16xf32> to vector<16xf32>
        %swap3A_433 = vector.shape_cast %mul3A_428 : vector<16xf32> to vector<1x16xf32>
        tpu.vector_store %arg14[%swap3A_429, %swap3A_430], %swap3A_433 {strides = array<i32>} : memref<64x128xf32, #tpu.memory_space<vmem>>, vector<1x16xf32>,
        %get3A_434 = arith.index_cast %add3A_365 : i32 to index
        %get3A_435 = arith.constant 80 : index
        %get3A_436 = tpu.vector_load %arg14[%get3A_434, %get3A_435] {strides = array<i32>} : memref<64x128xf32, #tpu.memory_space<vmem>>, vector<1x16xf32>,
        %get3A_437 = vector.shape_cast %get3A_436 : vector<1x16xf32> to vector<16xf32>
        %get3A_438 = arith.index_cast %add3A_365 : i32 to index
        %get3A_439 = arith.constant 80 : index
        %get3A_440 = tpu.vector_load %arg12[%get3A_438, %get3A_439] {strides = array<i32>} : memref<64x128xf32, #tpu.memory_space<vmem>>, vector<1x16xf32>,
        %get3A_441 = vector.shape_cast %get3A_440 : vector<1x16xf32> to vector<16xf32>
        %mul3A_442 = arith.mulf %get3A_437, %get3A_441 : vector<16xf32>
        %swap3A_443 = arith.index_cast %add3A_365 : i32 to index
        %swap3A_444 = arith.constant 80 : index
        %swap3A_445 = tpu.vector_load %arg14[%swap3A_443, %swap3A_444] {strides = array<i32>} : memref<64x128xf32, #tpu.memory_space<vmem>>, vector<1x16xf32>,
        %swap3A_446 = vector.shape_cast %swap3A_445 : vector<1x16xf32> to vector<16xf32>
        %swap3A_447 = vector.shape_cast %mul3A_442 : vector<16xf32> to vector<1x16xf32>
        tpu.vector_store %arg14[%swap3A_443, %swap3A_444], %swap3A_447 {strides = array<i32>} : memref<64x128xf32, #tpu.memory_space<vmem>>, vector<1x16xf32>,
        %get3A_448 = arith.index_cast %add3A_365 : i32 to index
        %get3A_449 = arith.constant 96 : index
        %get3A_450 = tpu.vector_load %arg14[%get3A_448, %get3A_449] {strides = array<i32>} : memref<64x128xf32, #tpu.memory_space<vmem>>, vector<1x16xf32>,
        %get3A_451 = vector.shape_cast %get3A_450 : vector<1x16xf32> to vector<16xf32>
        %get3A_452 = arith.index_cast %add3A_365 : i32 to index
        %get3A_453 = arith.constant 96 : index
        %get3A_454 = tpu.vector_load %arg12[%get3A_452, %get3A_453] {strides = array<i32>} : memref<64x128xf32, #tpu.memory_space<vmem>>, vector<1x16xf32>,
        %get3A_455 = vector.shape_cast %get3A_454 : vector<1x16xf32> to vector<16xf32>
        %mul3A_456 = arith.mulf %get3A_451, %get3A_455 : vector<16xf32>
        %swap3A_457 = arith.index_cast %add3A_365 : i32 to index
        %swap3A_458 = arith.constant 96 : index
        %swap3A_459 = tpu.vector_load %arg14[%swap3A_457, %swap3A_458] {strides = array<i32>} : memref<64x128xf32, #tpu.memory_space<vmem>>, vector<1x16xf32>,
        %swap3A_460 = vector.shape_cast %swap3A_459 : vector<1x16xf32> to vector<16xf32>
        %swap3A_461 = vector.shape_cast %mul3A_456 : vector<16xf32> to vector<1x16xf32>
        tpu.vector_store %arg14[%swap3A_457, %swap3A_458], %swap3A_461 {strides = array<i32>} : memref<64x128xf32, #tpu.memory_space<vmem>>, vector<1x16xf32>,
        %get3A_462 = arith.index_cast %add3A_365 : i32 to index
        %get3A_463 = arith.constant 112 : index
        %get3A_464 = tpu.vector_load %arg14[%get3A_462, %get3A_463] {strides = array<i32>} : memref<64x128xf32, #tpu.memory_space<vmem>>, vector<1x16xf32>,
        %get3A_465 = vector.shape_cast %get3A_464 : vector<1x16xf32> to vector<16xf32>
        %get3A_466 = arith.index_cast %add3A_365 : i32 to index
        %get3A_467 = arith.constant 112 : index
        %get3A_468 = tpu.vector_load %arg12[%get3A_466, %get3A_467] {strides = array<i32>} : memref<64x128xf32, #tpu.memory_space<vmem>>, vector<1x16xf32>,
        %get3A_469 = vector.shape_cast %get3A_468 : vector<1x16xf32> to vector<16xf32>
        %mul3A_470 = arith.mulf %get3A_465, %get3A_469 : vector<16xf32>
        %swap3A_471 = arith.index_cast %add3A_365 : i32 to index
        %swap3A_472 = arith.constant 112 : index
        %swap3A_473 = tpu.vector_load %arg14[%swap3A_471, %swap3A_472] {strides = array<i32>} : memref<64x128xf32, #tpu.memory_space<vmem>>, vector<1x16xf32>,
        %swap3A_474 = vector.shape_cast %swap3A_473 : vector<1x16xf32> to vector<16xf32>
        %swap3A_475 = vector.shape_cast %mul3A_470 : vector<16xf32> to vector<1x16xf32>
        tpu.vector_store %arg14[%swap3A_471, %swap3A_472], %swap3A_475 {strides = array<i32>} : memref<64x128xf32, #tpu.memory_space<vmem>>, vector<1x16xf32>,
      }
      %scan3A_344 = arith.constant 64 : i32
      %dma_wait3A_345 = arith.constant 0 : i32
      %dma_wait3A_346 = tpu.memref_slice %arg9[%scan3A_138, %dma_wait3A_345] : memref<2x64xi32, #tpu.memory_space<vmem>> -> memref<1x64xi32, #tpu.memory_space<vmem>>
      %dma_wait3A_347 = tpu.memref_squeeze %dma_wait3A_346 : memref<1x64xi32, #tpu.memory_space<vmem>> -> memref<64xi32, #tpu.memory_space<vmem>>
      %dma_wait3A_348 = arith.constant 0 : i32
      %dma_wait3A_349 = tpu.memref_slice %arg5[%dma_wait3A_348] : memref<320000xi32, #tpu.memory_space<hbm>> -> memref<64xi32, #tpu.memory_space<hbm>>
      %dma_wait3A_350 = arith.constant 0 : i32
      %dma_wait3A_351 = tpu.memref_slice %arg9[%scan3A_138, %dma_wait3A_350] : memref<2x64xi32, #tpu.memory_space<vmem>> -> memref<1x64xi32, #tpu.memory_space<vmem>>
      %dma_wait3A_352 = tpu.memref_squeeze %dma_wait3A_351 : memref<1x64xi32, #tpu.memory_space<vmem>> -> memref<64xi32, #tpu.memory_space<vmem>>
      %dma_wait3A_353 = arith.constant 0 : i32
      %dma_wait3A_354 = tpu.memref_slice %arg5[%dma_wait3A_353] : memref<320000xi32, #tpu.memory_space<hbm>> -> memref<64xi32, #tpu.memory_space<hbm>>
      tpu.wait_dma2 semaphore(%arg25 : memref<!tpu.dma_semaphore, #tpu.memory_space<semaphore_mem>>) src(%dma_wait3A_354 : memref<64xi32, #tpu.memory_space<hbm>>) dst(%dma_wait3A_352 : memref<64xi32, #tpu.memory_space<vmem>>)
      %dma_start3A_355 = arith.constant 0 : i32
      %dma_start3A_356 = tpu.memref_slice %arg9[%scan3A_138, %dma_start3A_355] : memref<2x64xi32, #tpu.memory_space<vmem>> -> memref<1x64xi32, #tpu.memory_space<vmem>>
      %dma_start3A_357 = tpu.memref_squeeze %dma_start3A_356 : memref<1x64xi32, #tpu.memory_space<vmem>> -> memref<64xi32, #tpu.memory_space<vmem>>
      %dma_start3A_358 = arith.constant 0 : i32
      %dma_start3A_359 = arith.constant 0 : i32
      %dma_start3A_360 = tpu.memref_slice %arg15[%dma_start3A_358, %dma_start3A_359] : memref<10240x128xf32, #tpu.memory_space<vmem_shared>> -> memref<10240x128xf32, #tpu.memory_space<vmem_shared>>
      tpu.enqueue_indirect_dma source(%arg14 : memref<64x128xf32, #tpu.memory_space<vmem>>) target(%dma_start3A_360 : memref<10240x128xf32, #tpu.memory_space<vmem_shared>>) offsets(%dma_start3A_357 : memref<64xi32, #tpu.memory_space<vmem>>) semaphore(%arg21 : memref<!tpu.dma_semaphore, #tpu.memory_space<semaphore_mem>>) {add = true}
    }
    %scan3A_143 = arith.constant 77 : i32
    %dma_wait3A_144 = arith.constant 0 : i32
    %dma_wait3A_145 = arith.constant 0 : i32
    %dma_wait3A_146 = tpu.memref_slice %arg9[%dma_wait3A_144, %dma_wait3A_145] : memref<2x64xi32, #tpu.memory_space<vmem>> -> memref<1x64xi32, #tpu.memory_space<vmem>>
    %dma_wait3A_147 = tpu.memref_squeeze %dma_wait3A_146 : memref<1x64xi32, #tpu.memory_space<vmem>> -> memref<64xi32, #tpu.memory_space<vmem>>
    %dma_wait3A_148 = arith.constant 0 : i32
    %dma_wait3A_149 = arith.constant 0 : i32
    %dma_wait3A_150 = tpu.memref_slice %arg15[%dma_wait3A_148, %dma_wait3A_149] : memref<10240x128xf32, #tpu.memory_space<vmem_shared>> -> memref<10240x128xf32, #tpu.memory_space<vmem_shared>>
    tpu.wait_indirect_dma semaphore(%arg21 : memref<!tpu.dma_semaphore, #tpu.memory_space<semaphore_mem>>) src(%arg14 : memref<64x128xf32, #tpu.memory_space<vmem>>) dst(%dma_wait3A_150 : memref<10240x128xf32, #tpu.memory_space<vmem_shared>>)
    %dma_wait3A_151 = arith.constant 0 : i32
    %dma_wait3A_152 = arith.constant 0 : i32
    %dma_wait3A_153 = tpu.memref_slice %arg9[%dma_wait3A_151, %dma_wait3A_152] : memref<2x64xi32, #tpu.memory_space<vmem>> -> memref<1x64xi32, #tpu.memory_space<vmem>>
    %dma_wait3A_154 = tpu.memref_squeeze %dma_wait3A_153 : memref<1x64xi32, #tpu.memory_space<vmem>> -> memref<64xi32, #tpu.memory_space<vmem>>
    %dma_wait3A_155 = arith.constant 0 : i32
    %dma_wait3A_156 = tpu.memref_slice %arg5[%dma_wait3A_155] : memref<320000xi32, #tpu.memory_space<hbm>> -> memref<64xi32, #tpu.memory_space<hbm>>
    %dma_wait3A_157 = arith.constant 0 : i32
    %dma_wait3A_158 = tpu.memref_slice %arg9[%dma_wait3A_151, %dma_wait3A_157] : memref<2x64xi32, #tpu.memory_space<vmem>> -> memref<1x64xi32, #tpu.memory_space<vmem>>
    %dma_wait3A_159 = tpu.memref_squeeze %dma_wait3A_158 : memref<1x64xi32, #tpu.memory_space<vmem>> -> memref<64xi32, #tpu.memory_space<vmem>>
    %dma_wait3A_160 = arith.constant 0 : i32
    %dma_wait3A_161 = tpu.memref_slice %arg5[%dma_wait3A_160] : memref<320000xi32, #tpu.memory_space<hbm>> -> memref<64xi32, #tpu.memory_space<hbm>>
    tpu.wait_dma2 semaphore(%arg24 : memref<!tpu.dma_semaphore, #tpu.memory_space<semaphore_mem>>) src(%dma_wait3A_161 : memref<64xi32, #tpu.memory_space<hbm>>) dst(%dma_wait3A_159 : memref<64xi32, #tpu.memory_space<vmem>>)
    %dma_wait3A_162 = arith.constant 0 : i32
    %dma_wait3A_163 = tpu.memref_slice %arg4[%dma_wait3A_162] : memref<320000xi32, #tpu.memory_space<hbm>> -> memref<64xi32, #tpu.memory_space<hbm>>
    %dma_wait3A_164 = arith.constant 0 : i32
    %dma_wait3A_165 = tpu.memref_slice %arg4[%dma_wait3A_164] : memref<320000xi32, #tpu.memory_space<hbm>> -> memref<64xi32, #tpu.memory_space<hbm>>
    tpu.wait_dma2 semaphore(%arg23 : memref<!tpu.dma_semaphore, #tpu.memory_space<semaphore_mem>>) src(%dma_wait3A_165 : memref<64xi32, #tpu.memory_space<hbm>>) dst(%arg8 : memref<64xi32, #tpu.memory_space<vmem>>)
    %dma_wait3A_166 = arith.constant 0 : i32
    %dma_wait3A_167 = arith.constant 0 : i32
    %dma_wait3A_168 = tpu.memref_slice %arg2[%dma_wait3A_166, %dma_wait3A_167] : memref<10000x128xf32, #tpu.memory_space<hbm>> -> memref<10000x128xf32, #tpu.memory_space<hbm>>
    tpu.wait_indirect_dma semaphore(%arg16 : memref<!tpu.dma_semaphore, #tpu.memory_space<semaphore_mem>>) src(%dma_wait3A_168 : memref<10000x128xf32, #tpu.memory_space<hbm>>) dst(%arg11 : memref<64x128xf32, #tpu.memory_space<vmem>>)
    %dma_wait3A_169 = arith.constant 0 : i32
    %dma_wait3A_170 = arith.constant 0 : i32
    %dma_wait3A_171 = tpu.memref_slice %arg3[%dma_wait3A_169, %dma_wait3A_170] : memref<320000x128xf32, #tpu.memory_space<hbm>> -> memref<64x128xf32, #tpu.memory_space<hbm>>
    %dma_wait3A_172 = arith.constant 0 : i32
    %dma_wait3A_173 = arith.constant 0 : i32
    %dma_wait3A_174 = tpu.memref_slice %arg3[%dma_wait3A_172, %dma_wait3A_173] : memref<320000x128xf32, #tpu.memory_space<hbm>> -> memref<64x128xf32, #tpu.memory_space<hbm>>
    tpu.wait_dma2 semaphore(%arg18 : memref<!tpu.dma_semaphore, #tpu.memory_space<semaphore_mem>>) src(%dma_wait3A_174 : memref<64x128xf32, #tpu.memory_space<hbm>>) dst(%arg13 : memref<64x128xf32, #tpu.memory_space<vmem>>)
    %add3A_175 = arith.constant 9984 : i32
    %add3A_176 = arith.addi %mul3A_2, %add3A_175 : i32
    "tpu.region"() ({
      %run_scoped3A_192 = tpu.sem_alloc : memref<!tpu.dma_semaphore, #tpu.memory_space<semaphore_mem>>
      %dma_start3A_193 = arith.constant 0 : i32
      %dma_start3A_194 = tpu.memref_slice %arg7[%dma_start3A_193] : memref<64xi32, #tpu.memory_space<vmem>> -> memref<16xi32, #tpu.memory_space<vmem>>
      %dma_start3A_195 = tpu.memref_slice %arg4[%add3A_176] : memref<320000xi32, #tpu.memory_space<hbm>> -> memref<16xi32, #tpu.memory_space<hbm>>
      %dma_start3A_196 = arith.constant 0 : i32
      %dma_start3A_197 = tpu.memref_slice %arg7[%dma_start3A_196] : memref<64xi32, #tpu.memory_space<vmem>> -> memref<16xi32, #tpu.memory_space<vmem>>
      %dma_start3A_198 = tpu.memref_slice %arg4[%add3A_176] : memref<320000xi32, #tpu.memory_space<hbm>> -> memref<16xi32, #tpu.memory_space<hbm>>
      tpu.enqueue_dma source(%dma_start3A_198 : memref<16xi32, #tpu.memory_space<hbm>>) target(%dma_start3A_197 : memref<16xi32, #tpu.memory_space<vmem>>) target_semaphore(%run_scoped3A_192 : memref<!tpu.dma_semaphore, #tpu.memory_space<semaphore_mem>>)
      %dma_wait3A_199 = arith.constant 0 : i32
      %dma_wait3A_200 = tpu.memref_slice %arg7[%dma_wait3A_199] : memref<64xi32, #tpu.memory_space<vmem>> -> memref<16xi32, #tpu.memory_space<vmem>>
      %dma_wait3A_201 = tpu.memref_slice %arg4[%add3A_176] : memref<320000xi32, #tpu.memory_space<hbm>> -> memref<16xi32, #tpu.memory_space<hbm>>
      %dma_wait3A_202 = arith.constant 0 : i32
      %dma_wait3A_203 = tpu.memref_slice %arg7[%dma_wait3A_202] : memref<64xi32, #tpu.memory_space<vmem>> -> memref<16xi32, #tpu.memory_space<vmem>>
      %dma_wait3A_204 = tpu.memref_slice %arg4[%add3A_176] : memref<320000xi32, #tpu.memory_space<hbm>> -> memref<16xi32, #tpu.memory_space<hbm>>
      tpu.wait_dma2 semaphore(%run_scoped3A_192 : memref<!tpu.dma_semaphore, #tpu.memory_space<semaphore_mem>>) src(%dma_wait3A_204 : memref<16xi32, #tpu.memory_space<hbm>>) dst(%dma_wait3A_203 : memref<16xi32, #tpu.memory_space<vmem>>)
      tpu.yield
    }) : () -> ()
    %run_scoped3A_177 = arith.constant 0 : i32
    "tpu.region"() ({
      %run_scoped3A_192 = tpu.sem_alloc : memref<!tpu.dma_semaphore, #tpu.memory_space<semaphore_mem>>
      %dma_start3A_193 = arith.constant 0 : i32
      %dma_start3A_194 = tpu.memref_slice %arg10[%run_scoped3A_177, %dma_start3A_193] : memref<1x16xi32, #tpu.memory_space<vmem>> -> memref<1x16xi32, #tpu.memory_space<vmem>>
      %dma_start3A_195 = tpu.memref_squeeze %dma_start3A_194 : memref<1x16xi32, #tpu.memory_space<vmem>> -> memref<16xi32, #tpu.memory_space<vmem>>
      %dma_start3A_196 = tpu.memref_slice %arg5[%add3A_176] : memref<320000xi32, #tpu.memory_space<hbm>> -> memref<16xi32, #tpu.memory_space<hbm>>
      %dma_start3A_197 = arith.constant 0 : i32
      %dma_start3A_198 = tpu.memref_slice %arg10[%run_scoped3A_177, %dma_start3A_197] : memref<1x16xi32, #tpu.memory_space<vmem>> -> memref<1x16xi32, #tpu.memory_space<vmem>>
      %dma_start3A_199 = tpu.memref_squeeze %dma_start3A_198 : memref<1x16xi32, #tpu.memory_space<vmem>> -> memref<16xi32, #tpu.memory_space<vmem>>
      %dma_start3A_200 = tpu.memref_slice %arg5[%add3A_176] : memref<320000xi32, #tpu.memory_space<hbm>> -> memref<16xi32, #tpu.memory_space<hbm>>
      tpu.enqueue_dma source(%dma_start3A_200 : memref<16xi32, #tpu.memory_space<hbm>>) target(%dma_start3A_199 : memref<16xi32, #tpu.memory_space<vmem>>) target_semaphore(%run_scoped3A_192 : memref<!tpu.dma_semaphore, #tpu.memory_space<semaphore_mem>>)
      %dma_wait3A_201 = arith.constant 0 : i32
      %dma_wait3A_202 = tpu.memref_slice %arg10[%run_scoped3A_177, %dma_wait3A_201] : memref<1x16xi32, #tpu.memory_space<vmem>> -> memref<1x16xi32, #tpu.memory_space<vmem>>
      %dma_wait3A_203 = tpu.memref_squeeze %dma_wait3A_202 : memref<1x16xi32, #tpu.memory_space<vmem>> -> memref<16xi32, #tpu.memory_space<vmem>>
      %dma_wait3A_204 = tpu.memref_slice %arg5[%add3A_176] : memref<320000xi32, #tpu.memory_space<hbm>> -> memref<16xi32, #tpu.memory_space<hbm>>
      %dma_wait3A_205 = arith.constant 0 : i32
      %dma_wait3A_206 = tpu.memref_slice %arg10[%run_scoped3A_177, %dma_wait3A_205] : memref<1x16xi32, #tpu.memory_space<vmem>> -> memref<1x16xi32, #tpu.memory_space<vmem>>
      %dma_wait3A_207 = tpu.memref_squeeze %dma_wait3A_206 : memref<1x16xi32, #tpu.memory_space<vmem>> -> memref<16xi32, #tpu.memory_space<vmem>>
      %dma_wait3A_208 = tpu.memref_slice %arg5[%add3A_176] : memref<320000xi32, #tpu.memory_space<hbm>> -> memref<16xi32, #tpu.memory_space<hbm>>
      tpu.wait_dma2 semaphore(%run_scoped3A_192 : memref<!tpu.dma_semaphore, #tpu.memory_space<semaphore_mem>>) src(%dma_wait3A_208 : memref<16xi32, #tpu.memory_space<hbm>>) dst(%dma_wait3A_207 : memref<16xi32, #tpu.memory_space<vmem>>)
      tpu.yield
    }) : () -> ()
    "tpu.region"() ({
      %run_scoped3A_192 = tpu.sem_alloc : memref<!tpu.dma_semaphore, #tpu.memory_space<semaphore_mem>>
      %dma_start3A_193 = arith.constant 0 : i32
      %dma_start3A_194 = arith.constant 0 : i32
      %dma_start3A_195 = tpu.memref_slice %arg11[%dma_start3A_193, %dma_start3A_194] : memref<64x128xf32, #tpu.memory_space<vmem>> -> memref<16x128xf32, #tpu.memory_space<vmem>>
      %dma_start3A_196 = arith.constant 0 : i32
      %dma_start3A_197 = tpu.memref_slice %arg7[%dma_start3A_196] : memref<64xi32, #tpu.memory_space<vmem>> -> memref<16xi32, #tpu.memory_space<vmem>>
      %dma_start3A_198 = arith.constant 0 : i32
      %dma_start3A_199 = arith.constant 0 : i32
      %dma_start3A_200 = tpu.memref_slice %arg2[%dma_start3A_198, %dma_start3A_199] : memref<10000x128xf32, #tpu.memory_space<hbm>> -> memref<10000x128xf32, #tpu.memory_space<hbm>>
      tpu.enqueue_indirect_dma source(%dma_start3A_200 : memref<10000x128xf32, #tpu.memory_space<hbm>>) target(%dma_start3A_195 : memref<16x128xf32, #tpu.memory_space<vmem>>) offsets(%dma_start3A_197 : memref<16xi32, #tpu.memory_space<vmem>>) semaphore(%run_scoped3A_192 : memref<!tpu.dma_semaphore, #tpu.memory_space<semaphore_mem>>)
      %dma_wait3A_201 = arith.constant 0 : i32
      %dma_wait3A_202 = arith.constant 0 : i32
      %dma_wait3A_203 = tpu.memref_slice %arg11[%dma_wait3A_201, %dma_wait3A_202] : memref<64x128xf32, #tpu.memory_space<vmem>> -> memref<16x128xf32, #tpu.memory_space<vmem>>
      %dma_wait3A_204 = arith.constant 0 : i32
      %dma_wait3A_205 = tpu.memref_slice %arg7[%dma_wait3A_204] : memref<64xi32, #tpu.memory_space<vmem>> -> memref<16xi32, #tpu.memory_space<vmem>>
      %dma_wait3A_206 = arith.constant 0 : i32
      %dma_wait3A_207 = arith.constant 0 : i32
      %dma_wait3A_208 = tpu.memref_slice %arg2[%dma_wait3A_206, %dma_wait3A_207] : memref<10000x128xf32, #tpu.memory_space<hbm>> -> memref<10000x128xf32, #tpu.memory_space<hbm>>
      tpu.wait_indirect_dma semaphore(%run_scoped3A_192 : memref<!tpu.dma_semaphore, #tpu.memory_space<semaphore_mem>>) src(%dma_wait3A_208 : memref<10000x128xf32, #tpu.memory_space<hbm>>) dst(%dma_wait3A_203 : memref<16x128xf32, #tpu.memory_space<vmem>>)
      tpu.yield
    }) : () -> ()
    "tpu.region"() ({
      %run_scoped3A_192 = tpu.sem_alloc : memref<!tpu.dma_semaphore, #tpu.memory_space<semaphore_mem>>
      %dma_start3A_193 = arith.constant 0 : i32
      %dma_start3A_194 = arith.constant 0 : i32
      %dma_start3A_195 = tpu.memref_slice %arg13[%dma_start3A_193, %dma_start3A_194] : memref<64x128xf32, #tpu.memory_space<vmem>> -> memref<16x128xf32, #tpu.memory_space<vmem>>
      %dma_start3A_196 = arith.constant 0 : i32
      %dma_start3A_197 = tpu.memref_slice %arg3[%add3A_176, %dma_start3A_196] : memref<320000x128xf32, #tpu.memory_space<hbm>> -> memref<16x128xf32, #tpu.memory_space<hbm>>
      %dma_start3A_198 = arith.constant 0 : i32
      %dma_start3A_199 = arith.constant 0 : i32
      %dma_start3A_200 = tpu.memref_slice %arg13[%dma_start3A_198, %dma_start3A_199] : memref<64x128xf32, #tpu.memory_space<vmem>> -> memref<16x128xf32, #tpu.memory_space<vmem>>
      %dma_start3A_201 = arith.constant 0 : i32
      %dma_start3A_202 = tpu.memref_slice %arg3[%add3A_176, %dma_start3A_201] : memref<320000x128xf32, #tpu.memory_space<hbm>> -> memref<16x128xf32, #tpu.memory_space<hbm>>
      tpu.enqueue_dma source(%dma_start3A_202 : memref<16x128xf32, #tpu.memory_space<hbm>>) target(%dma_start3A_200 : memref<16x128xf32, #tpu.memory_space<vmem>>) target_semaphore(%run_scoped3A_192 : memref<!tpu.dma_semaphore, #tpu.memory_space<semaphore_mem>>)
      %dma_wait3A_203 = arith.constant 0 : i32
      %dma_wait3A_204 = arith.constant 0 : i32
      %dma_wait3A_205 = tpu.memref_slice %arg13[%dma_wait3A_203, %dma_wait3A_204] : memref<64x128xf32, #tpu.memory_space<vmem>> -> memref<16x128xf32, #tpu.memory_space<vmem>>
      %dma_wait3A_206 = arith.constant 0 : i32
      %dma_wait3A_207 = tpu.memref_slice %arg3[%add3A_176, %dma_wait3A_206] : memref<320000x128xf32, #tpu.memory_space<hbm>> -> memref<16x128xf32, #tpu.memory_space<hbm>>
      %dma_wait3A_208 = arith.constant 0 : i32
      %dma_wait3A_209 = arith.constant 0 : i32
      %dma_wait3A_210 = tpu.memref_slice %arg13[%dma_wait3A_208, %dma_wait3A_209] : memref<64x128xf32, #tpu.memory_space<vmem>> -> memref<16x128xf32, #tpu.memory_space<vmem>>
      %dma_wait3A_211 = arith.constant 0 : i32
      %dma_wait3A_212 = tpu.memref_slice %arg3[%add3A_176, %dma_wait3A_211] : memref<320000x128xf32, #tpu.memory_space<hbm>> -> memref<16x128xf32, #tpu.memory_space<hbm>>
      tpu.wait_dma2 semaphore(%run_scoped3A_192 : memref<!tpu.dma_semaphore, #tpu.memory_space<semaphore_mem>>) src(%dma_wait3A_212 : memref<16x128xf32, #tpu.memory_space<hbm>>) dst(%dma_wait3A_210 : memref<16x128xf32, #tpu.memory_space<vmem>>)
      tpu.yield
    }) : () -> ()
    %scan3A_178 = arith.constant 0 : i32
    %scan3A_179 = arith.constant 16 : i32
    %scan3A_180 = arith.addi %scan3A_178, %scan3A_179 : i32
    %scan3A_181 = arith.constant 1 : i32
    scf.for %scan3A_192 = %scan3A_178 to %scan3A_180 step %scan3A_181  : i32 {
      %mul3A_193 = arith.constant 1 : i32
      %mul3A_194 = arith.muli %scan3A_192, %mul3A_193 : i32
      %add3A_195 = arith.constant 0 : i32
      %add3A_196 = arith.addi %add3A_195, %mul3A_194 : i32
      %get3A = arith.index_cast %add3A_196 : i32 to index
      %get3A_197 = arith.constant 0 : index
      %get3A_198 = tpu.vector_load %arg13[%get3A, %get3A_197] {strides = array<i32>} : memref<64x128xf32, #tpu.memory_space<vmem>>, vector<1x16xf32>,
      %get3A_199 = vector.shape_cast %get3A_198 : vector<1x16xf32> to vector<16xf32>
      %get3A_200 = arith.index_cast %add3A_196 : i32 to index
      %get3A_201 = arith.constant 0 : index
      %get3A_202 = tpu.vector_load %arg11[%get3A_200, %get3A_201] {strides = array<i32>} : memref<64x128xf32, #tpu.memory_space<vmem>>, vector<1x16xf32>,
      %get3A_203 = vector.shape_cast %get3A_202 : vector<1x16xf32> to vector<16xf32>
      %mul3A_204 = arith.mulf %get3A_199, %get3A_203 : vector<16xf32>
      %swap3A = arith.index_cast %add3A_196 : i32 to index
      %swap3A_205 = arith.constant 0 : index
      %swap3A_206 = tpu.vector_load %arg13[%swap3A, %swap3A_205] {strides = array<i32>} : memref<64x128xf32, #tpu.memory_space<vmem>>, vector<1x16xf32>,
      %swap3A_207 = vector.shape_cast %swap3A_206 : vector<1x16xf32> to vector<16xf32>
      %swap3A_208 = vector.shape_cast %mul3A_204 : vector<16xf32> to vector<1x16xf32>
      tpu.vector_store %arg13[%swap3A, %swap3A_205], %swap3A_208 {strides = array<i32>} : memref<64x128xf32, #tpu.memory_space<vmem>>, vector<1x16xf32>,
      %get3A_209 = arith.index_cast %add3A_196 : i32 to index
      %get3A_210 = arith.constant 16 : index
      %get3A_211 = tpu.vector_load %arg13[%get3A_209, %get3A_210] {strides = array<i32>} : memref<64x128xf32, #tpu.memory_space<vmem>>, vector<1x16xf32>,
      %get3A_212 = vector.shape_cast %get3A_211 : vector<1x16xf32> to vector<16xf32>
      %get3A_213 = arith.index_cast %add3A_196 : i32 to index
      %get3A_214 = arith.constant 16 : index
      %get3A_215 = tpu.vector_load %arg11[%get3A_213, %get3A_214] {strides = array<i32>} : memref<64x128xf32, #tpu.memory_space<vmem>>, vector<1x16xf32>,
      %get3A_216 = vector.shape_cast %get3A_215 : vector<1x16xf32> to vector<16xf32>
      %mul3A_217 = arith.mulf %get3A_212, %get3A_216 : vector<16xf32>
      %swap3A_218 = arith.index_cast %add3A_196 : i32 to index
      %swap3A_219 = arith.constant 16 : index
      %swap3A_220 = tpu.vector_load %arg13[%swap3A_218, %swap3A_219] {strides = array<i32>} : memref<64x128xf32, #tpu.memory_space<vmem>>, vector<1x16xf32>,
      %swap3A_221 = vector.shape_cast %swap3A_220 : vector<1x16xf32> to vector<16xf32>
      %swap3A_222 = vector.shape_cast %mul3A_217 : vector<16xf32> to vector<1x16xf32>
      tpu.vector_store %arg13[%swap3A_218, %swap3A_219], %swap3A_222 {strides = array<i32>} : memref<64x128xf32, #tpu.memory_space<vmem>>, vector<1x16xf32>,
      %get3A_223 = arith.index_cast %add3A_196 : i32 to index
      %get3A_224 = arith.constant 32 : index
      %get3A_225 = tpu.vector_load %arg13[%get3A_223, %get3A_224] {strides = array<i32>} : memref<64x128xf32, #tpu.memory_space<vmem>>, vector<1x16xf32>,
      %get3A_226 = vector.shape_cast %get3A_225 : vector<1x16xf32> to vector<16xf32>
      %get3A_227 = arith.index_cast %add3A_196 : i32 to index
      %get3A_228 = arith.constant 32 : index
      %get3A_229 = tpu.vector_load %arg11[%get3A_227, %get3A_228] {strides = array<i32>} : memref<64x128xf32, #tpu.memory_space<vmem>>, vector<1x16xf32>,
      %get3A_230 = vector.shape_cast %get3A_229 : vector<1x16xf32> to vector<16xf32>
      %mul3A_231 = arith.mulf %get3A_226, %get3A_230 : vector<16xf32>
      %swap3A_232 = arith.index_cast %add3A_196 : i32 to index
      %swap3A_233 = arith.constant 32 : index
      %swap3A_234 = tpu.vector_load %arg13[%swap3A_232, %swap3A_233] {strides = array<i32>} : memref<64x128xf32, #tpu.memory_space<vmem>>, vector<1x16xf32>,
      %swap3A_235 = vector.shape_cast %swap3A_234 : vector<1x16xf32> to vector<16xf32>
      %swap3A_236 = vector.shape_cast %mul3A_231 : vector<16xf32> to vector<1x16xf32>
      tpu.vector_store %arg13[%swap3A_232, %swap3A_233], %swap3A_236 {strides = array<i32>} : memref<64x128xf32, #tpu.memory_space<vmem>>, vector<1x16xf32>,
      %get3A_237 = arith.index_cast %add3A_196 : i32 to index
      %get3A_238 = arith.constant 48 : index
      %get3A_239 = tpu.vector_load %arg13[%get3A_237, %get3A_238] {strides = array<i32>} : memref<64x128xf32, #tpu.memory_space<vmem>>, vector<1x16xf32>,
      %get3A_240 = vector.shape_cast %get3A_239 : vector<1x16xf32> to vector<16xf32>
      %get3A_241 = arith.index_cast %add3A_196 : i32 to index
      %get3A_242 = arith.constant 48 : index
      %get3A_243 = tpu.vector_load %arg11[%get3A_241, %get3A_242] {strides = array<i32>} : memref<64x128xf32, #tpu.memory_space<vmem>>, vector<1x16xf32>,
      %get3A_244 = vector.shape_cast %get3A_243 : vector<1x16xf32> to vector<16xf32>
      %mul3A_245 = arith.mulf %get3A_240, %get3A_244 : vector<16xf32>
      %swap3A_246 = arith.index_cast %add3A_196 : i32 to index
      %swap3A_247 = arith.constant 48 : index
      %swap3A_248 = tpu.vector_load %arg13[%swap3A_246, %swap3A_247] {strides = array<i32>} : memref<64x128xf32, #tpu.memory_space<vmem>>, vector<1x16xf32>,
      %swap3A_249 = vector.shape_cast %swap3A_248 : vector<1x16xf32> to vector<16xf32>
      %swap3A_250 = vector.shape_cast %mul3A_245 : vector<16xf32> to vector<1x16xf32>
      tpu.vector_store %arg13[%swap3A_246, %swap3A_247], %swap3A_250 {strides = array<i32>} : memref<64x128xf32, #tpu.memory_space<vmem>>, vector<1x16xf32>,
      %get3A_251 = arith.index_cast %add3A_196 : i32 to index
      %get3A_252 = arith.constant 64 : index
      %get3A_253 = tpu.vector_load %arg13[%get3A_251, %get3A_252] {strides = array<i32>} : memref<64x128xf32, #tpu.memory_space<vmem>>, vector<1x16xf32>,
      %get3A_254 = vector.shape_cast %get3A_253 : vector<1x16xf32> to vector<16xf32>
      %get3A_255 = arith.index_cast %add3A_196 : i32 to index
      %get3A_256 = arith.constant 64 : index
      %get3A_257 = tpu.vector_load %arg11[%get3A_255, %get3A_256] {strides = array<i32>} : memref<64x128xf32, #tpu.memory_space<vmem>>, vector<1x16xf32>,
      %get3A_258 = vector.shape_cast %get3A_257 : vector<1x16xf32> to vector<16xf32>
      %mul3A_259 = arith.mulf %get3A_254, %get3A_258 : vector<16xf32>
      %swap3A_260 = arith.index_cast %add3A_196 : i32 to index
      %swap3A_261 = arith.constant 64 : index
      %swap3A_262 = tpu.vector_load %arg13[%swap3A_260, %swap3A_261] {strides = array<i32>} : memref<64x128xf32, #tpu.memory_space<vmem>>, vector<1x16xf32>,
      %swap3A_263 = vector.shape_cast %swap3A_262 : vector<1x16xf32> to vector<16xf32>
      %swap3A_264 = vector.shape_cast %mul3A_259 : vector<16xf32> to vector<1x16xf32>
      tpu.vector_store %arg13[%swap3A_260, %swap3A_261], %swap3A_264 {strides = array<i32>} : memref<64x128xf32, #tpu.memory_space<vmem>>, vector<1x16xf32>,
      %get3A_265 = arith.index_cast %add3A_196 : i32 to index
      %get3A_266 = arith.constant 80 : index
      %get3A_267 = tpu.vector_load %arg13[%get3A_265, %get3A_266] {strides = array<i32>} : memref<64x128xf32, #tpu.memory_space<vmem>>, vector<1x16xf32>,
      %get3A_268 = vector.shape_cast %get3A_267 : vector<1x16xf32> to vector<16xf32>
      %get3A_269 = arith.index_cast %add3A_196 : i32 to index
      %get3A_270 = arith.constant 80 : index
      %get3A_271 = tpu.vector_load %arg11[%get3A_269, %get3A_270] {strides = array<i32>} : memref<64x128xf32, #tpu.memory_space<vmem>>, vector<1x16xf32>,
      %get3A_272 = vector.shape_cast %get3A_271 : vector<1x16xf32> to vector<16xf32>
      %mul3A_273 = arith.mulf %get3A_268, %get3A_272 : vector<16xf32>
      %swap3A_274 = arith.index_cast %add3A_196 : i32 to index
      %swap3A_275 = arith.constant 80 : index
      %swap3A_276 = tpu.vector_load %arg13[%swap3A_274, %swap3A_275] {strides = array<i32>} : memref<64x128xf32, #tpu.memory_space<vmem>>, vector<1x16xf32>,
      %swap3A_277 = vector.shape_cast %swap3A_276 : vector<1x16xf32> to vector<16xf32>
      %swap3A_278 = vector.shape_cast %mul3A_273 : vector<16xf32> to vector<1x16xf32>
      tpu.vector_store %arg13[%swap3A_274, %swap3A_275], %swap3A_278 {strides = array<i32>} : memref<64x128xf32, #tpu.memory_space<vmem>>, vector<1x16xf32>,
      %get3A_279 = arith.index_cast %add3A_196 : i32 to index
      %get3A_280 = arith.constant 96 : index
      %get3A_281 = tpu.vector_load %arg13[%get3A_279, %get3A_280] {strides = array<i32>} : memref<64x128xf32, #tpu.memory_space<vmem>>, vector<1x16xf32>,
      %get3A_282 = vector.shape_cast %get3A_281 : vector<1x16xf32> to vector<16xf32>
      %get3A_283 = arith.index_cast %add3A_196 : i32 to index
      %get3A_284 = arith.constant 96 : index
      %get3A_285 = tpu.vector_load %arg11[%get3A_283, %get3A_284] {strides = array<i32>} : memref<64x128xf32, #tpu.memory_space<vmem>>, vector<1x16xf32>,
      %get3A_286 = vector.shape_cast %get3A_285 : vector<1x16xf32> to vector<16xf32>
      %mul3A_287 = arith.mulf %get3A_282, %get3A_286 : vector<16xf32>
      %swap3A_288 = arith.index_cast %add3A_196 : i32 to index
      %swap3A_289 = arith.constant 96 : index
      %swap3A_290 = tpu.vector_load %arg13[%swap3A_288, %swap3A_289] {strides = array<i32>} : memref<64x128xf32, #tpu.memory_space<vmem>>, vector<1x16xf32>,
      %swap3A_291 = vector.shape_cast %swap3A_290 : vector<1x16xf32> to vector<16xf32>
      %swap3A_292 = vector.shape_cast %mul3A_287 : vector<16xf32> to vector<1x16xf32>
      tpu.vector_store %arg13[%swap3A_288, %swap3A_289], %swap3A_292 {strides = array<i32>} : memref<64x128xf32, #tpu.memory_space<vmem>>, vector<1x16xf32>,
      %get3A_293 = arith.index_cast %add3A_196 : i32 to index
      %get3A_294 = arith.constant 112 : index
      %get3A_295 = tpu.vector_load %arg13[%get3A_293, %get3A_294] {strides = array<i32>} : memref<64x128xf32, #tpu.memory_space<vmem>>, vector<1x16xf32>,
      %get3A_296 = vector.shape_cast %get3A_295 : vector<1x16xf32> to vector<16xf32>
      %get3A_297 = arith.index_cast %add3A_196 : i32 to index
      %get3A_298 = arith.constant 112 : index
      %get3A_299 = tpu.vector_load %arg11[%get3A_297, %get3A_298] {strides = array<i32>} : memref<64x128xf32, #tpu.memory_space<vmem>>, vector<1x16xf32>,
      %get3A_300 = vector.shape_cast %get3A_299 : vector<1x16xf32> to vector<16xf32>
      %mul3A_301 = arith.mulf %get3A_296, %get3A_300 : vector<16xf32>
      %swap3A_302 = arith.index_cast %add3A_196 : i32 to index
      %swap3A_303 = arith.constant 112 : index
      %swap3A_304 = tpu.vector_load %arg13[%swap3A_302, %swap3A_303] {strides = array<i32>} : memref<64x128xf32, #tpu.memory_space<vmem>>, vector<1x16xf32>,
      %swap3A_305 = vector.shape_cast %swap3A_304 : vector<1x16xf32> to vector<16xf32>
      %swap3A_306 = vector.shape_cast %mul3A_301 : vector<16xf32> to vector<1x16xf32>
      tpu.vector_store %arg13[%swap3A_302, %swap3A_303], %swap3A_306 {strides = array<i32>} : memref<64x128xf32, #tpu.memory_space<vmem>>, vector<1x16xf32>,
    }
    %scan3A_182 = arith.constant 16 : i32
    %run_scoped3A_183 = arith.constant 0 : i32
    "tpu.region"() ({
      %run_scoped3A_192 = tpu.sem_alloc : memref<!tpu.dma_semaphore, #tpu.memory_space<semaphore_mem>>
      %dma_start3A_193 = arith.constant 0 : i32
      %dma_start3A_194 = arith.constant 0 : i32
      %dma_start3A_195 = tpu.memref_slice %arg13[%dma_start3A_193, %dma_start3A_194] : memref<64x128xf32, #tpu.memory_space<vmem>> -> memref<16x128xf32, #tpu.memory_space<vmem>>
      %dma_start3A_196 = arith.constant 0 : i32
      %dma_start3A_197 = tpu.memref_slice %arg10[%run_scoped3A_183, %dma_start3A_196] : memref<1x16xi32, #tpu.memory_space<vmem>> -> memref<1x16xi32, #tpu.memory_space<vmem>>
      %dma_start3A_198 = tpu.memref_squeeze %dma_start3A_197 : memref<1x16xi32, #tpu.memory_space<vmem>> -> memref<16xi32, #tpu.memory_space<vmem>>
      %dma_start3A_199 = arith.constant 0 : i32
      %dma_start3A_200 = arith.constant 0 : i32
      %dma_start3A_201 = tpu.memref_slice %arg15[%dma_start3A_199, %dma_start3A_200] : memref<10240x128xf32, #tpu.memory_space<vmem_shared>> -> memref<10240x128xf32, #tpu.memory_space<vmem_shared>>
      tpu.enqueue_indirect_dma source(%dma_start3A_195 : memref<16x128xf32, #tpu.memory_space<vmem>>) target(%dma_start3A_201 : memref<10240x128xf32, #tpu.memory_space<vmem_shared>>) offsets(%dma_start3A_198 : memref<16xi32, #tpu.memory_space<vmem>>) semaphore(%run_scoped3A_192 : memref<!tpu.dma_semaphore, #tpu.memory_space<semaphore_mem>>) {add = true}
      %dma_wait3A_202 = arith.constant 0 : i32
      %dma_wait3A_203 = arith.constant 0 : i32
      %dma_wait3A_204 = tpu.memref_slice %arg13[%dma_wait3A_202, %dma_wait3A_203] : memref<64x128xf32, #tpu.memory_space<vmem>> -> memref<16x128xf32, #tpu.memory_space<vmem>>
      %dma_wait3A_205 = arith.constant 0 : i32
      %dma_wait3A_206 = tpu.memref_slice %arg10[%run_scoped3A_183, %dma_wait3A_205] : memref<1x16xi32, #tpu.memory_space<vmem>> -> memref<1x16xi32, #tpu.memory_space<vmem>>
      %dma_wait3A_207 = tpu.memref_squeeze %dma_wait3A_206 : memref<1x16xi32, #tpu.memory_space<vmem>> -> memref<16xi32, #tpu.memory_space<vmem>>
      %dma_wait3A_208 = arith.constant 0 : i32
      %dma_wait3A_209 = arith.constant 0 : i32
      %dma_wait3A_210 = tpu.memref_slice %arg15[%dma_wait3A_208, %dma_wait3A_209] : memref<10240x128xf32, #tpu.memory_space<vmem_shared>> -> memref<10240x128xf32, #tpu.memory_space<vmem_shared>>
      tpu.wait_indirect_dma semaphore(%run_scoped3A_192 : memref<!tpu.dma_semaphore, #tpu.memory_space<semaphore_mem>>) src(%dma_wait3A_204 : memref<16x128xf32, #tpu.memory_space<vmem>>) dst(%dma_wait3A_210 : memref<10240x128xf32, #tpu.memory_space<vmem_shared>>)
      tpu.yield
    }) : () -> ()
    %barrier3A_184 = arith.constant 0 : index
    tpu.barrier barrier_id(%barrier3A_184)
    %mul3A_185 = arith.constant 640 : i32
    %mul3A_186 = arith.muli %arg1, %mul3A_185 : i32
    %mul3A_187 = arith.constant 10240 : i32
    %mul3A_188 = arith.muli %arg0, %mul3A_187 : i32
    %mul3A_189 = arith.constant 640 : i32
    %mul3A_190 = arith.muli %arg1, %mul3A_189 : i32
    %add3A_191 = arith.addi %mul3A_188, %mul3A_190 : i32
    "tpu.region"() ({
      %run_scoped3A_192 = tpu.sem_alloc : memref<!tpu.dma_semaphore, #tpu.memory_space<semaphore_mem>>
      %dma_start3A_193 = arith.constant 0 : i32
      %dma_start3A_194 = tpu.memref_slice %arg6[%add3A_191, %dma_start3A_193] : memref<20480x128xf32, #tpu.memory_space<hbm>> -> memref<640x128xf32, #tpu.memory_space<hbm>>
      %dma_start3A_195 = arith.constant 0 : i32
      %dma_start3A_196 = tpu.memref_slice %arg15[%mul3A_186, %dma_start3A_195] : memref<10240x128xf32, #tpu.memory_space<vmem_shared>> -> memref<640x128xf32, #tpu.memory_space<vmem_shared>>
      tpu.enqueue_dma source(%dma_start3A_196 : memref<640x128xf32, #tpu.memory_space<vmem_shared>>) target(%dma_start3A_194 : memref<640x128xf32, #tpu.memory_space<hbm>>) target_semaphore(%run_scoped3A_192 : memref<!tpu.dma_semaphore, #tpu.memory_space<semaphore_mem>>)
      %dma_wait3A_197 = arith.constant 0 : i32
      %dma_wait3A_198 = tpu.memref_slice %arg6[%add3A_191, %dma_wait3A_197] : memref<20480x128xf32, #tpu.memory_space<hbm>> -> memref<640x128xf32, #tpu.memory_space<hbm>>
      %dma_wait3A_199 = arith.constant 0 : i32
      %dma_wait3A_200 = tpu.memref_slice %arg15[%mul3A_186, %dma_wait3A_199] : memref<10240x128xf32, #tpu.memory_space<vmem_shared>> -> memref<640x128xf32, #tpu.memory_space<vmem_shared>>
      tpu.wait_dma2 semaphore(%run_scoped3A_192 : memref<!tpu.dma_semaphore, #tpu.memory_space<semaphore_mem>>) src(%dma_wait3A_200 : memref<640x128xf32, #tpu.memory_space<vmem_shared>>) dst(%dma_wait3A_198 : memref<640x128xf32, #tpu.memory_space<hbm>>)
      tpu.yield
    }) : () -> ()
    return
  }
}

module attributes {stable_mosaic.version = 14 : i64} {
  func.func @_edge_softmax_next(%arg0: i32, %arg1: memref<320000x128xf32, #tpu.memory_space<any>>, %arg2: memref<2000x128xf32, #tpu.memory_space<vmem>>, %arg3: memref<2000x128xf32, #tpu.memory_space<vmem>>, %arg4: memref<2000x128xf32, #tpu.memory_space<vmem>>) attributes {dimension_semantics = [#tpu.dimension_semantics<arbitrary>], iteration_bounds = array<i64: 80>, scalar_prefetch = 0 : i64, scratch_operands = 0 : i64, tpu.core_type = #tpu.core_type<tc>, window_params = [{}, {transform_indices = @transform_1, window_bounds = array<i64: 2000, 128>}, {transform_indices = @transform_2, window_bounds = array<i64: 2000, 128>}, {transform_indices = @transform_3, window_bounds = array<i64: 2000, 128>}]} {
    %get3A = arith.constant 0 : index
    %get3A_0 = arith.constant 0 : index
    %get3A_1 = vector.load %arg2[%get3A, %get3A_0] : memref<2000x128xf32, #tpu.memory_space<vmem>>, vector<2000x128xf32>
    %get3A_2 = arith.constant 0 : index
    %get3A_3 = arith.constant 0 : index
    %get3A_4 = vector.load %arg3[%get3A_2, %get3A_3] : memref<2000x128xf32, #tpu.memory_space<vmem>>, vector<2000x128xf32>
    %add3A = arith.addf %get3A_1, %get3A_4 : vector<2000x128xf32>
    %reduce_max3A = arith.constant dense<0xFF800000> : vector<2000xf32>
    %reduce_max3A_5 = vector.multi_reduction <maximumf>, %add3A, %reduce_max3A [1] : vector<2000x128xf32> to vector<2000xf32>
    %broadcast_in_dim3A = vector.shape_cast %reduce_max3A_5 : vector<2000xf32> to vector<2000x1xf32>
    %sub3A = vector.broadcast %broadcast_in_dim3A : vector<2000x1xf32> to vector<2000x128xf32>
    %sub3A_6 = arith.subf %add3A, %sub3A : vector<2000x128xf32>
    %exp3A = math.exp %sub3A_6 : vector<2000x128xf32>
    %reduce_sum3A = arith.constant dense<0.000000e+00> : vector<2000xf32>
    %reduce_sum3A_7 = vector.multi_reduction <add>, %exp3A, %reduce_sum3A [1] : vector<2000x128xf32> to vector<2000xf32>
    %broadcast_in_dim3A_8 = vector.shape_cast %reduce_sum3A_7 : vector<2000xf32> to vector<2000x1xf32>
    %div3A = vector.broadcast %broadcast_in_dim3A_8 : vector<2000x1xf32> to vector<2000x128xf32>
    %div3A_9 = arith.divf %exp3A, %div3A : vector<2000x128xf32>
    %swap3A = arith.constant 0 : index
    %swap3A_10 = arith.constant 0 : index
    %swap3A_11 = vector.load %arg4[%swap3A, %swap3A_10] : memref<2000x128xf32, #tpu.memory_space<vmem>>, vector<2000x128xf32>
    tpu.vector_store %arg4[%swap3A, %swap3A_10], %div3A_9 {strides = array<i32>} : memref<2000x128xf32, #tpu.memory_space<vmem>>, vector<2000x128xf32>,
    return
  }
  func.func @transform_1(%arg0: i32) -> (i32, i32) {
    %c0_i32 = arith.constant 0 : i32
    %c0_i32_0 = arith.constant 0 : i32
    return %arg0, %c0_i32 : i32, i32
  }
  func.func @transform_2(%arg0: i32) -> (i32, i32) {
    %add3A = arith.constant 80 : i32
    %add3A_0 = arith.addi %arg0, %add3A : i32
    %c0_i32 = arith.constant 0 : i32
    %c0_i32_1 = arith.constant 0 : i32
    return %add3A_0, %c0_i32 : i32, i32
  }
  func.func @transform_3(%arg0: i32) -> (i32, i32) {
    %add3A = arith.constant 80 : i32
    %add3A_0 = arith.addi %arg0, %add3A : i32
    %c0_i32 = arith.constant 0 : i32
    %c0_i32_1 = arith.constant 0 : i32
    return %add3A_0, %c0_i32 : i32, i32
  }
}

module attributes {stable_mosaic.version = 14 : i64} {
  func.func @_edge_softmax_first(%arg0: i32, %arg1: memref<2000x128xf32, #tpu.memory_space<vmem>>, %arg2: memref<2000x128xf32, #tpu.memory_space<vmem>>, %arg3: memref<2000x128xf32, #tpu.memory_space<vmem>>) attributes {dimension_semantics = [#tpu.dimension_semantics<arbitrary>], iteration_bounds = array<i64: 80>, scalar_prefetch = 0 : i64, scratch_operands = 0 : i64, tpu.core_type = #tpu.core_type<tc>, window_params = [{transform_indices = @transform_0, window_bounds = array<i64: 2000, 128>}, {transform_indices = @transform_1, window_bounds = array<i64: 2000, 128>}, {transform_indices = @transform_2, window_bounds = array<i64: 2000, 128>}]} {
    %get3A = arith.constant 0 : index
    %get3A_0 = arith.constant 0 : index
    %get3A_1 = vector.load %arg1[%get3A, %get3A_0] : memref<2000x128xf32, #tpu.memory_space<vmem>>, vector<2000x128xf32>
    %get3A_2 = arith.constant 0 : index
    %get3A_3 = arith.constant 0 : index
    %get3A_4 = vector.load %arg2[%get3A_2, %get3A_3] : memref<2000x128xf32, #tpu.memory_space<vmem>>, vector<2000x128xf32>
    %add3A = arith.addf %get3A_1, %get3A_4 : vector<2000x128xf32>
    %reduce_max3A = arith.constant dense<0xFF800000> : vector<2000xf32>
    %reduce_max3A_5 = vector.multi_reduction <maximumf>, %add3A, %reduce_max3A [1] : vector<2000x128xf32> to vector<2000xf32>
    %broadcast_in_dim3A = vector.shape_cast %reduce_max3A_5 : vector<2000xf32> to vector<2000x1xf32>
    %sub3A = vector.broadcast %broadcast_in_dim3A : vector<2000x1xf32> to vector<2000x128xf32>
    %sub3A_6 = arith.subf %add3A, %sub3A : vector<2000x128xf32>
    %exp3A = math.exp %sub3A_6 : vector<2000x128xf32>
    %reduce_sum3A = arith.constant dense<0.000000e+00> : vector<2000xf32>
    %reduce_sum3A_7 = vector.multi_reduction <add>, %exp3A, %reduce_sum3A [1] : vector<2000x128xf32> to vector<2000xf32>
    %broadcast_in_dim3A_8 = vector.shape_cast %reduce_sum3A_7 : vector<2000xf32> to vector<2000x1xf32>
    %div3A = vector.broadcast %broadcast_in_dim3A_8 : vector<2000x1xf32> to vector<2000x128xf32>
    %div3A_9 = arith.divf %exp3A, %div3A : vector<2000x128xf32>
    %swap3A = arith.constant 0 : index
    %swap3A_10 = arith.constant 0 : index
    %swap3A_11 = vector.load %arg3[%swap3A, %swap3A_10] : memref<2000x128xf32, #tpu.memory_space<vmem>>, vector<2000x128xf32>
    tpu.vector_store %arg3[%swap3A, %swap3A_10], %div3A_9 {strides = array<i32>} : memref<2000x128xf32, #tpu.memory_space<vmem>>, vector<2000x128xf32>,
    return
  }
  func.func @transform_0(%arg0: i32) -> (i32, i32) {
    %c0_i32 = arith.constant 0 : i32
    %c0_i32_0 = arith.constant 0 : i32
    return %arg0, %c0_i32 : i32, i32
  }
  func.func @transform_1(%arg0: i32) -> (i32, i32) {
    %c0_i32 = arith.constant 0 : i32
    %c0_i32_0 = arith.constant 0 : i32
    return %arg0, %c0_i32 : i32, i32
  }
  func.func @transform_2(%arg0: i32) -> (i32, i32) {
    %c0_i32 = arith.constant 0 : i32
    %c0_i32_0 = arith.constant 0 : i32
    return %arg0, %c0_i32 : i32, i32
  }
}

module attributes {stable_mosaic.version = 14 : i64} {
  func.func @_node_softmax_body(%arg0: memref<20480x128xf32, #tpu.memory_space<vmem>>, %arg1: memref<10000x128xf32, #tpu.memory_space<vmem>>, %arg2: memref<10000x128xf32, #tpu.memory_space<vmem>>) attributes {dimension_semantics = [], scalar_prefetch = 0 : i64, scratch_operands = 0 : i64, tpu.core_type = #tpu.core_type<tc>} {
    %get3A = arith.constant 0 : index
    %get3A_0 = arith.constant 0 : index
    %get3A_1 = vector.load %arg0[%get3A, %get3A_0] : memref<20480x128xf32, #tpu.memory_space<vmem>>, vector<10000x128xf32>
    %get3A_2 = arith.constant 10240 : index
    %get3A_3 = arith.constant 0 : index
    %get3A_4 = vector.load %arg0[%get3A_2, %get3A_3] : memref<20480x128xf32, #tpu.memory_space<vmem>>, vector<10000x128xf32>
    %add3A = arith.addf %get3A_1, %get3A_4 : vector<10000x128xf32>
    %get3A_5 = arith.constant 0 : index
    %get3A_6 = arith.constant 0 : index
    %get3A_7 = vector.load %arg1[%get3A_5, %get3A_6] : memref<10000x128xf32, #tpu.memory_space<vmem>>, vector<10000x128xf32>
    %add3A_8 = arith.addf %add3A, %get3A_7 : vector<10000x128xf32>
    %reduce_max3A = arith.constant dense<0xFF800000> : vector<10000xf32>
    %reduce_max3A_9 = vector.multi_reduction <maximumf>, %add3A_8, %reduce_max3A [1] : vector<10000x128xf32> to vector<10000xf32>
    %broadcast_in_dim3A = vector.shape_cast %reduce_max3A_9 : vector<10000xf32> to vector<10000x1xf32>
    %sub3A = vector.broadcast %broadcast_in_dim3A : vector<10000x1xf32> to vector<10000x128xf32>
    %sub3A_10 = arith.subf %add3A_8, %sub3A : vector<10000x128xf32>
    %exp3A = math.exp %sub3A_10 : vector<10000x128xf32>
    %reduce_sum3A = arith.constant dense<0.000000e+00> : vector<10000xf32>
    %reduce_sum3A_11 = vector.multi_reduction <add>, %exp3A, %reduce_sum3A [1] : vector<10000x128xf32> to vector<10000xf32>
    %broadcast_in_dim3A_12 = vector.shape_cast %reduce_sum3A_11 : vector<10000xf32> to vector<10000x1xf32>
    %div3A = vector.broadcast %broadcast_in_dim3A_12 : vector<10000x1xf32> to vector<10000x128xf32>
    %div3A_13 = arith.divf %exp3A, %div3A : vector<10000x128xf32>
    %swap3A = arith.constant 0 : index
    %swap3A_14 = arith.constant 0 : index
    %swap3A_15 = vector.load %arg2[%swap3A, %swap3A_14] : memref<10000x128xf32, #tpu.memory_space<vmem>>, vector<10000x128xf32>
    tpu.vector_store %arg2[%swap3A, %swap3A_14], %div3A_13 {strides = array<i32>} : memref<10000x128xf32, #tpu.memory_space<vmem>>, vector<10000x128xf32>,
    return
  }
}

</mosaic_0001>

<sc_bundles>
// kernel: kernel.11.cloned.1.call-start
scs
__scs_entry_jumppad:
0x0: {  	(pc) =	sbr.rel $0x88, $3  }
0x1: {  	(tag) =	ssettag $0x0;
	lr =	simm.s32 $0x1  }
0x2: {  	[smem:$0x3F9E] =	sst lr;
	_ =	strace $0xD0000000  }
0x3: {  	_ = 	snop  }
0x4: {  	_ = 	snop  }
0x5: {  	_ = 	snop  }
0x6: {  	_ = 	snop  }
0x7: {  	_ = 	snop  }
__scs_overlays_trampoline_lowered:
0x8: {  	[smem:$0x3FAD] =	sst s0  }
0x9: {  	[smem:$0x3FAE] =	sst s1  }
0xa: {  	[smem:$0x3FAF] =	sst s2  }
0xb: {  	[smem:$0x3FB0] =	sst s3  }
0xc: {  	[smem:$0x3FB1] =	sst s4  }
0xd: {  	[smem:$0x3FB2] =	sst s5  }
0xe: {  	[smem:$0x3FB3] =	sst s6  }
0xf: {  	[smem:$0x3FB4] =	sst s7  }
0x10: {  	[smem:$0x3FB5] =	sst s8  }
0x11: {  	[smem:$0x3FB6] =	sst s9;
	s0 =	simm.s32 @!p0 $0x0  }
0x12: {  	s1 =	sld [smem:$0x3F9C];
	s0 =	simm.s32 @p0 $0x1  }
0x13: {  	[smem:$0x3FB7] =	sst s0;
	s0 =	simm.s32 @!p1 $0x0  }
0x14: {  	s2 =	sld [smem:$0x3F9B];
	s0 =	simm.s32 @p1 $0x1  }
0x15: {  	[smem:$0x3FB8] =	sst s0;
	s0 =	simm.s32 @!p2 $0x0  }
0x16: {  	s3 =	sld [smem:$0x3FDB];
	s0 =	simm.s32 @p2 $0x1  }
0x17: {  	s4 =	simm.s32 $0x1BF5;
	[smem:$0x3FBA] =	sst s0  }
0x18: {  	s0 =	sld [smem:$0x3F9D];
	_ =	swait.ge [sflag:s4], $0x0  }
0x19: {  	s7 =	sld [smem:$0x3F9E]  }
0x1a: {  	s8 =	sadd.s32 $0xFFFFE003, lr  }
0x1b: {  	s9 =	sadd.s32 $0xFFFFFEF7, lr;
	s5 =	simm.s32 $0xFFFFFFFF;
	p2 =	slt.u32 s8, $0xFFFFF086  }
0x1c: {  	p1 =	slt.u32 s9, $0xF7A;
	s5 =	simm.s32 @!p2 $0x0  }
0x1d: {  	s5 =	simm.s32 @p1 $0x1;
	p0 =	seq.s32 s7, s2  }
0x1e: {  	s7 =	smul.u32 @!p0 $0xF7A, s2;
	p2 =	seq.s32 @!p0 s5, $0x0  }
0x1f: {  	s9 =	smul.u32 $0xF7A, s1;
	s8 =	simm.s32 @!p0 $0x1BF5;
	p2 =	por !p2, p0  }
0x20: {  	[sflag:s8] =	ssyncset.s32 @!p0 $0xFFFFF086;
	s6 =	sadd.s32 @!p0 s3, s7;
	s7 =	simm.s32 @!p0 $0x108  }
0x21: {  	s3 =	sadd.s32 s3, s9;
	s6 =	sadd.s32 @!p0 $0x88, s6;
	s7 =	simm.s32 @p2 $0x1082  }
0x22: {  	[simem:s7], [sflag:s8] =	dma.local @!p0 [hbm:s6], $0xF7A  }
0x23: {  	s9 =	sor.u32 $0xD0000000, s2;
	s6 =	simm.s32 $0x108;
	_ =	swait.ge @!p0 [sflag:s8], $0x0  }
0x24: {  	s3 =	sadd.s32 $0x88, s3;
	s6 =	simm.s32 @!p1 $0x1082;
	[sflag:s4] =	ssyncset.s32 $0xFFFFF086  }
0x25: {  	[simem:s6], [sflag:s4] =	dma.local [hbm:s3], $0xF7A  }
0x26: {  	[smem:$0x3F9E] =	sst s1;
	(tag) =	ssettag s2;
	_ =	strace s9  }
0x27: {  	s1 =	sld [smem:$0x3FAE]  }
0x28: {  	s2 =	sld [smem:$0x3FAF]  }
0x29: {  	s4 =	sld [smem:$0x3FB1]  }
0x2a: {  	p0 =	seq.s32 s5, $0x0;
	s5 =	sld [smem:$0x3FB2]  }
0x2b: {  	s6 =	sld [smem:$0x3FB3]  }
0x2c: {  	s7 =	sld [smem:$0x3FB4]  }
0x2d: {  	s3 =	simm.s32 $0x108;
	s8 =	sld [smem:$0x3FB5]  }
0x2e: {  	s3 =	simm.s32 @!p0 $0x1082;
	s9 =	sld [smem:$0x3FB6]  }
0x2f: {  	lr =	sadd.s32 s0, s3;
	s0 =	sld [smem:$0x3FAD]  }
0x30: {  	s3 =	sld [smem:$0x3FB0]  }
0x31: {  	[smem:$0x3FB9] =	sst s10  }
0x32: {  	s10 =	sld [smem:$0x3FB7];
	_ =	sdelay $0x3  }
0x33: {  	p0 =	seq.s32 s10, $0x1;
	s10 =	sld [smem:$0x3FB9];
	_ =	sdelay $0x3  }
0x34: {  	[smem:$0x3FB9] =	sst s10  }
0x35: {  	s10 =	sld [smem:$0x3FB8];
	_ =	sdelay $0x3  }
0x36: {  	p1 =	seq.s32 s10, $0x1;
	s10 =	sld [smem:$0x3FB9];
	_ =	sdelay $0x3  }
0x37: {  	[smem:$0x3FB9] =	sst s10  }
0x38: {  	s10 =	sld [smem:$0x3FBA]  }
0x39: {  	_ = 	snop;
	(pc) =	sbr.ind lr, $3  }
0x3a: {  	_ = 	snop  }
0x3b: {  	_ = 	snop  }
0x3c: {  	p2 =	seq.s32 s10, $0x1;
	s10 =	sld [smem:$0x3FB9]  }
0x3d: {  	_ =	shalt  }
0x3e: {  	_ =	shalt  }
0x3f: {  	_ =	shalt  }
0x40: {  	_ =	shalt  }
0x41: {  	_ =	shalt  }
0x42: {  	_ =	shalt  }
0x43: {  	_ =	shalt  }
0x44: {  	_ =	shalt  }
0x45: {  	_ =	shalt  }
0x46: {  	_ =	shalt  }
0x47: {  	_ =	shalt  }
0x48: {  	_ =	shalt  }
0x49: {  	_ =	shalt  }
0x4a: {  	_ =	shalt  }
0x4b: {  	_ =	shalt  }
0x4c: {  	_ =	shalt  }
0x4d: {  	_ =	shalt  }
0x4e: {  	_ =	shalt  }
0x4f: {  	_ =	shalt  }
0x50: {  	_ =	shalt  }
0x51: {  	_ =	shalt  }
0x52: {  	_ =	shalt  }
0x53: {  	_ =	shalt  }
0x54: {  	_ =	shalt  }
0x55: {  	_ =	shalt  }
0x56: {  	_ =	shalt  }
0x57: {  	_ =	shalt  }
0x58: {  	_ =	shalt  }
0x59: {  	_ =	shalt  }
0x5a: {  	_ =	shalt  }
0x5b: {  	_ =	shalt  }
0x5c: {  	_ =	shalt  }
0x5d: {  	_ =	shalt  }
0x5e: {  	_ =	shalt  }
0x5f: {  	_ =	shalt  }
0x60: {  	_ =	shalt  }
0x61: {  	_ =	shalt  }
0x62: {  	_ =	shalt  }
0x63: {  	_ =	shalt  }
0x64: {  	_ =	shalt  }
0x65: {  	_ =	shalt  }
0x66: {  	_ =	shalt  }
0x67: {  	_ =	shalt  }
0x68: {  	_ =	shalt  }
0x69: {  	_ =	shalt  }
0x6a: {  	_ =	shalt  }
0x6b: {  	_ =	shalt  }
0x6c: {  	_ =	shalt  }
0x6d: {  	_ =	shalt  }
0x6e: {  	_ =	shalt  }
0x6f: {  	_ =	shalt  }
0x70: {  	_ =	shalt  }
0x71: {  	_ =	shalt  }
0x72: {  	_ =	shalt  }
0x73: {  	_ =	shalt  }
0x74: {  	_ =	shalt  }
0x75: {  	_ =	shalt  }
0x76: {  	_ =	shalt  }
0x77: {  	_ =	shalt  }
0x78: {  	_ =	shalt  }
0x79: {  	_ =	shalt  }
0x7a: {  	_ =	shalt  }
0x7b: {  	_ =	shalt  }
0x7c: {  	_ =	shalt  }
0x7d: {  	_ =	shalt  }
0x7e: {  	_ =	shalt  }
0x7f: {  	_ =	shalt  }
0x80: {  	_ =	shalt  }
0x81: {  	_ =	shalt  }
0x82: {  	_ =	shalt  }
0x83: {  	_ =	shalt  }
0x84: {  	_ =	shalt  }
0x85: {  	_ =	shalt  }
0x86: {  	_ =	shalt  }
0x87: {  	_ =	shalt  }
.Lfunc_end0:
.L_simem_size_0:
called_computation.1_lowered:
.L_overlay_start_0:
0x88: {  	s2 =	sld [smem:$0x3FD9]  }
0x89: {  	s3 =	sld [smem:$0x3FFE];
	_ =	sdelay $0x1  }
0x8a: {  	s1 =	srdreg.scid  }
0x8b: {  	s0 =	sand.u32 $0x1, s1  }
0x8c: {  	s14 =	sshll.u32 s0, $0xA;
	s2 =	sadd.s32 s3, s2  }
0x8d: {  	s2 =	sadd.s32 s2, s14  }
0x8e: {  	[smem:$0x3FC5] =	sst s2  }
0x8f: {  	_ = 	snop  }
0x90: {  	s2 =	sld [smem:$0x3FD0];
	_ =	sdelay $0x2  }
0x91: {  	s15 =	simm.s32 $0xB;
	s4 =	simm.s32 $0x10  }
0x92: {  	[smem:s4], [sflag:s15] =	dma.local [hbm:s2], $0x1  }
0x93: {  	_ =	swait.eq [sflag:s15], $0x1  }
0x94: {  	[sflag:s15] =	ssyncset.done $0x0  }
0x95: {  	[sflag:s15] =	ssyncadd.s32 $0xFFFFFFFF  }
0x96: {  	s16 =	sld [smem:$0x10];
	(tm) =	ssettm $0x1  }
0x97: {  	s17 =	sld [smem:$0x3FFB];
	_ =	sdelay $0x3  }
0x98: {  	_ =	strace s17  }
0x99: {  	s3 =	sld [smem:$0x3FFC];
	_ =	sdelay $0x3  }
0x9a: {  	_ =	strace s3  }
0x9b: {  	s3 =	sld [smem:$0x3FFD];
	_ =	sdelay $0x3  }
0x9c: {  	_ =	strace s3  }
0x9d: {  	_ =	strace $0x8FFFFFFF  }
0x9e: {  	s18 =	sld [smem:$0x3FDB];
	_ =	sdelay $0x1  }
0x9f: {  	s19 =	simm.s32 $_scs_section_size  }
0xa0: {  	s5 =	simm.s32 $_size__tile_overlayer_lowered;
	s6 =	simm.s32 $_tile_overlayer_lowered  }
0xa1: {  	s22 =	simm.s32 $0x1BFF;
	s21 =	sshll.u32 s6, $0x1;
	s3 =	sadd.s32 s19, s18  }
0xa2: {  	s7 =	simm.s32 $0x0;
	s20 =	sshll.u32 s5, $0x1;
	s5 =	sadd.s32 s21, s3  }
0xa3: {  	[timem:s7], [sflag:s22] =	dma.local [hbm:s5], s20  }
0xa4: {  	_ =	swait.ge [sflag:s22], s20  }
0xa5: {  	s4 =	ssub.s32 $0x0, s20;
	[sflag:s22] =	ssyncset.done $0x0  }
0xa6: {  	[sflag:s22] =	ssyncadd.s32 s4;
	_ =	sdelay $0x1  }
0xa7: {  	s23 =	simm.s32 $0x1B8B  }
0xa8: {  	_ =	swait.ge [sflag:s23], $0x1  }
0xa9: {  	[sflag:s23] =	ssyncset.done $0x0  }
0xaa: {  	s25 =	simm.s32 $0x1B8E;
	s24 =	sld [smem:$0x3FFE];
	[sflag:s23] =	ssyncadd.s32 $0xFFFFFFFF  }
0xab: {  	s26 =	simm.s32 $execute0_lowered;
	[smem:$0x3FD2] =	sst s25  }
0xac: {  	s5 =	sshll.u32 s26, $0x1;
	_ =	strace $0x80000049;
	[dreg:$0x1] =	wrdreg $0xFFFFFFFF  }
0xad: {  	s28 =	simm.s32 $_size_execute0_lowered;
	s3 =	sadd.s32 s3, s5;
	[dreg:$0x0] =	wrdreg $0x0  }
0xae: {  	s5 =	sshll.u32 s28, $0x1;
	[dreg:$0x2] =	wrdreg s3  }
0xaf: {  	[dreg:$0x3] =	wrdreg s5  }
0xb0: {  	[dreg:$0x4] =	wrdreg $0xC0  }
0xb1: {  	_ =	task [dreg:s7], $0x5FFFF  }
0xb2: {  	[dreg:$0x1] =	wrdreg $0xFFFFFFFF  }
0xb3: {  	[dreg:$0x0] =	wrdreg $0x60  }
0xb4: {  	[dreg:$0x2] =	wrdreg s16  }
0xb5: {  	[dreg:$0x3] =	wrdreg s24  }
0xb6: {  	[dreg:$0x4] =	wrdreg $0x82000  }
0xb7: {  	[dreg:$0x5] =	wrdreg $0x9  }
0xb8: {  	_ =	task.clear_ibuf [dreg:s7], $0x6FFFF;
	_ =	strace $0x90000049  }
0xb9: {  	s29 =	simm.s32 $0x9;
	_ =	strace $0x8000004B  }
0xba: {  	_ =	swait.ge [sflag:s29], $0x1  }
0xbb: {  	[sflag:s29] =	ssyncadd.s32 $0xFFFFFFFF  }
0xbc: {  	_ =	strace $0x9000004B  }
0xbd: {  	_ =	sfence  }
0xbe: {  	s30 =	sld [smem:$0x0];
	_ =	sdelay $0x2  }
0xbf: {  	s31 =	sshll.u32 s1, $0xD;
	s1 =	sshrl.u32 s1, $0x2  }
0xc0: {  	s3 =	sand.u32 $0x4000, s31;
	s1 =	sadd.s32 s1, s30  }
0xc1: {  	s0 =	sor.u32 s3, s0;
	s1 =	sshll.u32 s1, $0x11  }
0xc2: {  	s0 =	sor.u32 s1, s0  }
0xc3: {  	s0 =	sadd.s32 $0x8F2B, s0  }
0xc4: {  	[sflag:s0] =	ssyncadd.remote.s32 $0x1  }
0xc5: {  	_ =	sfence.sel $0xFFFF  }
0xc6: {  	[dreg:$0x0] =	wrdreg $0xFFFFFFFF;
	(pc) =	sbr.abs _section_cstart, $3  }
0xc7: {  	[dreg:$0x1] =	wrdreg $0xFFFFFFFF  }
0xc8: {  	_ =	task.clear_ibuf [dreg:s7], $0x2FFFF;
	_ =	strace $0x9FFFFFFF  }
0xc9: {  	(tm) =	ssettm $0x7FFFFFFF  }
tec
execute0_lowered:
.L_overlay_start_1:
0x0: {  	(tag) =	ssettag $0x1  }
0x1: {  	s0 =	rddreg [dreg:$0x0]  }
0x2: {  	s3 =	rddreg [dreg:$0x1]  }
0x3: {  	s1 =	rddreg [dreg:$0x2]  }
0x4: {  	s30 =	simm.s32 $0x0;
	s4 =	srdreg.scid;
	s14 =	stileid.u32  }
0x5: {  	s28 =	simm.s32 $0xB;
	s31 =	simm.s32 $0x100;
	s29 =	simm.s32 $0x4200  }
0x6: {  	[smem:$0x7FF] =	sst s30;
	s6 =	sand.u32 $0x1, s4;
	s8 =	smul.u32 $0x50000, s14  }
0x7: {  	s4 =	sadd.s32 $0xA600, s3;
	s12 =	smul.u32 $0x2800, s14;
	p0 =	seq.s32 s14, $0xF  }
0x8: {  	_ =	strace $0x8000004A;
	s5 =	sshll.u32 s6, $0x4;
	s9 =	ssub.s32 $0x2, s6  }
0x9: {  	s6 =	sadd.s32 $0x14400, s3;
	s7 =	sor.u32 s14, s5;
	s5 =	sadd.s32 $0x800, s3  }
0xa: {  	s11 =	sshrl.u32 s9, $0x1;
	s8 =	sshrl.u32 s8, $0x2;
	s23 =	sadd.s32 s0, s12  }
0xb: {  	s0 =	sadd.s32 $0x25800, s0;
	s14 =	simm.s32 $0x1;
	s10 =	smul.u32 $0x1388, s7  }
0xc: {  	s3 =	ssub.s32 s9, s11;
	[dreg:$0x4] =	wrdreg s23;
	s7 =	smul.u32 $0x13880, s7  }
0xd: {  	s8 =	sadd.s32 s8, s1;
	[dreg:$0x5] =	wrdreg s0;
	s24 =	sshrl.u32 s10, $0x3  }
0xe: {  	s25 =	sadd.s32 $0x40, s10;
	s12 =	sadd.s32 $0x80, s10;
	s7 =	sadd.s32 s6, s7  }
0xf: {  	s20 =	sadd.s32 $0x1380, s10;
	s21 =	sadd.s32 $0x100, s10;
	s22 =	sadd.s32 $0x140, s10  }
0x10: {  	s26 =	sadd.s32 s4, s24;
	s2 =	sshrl.u32 s25, $0x3;
	s9 =	sadd.s32 s5, s24  }
0x11: {  	s15 =	sshrl.u32 s12, $0x3;
	[dreg:$0xc] =	wrdreg s7;
	s19 =	sshll.u32 s25, $0x4  }
0x12: {  	s23 =	sshrl.u32 s20, $0x3;
	s25 =	sshll.u32 s20, $0x4;
	[dreg:$0x6] =	wrdreg s26  }
0x13: {  	s7 =	sadd.s32 $0x12C000, s1;
	[dreg:$0x7] =	wrdreg s9;
	s13 =	sadd.s32 s4, s2  }
0x14: {  	s20 =	simm.s32 $0x4;
	s0 =	sadd.s32 s5, s2;
	[dreg:$0x8] =	wrdreg s13  }
0x15: {  	s16 =	sadd.s32 s4, s15;
	s9 =	sadd.s32 s5, s15;
	[dreg:$0x9] =	wrdreg s0  }
0x16: {  	s24 =	sadd.s32 s4, s23;
	s26 =	smax.u32 s3, $0x1;
	[dreg:$0xa] =	wrdreg s16  }
0x17: {  	s3 =	simm.s32 $0x180;
	s15 =	simm.s32 $0x3;
	[dreg:$0xb] =	wrdreg s9  }
0x18: {  	s2 =	simm.s32 $0x0;
	s13 =	sadd.s32 $0xC0, s10;
	[dreg:$0x10] =	wrdreg s24  }
0x19: {  	[dreg:$0x13] =	wrdreg s26;
	s10 =	simm.s32 $0x2200;
	s17 =	sshrl.u32 s13, $0x3  }
0x1a: {  	s16 =	simm.s32 $0x5;
	s24 =	simm.s32 $0x8;
	s18 =	sadd.s32 s4, s17  }
0x1b: {  	s0 =	sadd.s32 s5, s17;
	s17 =	simm.s32 $0x7;
	[dreg:$0xd] =	wrdreg s18  }
0x1c: {  	[dreg:$0xe] =	wrdreg s0;
	s0 =	sadd.s32 s6, s19;
	s18 =	simm.s32 $0x9  }
0x1d: {  	s19 =	simm.s32 $0x2;
	[dreg:$0xf] =	wrdreg s0;
	s0 =	sadd.s32 s5, s23  }
0x1e: {  	s23 =	simm.s32 $0x6;
	[dreg:$0x11] =	wrdreg s0;
	s0 =	sadd.s32 s6, s25  }
0x1f: {  	s25 =	simm.s32 $0xA;
	[dreg:$0x12] =	wrdreg s0;
	s0 =	sshrl.u32 @p0 s7, $0x3  }
0x20: {  	s7 =	simm.s32 $0x40;
	[dreg:$0x14] =	wrdreg s0;
	s0 =	sshrl.u32 @!p0 s8, $0x3  }
0x21: {  	s8 =	simm.s32 $0x200;
	[dreg:$0x15] =	wrdreg s0;
	s0 =	simm.s32 $0x80  }
.LBB2_1:
0x22: {  	[dreg:$0x16] =	wrdreg s2  }
0x23: {  	s9 =	rddreg [dreg:$0x5]  }
0x24: {  	s11 =	simm.s32 @p0 $0x1FCB;
	s26 =	rddreg [dreg:$0x14]  }
0x25: {  	[spmem:s26], [sflag:s11] =	dma.local @p0 [hbm:s9], $0x1900  }
0x26: {  	s11 =	simm.s32 @p0 $0xB  }
0x27: {  	s9 =	stileid.u32;
	_ =	swait.ge @p0 [sflag:s11], $0x1900  }
0x28: {  	s26 =	sshll.u32 @!p0 s9, $0x6;
	[sflag:s11] =	ssyncset.done @p0 $0x0;
	s9 =	rddreg [dreg:$0x4]  }
0x29: {  	[sflag:s11] =	ssyncadd.s32 @p0 $0xFFFFE700;
	s11 =	sor.u32 @!p0 $0x1C0B, s26;
	s26 =	rddreg [dreg:$0x15]  }
0x2a: {  	[spmem:s26], [sflag:s11] =	dma.local @!p0 [hbm:s9], $0x2800  }
0x2b: {  	s11 =	simm.s32 @!p0 $0xB  }
0x2c: {  	_ =	swait.ge @!p0 [sflag:s11], $0x2800  }
0x2d: {  	[sflag:s11] =	ssyncset.done @!p0 $0x0  }
0x2e: {  	s2 =	rddreg [dreg:$0x6];
	[sflag:s11] =	ssyncadd.s32 @!p0 $0xFFFFD800  }
0x2f: {  	[tilespmem:s30], [sflag:$0xB] =	stream.linear.gather [hbm4b:s2+s30], $0x40, $0x38;
	[tilespmem:$0x1C200] =	vst v63  }
0x30: {  	_ =	swait.ge [sflag:s28], $0x40  }
0x31: {  	[sflag:s28] =	ssyncset.done $0x0  }
0x32: {  	s11 =	rddreg [dreg:$0x7];
	[sflag:s28] =	ssyncadd.s32 $0xFFFFFFC0  }
0x33: {  	[tilespmem:s31], [sflag:$0xB] =	stream.linear.gather [hbm4b:s11+s30], $0x40, $0x38;
	[tilespmem:$0x1C200] =	vst v63  }
0x34: {  	_ =	swait.ge [sflag:s28], $0x40  }
0x35: {  	[sflag:s28] =	ssyncset.done $0x0  }
0x36: {  	s26 =	rddreg [dreg:$0x8];
	[sflag:s28] =	ssyncadd.s32 $0xFFFFFFC0  }
0x37: {  	[tilespmem:s0], [sflag:$0xB] =	stream.linear.gather [hbm4b:s26+s30], $0x40, $0x38;
	[tilespmem:$0x1C200] =	vst v63  }
0x38: {  	_ =	swait.ge [sflag:s28], $0x40  }
0x39: {  	[sflag:s28] =	ssyncset.done $0x0  }
0x3a: {  	s2 =	rddreg [dreg:$0x9];
	[sflag:s28] =	ssyncadd.s32 $0xFFFFFFC0  }
0x3b: {  	[tilespmem:s3], [sflag:$0xB] =	stream.linear.gather [hbm4b:s2+s30], $0x40, $0x38;
	[tilespmem:$0x1C200] =	vst v63  }
0x3c: {  	_ =	swait.ge [sflag:s28], $0x40  }
0x3d: {  	[sflag:s28] =	ssyncset.done $0x0  }
0x3e: {  	[sflag:s28] =	ssyncadd.s32 $0xFFFFFFC0  }
0x3f: {  	[bflag:$0x0] =	sbarrier.arrive $0xFFFF  }
0x40: {  	[tilespmem:s8], [sflag:$0x1] =	stream.indirect.gather [spmem:s1], $0x80, s30, s7, $0xb8;
	[tilespmem:$0x1C200] =	vst v63  }
0x41: {  	_ = 	snop  }
0x42: {  	[tilespmem:s29], [sflag:$0x3] =	stream.indirect.gather [spmem:s1], $0x80, s31, s7, $0xb8;
	[tilespmem:$0x1C200] =	vst v63  }
0x43: {  	_ = 	snop  }
0x44: {  	[tilespmem:s10], [sflag:$0x2] =	stream.indirect.gather [spmem:s1], $0x80, s0, s7, $0xb8;
	[tilespmem:$0x1C200] =	vst v63  }
0x45: {  	s11 =	simm.s32 $0x6200  }
0x46: {  	[tilespmem:s11], [sflag:$0x4] =	stream.indirect.gather [spmem:s1], $0x80, s3, s7, $0xb8;
	[tilespmem:$0x1C200] =	vst v63  }
0x47: {  	_ =	swait.ge [sflag:s14], $0x2000  }
0x48: {  	[sflag:s14] =	ssyncset.done $0x0  }
0x49: {  	[sflag:s14] =	ssyncadd.s32 $0xFFFFE000  }
0x4a: {  	_ =	swait.ge [sflag:s15], $0x2000  }
0x4b: {  	[sflag:s15] =	ssyncset.done $0x0  }
0x4c: {  	s26 =	rddreg [dreg:$0xa];
	[sflag:s15] =	ssyncadd.s32 $0xFFFFE000  }
0x4d: {  	[tilespmem:s30], [sflag:$0x7] =	stream.linear.gather [hbm4b:s26+s30], $0x40, $0x38;
	[tilespmem:$0x1C200] =	vst v63  }
0x4e: {  	s11 =	simm.s32 $0x0;
	s28 =	rddreg [dreg:$0xb]  }
0x4f: {  	[tilespmem:s31], [sflag:$0x9] =	stream.linear.gather [hbm4b:s28+s30], $0x40, $0x38;
	[tilespmem:$0x1C200] =	vst v63  }
0x50: {  	v7 =	vld [tilespmem:s11+$0x4200]  }
0x51: {  	v11 =	vld [tilespmem:s11+$0x4210]  }
0x52: {  	v5 =	vld [tilespmem:s11+$0x4220]  }
0x53: {  	v4 =	vld [tilespmem:s11+$0x4230]  }
0x54: {  	v3 =	vld [tilespmem:s11+$0x4240]  }
0x55: {  	v2 =	vld [tilespmem:s11+$0x4250]  }
0x56: {  	v1 =	vld [tilespmem:s11+$0x4260]  }
0x57: {  	v0 =	vld [tilespmem:s11+$0x4270]  }
0x58: {  	v12 =	vld [tilespmem:s11+$0x200]  }
0x59: {  	v13 =	vld [tilespmem:s11+$0x210]  }
0x5a: {  	v10 =	vld [tilespmem:s11+$0x220]  }
0x5b: {  	v9 =	vld [tilespmem:s11+$0x230]  }
0x5c: {  	v8 =	vld [tilespmem:s11+$0x240]  }
0x5d: {  	v6 =	vld [tilespmem:s11+$0x250];
	v12 =	vmul.f32 v7, v12  }
0x5e: {  	s26 =	simm.s32 $0x200;
	v11 =	vmul.f32 v11, v13;
	v7 =	vld [tilespmem:s11+$0x260]  }
.LBB2_2:
0x5f: {  	s28 =	sshra.s32 s26, $0x2;
	p1 =	sne.s32 s26, $0x7E00;
	[tilespmem:s11+$0x200] =	vst v12;
	v5 =	vmul.f32 v5, v10;
	v10 =	vld [tilespmem:s11+$0x270]  }
0x60: {  	v12 =	vld [tilespmem:s28+$0x4200];
	[tilespmem:s11+$0x210] =	vst v11;
	v4 =	vmul.f32 v4, v9  }
0x61: {  	v11 =	vld [tilespmem:s28+$0x4210];
	[tilespmem:s11+$0x220] =	vst v5;
	v3 =	vmul.f32 v3, v8  }
0x62: {  	v5 =	vld [tilespmem:s28+$0x4220];
	[tilespmem:s11+$0x230] =	vst v4;
	v2 =	vmul.f32 v2, v6  }
0x63: {  	v4 =	vld [tilespmem:s28+$0x4230];
	[tilespmem:s11+$0x240] =	vst v3;
	v1 =	vmul.f32 v1, v7  }
0x64: {  	v3 =	vld [tilespmem:s28+$0x4240];
	[tilespmem:s11+$0x250] =	vst v2;
	v0 =	vmul.f32 v0, v10  }
0x65: {  	v2 =	vld [tilespmem:s28+$0x4250];
	[tilespmem:s11+$0x260] =	vst v1  }
0x66: {  	v1 =	vld [tilespmem:s28+$0x4260];
	[tilespmem:s11+$0x270] =	vst v0;
	s11 =	smov.u32 s28  }
0x67: {  	v0 =	vld [tilespmem:s11+$0x4270]  }
0x68: {  	v6 =	vld [tilespmem:s11+$0x200]  }
0x69: {  	v7 =	vld [tilespmem:s11+$0x210]  }
.Ltmp0:
0x6a: {  	v10 =	vld [tilespmem:s11+$0x220];
	(pc) =	sbr.rel @p1 .LBB2_2-.Ltmp0, $4  }
0x6b: {  	v9 =	vld [tilespmem:s11+$0x230]  }
0x6c: {  	v8 =	vld [tilespmem:s11+$0x240]  }
0x6d: {  	v12 =	vmul.f32 v12, v6;
	v6 =	vld [tilespmem:s11+$0x250]  }
0x6e: {  	s26 =	sadd.s32 $0x200, s26;
	v11 =	vmul.f32 v11, v7;
	v7 =	vld [tilespmem:s11+$0x260]  }
0x6f: {  	[tilespmem:s11+$0x200] =	vst v12;
	v5 =	vmul.f32 v5, v10;
	v10 =	vld [tilespmem:s11+$0x270]  }
0x70: {  	[tilespmem:s11+$0x210] =	vst v11;
	v4 =	vmul.f32 v4, v9  }
0x71: {  	[tilespmem:s11+$0x220] =	vst v5;
	v3 =	vmul.f32 v3, v8  }
0x72: {  	[tilespmem:s11+$0x230] =	vst v4;
	v2 =	vmul.f32 v2, v6  }
0x73: {  	[tilespmem:s11+$0x240] =	vst v3;
	v1 =	vmul.f32 v1, v7  }
0x74: {  	[tilespmem:s11+$0x250] =	vst v2;
	v0 =	vmul.f32 v0, v10  }
0x75: {  	[tilespmem:s11+$0x260] =	vst v1  }
0x76: {  	s28 =	simm.s32 $0x0;
	s9 =	rddreg [dreg:$0xc];
	[tilespmem:s11+$0x270] =	vst v0  }
0x77: {  	[hbm4b:s9+s28] =	stream.linear.scatter [tilespmem:s8], [sflag:$0x5], $0x2000, $0x38;
	[tilespmem:$0x1C200] =	vst v63  }
0x78: {  	_ =	swait.ge [sflag:s16], $0x2000  }
0x79: {  	[sflag:s16] =	ssyncset.done $0x0  }
0x7a: {  	[sflag:s16] =	ssyncadd.s32 $0xFFFFE000  }
0x7b: {  	_ =	swait.ge [sflag:s17], $0x40  }
0x7c: {  	[sflag:s17] =	ssyncset.done $0x0  }
0x7d: {  	[sflag:s17] =	ssyncadd.s32 $0xFFFFFFC0  }
0x7e: {  	_ =	swait.ge [sflag:s18], $0x40  }
0x7f: {  	[sflag:s18] =	ssyncset.done $0x0  }
0x80: {  	[sflag:s18] =	ssyncadd.s32 $0xFFFFFFC0  }
0x81: {  	[tilespmem:s8], [sflag:$0x1] =	stream.indirect.gather [spmem:s1], $0x80, s28, s7, $0xb8;
	[tilespmem:$0x1C200] =	vst v63  }
0x82: {  	_ = 	snop  }
0x83: {  	[tilespmem:s29], [sflag:$0x3] =	stream.indirect.gather [spmem:s1], $0x80, s31, s7, $0xb8;
	[tilespmem:$0x1C200] =	vst v63  }
0x84: {  	_ =	swait.ge [sflag:s19], $0x2000  }
0x85: {  	[sflag:s19] =	ssyncset.done $0x0  }
0x86: {  	[sflag:s19] =	ssyncadd.s32 $0xFFFFE000  }
0x87: {  	_ =	swait.ge [sflag:s20], $0x2000  }
0x88: {  	[sflag:s20] =	ssyncset.done $0x0  }
0x89: {  	s29 =	rddreg [dreg:$0xd];
	[sflag:s20] =	ssyncadd.s32 $0xFFFFE000  }
0x8a: {  	[tilespmem:s0], [sflag:$0x8] =	stream.linear.gather [hbm4b:s29+s28], $0x40, $0x38;
	[tilespmem:$0x1C200] =	vst v63  }
0x8b: {  	s11 =	simm.s32 $0x0;
	s30 =	rddreg [dreg:$0xe]  }
0x8c: {  	[tilespmem:s3], [sflag:$0xA] =	stream.linear.gather [hbm4b:s30+s28], $0x40, $0x38;
	[tilespmem:$0x1C200] =	vst v63  }
0x8d: {  	v7 =	vld [tilespmem:s11+$0x6200]  }
0x8e: {  	v11 =	vld [tilespmem:s11+$0x6210]  }
0x8f: {  	v5 =	vld [tilespmem:s11+$0x6220]  }
0x90: {  	v4 =	vld [tilespmem:s11+$0x6230]  }
0x91: {  	v3 =	vld [tilespmem:s11+$0x6240]  }
0x92: {  	v2 =	vld [tilespmem:s11+$0x6250]  }
0x93: {  	v1 =	vld [tilespmem:s11+$0x6260]  }
0x94: {  	v0 =	vld [tilespmem:s11+$0x6270]  }
0x95: {  	v12 =	vld [tilespmem:s11+$0x2200]  }
0x96: {  	v13 =	vld [tilespmem:s11+$0x2210]  }
0x97: {  	v10 =	vld [tilespmem:s11+$0x2220]  }
0x98: {  	v9 =	vld [tilespmem:s11+$0x2230]  }
0x99: {  	v8 =	vld [tilespmem:s11+$0x2240]  }
0x9a: {  	v6 =	vld [tilespmem:s11+$0x2250];
	v12 =	vmul.f32 v7, v12  }
0x9b: {  	s2 =	simm.s32 $0x4200;
	s26 =	simm.s32 $0x200;
	v11 =	vmul.f32 v11, v13;
	v7 =	vld [tilespmem:s11+$0x2260]  }
.LBB2_4:
0x9c: {  	s28 =	sshra.s32 s26, $0x2;
	p1 =	sne.s32 s26, $0x7E00;
	[tilespmem:s11+$0x2200] =	vst v12;
	v5 =	vmul.f32 v5, v10;
	v10 =	vld [tilespmem:s11+$0x2270]  }
0x9d: {  	v12 =	vld [tilespmem:s28+$0x6200];
	[tilespmem:s11+$0x2210] =	vst v11;
	v4 =	vmul.f32 v4, v9  }
0x9e: {  	v11 =	vld [tilespmem:s28+$0x6210];
	[tilespmem:s11+$0x2220] =	vst v5;
	v3 =	vmul.f32 v3, v8  }
0x9f: {  	v5 =	vld [tilespmem:s28+$0x6220];
	[tilespmem:s11+$0x2230] =	vst v4;
	v2 =	vmul.f32 v2, v6  }
0xa0: {  	v4 =	vld [tilespmem:s28+$0x6230];
	[tilespmem:s11+$0x2240] =	vst v3;
	v1 =	vmul.f32 v1, v7  }
0xa1: {  	v3 =	vld [tilespmem:s28+$0x6240];
	[tilespmem:s11+$0x2250] =	vst v2;
	v0 =	vmul.f32 v0, v10  }
0xa2: {  	v2 =	vld [tilespmem:s28+$0x6250];
	[tilespmem:s11+$0x2260] =	vst v1  }
0xa3: {  	v1 =	vld [tilespmem:s28+$0x6260];
	[tilespmem:s11+$0x2270] =	vst v0;
	s11 =	smov.u32 s28  }
0xa4: {  	v0 =	vld [tilespmem:s11+$0x6270]  }
0xa5: {  	v6 =	vld [tilespmem:s11+$0x2200]  }
0xa6: {  	v7 =	vld [tilespmem:s11+$0x2210]  }
.Ltmp1:
0xa7: {  	v10 =	vld [tilespmem:s11+$0x2220];
	(pc) =	sbr.rel @p1 .LBB2_4-.Ltmp1, $4  }
0xa8: {  	v9 =	vld [tilespmem:s11+$0x2230]  }
0xa9: {  	v8 =	vld [tilespmem:s11+$0x2240]  }
0xaa: {  	v12 =	vmul.f32 v12, v6;
	v6 =	vld [tilespmem:s11+$0x2250]  }
0xab: {  	s26 =	sadd.s32 $0x200, s26;
	v11 =	vmul.f32 v11, v7;
	v7 =	vld [tilespmem:s11+$0x2260]  }
0xac: {  	[tilespmem:s11+$0x2200] =	vst v12;
	v5 =	vmul.f32 v5, v10;
	v63 =	vld [tilespmem:s11+$0x2270]  }
0xad: {  	[tilespmem:s11+$0x2210] =	vst v11;
	v4 =	vmul.f32 v4, v9  }
0xae: {  	[tilespmem:s11+$0x2220] =	vst v5;
	v3 =	vmul.f32 v3, v8  }
0xaf: {  	[tilespmem:s11+$0x2230] =	vst v4;
	v2 =	vmul.f32 v2, v6  }
0xb0: {  	[tilespmem:s11+$0x2240] =	vst v3;
	v1 =	vmul.f32 v1, v7  }
0xb1: {  	[tilespmem:s11+$0x2250] =	vst v2;
	v0 =	vmul.f32 v0, v63  }
0xb2: {  	[tilespmem:s11+$0x2260] =	vst v1  }
0xb3: {  	s28 =	simm.s32 $0x0;
	s9 =	rddreg [dreg:$0xf];
	s29 =	simm.s32 $0x0;
	[tilespmem:s11+$0x2270] =	vst v0  }
0xb4: {  	[hbm4b:s9+s28] =	stream.linear.scatter [tilespmem:s10], [sflag:$0x6], $0x2000, $0x38;
	[tilespmem:$0x1C200] =	vst v63  }
.LBB2_6:
0xb5: {  	_ =	swait.ge [sflag:s23], $0x2000  }
0xb6: {  	[sflag:s23] =	ssyncset.done $0x0  }
0xb7: {  	[sflag:s23] =	ssyncadd.s32 $0xFFFFE000  }
0xb8: {  	_ =	swait.ge [sflag:s24], $0x40  }
0xb9: {  	[sflag:s24] =	ssyncset.done $0x0  }
0xba: {  	[sflag:s24] =	ssyncadd.s32 $0xFFFFFFC0  }
0xbb: {  	_ =	swait.ge [sflag:s25], $0x40  }
0xbc: {  	[sflag:s25] =	ssyncset.done $0x0  }
0xbd: {  	[sflag:s25] =	ssyncadd.s32 $0xFFFFFFC0  }
0xbe: {  	[tilespmem:s10], [sflag:$0x2] =	stream.indirect.gather [spmem:s1], $0x80, s0, s7, $0xb8;
	[tilespmem:$0x1C200] =	vst v63  }
0xbf: {  	s9 =	simm.s32 $0x6200  }
0xc0: {  	[tilespmem:s9], [sflag:$0x4] =	stream.indirect.gather [spmem:s1], $0x80, s3, s7, $0xb8;
	[tilespmem:$0x1C200] =	vst v63  }
0xc1: {  	s26 =	sshll.u32 s29, $0x1;
	_ =	swait.ge [sflag:s14], $0x2000  }
0xc2: {  	s11 =	smin.u32 s26, $0x49;
	[sflag:s14] =	ssyncset.done $0x0  }
0xc3: {  	s11 =	sshll.u32 s11, $0x6;
	[sflag:s14] =	ssyncadd.s32 $0xFFFFE000  }
0xc4: {  	s11 =	sadd.s32 s11, s21;
	_ =	swait.ge [sflag:s15], $0x2000  }
0xc5: {  	s11 =	sshrl.u32 s11, $0x3;
	[sflag:s15] =	ssyncset.done $0x0  }
0xc6: {  	s30 =	sadd.s32 s4, s11;
	[sflag:s15] =	ssyncadd.s32 $0xFFFFE000  }
0xc7: {  	[tilespmem:s28], [sflag:$0x7] =	stream.linear.gather [hbm4b:s30+s28], $0x40, $0x38;
	[tilespmem:$0x1C200] =	vst v63  }
0xc8: {  	s11 =	sadd.s32 s5, s11  }
0xc9: {  	[tilespmem:s31], [sflag:$0x9] =	stream.linear.gather [hbm4b:s11+s28], $0x40, $0x38;
	[tilespmem:$0x1C200] =	vst v63  }
0xca: {  	s11 =	simm.s32 $0x0  }
0xcb: {  	v7 =	vld [tilespmem:s11+$0x4200]  }
0xcc: {  	v11 =	vld [tilespmem:s11+$0x4210]  }
0xcd: {  	v5 =	vld [tilespmem:s11+$0x4220]  }
0xce: {  	v4 =	vld [tilespmem:s11+$0x4230]  }
0xcf: {  	v3 =	vld [tilespmem:s11+$0x4240]  }
0xd0: {  	v2 =	vld [tilespmem:s11+$0x4250]  }
0xd1: {  	v1 =	vld [tilespmem:s11+$0x4260]  }
0xd2: {  	v0 =	vld [tilespmem:s11+$0x4270]  }
0xd3: {  	v12 =	vld [tilespmem:s11+$0x200]  }
0xd4: {  	v13 =	vld [tilespmem:s11+$0x210]  }
0xd5: {  	v10 =	vld [tilespmem:s11+$0x220]  }
0xd6: {  	v9 =	vld [tilespmem:s11+$0x230]  }
0xd7: {  	v8 =	vld [tilespmem:s11+$0x240]  }
0xd8: {  	v6 =	vld [tilespmem:s11+$0x250];
	v12 =	vmul.f32 v7, v12  }
0xd9: {  	s30 =	simm.s32 $0x200;
	v11 =	vmul.f32 v11, v13;
	v7 =	vld [tilespmem:s11+$0x260]  }
.LBB2_7:
0xda: {  	s9 =	sshra.s32 s30, $0x2;
	p1 =	sne.s32 s30, $0x7E00;
	[tilespmem:s11+$0x200] =	vst v12;
	v5 =	vmul.f32 v5, v10;
	v10 =	vld [tilespmem:s11+$0x270]  }
0xdb: {  	v12 =	vld [tilespmem:s9+$0x4200];
	[tilespmem:s11+$0x210] =	vst v11;
	v4 =	vmul.f32 v4, v9  }
0xdc: {  	v11 =	vld [tilespmem:s9+$0x4210];
	[tilespmem:s11+$0x220] =	vst v5;
	v3 =	vmul.f32 v3, v8  }
0xdd: {  	v5 =	vld [tilespmem:s9+$0x4220];
	[tilespmem:s11+$0x230] =	vst v4;
	v2 =	vmul.f32 v2, v6  }
0xde: {  	v4 =	vld [tilespmem:s9+$0x4230];
	[tilespmem:s11+$0x240] =	vst v3;
	v1 =	vmul.f32 v1, v7  }
0xdf: {  	v3 =	vld [tilespmem:s9+$0x4240];
	[tilespmem:s11+$0x250] =	vst v2;
	v0 =	vmul.f32 v0, v10  }
0xe0: {  	v2 =	vld [tilespmem:s9+$0x4250];
	[tilespmem:s11+$0x260] =	vst v1  }
0xe1: {  	v1 =	vld [tilespmem:s9+$0x4260];
	[tilespmem:s11+$0x270] =	vst v0;
	s11 =	smov.u32 s9  }
0xe2: {  	v0 =	vld [tilespmem:s11+$0x4270]  }
0xe3: {  	v6 =	vld [tilespmem:s11+$0x200]  }
0xe4: {  	v7 =	vld [tilespmem:s11+$0x210]  }
.Ltmp2:
0xe5: {  	v10 =	vld [tilespmem:s11+$0x220];
	(pc) =	sbr.rel @p1 .LBB2_7-.Ltmp2, $4  }
0xe6: {  	v9 =	vld [tilespmem:s11+$0x230]  }
0xe7: {  	v8 =	vld [tilespmem:s11+$0x240]  }
0xe8: {  	v12 =	vmul.f32 v12, v6;
	v6 =	vld [tilespmem:s11+$0x250]  }
0xe9: {  	s30 =	sadd.s32 $0x200, s30;
	v11 =	vmul.f32 v11, v7;
	v7 =	vld [tilespmem:s11+$0x260]  }
0xea: {  	[tilespmem:s11+$0x200] =	vst v12;
	v5 =	vmul.f32 v5, v10;
	v10 =	vld [tilespmem:s11+$0x270]  }
0xeb: {  	[tilespmem:s11+$0x210] =	vst v11;
	v4 =	vmul.f32 v4, v9  }
0xec: {  	[tilespmem:s11+$0x220] =	vst v5;
	v3 =	vmul.f32 v3, v8  }
0xed: {  	[tilespmem:s11+$0x230] =	vst v4;
	v2 =	vmul.f32 v2, v6  }
0xee: {  	s30 =	sshll.u32 s29, $0x7;
	[tilespmem:s11+$0x240] =	vst v3;
	v1 =	vmul.f32 v1, v7  }
0xef: {  	s9 =	sadd.s32 s30, s12;
	[tilespmem:s11+$0x250] =	vst v2;
	v0 =	vmul.f32 v0, v10  }
0xf0: {  	s9 =	sshll.u32 s9, $0x4;
	[tilespmem:s11+$0x260] =	vst v1  }
0xf1: {  	s9 =	sadd.s32 s6, s9;
	[tilespmem:s11+$0x270] =	vst v0;
	s11 =	simm.s32 $0x0  }
0xf2: {  	[hbm4b:s9+s11] =	stream.linear.scatter [tilespmem:s8], [sflag:$0x5], $0x2000, $0x38;
	[tilespmem:$0x1C200] =	vst v63  }
0xf3: {  	_ =	swait.ge [sflag:s16], $0x2000  }
0xf4: {  	[sflag:s16] =	ssyncset.done $0x0  }
0xf5: {  	[sflag:s16] =	ssyncadd.s32 $0xFFFFE000  }
0xf6: {  	_ =	swait.ge [sflag:s17], $0x40  }
0xf7: {  	[sflag:s17] =	ssyncset.done $0x0  }
0xf8: {  	[sflag:s17] =	ssyncadd.s32 $0xFFFFFFC0  }
0xf9: {  	_ =	swait.ge [sflag:s18], $0x40  }
0xfa: {  	[sflag:s18] =	ssyncset.done $0x0  }
0xfb: {  	[sflag:s18] =	ssyncadd.s32 $0xFFFFFFC0  }
0xfc: {  	[tilespmem:s8], [sflag:$0x1] =	stream.indirect.gather [spmem:s1], $0x80, s11, s7, $0xb8;
	[tilespmem:$0x1C200] =	vst v63  }
0xfd: {  	_ = 	snop  }
0xfe: {  	[tilespmem:s2], [sflag:$0x3] =	stream.indirect.gather [spmem:s1], $0x80, s31, s7, $0xb8;
	[tilespmem:$0x1C200] =	vst v63  }
0xff: {  	_ =	swait.ge [sflag:s19], $0x2000  }
0x100: {  	s26 =	smin.u32 s26, $0x48;
	[sflag:s19] =	ssyncset.done $0x0  }
0x101: {  	s9 =	sshll.u32 s26, $0x6;
	[sflag:s19] =	ssyncadd.s32 $0xFFFFE000  }
0x102: {  	s9 =	sadd.s32 s9, s22;
	_ =	swait.ge [sflag:s20], $0x2000  }
0x103: {  	s9 =	sshrl.u32 s9, $0x3;
	[sflag:s20] =	ssyncset.done $0x0  }
0x104: {  	s26 =	sadd.s32 s4, s9;
	[sflag:s20] =	ssyncadd.s32 $0xFFFFE000  }
0x105: {  	[tilespmem:s0], [sflag:$0x8] =	stream.linear.gather [hbm4b:s26+s11], $0x40, $0x38;
	[tilespmem:$0x1C200] =	vst v63  }
0x106: {  	s9 =	sadd.s32 s5, s9  }
0x107: {  	[tilespmem:s3], [sflag:$0xA] =	stream.linear.gather [hbm4b:s9+s11], $0x40, $0x38;
	[tilespmem:$0x1C200] =	vst v63  }
0x108: {  	s11 =	simm.s32 $0x0  }
0x109: {  	v7 =	vld [tilespmem:s11+$0x6200]  }
0x10a: {  	v11 =	vld [tilespmem:s11+$0x6210]  }
0x10b: {  	v5 =	vld [tilespmem:s11+$0x6220]  }
0x10c: {  	v4 =	vld [tilespmem:s11+$0x6230]  }
0x10d: {  	v3 =	vld [tilespmem:s11+$0x6240]  }
0x10e: {  	v2 =	vld [tilespmem:s11+$0x6250]  }
0x10f: {  	v1 =	vld [tilespmem:s11+$0x6260]  }
0x110: {  	v0 =	vld [tilespmem:s11+$0x6270]  }
0x111: {  	v12 =	vld [tilespmem:s11+$0x2200]  }
0x112: {  	v13 =	vld [tilespmem:s11+$0x2210]  }
0x113: {  	v10 =	vld [tilespmem:s11+$0x2220]  }
0x114: {  	v9 =	vld [tilespmem:s11+$0x2230]  }
0x115: {  	v8 =	vld [tilespmem:s11+$0x2240]  }
0x116: {  	v6 =	vld [tilespmem:s11+$0x2250];
	v12 =	vmul.f32 v7, v12  }
0x117: {  	s26 =	simm.s32 $0x200;
	v11 =	vmul.f32 v11, v13;
	v7 =	vld [tilespmem:s11+$0x2260]  }
.LBB2_9:
0x118: {  	s9 =	sshra.s32 s26, $0x2;
	p1 =	sne.s32 s26, $0x7E00;
	[tilespmem:s11+$0x2200] =	vst v12;
	v5 =	vmul.f32 v5, v10;
	v10 =	vld [tilespmem:s11+$0x2270]  }
0x119: {  	v12 =	vld [tilespmem:s9+$0x6200];
	[tilespmem:s11+$0x2210] =	vst v11;
	v4 =	vmul.f32 v4, v9  }
0x11a: {  	v11 =	vld [tilespmem:s9+$0x6210];
	[tilespmem:s11+$0x2220] =	vst v5;
	v3 =	vmul.f32 v3, v8  }
0x11b: {  	v5 =	vld [tilespmem:s9+$0x6220];
	[tilespmem:s11+$0x2230] =	vst v4;
	v2 =	vmul.f32 v2, v6  }
0x11c: {  	v4 =	vld [tilespmem:s9+$0x6230];
	[tilespmem:s11+$0x2240] =	vst v3;
	v1 =	vmul.f32 v1, v7  }
0x11d: {  	v3 =	vld [tilespmem:s9+$0x6240];
	[tilespmem:s11+$0x2250] =	vst v2;
	v0 =	vmul.f32 v0, v10  }
0x11e: {  	v2 =	vld [tilespmem:s9+$0x6250];
	[tilespmem:s11+$0x2260] =	vst v1  }
0x11f: {  	v1 =	vld [tilespmem:s9+$0x6260];
	[tilespmem:s11+$0x2270] =	vst v0;
	s11 =	smov.u32 s9  }
0x120: {  	v0 =	vld [tilespmem:s11+$0x6270]  }
0x121: {  	v6 =	vld [tilespmem:s11+$0x2200]  }
0x122: {  	v7 =	vld [tilespmem:s11+$0x2210]  }
.Ltmp3:
0x123: {  	v10 =	vld [tilespmem:s11+$0x2220];
	(pc) =	sbr.rel @p1 .LBB2_9-.Ltmp3, $4  }
0x124: {  	v9 =	vld [tilespmem:s11+$0x2230]  }
0x125: {  	v8 =	vld [tilespmem:s11+$0x2240]  }
0x126: {  	v12 =	vmul.f32 v12, v6;
	v6 =	vld [tilespmem:s11+$0x2250]  }
0x127: {  	s26 =	sadd.s32 $0x200, s26;
	v11 =	vmul.f32 v11, v7;
	v7 =	vld [tilespmem:s11+$0x2260]  }
0x128: {  	[tilespmem:s11+$0x2200] =	vst v12;
	v5 =	vmul.f32 v5, v10;
	v63 =	vld [tilespmem:s11+$0x2270]  }
0x129: {  	[tilespmem:s11+$0x2210] =	vst v11;
	v4 =	vmul.f32 v4, v9  }
0x12a: {  	s29 =	sadd.s32 $0x1, s29;
	[tilespmem:s11+$0x2220] =	vst v5;
	v3 =	vmul.f32 v3, v8  }
0x12b: {  	p1 =	sne.s32 s29, $0x26;
	[tilespmem:s11+$0x2230] =	vst v4;
	v2 =	vmul.f32 v2, v6  }
.Ltmp4:
0x12c: {  	[tilespmem:s11+$0x2240] =	vst v3;
	v1 =	vmul.f32 v1, v7;
	(pc) =	sbr.rel @p1 .LBB2_6-.Ltmp4, $4  }
0x12d: {  	s9 =	sadd.s32 s30, s13;
	[tilespmem:s11+$0x2250] =	vst v2;
	v0 =	vmul.f32 v0, v63  }
0x12e: {  	s9 =	sshll.u32 s9, $0x4;
	[tilespmem:s11+$0x2260] =	vst v1  }
0x12f: {  	s30 =	simm.s32 $0x0;
	s9 =	sadd.s32 s6, s9;
	[tilespmem:s11+$0x2270] =	vst v0  }
0x130: {  	[hbm4b:s9+s30] =	stream.linear.scatter [tilespmem:s10], [sflag:$0x6], $0x2000, $0x38;
	[tilespmem:$0x1C200] =	vst v63  }
0x131: {  	_ =	swait.ge [sflag:s23], $0x2000  }
0x132: {  	[sflag:s23] =	ssyncset.done $0x0  }
0x133: {  	[sflag:s23] =	ssyncadd.s32 $0xFFFFE000  }
0x134: {  	_ =	swait.ge [sflag:s14], $0x2000  }
0x135: {  	[sflag:s14] =	ssyncset.done $0x0  }
0x136: {  	[sflag:s14] =	ssyncadd.s32 $0xFFFFE000  }
0x137: {  	_ =	swait.ge [sflag:s15], $0x2000  }
0x138: {  	[sflag:s15] =	ssyncset.done $0x0  }
0x139: {  	[sflag:s15] =	ssyncadd.s32 $0xFFFFE000  }
0x13a: {  	_ =	swait.ge [sflag:s24], $0x40  }
0x13b: {  	[sflag:s24] =	ssyncset.done $0x0  }
0x13c: {  	[sflag:s24] =	ssyncadd.s32 $0xFFFFFFC0  }
0x13d: {  	_ =	swait.ge [sflag:s25], $0x40  }
0x13e: {  	[sflag:s25] =	ssyncset.done $0x0  }
0x13f: {  	s28 =	simm.s32 $0xB;
	s9 =	rddreg [dreg:$0x10];
	[sflag:s25] =	ssyncadd.s32 $0xFFFFFFC0  }
0x140: {  	[tilespmem:s30], [sflag:$0xB] =	stream.linear.gather [hbm4b:s9+s30], $0x8, $0x38;
	[tilespmem:$0x1C200] =	vst v63  }
0x141: {  	_ =	swait.ge [sflag:s28], $0x8  }
0x142: {  	[sflag:s28] =	ssyncset.done $0x0  }
0x143: {  	s2 =	rddreg [dreg:$0x11];
	[sflag:s28] =	ssyncadd.s32 $0xFFFFFFF8  }
0x144: {  	[tilespmem:s31], [sflag:$0xB] =	stream.linear.gather [hbm4b:s2+s30], $0x8, $0x38;
	[tilespmem:$0x1C200] =	vst v63  }
0x145: {  	_ =	swait.ge [sflag:s28], $0x8  }
0x146: {  	[sflag:s28] =	ssyncset.done $0x0  }
0x147: {  	[sflag:s28] =	ssyncadd.s32 $0xFFFFFFF8  }
0x148: {  	[tilespmem:s8], [sflag:$0xB] =	stream.indirect.gather [spmem:s1], $0x80, s30, s24, $0xb8;
	[tilespmem:$0x1C200] =	vst v63  }
0x149: {  	_ =	swait.ge [sflag:s28], $0x400  }
0x14a: {  	[sflag:s28] =	ssyncset.done $0x0  }
0x14b: {  	s29 =	simm.s32 $0x4200;
	[sflag:s28] =	ssyncadd.s32 $0xFFFFFC00  }
0x14c: {  	[tilespmem:s29], [sflag:$0xB] =	stream.indirect.gather [spmem:s1], $0x80, s31, s24, $0xb8;
	[tilespmem:$0x1C200] =	vst v63  }
0x14d: {  	_ =	swait.ge [sflag:s28], $0x400  }
0x14e: {  	[sflag:s28] =	ssyncset.done $0x0  }
0x14f: {  	[sflag:s28] =	ssyncadd.s32 $0xFFFFFC00  }
0x150: {  	v0 =	vld [tilespmem:$0x200]  }
0x151: {  	v1 =	vld [tilespmem:$0x4200]  }
0x152: {  	v2 =	vld [tilespmem:$0x210]  }
0x153: {  	v3 =	vld [tilespmem:$0x4210]  }
0x154: {  	v4 =	vld [tilespmem:$0x220]  }
0x155: {  	v5 =	vld [tilespmem:$0x4220]  }
0x156: {  	v6 =	vld [tilespmem:$0x230]  }
0x157: {  	v7 =	vld [tilespmem:$0x4230]  }
0x158: {  	v8 =	vld [tilespmem:$0x240]  }
0x159: {  	v9 =	vld [tilespmem:$0x4240]  }
0x15a: {  	v10 =	vld [tilespmem:$0x250]  }
0x15b: {  	v11 =	vld [tilespmem:$0x4250]  }
0x15c: {  	v12 =	vld [tilespmem:$0x260]  }
0x15d: {  	v13 =	vld [tilespmem:$0x4260]  }
0x15e: {  	v14 =	vld [tilespmem:$0x270]  }
0x15f: {  	v15 =	vld [tilespmem:$0x4270]  }
0x160: {  	v16 =	vld [tilespmem:$0x280]  }
0x161: {  	v17 =	vld [tilespmem:$0x4280]  }
0x162: {  	v18 =	vld [tilespmem:$0x290]  }
0x163: {  	v19 =	vld [tilespmem:$0x4290]  }
0x164: {  	v20 =	vld [tilespmem:$0x2A0]  }
0x165: {  	v21 =	vld [tilespmem:$0x42A0]  }
0x166: {  	v22 =	vld [tilespmem:$0x2B0]  }
0x167: {  	v23 =	vld [tilespmem:$0x42B0]  }
0x168: {  	v24 =	vld [tilespmem:$0x2C0]  }
0x169: {  	v25 =	vld [tilespmem:$0x42C0]  }
0x16a: {  	v26 =	vld [tilespmem:$0x2D0]  }
0x16b: {  	v27 =	vld [tilespmem:$0x42D0]  }
0x16c: {  	v28 =	vld [tilespmem:$0x2E0]  }
0x16d: {  	v29 =	vld [tilespmem:$0x42E0]  }
0x16e: {  	v30 =	vld [tilespmem:$0x2F0]  }
0x16f: {  	v31 =	vld [tilespmem:$0x42F0]  }
0x170: {  	v32 =	vld [tilespmem:$0x300]  }
0x171: {  	v33 =	vld [tilespmem:$0x4300]  }
0x172: {  	v34 =	vld [tilespmem:$0x310]  }
0x173: {  	v35 =	vld [tilespmem:$0x4310]  }
0x174: {  	v36 =	vld [tilespmem:$0x320]  }
0x175: {  	v37 =	vld [tilespmem:$0x4320]  }
0x176: {  	v38 =	vld [tilespmem:$0x330]  }
0x177: {  	v39 =	vld [tilespmem:$0x4330]  }
0x178: {  	v40 =	vld [tilespmem:$0x340]  }
0x179: {  	v41 =	vld [tilespmem:$0x4340]  }
0x17a: {  	v42 =	vld [tilespmem:$0x350]  }
0x17b: {  	v43 =	vld [tilespmem:$0x4350]  }
0x17c: {  	v44 =	vld [tilespmem:$0x360]  }
0x17d: {  	v45 =	vld [tilespmem:$0x4360]  }
0x17e: {  	v46 =	vld [tilespmem:$0x370]  }
0x17f: {  	v47 =	vld [tilespmem:$0x4370]  }
0x180: {  	v48 =	vld [tilespmem:$0x380]  }
0x181: {  	v49 =	vld [tilespmem:$0x4380]  }
0x182: {  	v50 =	vld [tilespmem:$0x390]  }
0x183: {  	v51 =	vld [tilespmem:$0x4390]  }
0x184: {  	v52 =	vld [tilespmem:$0x3A0]  }
0x185: {  	v53 =	vld [tilespmem:$0x43A0]  }
0x186: {  	v54 =	vld [tilespmem:$0x3B0]  }
0x187: {  	v55 =	vld [tilespmem:$0x43B0]  }
0x188: {  	v56 =	vld [tilespmem:$0x3C0]  }
0x189: {  	v57 =	vld [tilespmem:$0x43C0]  }
0x18a: {  	v58 =	vld [tilespmem:$0x3D0]  }
0x18b: {  	v62 =	vld [tilespmem:$0x3F0]  }
0x18c: {  	v59 =	vld [tilespmem:$0x43D0]  }
0x18d: {  	v60 =	vld [tilespmem:$0x3E0]  }
0x18e: {  	v61 =	vld [tilespmem:$0x43E0]  }
0x18f: {  	v63 =	vld [tilespmem:$0x43F0]  }
0x190: {  	[tilespmem:$0x1FFA0] =	vst v62;
	v62 =	vld [tilespmem:$0x400]  }
0x191: {  	v0 =	vmul.f32 v1, v0;
	v1 =	vld [tilespmem:$0x4420]  }
0x192: {  	v2 =	vmul.f32 v3, v2;
	v3 =	vld [tilespmem:$0x430]  }
0x193: {  	v9 =	vmul.f32 v9, v8;
	v8 =	vld [tilespmem:$0x4450]  }
0x194: {  	v13 =	vmul.f32 v13, v12;
	v12 =	vld [tilespmem:$0x4470]  }
0x195: {  	v15 =	vmul.f32 v15, v14;
	v14 =	vld [tilespmem:$0x4480]  }
0x196: {  	v17 =	vmul.f32 v17, v16;
	v16 =	vld [tilespmem:$0x4490]  }
0x197: {  	v19 =	vmul.f32 v19, v18;
	v18 =	vld [tilespmem:$0x44A0]  }
0x198: {  	v23 =	vmul.f32 v23, v22;
	v22 =	vld [tilespmem:$0x44C0];
	[tilespmem:$0x200] =	vst v0  }
0x199: {  	v25 =	vmul.f32 v25, v24;
	v24 =	vld [tilespmem:$0x44D0];
	[tilespmem:$0x210] =	vst v2  }
0x19a: {  	v21 =	vmul.f32 v21, v20;
	v27 =	vmul.f32 v27, v26;
	v26 =	vld [tilespmem:$0x44E0];
	[tilespmem:$0x240] =	vst v9  }
0x19b: {  	v31 =	vmul.f32 v31, v30;
	v30 =	vmul.f32 v45, v44;
	v45 =	vld [tilespmem:$0x4530];
	[tilespmem:$0x260] =	vst v13  }
0x19c: {  	v33 =	vmul.f32 v33, v32;
	v32 =	vmul.f32 v49, v48;
	v49 =	vld [tilespmem:$0x4540];
	[tilespmem:$0x270] =	vst v15  }
0x19d: {  	v35 =	vmul.f32 v35, v34;
	v34 =	vmul.f32 v53, v52;
	v53 =	vld [tilespmem:$0x4550];
	[tilespmem:$0x280] =	vst v17  }
0x19e: {  	v37 =	vmul.f32 v37, v36;
	v36 =	vmul.f32 v57, v56;
	v57 =	vld [tilespmem:$0x4560];
	[tilespmem:$0x290] =	vst v19  }
0x19f: {  	v0 =	vmul.f32 v5, v4;
	v4 =	vld [tilespmem:$0x4430];
	[tilespmem:$0x2A0] =	vst v21  }
0x1a0: {  	v5 =	vld [tilespmem:$0x440];
	[tilespmem:$0x2B0] =	vst v23  }
0x1a1: {  	v29 =	vmul.f32 v29, v28;
	v9 =	vld [tilespmem:$0x460];
	[tilespmem:$0x2C0] =	vst v25  }
0x1a2: {  	v13 =	vld [tilespmem:$0x480];
	[tilespmem:$0x2D0] =	vst v27  }
0x1a3: {  	v15 =	vld [tilespmem:$0x490];
	[tilespmem:$0x2E0] =	vst v29  }
0x1a4: {  	v17 =	vld [tilespmem:$0x4A0];
	[tilespmem:$0x2F0] =	vst v31  }
0x1a5: {  	v19 =	vld [tilespmem:$0x4B0];
	[tilespmem:$0x300] =	vst v33  }
0x1a6: {  	v28 =	vmul.f32 v41, v40;
	[tilespmem:$0x310] =	vst v35;
	v21 =	vld [tilespmem:$0x4C0]  }
0x1a7: {  	[tilespmem:$0x320] =	vst v37;
	v23 =	vld [tilespmem:$0x4D0]  }
0x1a8: {  	[tilespmem:$0x340] =	vst v28;
	v25 =	vld [tilespmem:$0x4E0]  }
0x1a9: {  	[tilespmem:$0x360] =	vst v30;
	v28 =	vld [tilespmem:$0x44F0]  }
0x1aa: {  	[tilespmem:$0x380] =	vst v32;
	v30 =	vld [tilespmem:$0x4500]  }
0x1ab: {  	[tilespmem:$0x3A0] =	vst v34;
	v32 =	vld [tilespmem:$0x4510]  }
0x1ac: {  	v27 =	vmul.f32 v39, v38;
	[tilespmem:$0x3C0] =	vst v36;
	v39 =	vld [tilespmem:$0x1FFA0]  }
0x1ad: {  	v34 =	vld [tilespmem:$0x4520];
	[tilespmem:$0x220] =	vst v0  }
0x1ae: {  	v29 =	vmul.f32 v43, v42;
	v31 =	vmul.f32 v47, v46;
	v47 =	vld [tilespmem:$0x540];
	[tilespmem:$0x330] =	vst v27  }
0x1af: {  	[tilespmem:$0x1FFB0] =	vst v62;
	v62 =	vld [tilespmem:$0x4400]  }
0x1b0: {  	v33 =	vmul.f32 v51, v50;
	v51 =	vld [tilespmem:$0x550];
	[tilespmem:$0x350] =	vst v29  }
0x1b1: {  	v35 =	vmul.f32 v55, v54;
	v55 =	vld [tilespmem:$0x560];
	[tilespmem:$0x370] =	vst v31  }
0x1b2: {  	v37 =	vmul.f32 v59, v58;
	v59 =	vld [tilespmem:$0x570];
	[tilespmem:$0x390] =	vst v33  }
0x1b3: {  	v38 =	vmul.f32 v61, v60;
	v61 =	vld [tilespmem:$0x4570];
	[tilespmem:$0x3B0] =	vst v35  }
0x1b4: {  	[tilespmem:$0x1FFC0] =	vst v62;
	v62 =	vld [tilespmem:$0x410]  }
0x1b5: {  	v27 =	vld [tilespmem:$0x4F0];
	[tilespmem:$0x3D0] =	vst v37;
	v2 =	vmul.f32 v63, v39  }
0x1b6: {  	v29 =	vld [tilespmem:$0x500];
	[tilespmem:$0x3E0] =	vst v38;
	v46 =	vmul.f32 v4, v3  }
0x1b7: {  	v31 =	vld [tilespmem:$0x510];
	[tilespmem:$0x3F0] =	vst v2  }
0x1b8: {  	v33 =	vld [tilespmem:$0x520];
	v56 =	vmul.f32 v14, v13;
	[tilespmem:$0x430] =	vst v46  }
0x1b9: {  	v58 =	vmul.f32 v16, v15;
	[tilespmem:$0x1FFD0] =	vst v62;
	v62 =	vld [tilespmem:$0x4410]  }
0x1ba: {  	v35 =	vld [tilespmem:$0x530];
	v60 =	vmul.f32 v18, v17;
	[tilespmem:$0x480] =	vst v56  }
0x1bb: {  	v37 =	vld [tilespmem:$0x5A0];
	v21 =	vmul.f32 v22, v21;
	[tilespmem:$0x490] =	vst v58  }
0x1bc: {  	v40 =	vld [tilespmem:$0x1FFB0];
	[tilespmem:$0x4A0] =	vst v60  }
0x1bd: {  	v23 =	vmul.f32 v24, v23;
	[tilespmem:$0x4C0] =	vst v21;
	v41 =	vld [tilespmem:$0x1FFC0]  }
0x1be: {  	v25 =	vmul.f32 v26, v25;
	[tilespmem:$0x1FFE0] =	vst v62;
	v62 =	vld [tilespmem:$0x420]  }
0x1bf: {  	[tilespmem:$0x4D0] =	vst v23;
	v36 =	vmul.f32 v28, v27;
	v42 =	vld [tilespmem:$0x1FFD0]  }
0x1c0: {  	[tilespmem:$0x4E0] =	vst v25;
	v38 =	vmul.f32 v30, v29;
	v43 =	vld [tilespmem:$0x1FFE0]  }
0x1c1: {  	v63 =	vld [tilespmem:$0x580];
	[tilespmem:$0x4F0] =	vst v36  }
0x1c2: {  	v22 =	vld [tilespmem:$0x4580];
	[tilespmem:$0x500] =	vst v38;
	v0 =	vmul.f32 v41, v40  }
0x1c3: {  	v40 =	vmul.f32 v32, v31;
	[tilespmem:$0x1FFF0] =	vst v62;
	v62 =	vmul.f32 v7, v6;
	v6 =	vld [tilespmem:$0x4440]  }
0x1c4: {  	[tilespmem:$0x400] =	vst v0;
	v7 =	vld [tilespmem:$0x450]  }
0x1c5: {  	[tilespmem:$0x510] =	vst v40;
	v2 =	vmul.f32 v43, v42;
	v44 =	vld [tilespmem:$0x1FFF0]  }
0x1c6: {  	v24 =	vld [tilespmem:$0x590];
	v42 =	vmul.f32 v34, v33;
	[tilespmem:$0x230] =	vst v62  }
0x1c7: {  	v26 =	vld [tilespmem:$0x4590];
	v62 =	vmul.f32 v11, v10;
	[tilespmem:$0x410] =	vst v2  }
0x1c8: {  	v39 =	vld [tilespmem:$0x45A0];
	[tilespmem:$0x520] =	vst v42;
	v48 =	vmul.f32 v6, v5  }
0x1c9: {  	v46 =	vld [tilespmem:$0x45C0];
	[tilespmem:$0x250] =	vst v62;
	v50 =	vmul.f32 v8, v7  }
0x1ca: {  	v56 =	vld [tilespmem:$0x5F0];
	v0 =	vmul.f32 v1, v44;
	[tilespmem:$0x440] =	vst v48  }
0x1cb: {  	v58 =	vld [tilespmem:$0x45F0];
	v1 =	vmul.f32 v45, v35;
	[tilespmem:$0x450] =	vst v50  }
0x1cc: {  	v41 =	vld [tilespmem:$0x5B0];
	v45 =	vmul.f32 v49, v47;
	[tilespmem:$0x420] =	vst v0  }
0x1cd: {  	v10 =	vld [tilespmem:$0x4460];
	v47 =	vmul.f32 v53, v51;
	[tilespmem:$0x530] =	vst v1  }
0x1ce: {  	v11 =	vld [tilespmem:$0x470];
	v49 =	vmul.f32 v57, v55;
	[tilespmem:$0x540] =	vst v45  }
0x1cf: {  	v43 =	vld [tilespmem:$0x45B0];
	v51 =	vmul.f32 v61, v59;
	[tilespmem:$0x550] =	vst v47  }
0x1d0: {  	v62 =	vld [tilespmem:$0x44B0];
	v53 =	vmul.f32 v22, v63;
	[tilespmem:$0x560] =	vst v49  }
0x1d1: {  	v44 =	vld [tilespmem:$0x5C0];
	v55 =	vmul.f32 v26, v24;
	[tilespmem:$0x570] =	vst v51  }
0x1d2: {  	v52 =	vmul.f32 v10, v9;
	v48 =	vld [tilespmem:$0x5D0];
	[tilespmem:$0x580] =	vst v53  }
0x1d3: {  	v54 =	vmul.f32 v12, v11;
	v50 =	vld [tilespmem:$0x45D0];
	[tilespmem:$0x590] =	vst v55  }
0x1d4: {  	v57 =	vmul.f32 v39, v37;
	[tilespmem:$0x460] =	vst v52;
	v52 =	vld [tilespmem:$0x5E0]  }
0x1d5: {  	v59 =	vmul.f32 v43, v41;
	[tilespmem:$0x470] =	vst v54;
	v54 =	vld [tilespmem:$0x45E0]  }
0x1d6: {  	v63 =	vmul.f32 v58, v56;
	[tilespmem:$0x5A0] =	vst v57  }
0x1d7: {  	[tilespmem:$0x5B0] =	vst v59;
	v62 =	vmul.f32 v62, v19  }
0x1d8: {  	[tilespmem:$0x5F0] =	vst v63;
	v60 =	vmul.f32 v46, v44  }
0x1d9: {  	[tilespmem:$0x4B0] =	vst v62;
	v61 =	vmul.f32 v50, v48  }
0x1da: {  	[tilespmem:$0x5C0] =	vst v60;
	v62 =	vmul.f32 v54, v52  }
0x1db: {  	[tilespmem:$0x5D0] =	vst v61  }
0x1dc: {  	s11 =	rddreg [dreg:$0x12];
	[tilespmem:$0x5E0] =	vst v62  }
0x1dd: {  	[hbm4b:s11+s30] =	stream.linear.scatter [tilespmem:s8], [sflag:$0xB], $0x400, $0x38;
	[tilespmem:$0x1C200] =	vst v63  }
0x1de: {  	_ =	swait.ge [sflag:s28], $0x400  }
0x1df: {  	s2 =	rddreg [dreg:$0x16]  }
0x1e0: {  	s26 =	rddreg [dreg:$0x13];
	s2 =	sadd.s32 $0x1, s2  }
0x1e1: {  	p1 =	sne.s32 s2, s26  }
.Ltmp5:
0x1e2: {  	_ = 	snop;
	(pc) =	sbr.rel @p1 .LBB2_1-.Ltmp5, $3  }
0x1e3: {  	_ =	sdelay $0x1  }
0x1e4: {  	[sflag:s28] =	ssyncset.done $0x0  }
0x1e5: {  	[sflag:s28] =	ssyncadd.s32 $0xFFFFFC00  }
0x1e6: {  	_ =	sfence.sel $0x180000  }
0x1e7: {  	[bflag:$0x0] =	sbarrier.arrive $0xFFFF  }
0x1e8: {  	_ =	strace $0x9000004A  }
0x1e9: {  	s0 =	stileid.u32;
	[bflag:$0x2] =	sbarrier.arrive $0xFFFF  }
0x1ea: {  	p0 =	sne.s32 s0, $0x0;
	s0 =	rddreg [dreg:$0x3]  }
0x1eb: {  	s0 =	sadd.s32 @!p0 $0x100000, s0  }
0x1ec: {  	[sflag:s0] =	ssyncadd.tile.s32 @!p0 $0x1;
	_ =	shalt  }
.Lfunc_end2:
_tile_overlayer_lowered:
.L_overlay_start_2:
0x1ed: {  	(tag) =	ssettag $0x2  }
0x1ee: {  	s0 =	rddreg [dreg:$0x0];
	s2 =	stileid.u32  }
0x1ef: {  	s1 =	rddreg [dreg:$0x1];
	p0 =	sne.s32 s2, $0x0  }
0x1f0: {  	s3 =	rddreg [dreg:$0x2];
	[bflag:$0x3] =	sbarrier.arrive $0xFFFF;
	s2 =	simm.s32 @!p0 $0x1C0B  }
0x1f1: {  	[timem:s3], [sflag:s2] =	dma.local @!p0 [hbm:s0], s1  }
0x1f2: {  	s0 =	simm.s32 @!p0 $0xB  }
0x1f3: {  	_ =	swait.ge @!p0 [sflag:s0], s1  }
0x1f4: {  	s1 =	ssub.s32 @!p0 $0x0, s1;
	[sflag:s0] =	ssyncset.done @!p0 $0x0  }
0x1f5: {  	[sflag:s0] =	ssyncadd.s32 @!p0 s1  }
0x1f6: {  	[bflag:$0x3] =	sbarrier.arrive $0xFFFF  }
0x1f7: {  	_ =	shalt  }

// kernel: kernel.14.cloned.1.call-start
scs
__scs_entry_jumppad:
0x0: {  	(pc) =	sbr.rel $0x88, $3  }
0x1: {  	(tag) =	ssettag $0x0;
	lr =	simm.s32 $0x1  }
0x2: {  	[smem:$0x3F9E] =	sst lr;
	_ =	strace $0xD0000000  }
0x3: {  	_ = 	snop  }
0x4: {  	_ = 	snop  }
0x5: {  	_ = 	snop  }
0x6: {  	_ = 	snop  }
0x7: {  	_ = 	snop  }
__scs_overlays_trampoline_lowered:
0x8: {  	[smem:$0x3FAD] =	sst s0  }
0x9: {  	[smem:$0x3FAE] =	sst s1  }
0xa: {  	[smem:$0x3FAF] =	sst s2  }
0xb: {  	[smem:$0x3FB0] =	sst s3  }
0xc: {  	[smem:$0x3FB1] =	sst s4  }
0xd: {  	[smem:$0x3FB2] =	sst s5  }
0xe: {  	[smem:$0x3FB3] =	sst s6  }
0xf: {  	[smem:$0x3FB4] =	sst s7  }
0x10: {  	[smem:$0x3FB5] =	sst s8  }
0x11: {  	[smem:$0x3FB6] =	sst s9;
	s0 =	simm.s32 @!p0 $0x0  }
0x12: {  	s1 =	sld [smem:$0x3F9C];
	s0 =	simm.s32 @p0 $0x1  }
0x13: {  	[smem:$0x3FB7] =	sst s0;
	s0 =	simm.s32 @!p1 $0x0  }
0x14: {  	s2 =	sld [smem:$0x3F9B];
	s0 =	simm.s32 @p1 $0x1  }
0x15: {  	[smem:$0x3FB8] =	sst s0;
	s0 =	simm.s32 @!p2 $0x0  }
0x16: {  	s3 =	sld [smem:$0x3FDB];
	s0 =	simm.s32 @p2 $0x1  }
0x17: {  	s4 =	simm.s32 $0x1BF5;
	[smem:$0x3FBA] =	sst s0  }
0x18: {  	s0 =	sld [smem:$0x3F9D];
	_ =	swait.ge [sflag:s4], $0x0  }
0x19: {  	s7 =	sld [smem:$0x3F9E]  }
0x1a: {  	s8 =	sadd.s32 $0xFFFFE003, lr  }
0x1b: {  	s9 =	sadd.s32 $0xFFFFFEF7, lr;
	s5 =	simm.s32 $0xFFFFFFFF;
	p2 =	slt.u32 s8, $0xFFFFF086  }
0x1c: {  	p1 =	slt.u32 s9, $0xF7A;
	s5 =	simm.s32 @!p2 $0x0  }
0x1d: {  	s5 =	simm.s32 @p1 $0x1;
	p0 =	seq.s32 s7, s2  }
0x1e: {  	s7 =	smul.u32 @!p0 $0xF7A, s2;
	p2 =	seq.s32 @!p0 s5, $0x0  }
0x1f: {  	s9 =	smul.u32 $0xF7A, s1;
	s8 =	simm.s32 @!p0 $0x1BF5;
	p2 =	por !p2, p0  }
0x20: {  	[sflag:s8] =	ssyncset.s32 @!p0 $0xFFFFF086;
	s6 =	sadd.s32 @!p0 s3, s7;
	s7 =	simm.s32 @!p0 $0x108  }
0x21: {  	s3 =	sadd.s32 s3, s9;
	s6 =	sadd.s32 @!p0 $0x88, s6;
	s7 =	simm.s32 @p2 $0x1082  }
0x22: {  	[simem:s7], [sflag:s8] =	dma.local @!p0 [hbm:s6], $0xF7A  }
0x23: {  	s9 =	sor.u32 $0xD0000000, s2;
	s6 =	simm.s32 $0x108;
	_ =	swait.ge @!p0 [sflag:s8], $0x0  }
0x24: {  	s3 =	sadd.s32 $0x88, s3;
	s6 =	simm.s32 @!p1 $0x1082;
	[sflag:s4] =	ssyncset.s32 $0xFFFFF086  }
0x25: {  	[simem:s6], [sflag:s4] =	dma.local [hbm:s3], $0xF7A  }
0x26: {  	[smem:$0x3F9E] =	sst s1;
	(tag) =	ssettag s2;
	_ =	strace s9  }
0x27: {  	s1 =	sld [smem:$0x3FAE]  }
0x28: {  	s2 =	sld [smem:$0x3FAF]  }
0x29: {  	s4 =	sld [smem:$0x3FB1]  }
0x2a: {  	p0 =	seq.s32 s5, $0x0;
	s5 =	sld [smem:$0x3FB2]  }
0x2b: {  	s6 =	sld [smem:$0x3FB3]  }
0x2c: {  	s7 =	sld [smem:$0x3FB4]  }
0x2d: {  	s3 =	simm.s32 $0x108;
	s8 =	sld [smem:$0x3FB5]  }
0x2e: {  	s3 =	simm.s32 @!p0 $0x1082;
	s9 =	sld [smem:$0x3FB6]  }
0x2f: {  	lr =	sadd.s32 s0, s3;
	s0 =	sld [smem:$0x3FAD]  }
0x30: {  	s3 =	sld [smem:$0x3FB0]  }
0x31: {  	[smem:$0x3FB9] =	sst s10  }
0x32: {  	s10 =	sld [smem:$0x3FB7];
	_ =	sdelay $0x3  }
0x33: {  	p0 =	seq.s32 s10, $0x1;
	s10 =	sld [smem:$0x3FB9];
	_ =	sdelay $0x3  }
0x34: {  	[smem:$0x3FB9] =	sst s10  }
0x35: {  	s10 =	sld [smem:$0x3FB8];
	_ =	sdelay $0x3  }
0x36: {  	p1 =	seq.s32 s10, $0x1;
	s10 =	sld [smem:$0x3FB9];
	_ =	sdelay $0x3  }
0x37: {  	[smem:$0x3FB9] =	sst s10  }
0x38: {  	s10 =	sld [smem:$0x3FBA]  }
0x39: {  	_ = 	snop;
	(pc) =	sbr.ind lr, $3  }
0x3a: {  	_ = 	snop  }
0x3b: {  	_ = 	snop  }
0x3c: {  	p2 =	seq.s32 s10, $0x1;
	s10 =	sld [smem:$0x3FB9]  }
0x3d: {  	_ =	shalt  }
0x3e: {  	_ =	shalt  }
0x3f: {  	_ =	shalt  }
0x40: {  	_ =	shalt  }
0x41: {  	_ =	shalt  }
0x42: {  	_ =	shalt  }
0x43: {  	_ =	shalt  }
0x44: {  	_ =	shalt  }
0x45: {  	_ =	shalt  }
0x46: {  	_ =	shalt  }
0x47: {  	_ =	shalt  }
0x48: {  	_ =	shalt  }
0x49: {  	_ =	shalt  }
0x4a: {  	_ =	shalt  }
0x4b: {  	_ =	shalt  }
0x4c: {  	_ =	shalt  }
0x4d: {  	_ =	shalt  }
0x4e: {  	_ =	shalt  }
0x4f: {  	_ =	shalt  }
0x50: {  	_ =	shalt  }
0x51: {  	_ =	shalt  }
0x52: {  	_ =	shalt  }
0x53: {  	_ =	shalt  }
0x54: {  	_ =	shalt  }
0x55: {  	_ =	shalt  }
0x56: {  	_ =	shalt  }
0x57: {  	_ =	shalt  }
0x58: {  	_ =	shalt  }
0x59: {  	_ =	shalt  }
0x5a: {  	_ =	shalt  }
0x5b: {  	_ =	shalt  }
0x5c: {  	_ =	shalt  }
0x5d: {  	_ =	shalt  }
0x5e: {  	_ =	shalt  }
0x5f: {  	_ =	shalt  }
0x60: {  	_ =	shalt  }
0x61: {  	_ =	shalt  }
0x62: {  	_ =	shalt  }
0x63: {  	_ =	shalt  }
0x64: {  	_ =	shalt  }
0x65: {  	_ =	shalt  }
0x66: {  	_ =	shalt  }
0x67: {  	_ =	shalt  }
0x68: {  	_ =	shalt  }
0x69: {  	_ =	shalt  }
0x6a: {  	_ =	shalt  }
0x6b: {  	_ =	shalt  }
0x6c: {  	_ =	shalt  }
0x6d: {  	_ =	shalt  }
0x6e: {  	_ =	shalt  }
0x6f: {  	_ =	shalt  }
0x70: {  	_ =	shalt  }
0x71: {  	_ =	shalt  }
0x72: {  	_ =	shalt  }
0x73: {  	_ =	shalt  }
0x74: {  	_ =	shalt  }
0x75: {  	_ =	shalt  }
0x76: {  	_ =	shalt  }
0x77: {  	_ =	shalt  }
0x78: {  	_ =	shalt  }
0x79: {  	_ =	shalt  }
0x7a: {  	_ =	shalt  }
0x7b: {  	_ =	shalt  }
0x7c: {  	_ =	shalt  }
0x7d: {  	_ =	shalt  }
0x7e: {  	_ =	shalt  }
0x7f: {  	_ =	shalt  }
0x80: {  	_ =	shalt  }
0x81: {  	_ =	shalt  }
0x82: {  	_ =	shalt  }
0x83: {  	_ =	shalt  }
0x84: {  	_ =	shalt  }
0x85: {  	_ =	shalt  }
0x86: {  	_ =	shalt  }
0x87: {  	_ =	shalt  }
.Lfunc_end0:
.L_simem_size_0:
called_computation.2_lowered:
.L_overlay_start_0:
0x88: {  	s2 =	sld [smem:$0x3FD9]  }
0x89: {  	s3 =	sld [smem:$0x3FFE];
	_ =	sdelay $0x1  }
0x8a: {  	s1 =	srdreg.scid  }
0x8b: {  	s0 =	sand.u32 $0x1, s1  }
0x8c: {  	s15 =	sshll.u32 s0, $0xA;
	s2 =	sadd.s32 s3, s2  }
0x8d: {  	s2 =	sadd.s32 s2, s15  }
0x8e: {  	[smem:$0x3FC5] =	sst s2  }
0x8f: {  	_ = 	snop  }
0x90: {  	s2 =	sld [smem:$0x3FD0];
	_ =	sdelay $0x2  }
0x91: {  	s16 =	simm.s32 $0xB;
	s4 =	simm.s32 $0x10  }
0x92: {  	[smem:s4], [sflag:s16] =	dma.local [hbm:s2], $0x1  }
0x93: {  	_ =	swait.eq [sflag:s16], $0x1  }
0x94: {  	[sflag:s16] =	ssyncset.done $0x0  }
0x95: {  	[sflag:s16] =	ssyncadd.s32 $0xFFFFFFFF  }
0x96: {  	s17 =	sld [smem:$0x10];
	(tm) =	ssettm $0x1  }
0x97: {  	s18 =	sld [smem:$0x3FFB];
	_ =	sdelay $0x3  }
0x98: {  	_ =	strace s18  }
0x99: {  	s2 =	sld [smem:$0x3FFC];
	_ =	sdelay $0x3  }
0x9a: {  	_ =	strace s2  }
0x9b: {  	s2 =	sld [smem:$0x3FFD];
	_ =	sdelay $0x3  }
0x9c: {  	_ =	strace s2  }
0x9d: {  	_ =	strace $0x8FFFFFFF  }
0x9e: {  	s19 =	sld [smem:$0x3FDB];
	_ =	sdelay $0x1  }
0x9f: {  	s20 =	simm.s32 $_scs_section_size  }
0xa0: {  	s5 =	simm.s32 $_size__tile_overlayer_lowered;
	s6 =	simm.s32 $_tile_overlayer_lowered  }
0xa1: {  	s7 =	simm.s32 $0x1BFF;
	s21 =	sshll.u32 s6, $0x1;
	s4 =	sadd.s32 s20, s19  }
0xa2: {  	s22 =	simm.s32 $0x0;
	s5 =	sshll.u32 s5, $0x1;
	s6 =	sadd.s32 s21, s4  }
0xa3: {  	[timem:s22], [sflag:s7] =	dma.local [hbm:s6], s5  }
0xa4: {  	_ =	swait.ge [sflag:s7], s5  }
0xa5: {  	s5 =	ssub.s32 $0x0, s5;
	[sflag:s7] =	ssyncset.done $0x0  }
0xa6: {  	[sflag:s7] =	ssyncadd.s32 s5;
	_ =	sdelay $0x1  }
0xa7: {  	s23 =	simm.s32 $0x1B8B  }
0xa8: {  	_ =	swait.ge [sflag:s23], $0x1  }
0xa9: {  	[sflag:s23] =	ssyncset.done $0x0  }
0xaa: {  	[sflag:s23] =	ssyncadd.s32 $0xFFFFFFFF  }
0xab: {  	s5 =	sld [smem:$0x0]  }
0xac: {  	s6 =	sand.u32 $0xFFFFFFFE, s1  }
0xad: {  	p0 =	sne.s32 s1, s6  }
0xae: {  	s6 =	sshll.u32 @p0 s6, $0xE  }
0xaf: {  	s6 =	sadd.s32 @p0 $0x11B8D, s6;
	s7 =	sshll.u32 @p0 s5, $0x11  }
0xb0: {  	s6 =	sor.u32 @p0 s7, s6  }
0xb1: {  	[sflag:s6] =	ssyncadd.remote.s32 @p0 $0x1;
	_ =	sdelay $0x1  }
0xb2: {  	s6 =	simm.s32 @p0 $0x1B8D  }
0xb3: {  	_ =	swait.eq @p0 [sflag:s6], $0x1  }
0xb4: {  	[sflag:s6] =	ssyncadd.s32 @p0 $0xFFFFFFFF  }
0xb5: {  	s7 =	sshll.u32 @!p0 s1, $0xE  }
0xb6: {  	s7 =	sor.u32 @!p0 $0x4000, s7;
	s6 =	simm.s32 @!p0 $0x1B8D  }
0xb7: {  	s5 =	sshll.u32 @!p0 s5, $0x11;
	s7 =	sadd.s32 @!p0 $0x11B8D, s7;
	_ =	swait.eq @!p0 [sflag:s6], $0x1  }
0xb8: {  	s5 =	sor.u32 @!p0 s5, s7;
	[sflag:s6] =	ssyncadd.s32 @!p0 $0xFFFFFFFF  }
0xb9: {  	s25 =	simm.s32 $0x1B8E;
	s24 =	sld [smem:$0x3FFE];
	[sflag:s5] =	ssyncadd.remote.s32 @!p0 $0x1  }
0xba: {  	s26 =	simm.s32 $execute0_lowered;
	[smem:$0x3FD2] =	sst s25  }
0xbb: {  	s6 =	sshll.u32 s26, $0x1;
	_ =	strace $0x8000004C;
	[dreg:$0x1] =	wrdreg $0xFFFFFFFF  }
0xbc: {  	s28 =	simm.s32 $_size_execute0_lowered;
	s4 =	sadd.s32 s4, s6;
	[dreg:$0x0] =	wrdreg $0x0  }
0xbd: {  	s6 =	sshll.u32 s28, $0x1;
	[dreg:$0x2] =	wrdreg s4  }
0xbe: {  	[dreg:$0x3] =	wrdreg s6  }
0xbf: {  	[dreg:$0x4] =	wrdreg $0xC0  }
0xc0: {  	_ =	task [dreg:s22], $0x5FFFF  }
0xc1: {  	[dreg:$0x1] =	wrdreg $0xFFFFFFFF  }
0xc2: {  	[dreg:$0x0] =	wrdreg $0x60  }
0xc3: {  	[dreg:$0x2] =	wrdreg s17  }
0xc4: {  	[dreg:$0x3] =	wrdreg s24  }
0xc5: {  	[dreg:$0x4] =	wrdreg $0x82000  }
0xc6: {  	[dreg:$0x5] =	wrdreg $0xA  }
0xc7: {  	_ =	task.clear_ibuf [dreg:s22], $0x6FFFF;
	_ =	strace $0x9000004C  }
0xc8: {  	s29 =	simm.s32 $0xA;
	_ =	strace $0x8000004E  }
0xc9: {  	_ =	swait.ge [sflag:s29], $0x1  }
0xca: {  	[sflag:s29] =	ssyncadd.s32 $0xFFFFFFFF  }
0xcb: {  	_ =	strace $0x9000004E  }
0xcc: {  	_ =	sfence  }
0xcd: {  	s30 =	sld [smem:$0x0];
	_ =	sdelay $0x2  }
0xce: {  	s31 =	sshll.u32 s1, $0xD;
	s1 =	sshrl.u32 s1, $0x2  }
0xcf: {  	s4 =	sand.u32 $0x4000, s31;
	s1 =	sadd.s32 s1, s30  }
0xd0: {  	s0 =	sor.u32 s4, s0;
	s1 =	sshll.u32 s1, $0x11  }
0xd1: {  	s0 =	sor.u32 s1, s0  }
0xd2: {  	s0 =	sadd.s32 $0x8F2B, s0  }
0xd3: {  	[sflag:s0] =	ssyncadd.remote.s32 $0x1  }
0xd4: {  	_ =	sfence.sel $0xFFFF  }
0xd5: {  	[dreg:$0x0] =	wrdreg $0xFFFFFFFF;
	(pc) =	sbr.abs _section_cstart, $3  }
0xd6: {  	[dreg:$0x1] =	wrdreg $0xFFFFFFFF  }
0xd7: {  	_ =	task.clear_ibuf [dreg:s22], $0x2FFFF;
	_ =	strace $0x9FFFFFFF  }
0xd8: {  	(tm) =	ssettm $0x7FFFFFFF  }
0xd9: {  	_ =	shalt  }
tec
execute0_lowered:
.L_overlay_start_1:
0x0: {  	(tag) =	ssettag $0x1  }
0x1: {  	s0 =	rddreg [dreg:$0x0]  }
0x2: {  	s2 =	rddreg [dreg:$0x1]  }
0x3: {  	s1 =	rddreg [dreg:$0x2]  }
0x4: {  	s3 =	srdreg.scid;
	s30 =	simm.s32 $0x0;
	s12 =	stileid.u32  }
0x5: {  	s28 =	simm.s32 $0xB;
	s31 =	simm.s32 $0x100;
	s29 =	simm.s32 $0x4200  }
0x6: {  	s6 =	sand.u32 $0x1, s3;
	[smem:$0x7FF] =	sst s30;
	s10 =	smul.u32 $0x50000, s12  }
0x7: {  	s5 =	sadd.s32 $0x800, s2;
	s11 =	smul.u32 $0x2800, s12;
	p0 =	seq.s32 s12, $0xF  }
0x8: {  	s4 =	sshll.u32 s6, $0x4;
	_ =	strace $0x8000004D;
	s9 =	ssub.s32 $0x2, s6  }
0x9: {  	s6 =	sadd.s32 $0x285400, s2;
	s7 =	sor.u32 s12, s4;
	s4 =	sadd.s32 $0xA600, s2  }
0xa: {  	s25 =	sshrl.u32 s9, $0x1;
	s26 =	sshrl.u32 s10, $0x2;
	s11 =	sadd.s32 s0, s11  }
0xb: {  	s0 =	sadd.s32 $0x25800, s0;
	s10 =	simm.s32 $0x2200;
	s8 =	smul.u32 $0x1388, s7  }
0xc: {  	s12 =	simm.s32 $0x1;
	s2 =	ssub.s32 s9, s25;
	s18 =	smul.u32 $0x13880, s7  }
0xd: {  	s9 =	sadd.s32 s26, s1;
	[dreg:$0x4] =	wrdreg s11;
	s7 =	smul.u32 $0x9C400, s7  }
0xe: {  	[dreg:$0x5] =	wrdreg s0;
	s26 =	smax.u32 s2, $0x1;
	s2 =	simm.s32 $0x180  }
0xf: {  	s3 =	sshrl.u32 s8, $0x3;
	s7 =	sshrl.u32 s7, $0x3;
	[dreg:$0x13] =	wrdreg s26  }
0x10: {  	s14 =	sadd.s32 $0x4E20, s3;
	s16 =	sadd.s32 $0x4E28, s3;
	s19 =	sadd.s32 $0x4E30, s3  }
0x11: {  	s20 =	sadd.s32 $0x4E38, s3;
	s22 =	sadd.s32 s6, s7;
	s23 =	sadd.s32 $0x5090, s3  }
0x12: {  	s3 =	simm.s32 $0x0;
	s15 =	sadd.s32 s4, s14;
	s11 =	sadd.s32 s5, s14  }
0x13: {  	s17 =	sadd.s32 s4, s16;
	s0 =	sadd.s32 s5, s16;
	[dreg:$0x6] =	wrdreg s15  }
0x14: {  	s13 =	sadd.s32 s4, s19;
	s21 =	sadd.s32 s4, s20;
	[dreg:$0x7] =	wrdreg s11  }
0x15: {  	s24 =	sadd.s32 s4, s23;
	s7 =	sadd.s32 s5, s23;
	[dreg:$0x8] =	wrdreg s17  }
0x16: {  	s25 =	sadd.s32 $0x400, s22;
	s14 =	simm.s32 $0x5;
	[dreg:$0x9] =	wrdreg s0  }
0x17: {  	s16 =	simm.s32 $0x9;
	s23 =	simm.s32 $0x6;
	[dreg:$0xa] =	wrdreg s13  }
0x18: {  	s0 =	sadd.s32 s5, s19;
	s11 =	sadd.s32 s6, s18;
	[dreg:$0xd] =	wrdreg s21  }
0x19: {  	s18 =	sadd.s32 $0x27200, s8;
	s19 =	sadd.s32 $0x80, s8;
	[dreg:$0xf] =	wrdreg s24  }
0x1a: {  	s21 =	sadd.s32 $0xC0, s8;
	[dreg:$0x10] =	wrdreg s7;
	s7 =	sadd.s32 $0x12C000, s1  }
0x1b: {  	[dreg:$0x11] =	wrdreg s25;
	s13 =	simm.s32 $0x3;
	s15 =	simm.s32 $0x7  }
0x1c: {  	s17 =	simm.s32 $0x2;
	s24 =	simm.s32 $0x8;
	[dreg:$0xb] =	wrdreg s0  }
0x1d: {  	s25 =	simm.s32 $0xA;
	[dreg:$0xc] =	wrdreg s11;
	s0 =	sadd.s32 s5, s20  }
0x1e: {  	s20 =	sadd.s32 $0x27240, s8;
	[dreg:$0xe] =	wrdreg s0;
	s0 =	sadd.s32 $0x13800, s22  }
0x1f: {  	s8 =	simm.s32 $0x200;
	[dreg:$0x12] =	wrdreg s0;
	s0 =	sshrl.u32 @p0 s7, $0x3  }
0x20: {  	s22 =	simm.s32 $0x4;
	[dreg:$0x14] =	wrdreg s0;
	s0 =	sshrl.u32 @!p0 s9, $0x3  }
0x21: {  	s7 =	simm.s32 $0x40;
	[dreg:$0x15] =	wrdreg s0;
	s0 =	simm.s32 $0x80  }
.LBB2_1:
0x22: {  	[dreg:$0x16] =	wrdreg s3  }
0x23: {  	s9 =	rddreg [dreg:$0x5]  }
0x24: {  	s11 =	simm.s32 @p0 $0x1FCB;
	s26 =	rddreg [dreg:$0x14]  }
0x25: {  	[spmem:s26], [sflag:s11] =	dma.local @p0 [hbm:s9], $0x1900  }
0x26: {  	s11 =	simm.s32 @p0 $0xB  }
0x27: {  	s9 =	stileid.u32;
	_ =	swait.ge @p0 [sflag:s11], $0x1900  }
0x28: {  	s26 =	sshll.u32 @!p0 s9, $0x6;
	[sflag:s11] =	ssyncset.done @p0 $0x0;
	s9 =	rddreg [dreg:$0x4]  }
0x29: {  	[sflag:s11] =	ssyncadd.s32 @p0 $0xFFFFE700;
	s11 =	sor.u32 @!p0 $0x1C0B, s26;
	s26 =	rddreg [dreg:$0x15]  }
0x2a: {  	[spmem:s26], [sflag:s11] =	dma.local @!p0 [hbm:s9], $0x2800  }
0x2b: {  	s11 =	simm.s32 @!p0 $0xB  }
0x2c: {  	_ =	swait.ge @!p0 [sflag:s11], $0x2800  }
0x2d: {  	[sflag:s11] =	ssyncset.done @!p0 $0x0  }
0x2e: {  	s3 =	rddreg [dreg:$0x6];
	[sflag:s11] =	ssyncadd.s32 @!p0 $0xFFFFD800  }
0x2f: {  	[tilespmem:s30], [sflag:$0xB] =	stream.linear.gather [hbm4b:s3+s30], $0x40, $0x38;
	[tilespmem:$0x1C200] =	vst v63  }
0x30: {  	_ =	swait.ge [sflag:s28], $0x40  }
0x31: {  	[sflag:s28] =	ssyncset.done $0x0  }
0x32: {  	s11 =	rddreg [dreg:$0x7];
	[sflag:s28] =	ssyncadd.s32 $0xFFFFFFC0  }
0x33: {  	[tilespmem:s31], [sflag:$0xB] =	stream.linear.gather [hbm4b:s11+s30], $0x40, $0x38;
	[tilespmem:$0x1C200] =	vst v63  }
0x34: {  	_ =	swait.ge [sflag:s28], $0x40  }
0x35: {  	[sflag:s28] =	ssyncset.done $0x0  }
0x36: {  	s26 =	rddreg [dreg:$0x8];
	[sflag:s28] =	ssyncadd.s32 $0xFFFFFFC0  }
0x37: {  	[tilespmem:s0], [sflag:$0xB] =	stream.linear.gather [hbm4b:s26+s30], $0x40, $0x38;
	[tilespmem:$0x1C200] =	vst v63  }
0x38: {  	_ =	swait.ge [sflag:s28], $0x40  }
0x39: {  	[sflag:s28] =	ssyncset.done $0x0  }
0x3a: {  	s3 =	rddreg [dreg:$0x9];
	[sflag:s28] =	ssyncadd.s32 $0xFFFFFFC0  }
0x3b: {  	[tilespmem:s2], [sflag:$0xB] =	stream.linear.gather [hbm4b:s3+s30], $0x40, $0x38;
	[tilespmem:$0x1C200] =	vst v63  }
0x3c: {  	_ =	swait.ge [sflag:s28], $0x40  }
0x3d: {  	[sflag:s28] =	ssyncset.done $0x0  }
0x3e: {  	[sflag:s28] =	ssyncadd.s32 $0xFFFFFFC0  }
0x3f: {  	[bflag:$0x0] =	sbarrier.arrive $0xFFFF  }
0x40: {  	[tilespmem:s8], [sflag:$0x1] =	stream.indirect.gather [spmem:s1], $0x80, s30, s7, $0xb8;
	[tilespmem:$0x1C200] =	vst v63  }
0x41: {  	_ = 	snop  }
0x42: {  	[tilespmem:s29], [sflag:$0x3] =	stream.indirect.gather [spmem:s1], $0x80, s31, s7, $0xb8;
	[tilespmem:$0x1C200] =	vst v63  }
0x43: {  	_ = 	snop  }
0x44: {  	[tilespmem:s10], [sflag:$0x2] =	stream.indirect.gather [spmem:s1], $0x80, s0, s7, $0xb8;
	[tilespmem:$0x1C200] =	vst v63  }
0x45: {  	s11 =	simm.s32 $0x6200  }
0x46: {  	[tilespmem:s11], [sflag:$0x4] =	stream.indirect.gather [spmem:s1], $0x80, s2, s7, $0xb8;
	[tilespmem:$0x1C200] =	vst v63  }
0x47: {  	_ =	swait.ge [sflag:s12], $0x2000  }
0x48: {  	[sflag:s12] =	ssyncset.done $0x0  }
0x49: {  	[sflag:s12] =	ssyncadd.s32 $0xFFFFE000  }
0x4a: {  	_ =	swait.ge [sflag:s13], $0x2000  }
0x4b: {  	[sflag:s13] =	ssyncset.done $0x0  }
0x4c: {  	s26 =	rddreg [dreg:$0xa];
	[sflag:s13] =	ssyncadd.s32 $0xFFFFE000  }
0x4d: {  	[tilespmem:s30], [sflag:$0x7] =	stream.linear.gather [hbm4b:s26+s30], $0x40, $0x38;
	[tilespmem:$0x1C200] =	vst v63  }
0x4e: {  	s11 =	simm.s32 $0x0;
	s28 =	rddreg [dreg:$0xb]  }
0x4f: {  	[tilespmem:s31], [sflag:$0x9] =	stream.linear.gather [hbm4b:s28+s30], $0x40, $0x38;
	[tilespmem:$0x1C200] =	vst v63  }
0x50: {  	v7 =	vld [tilespmem:s11+$0x4200]  }
0x51: {  	v11 =	vld [tilespmem:s11+$0x4210]  }
0x52: {  	v5 =	vld [tilespmem:s11+$0x4220]  }
0x53: {  	v4 =	vld [tilespmem:s11+$0x4230]  }
0x54: {  	v3 =	vld [tilespmem:s11+$0x4240]  }
0x55: {  	v2 =	vld [tilespmem:s11+$0x4250]  }
0x56: {  	v1 =	vld [tilespmem:s11+$0x4260]  }
0x57: {  	v0 =	vld [tilespmem:s11+$0x4270]  }
0x58: {  	v12 =	vld [tilespmem:s11+$0x200]  }
0x59: {  	v13 =	vld [tilespmem:s11+$0x210]  }
0x5a: {  	v10 =	vld [tilespmem:s11+$0x220]  }
0x5b: {  	v9 =	vld [tilespmem:s11+$0x230]  }
0x5c: {  	v8 =	vld [tilespmem:s11+$0x240]  }
0x5d: {  	v6 =	vld [tilespmem:s11+$0x250];
	v12 =	vmul.f32 v7, v12  }
0x5e: {  	s26 =	simm.s32 $0x200;
	v11 =	vmul.f32 v11, v13;
	v7 =	vld [tilespmem:s11+$0x260]  }
.LBB2_2:
0x5f: {  	s28 =	sshra.s32 s26, $0x2;
	p1 =	sne.s32 s26, $0x7E00;
	[tilespmem:s11+$0x200] =	vst v12;
	v5 =	vmul.f32 v5, v10;
	v10 =	vld [tilespmem:s11+$0x270]  }
0x60: {  	v12 =	vld [tilespmem:s28+$0x4200];
	[tilespmem:s11+$0x210] =	vst v11;
	v4 =	vmul.f32 v4, v9  }
0x61: {  	v11 =	vld [tilespmem:s28+$0x4210];
	[tilespmem:s11+$0x220] =	vst v5;
	v3 =	vmul.f32 v3, v8  }
0x62: {  	v5 =	vld [tilespmem:s28+$0x4220];
	[tilespmem:s11+$0x230] =	vst v4;
	v2 =	vmul.f32 v2, v6  }
0x63: {  	v4 =	vld [tilespmem:s28+$0x4230];
	[tilespmem:s11+$0x240] =	vst v3;
	v1 =	vmul.f32 v1, v7  }
0x64: {  	v3 =	vld [tilespmem:s28+$0x4240];
	[tilespmem:s11+$0x250] =	vst v2;
	v0 =	vmul.f32 v0, v10  }
0x65: {  	v2 =	vld [tilespmem:s28+$0x4250];
	[tilespmem:s11+$0x260] =	vst v1  }
0x66: {  	v1 =	vld [tilespmem:s28+$0x4260];
	[tilespmem:s11+$0x270] =	vst v0;
	s11 =	smov.u32 s28  }
0x67: {  	v0 =	vld [tilespmem:s11+$0x4270]  }
0x68: {  	v6 =	vld [tilespmem:s11+$0x200]  }
0x69: {  	v7 =	vld [tilespmem:s11+$0x210]  }
.Ltmp0:
0x6a: {  	v10 =	vld [tilespmem:s11+$0x220];
	(pc) =	sbr.rel @p1 .LBB2_2-.Ltmp0, $4  }
0x6b: {  	v9 =	vld [tilespmem:s11+$0x230]  }
0x6c: {  	v8 =	vld [tilespmem:s11+$0x240]  }
0x6d: {  	v12 =	vmul.f32 v12, v6;
	v6 =	vld [tilespmem:s11+$0x250]  }
0x6e: {  	s26 =	sadd.s32 $0x200, s26;
	v11 =	vmul.f32 v11, v7;
	v7 =	vld [tilespmem:s11+$0x260]  }
0x6f: {  	[tilespmem:s11+$0x200] =	vst v12;
	v5 =	vmul.f32 v5, v10;
	v10 =	vld [tilespmem:s11+$0x270]  }
0x70: {  	[tilespmem:s11+$0x210] =	vst v11;
	v4 =	vmul.f32 v4, v9  }
0x71: {  	[tilespmem:s11+$0x220] =	vst v5;
	v3 =	vmul.f32 v3, v8  }
0x72: {  	[tilespmem:s11+$0x230] =	vst v4;
	v2 =	vmul.f32 v2, v6  }
0x73: {  	[tilespmem:s11+$0x240] =	vst v3;
	v1 =	vmul.f32 v1, v7  }
0x74: {  	[tilespmem:s11+$0x250] =	vst v2;
	v0 =	vmul.f32 v0, v10  }
0x75: {  	[tilespmem:s11+$0x260] =	vst v1  }
0x76: {  	s28 =	simm.s32 $0x0;
	s9 =	rddreg [dreg:$0xc];
	[tilespmem:s11+$0x270] =	vst v0  }
0x77: {  	[hbm4b:s9+s28] =	stream.linear.scatter [tilespmem:s8], [sflag:$0x5], $0x2000, $0x38;
	[tilespmem:$0x1C200] =	vst v63  }
0x78: {  	_ =	swait.ge [sflag:s14], $0x2000  }
0x79: {  	[sflag:s14] =	ssyncset.done $0x0  }
0x7a: {  	[sflag:s14] =	ssyncadd.s32 $0xFFFFE000  }
0x7b: {  	_ =	swait.ge [sflag:s15], $0x40  }
0x7c: {  	[sflag:s15] =	ssyncset.done $0x0  }
0x7d: {  	[sflag:s15] =	ssyncadd.s32 $0xFFFFFFC0  }
0x7e: {  	_ =	swait.ge [sflag:s16], $0x40  }
0x7f: {  	[sflag:s16] =	ssyncset.done $0x0  }
0x80: {  	[sflag:s16] =	ssyncadd.s32 $0xFFFFFFC0  }
0x81: {  	[tilespmem:s8], [sflag:$0x1] =	stream.indirect.gather [spmem:s1], $0x80, s28, s7, $0xb8;
	[tilespmem:$0x1C200] =	vst v63  }
0x82: {  	_ = 	snop  }
0x83: {  	[tilespmem:s29], [sflag:$0x3] =	stream.indirect.gather [spmem:s1], $0x80, s31, s7, $0xb8;
	[tilespmem:$0x1C200] =	vst v63  }
0x84: {  	_ =	swait.ge [sflag:s17], $0x2000  }
0x85: {  	[sflag:s17] =	ssyncset.done $0x0  }
0x86: {  	[sflag:s17] =	ssyncadd.s32 $0xFFFFE000  }
0x87: {  	_ =	swait.ge [sflag:s22], $0x2000  }
0x88: {  	[sflag:s22] =	ssyncset.done $0x0  }
0x89: {  	s29 =	rddreg [dreg:$0xd];
	[sflag:s22] =	ssyncadd.s32 $0xFFFFE000  }
0x8a: {  	[tilespmem:s0], [sflag:$0x8] =	stream.linear.gather [hbm4b:s29+s28], $0x40, $0x38;
	[tilespmem:$0x1C200] =	vst v63  }
0x8b: {  	s11 =	simm.s32 $0x0;
	s30 =	rddreg [dreg:$0xe]  }
0x8c: {  	[tilespmem:s2], [sflag:$0xA] =	stream.linear.gather [hbm4b:s30+s28], $0x40, $0x38;
	[tilespmem:$0x1C200] =	vst v63  }
0x8d: {  	v7 =	vld [tilespmem:s11+$0x6200]  }
0x8e: {  	v11 =	vld [tilespmem:s11+$0x6210]  }
0x8f: {  	v5 =	vld [tilespmem:s11+$0x6220]  }
0x90: {  	v4 =	vld [tilespmem:s11+$0x6230]  }
0x91: {  	v3 =	vld [tilespmem:s11+$0x6240]  }
0x92: {  	v2 =	vld [tilespmem:s11+$0x6250]  }
0x93: {  	v1 =	vld [tilespmem:s11+$0x6260]  }
0x94: {  	v0 =	vld [tilespmem:s11+$0x6270]  }
0x95: {  	v12 =	vld [tilespmem:s11+$0x2200]  }
0x96: {  	v13 =	vld [tilespmem:s11+$0x2210]  }
0x97: {  	v10 =	vld [tilespmem:s11+$0x2220]  }
0x98: {  	v9 =	vld [tilespmem:s11+$0x2230]  }
0x99: {  	v8 =	vld [tilespmem:s11+$0x2240]  }
0x9a: {  	v6 =	vld [tilespmem:s11+$0x2250];
	v12 =	vmul.f32 v7, v12  }
0x9b: {  	s3 =	simm.s32 $0x4200;
	s26 =	simm.s32 $0x200;
	v11 =	vmul.f32 v11, v13;
	v7 =	vld [tilespmem:s11+$0x2260]  }
.LBB2_4:
0x9c: {  	s28 =	sshra.s32 s26, $0x2;
	p1 =	sne.s32 s26, $0x7E00;
	[tilespmem:s11+$0x2200] =	vst v12;
	v5 =	vmul.f32 v5, v10;
	v10 =	vld [tilespmem:s11+$0x2270]  }
0x9d: {  	v12 =	vld [tilespmem:s28+$0x6200];
	[tilespmem:s11+$0x2210] =	vst v11;
	v4 =	vmul.f32 v4, v9  }
0x9e: {  	v11 =	vld [tilespmem:s28+$0x6210];
	[tilespmem:s11+$0x2220] =	vst v5;
	v3 =	vmul.f32 v3, v8  }
0x9f: {  	v5 =	vld [tilespmem:s28+$0x6220];
	[tilespmem:s11+$0x2230] =	vst v4;
	v2 =	vmul.f32 v2, v6  }
0xa0: {  	v4 =	vld [tilespmem:s28+$0x6230];
	[tilespmem:s11+$0x2240] =	vst v3;
	v1 =	vmul.f32 v1, v7  }
0xa1: {  	v3 =	vld [tilespmem:s28+$0x6240];
	[tilespmem:s11+$0x2250] =	vst v2;
	v0 =	vmul.f32 v0, v10  }
0xa2: {  	v2 =	vld [tilespmem:s28+$0x6250];
	[tilespmem:s11+$0x2260] =	vst v1  }
0xa3: {  	v1 =	vld [tilespmem:s28+$0x6260];
	[tilespmem:s11+$0x2270] =	vst v0;
	s11 =	smov.u32 s28  }
0xa4: {  	v0 =	vld [tilespmem:s11+$0x6270]  }
0xa5: {  	v6 =	vld [tilespmem:s11+$0x2200]  }
0xa6: {  	v7 =	vld [tilespmem:s11+$0x2210]  }
.Ltmp1:
0xa7: {  	v10 =	vld [tilespmem:s11+$0x2220];
	(pc) =	sbr.rel @p1 .LBB2_4-.Ltmp1, $4  }
0xa8: {  	v9 =	vld [tilespmem:s11+$0x2230]  }
0xa9: {  	v8 =	vld [tilespmem:s11+$0x2240]  }
0xaa: {  	v12 =	vmul.f32 v12, v6;
	v6 =	vld [tilespmem:s11+$0x2250]  }
0xab: {  	s26 =	sadd.s32 $0x200, s26;
	v11 =	vmul.f32 v11, v7;
	v7 =	vld [tilespmem:s11+$0x2260]  }
0xac: {  	[tilespmem:s11+$0x2200] =	vst v12;
	v5 =	vmul.f32 v5, v10;
	v63 =	vld [tilespmem:s11+$0x2270]  }
0xad: {  	[tilespmem:s11+$0x2210] =	vst v11;
	v4 =	vmul.f32 v4, v9  }
0xae: {  	[tilespmem:s11+$0x2220] =	vst v5;
	v3 =	vmul.f32 v3, v8  }
0xaf: {  	[tilespmem:s11+$0x2230] =	vst v4;
	v2 =	vmul.f32 v2, v6  }
0xb0: {  	[tilespmem:s11+$0x2240] =	vst v3;
	v1 =	vmul.f32 v1, v7  }
0xb1: {  	[tilespmem:s11+$0x2250] =	vst v2;
	v0 =	vmul.f32 v0, v63  }
0xb2: {  	[tilespmem:s11+$0x2260] =	vst v1  }
0xb3: {  	s28 =	simm.s32 $0x0;
	s9 =	rddreg [dreg:$0x11];
	s29 =	simm.s32 $0x0;
	[tilespmem:s11+$0x2270] =	vst v0  }
0xb4: {  	[hbm4b:s9+s28] =	stream.linear.scatter [tilespmem:s10], [sflag:$0x6], $0x2000, $0x38;
	[tilespmem:$0x1C200] =	vst v63  }
.LBB2_6:
0xb5: {  	_ =	swait.ge [sflag:s23], $0x2000  }
0xb6: {  	[sflag:s23] =	ssyncset.done $0x0  }
0xb7: {  	[sflag:s23] =	ssyncadd.s32 $0xFFFFE000  }
0xb8: {  	_ =	swait.ge [sflag:s24], $0x40  }
0xb9: {  	[sflag:s24] =	ssyncset.done $0x0  }
0xba: {  	[sflag:s24] =	ssyncadd.s32 $0xFFFFFFC0  }
0xbb: {  	_ =	swait.ge [sflag:s25], $0x40  }
0xbc: {  	[sflag:s25] =	ssyncset.done $0x0  }
0xbd: {  	[sflag:s25] =	ssyncadd.s32 $0xFFFFFFC0  }
0xbe: {  	[tilespmem:s10], [sflag:$0x2] =	stream.indirect.gather [spmem:s1], $0x80, s0, s7, $0xb8;
	[tilespmem:$0x1C200] =	vst v63  }
0xbf: {  	s9 =	simm.s32 $0x6200  }
0xc0: {  	[tilespmem:s9], [sflag:$0x4] =	stream.indirect.gather [spmem:s1], $0x80, s2, s7, $0xb8;
	[tilespmem:$0x1C200] =	vst v63  }
0xc1: {  	s26 =	sshll.u32 s29, $0x1;
	_ =	swait.ge [sflag:s12], $0x2000  }
0xc2: {  	s11 =	smin.u32 s26, $0x49;
	[sflag:s12] =	ssyncset.done $0x0  }
0xc3: {  	s11 =	sshll.u32 s11, $0x6;
	[sflag:s12] =	ssyncadd.s32 $0xFFFFE000  }
0xc4: {  	s11 =	sadd.s32 s11, s18;
	_ =	swait.ge [sflag:s13], $0x2000  }
0xc5: {  	s11 =	sshrl.u32 s11, $0x3;
	[sflag:s13] =	ssyncset.done $0x0  }
0xc6: {  	s30 =	sadd.s32 s4, s11;
	[sflag:s13] =	ssyncadd.s32 $0xFFFFE000  }
0xc7: {  	[tilespmem:s28], [sflag:$0x7] =	stream.linear.gather [hbm4b:s30+s28], $0x40, $0x38;
	[tilespmem:$0x1C200] =	vst v63  }
0xc8: {  	s11 =	sadd.s32 s5, s11  }
0xc9: {  	[tilespmem:s31], [sflag:$0x9] =	stream.linear.gather [hbm4b:s11+s28], $0x40, $0x38;
	[tilespmem:$0x1C200] =	vst v63  }
0xca: {  	s11 =	simm.s32 $0x0  }
0xcb: {  	v7 =	vld [tilespmem:s11+$0x4200]  }
0xcc: {  	v11 =	vld [tilespmem:s11+$0x4210]  }
0xcd: {  	v5 =	vld [tilespmem:s11+$0x4220]  }
0xce: {  	v4 =	vld [tilespmem:s11+$0x4230]  }
0xcf: {  	v3 =	vld [tilespmem:s11+$0x4240]  }
0xd0: {  	v2 =	vld [tilespmem:s11+$0x4250]  }
0xd1: {  	v1 =	vld [tilespmem:s11+$0x4260]  }
0xd2: {  	v0 =	vld [tilespmem:s11+$0x4270]  }
0xd3: {  	v12 =	vld [tilespmem:s11+$0x200]  }
0xd4: {  	v13 =	vld [tilespmem:s11+$0x210]  }
0xd5: {  	v10 =	vld [tilespmem:s11+$0x220]  }
0xd6: {  	v9 =	vld [tilespmem:s11+$0x230]  }
0xd7: {  	v8 =	vld [tilespmem:s11+$0x240]  }
0xd8: {  	v6 =	vld [tilespmem:s11+$0x250];
	v12 =	vmul.f32 v7, v12  }
0xd9: {  	s30 =	simm.s32 $0x200;
	v11 =	vmul.f32 v11, v13;
	v7 =	vld [tilespmem:s11+$0x260]  }
.LBB2_7:
0xda: {  	s9 =	sshra.s32 s30, $0x2;
	p1 =	sne.s32 s30, $0x7E00;
	[tilespmem:s11+$0x200] =	vst v12;
	v5 =	vmul.f32 v5, v10;
	v10 =	vld [tilespmem:s11+$0x270]  }
0xdb: {  	v12 =	vld [tilespmem:s9+$0x4200];
	[tilespmem:s11+$0x210] =	vst v11;
	v4 =	vmul.f32 v4, v9  }
0xdc: {  	v11 =	vld [tilespmem:s9+$0x4210];
	[tilespmem:s11+$0x220] =	vst v5;
	v3 =	vmul.f32 v3, v8  }
0xdd: {  	v5 =	vld [tilespmem:s9+$0x4220];
	[tilespmem:s11+$0x230] =	vst v4;
	v2 =	vmul.f32 v2, v6  }
0xde: {  	v4 =	vld [tilespmem:s9+$0x4230];
	[tilespmem:s11+$0x240] =	vst v3;
	v1 =	vmul.f32 v1, v7  }
0xdf: {  	v3 =	vld [tilespmem:s9+$0x4240];
	[tilespmem:s11+$0x250] =	vst v2;
	v0 =	vmul.f32 v0, v10  }
0xe0: {  	v2 =	vld [tilespmem:s9+$0x4250];
	[tilespmem:s11+$0x260] =	vst v1  }
0xe1: {  	v1 =	vld [tilespmem:s9+$0x4260];
	[tilespmem:s11+$0x270] =	vst v0;
	s11 =	smov.u32 s9  }
0xe2: {  	v0 =	vld [tilespmem:s11+$0x4270]  }
0xe3: {  	v6 =	vld [tilespmem:s11+$0x200]  }
0xe4: {  	v7 =	vld [tilespmem:s11+$0x210]  }
.Ltmp2:
0xe5: {  	v10 =	vld [tilespmem:s11+$0x220];
	(pc) =	sbr.rel @p1 .LBB2_7-.Ltmp2, $4  }
0xe6: {  	v9 =	vld [tilespmem:s11+$0x230]  }
0xe7: {  	v8 =	vld [tilespmem:s11+$0x240]  }
0xe8: {  	v12 =	vmul.f32 v12, v6;
	v6 =	vld [tilespmem:s11+$0x250]  }
0xe9: {  	s30 =	sadd.s32 $0x200, s30;
	v11 =	vmul.f32 v11, v7;
	v7 =	vld [tilespmem:s11+$0x260]  }
0xea: {  	[tilespmem:s11+$0x200] =	vst v12;
	v5 =	vmul.f32 v5, v10;
	v10 =	vld [tilespmem:s11+$0x270]  }
0xeb: {  	[tilespmem:s11+$0x210] =	vst v11;
	v4 =	vmul.f32 v4, v9  }
0xec: {  	[tilespmem:s11+$0x220] =	vst v5;
	v3 =	vmul.f32 v3, v8  }
0xed: {  	[tilespmem:s11+$0x230] =	vst v4;
	v2 =	vmul.f32 v2, v6  }
0xee: {  	s30 =	sshll.u32 s29, $0x7;
	[tilespmem:s11+$0x240] =	vst v3;
	v1 =	vmul.f32 v1, v7  }
0xef: {  	s9 =	sadd.s32 s30, s19;
	[tilespmem:s11+$0x250] =	vst v2;
	v0 =	vmul.f32 v0, v10  }
0xf0: {  	s9 =	sshll.u32 s9, $0x4;
	[tilespmem:s11+$0x260] =	vst v1  }
0xf1: {  	s9 =	sadd.s32 s6, s9;
	[tilespmem:s11+$0x270] =	vst v0;
	s11 =	simm.s32 $0x0  }
0xf2: {  	[hbm4b:s9+s11] =	stream.linear.scatter [tilespmem:s8], [sflag:$0x5], $0x2000, $0x38;
	[tilespmem:$0x1C200] =	vst v63  }
0xf3: {  	_ =	swait.ge [sflag:s14], $0x2000  }
0xf4: {  	[sflag:s14] =	ssyncset.done $0x0  }
0xf5: {  	[sflag:s14] =	ssyncadd.s32 $0xFFFFE000  }
0xf6: {  	_ =	swait.ge [sflag:s15], $0x40  }
0xf7: {  	[sflag:s15] =	ssyncset.done $0x0  }
0xf8: {  	[sflag:s15] =	ssyncadd.s32 $0xFFFFFFC0  }
0xf9: {  	_ =	swait.ge [sflag:s16], $0x40  }
0xfa: {  	[sflag:s16] =	ssyncset.done $0x0  }
0xfb: {  	[sflag:s16] =	ssyncadd.s32 $0xFFFFFFC0  }
0xfc: {  	[tilespmem:s8], [sflag:$0x1] =	stream.indirect.gather [spmem:s1], $0x80, s11, s7, $0xb8;
	[tilespmem:$0x1C200] =	vst v63  }
0xfd: {  	_ = 	snop  }
0xfe: {  	[tilespmem:s3], [sflag:$0x3] =	stream.indirect.gather [spmem:s1], $0x80, s31, s7, $0xb8;
	[tilespmem:$0x1C200] =	vst v63  }
0xff: {  	_ =	swait.ge [sflag:s17], $0x2000  }
0x100: {  	s26 =	smin.u32 s26, $0x48;
	[sflag:s17] =	ssyncset.done $0x0  }
0x101: {  	s9 =	sshll.u32 s26, $0x6;
	[sflag:s17] =	ssyncadd.s32 $0xFFFFE000  }
0x102: {  	s9 =	sadd.s32 s9, s20;
	_ =	swait.ge [sflag:s22], $0x2000  }
0x103: {  	s9 =	sshrl.u32 s9, $0x3;
	[sflag:s22] =	ssyncset.done $0x0  }
0x104: {  	s26 =	sadd.s32 s4, s9;
	[sflag:s22] =	ssyncadd.s32 $0xFFFFE000  }
0x105: {  	[tilespmem:s0], [sflag:$0x8] =	stream.linear.gather [hbm4b:s26+s11], $0x40, $0x38;
	[tilespmem:$0x1C200] =	vst v63  }
0x106: {  	s9 =	sadd.s32 s5, s9  }
0x107: {  	[tilespmem:s2], [sflag:$0xA] =	stream.linear.gather [hbm4b:s9+s11], $0x40, $0x38;
	[tilespmem:$0x1C200] =	vst v63  }
0x108: {  	s11 =	simm.s32 $0x0  }
0x109: {  	v7 =	vld [tilespmem:s11+$0x6200]  }
0x10a: {  	v11 =	vld [tilespmem:s11+$0x6210]  }
0x10b: {  	v5 =	vld [tilespmem:s11+$0x6220]  }
0x10c: {  	v4 =	vld [tilespmem:s11+$0x6230]  }
0x10d: {  	v3 =	vld [tilespmem:s11+$0x6240]  }
0x10e: {  	v2 =	vld [tilespmem:s11+$0x6250]  }
0x10f: {  	v1 =	vld [tilespmem:s11+$0x6260]  }
0x110: {  	v0 =	vld [tilespmem:s11+$0x6270]  }
0x111: {  	v12 =	vld [tilespmem:s11+$0x2200]  }
0x112: {  	v13 =	vld [tilespmem:s11+$0x2210]  }
0x113: {  	v10 =	vld [tilespmem:s11+$0x2220]  }
0x114: {  	v9 =	vld [tilespmem:s11+$0x2230]  }
0x115: {  	v8 =	vld [tilespmem:s11+$0x2240]  }
0x116: {  	v6 =	vld [tilespmem:s11+$0x2250];
	v12 =	vmul.f32 v7, v12  }
0x117: {  	s26 =	simm.s32 $0x200;
	v11 =	vmul.f32 v11, v13;
	v7 =	vld [tilespmem:s11+$0x2260]  }
.LBB2_9:
0x118: {  	s9 =	sshra.s32 s26, $0x2;
	p1 =	sne.s32 s26, $0x7E00;
	[tilespmem:s11+$0x2200] =	vst v12;
	v5 =	vmul.f32 v5, v10;
	v10 =	vld [tilespmem:s11+$0x2270]  }
0x119: {  	v12 =	vld [tilespmem:s9+$0x6200];
	[tilespmem:s11+$0x2210] =	vst v11;
	v4 =	vmul.f32 v4, v9  }
0x11a: {  	v11 =	vld [tilespmem:s9+$0x6210];
	[tilespmem:s11+$0x2220] =	vst v5;
	v3 =	vmul.f32 v3, v8  }
0x11b: {  	v5 =	vld [tilespmem:s9+$0x6220];
	[tilespmem:s11+$0x2230] =	vst v4;
	v2 =	vmul.f32 v2, v6  }
0x11c: {  	v4 =	vld [tilespmem:s9+$0x6230];
	[tilespmem:s11+$0x2240] =	vst v3;
	v1 =	vmul.f32 v1, v7  }
0x11d: {  	v3 =	vld [tilespmem:s9+$0x6240];
	[tilespmem:s11+$0x2250] =	vst v2;
	v0 =	vmul.f32 v0, v10  }
0x11e: {  	v2 =	vld [tilespmem:s9+$0x6250];
	[tilespmem:s11+$0x2260] =	vst v1  }
0x11f: {  	v1 =	vld [tilespmem:s9+$0x6260];
	[tilespmem:s11+$0x2270] =	vst v0;
	s11 =	smov.u32 s9  }
0x120: {  	v0 =	vld [tilespmem:s11+$0x6270]  }
0x121: {  	v6 =	vld [tilespmem:s11+$0x2200]  }
0x122: {  	v7 =	vld [tilespmem:s11+$0x2210]  }
.Ltmp3:
0x123: {  	v10 =	vld [tilespmem:s11+$0x2220];
	(pc) =	sbr.rel @p1 .LBB2_9-.Ltmp3, $4  }
0x124: {  	v9 =	vld [tilespmem:s11+$0x2230]  }
0x125: {  	v8 =	vld [tilespmem:s11+$0x2240]  }
0x126: {  	v12 =	vmul.f32 v12, v6;
	v6 =	vld [tilespmem:s11+$0x2250]  }
0x127: {  	s26 =	sadd.s32 $0x200, s26;
	v11 =	vmul.f32 v11, v7;
	v7 =	vld [tilespmem:s11+$0x2260]  }
0x128: {  	[tilespmem:s11+$0x2200] =	vst v12;
	v5 =	vmul.f32 v5, v10;
	v63 =	vld [tilespmem:s11+$0x2270]  }
0x129: {  	[tilespmem:s11+$0x2210] =	vst v11;
	v4 =	vmul.f32 v4, v9  }
0x12a: {  	s29 =	sadd.s32 $0x1, s29;
	[tilespmem:s11+$0x2220] =	vst v5;
	v3 =	vmul.f32 v3, v8  }
0x12b: {  	p1 =	sne.s32 s29, $0x26;
	[tilespmem:s11+$0x2230] =	vst v4;
	v2 =	vmul.f32 v2, v6  }
.Ltmp4:
0x12c: {  	[tilespmem:s11+$0x2240] =	vst v3;
	v1 =	vmul.f32 v1, v7;
	(pc) =	sbr.rel @p1 .LBB2_6-.Ltmp4, $4  }
0x12d: {  	s9 =	sadd.s32 s30, s21;
	[tilespmem:s11+$0x2250] =	vst v2;
	v0 =	vmul.f32 v0, v63  }
0x12e: {  	s9 =	sshll.u32 s9, $0x4;
	[tilespmem:s11+$0x2260] =	vst v1  }
0x12f: {  	s30 =	simm.s32 $0x0;
	s9 =	sadd.s32 s6, s9;
	[tilespmem:s11+$0x2270] =	vst v0  }
0x130: {  	[hbm4b:s9+s30] =	stream.linear.scatter [tilespmem:s10], [sflag:$0x6], $0x2000, $0x38;
	[tilespmem:$0x1C200] =	vst v63  }
0x131: {  	_ =	swait.ge [sflag:s23], $0x2000  }
0x132: {  	[sflag:s23] =	ssyncset.done $0x0  }
0x133: {  	[sflag:s23] =	ssyncadd.s32 $0xFFFFE000  }
0x134: {  	_ =	swait.ge [sflag:s12], $0x2000  }
0x135: {  	[sflag:s12] =	ssyncset.done $0x0  }
0x136: {  	[sflag:s12] =	ssyncadd.s32 $0xFFFFE000  }
0x137: {  	_ =	swait.ge [sflag:s13], $0x2000  }
0x138: {  	[sflag:s13] =	ssyncset.done $0x0  }
0x139: {  	[sflag:s13] =	ssyncadd.s32 $0xFFFFE000  }
0x13a: {  	_ =	swait.ge [sflag:s24], $0x40  }
0x13b: {  	[sflag:s24] =	ssyncset.done $0x0  }
0x13c: {  	[sflag:s24] =	ssyncadd.s32 $0xFFFFFFC0  }
0x13d: {  	_ =	swait.ge [sflag:s25], $0x40  }
0x13e: {  	[sflag:s25] =	ssyncset.done $0x0  }
0x13f: {  	s28 =	simm.s32 $0xB;
	s9 =	rddreg [dreg:$0xf];
	[sflag:s25] =	ssyncadd.s32 $0xFFFFFFC0  }
0x140: {  	[tilespmem:s30], [sflag:$0xB] =	stream.linear.gather [hbm4b:s9+s30], $0x8, $0x38;
	[tilespmem:$0x1C200] =	vst v63  }
0x141: {  	_ =	swait.ge [sflag:s28], $0x8  }
0x142: {  	[sflag:s28] =	ssyncset.done $0x0  }
0x143: {  	s3 =	rddreg [dreg:$0x10];
	[sflag:s28] =	ssyncadd.s32 $0xFFFFFFF8  }
0x144: {  	[tilespmem:s31], [sflag:$0xB] =	stream.linear.gather [hbm4b:s3+s30], $0x8, $0x38;
	[tilespmem:$0x1C200] =	vst v63  }
0x145: {  	_ =	swait.ge [sflag:s28], $0x8  }
0x146: {  	[sflag:s28] =	ssyncset.done $0x0  }
0x147: {  	[sflag:s28] =	ssyncadd.s32 $0xFFFFFFF8  }
0x148: {  	[tilespmem:s8], [sflag:$0xB] =	stream.indirect.gather [spmem:s1], $0x80, s30, s24, $0xb8;
	[tilespmem:$0x1C200] =	vst v63  }
0x149: {  	_ =	swait.ge [sflag:s28], $0x400  }
0x14a: {  	[sflag:s28] =	ssyncset.done $0x0  }
0x14b: {  	s29 =	simm.s32 $0x4200;
	[sflag:s28] =	ssyncadd.s32 $0xFFFFFC00  }
0x14c: {  	[tilespmem:s29], [sflag:$0xB] =	stream.indirect.gather [spmem:s1], $0x80, s31, s24, $0xb8;
	[tilespmem:$0x1C200] =	vst v63  }
0x14d: {  	_ =	swait.ge [sflag:s28], $0x400  }
0x14e: {  	[sflag:s28] =	ssyncset.done $0x0  }
0x14f: {  	[sflag:s28] =	ssyncadd.s32 $0xFFFFFC00  }
0x150: {  	v0 =	vld [tilespmem:$0x200]  }
0x151: {  	v1 =	vld [tilespmem:$0x4200]  }
0x152: {  	v2 =	vld [tilespmem:$0x210]  }
0x153: {  	v3 =	vld [tilespmem:$0x4210]  }
0x154: {  	v4 =	vld [tilespmem:$0x220]  }
0x155: {  	v5 =	vld [tilespmem:$0x4220]  }
0x156: {  	v6 =	vld [tilespmem:$0x230]  }
0x157: {  	v7 =	vld [tilespmem:$0x4230]  }
0x158: {  	v8 =	vld [tilespmem:$0x240]  }
0x159: {  	v9 =	vld [tilespmem:$0x4240]  }
0x15a: {  	v10 =	vld [tilespmem:$0x250]  }
0x15b: {  	v11 =	vld [tilespmem:$0x4250]  }
0x15c: {  	v12 =	vld [tilespmem:$0x260]  }
0x15d: {  	v13 =	vld [tilespmem:$0x4260]  }
0x15e: {  	v14 =	vld [tilespmem:$0x270]  }
0x15f: {  	v15 =	vld [tilespmem:$0x4270]  }
0x160: {  	v16 =	vld [tilespmem:$0x280]  }
0x161: {  	v17 =	vld [tilespmem:$0x4280]  }
0x162: {  	v18 =	vld [tilespmem:$0x290]  }
0x163: {  	v19 =	vld [tilespmem:$0x4290]  }
0x164: {  	v20 =	vld [tilespmem:$0x2A0]  }
0x165: {  	v21 =	vld [tilespmem:$0x42A0]  }
0x166: {  	v22 =	vld [tilespmem:$0x2B0]  }
0x167: {  	v23 =	vld [tilespmem:$0x42B0]  }
0x168: {  	v24 =	vld [tilespmem:$0x2C0]  }
0x169: {  	v25 =	vld [tilespmem:$0x42C0]  }
0x16a: {  	v26 =	vld [tilespmem:$0x2D0]  }
0x16b: {  	v27 =	vld [tilespmem:$0x42D0]  }
0x16c: {  	v28 =	vld [tilespmem:$0x2E0]  }
0x16d: {  	v29 =	vld [tilespmem:$0x42E0]  }
0x16e: {  	v30 =	vld [tilespmem:$0x2F0]  }
0x16f: {  	v31 =	vld [tilespmem:$0x42F0]  }
0x170: {  	v32 =	vld [tilespmem:$0x300]  }
0x171: {  	v33 =	vld [tilespmem:$0x4300]  }
0x172: {  	v34 =	vld [tilespmem:$0x310]  }
0x173: {  	v35 =	vld [tilespmem:$0x4310]  }
0x174: {  	v36 =	vld [tilespmem:$0x320]  }
0x175: {  	v37 =	vld [tilespmem:$0x4320]  }
0x176: {  	v38 =	vld [tilespmem:$0x330]  }
0x177: {  	v39 =	vld [tilespmem:$0x4330]  }
0x178: {  	v40 =	vld [tilespmem:$0x340]  }
0x179: {  	v41 =	vld [tilespmem:$0x4340]  }
0x17a: {  	v42 =	vld [tilespmem:$0x350]  }
0x17b: {  	v43 =	vld [tilespmem:$0x4350]  }
0x17c: {  	v44 =	vld [tilespmem:$0x360]  }
0x17d: {  	v45 =	vld [tilespmem:$0x4360]  }
0x17e: {  	v46 =	vld [tilespmem:$0x370]  }
0x17f: {  	v47 =	vld [tilespmem:$0x4370]  }
0x180: {  	v48 =	vld [tilespmem:$0x380]  }
0x181: {  	v49 =	vld [tilespmem:$0x4380]  }
0x182: {  	v50 =	vld [tilespmem:$0x390]  }
0x183: {  	v51 =	vld [tilespmem:$0x4390]  }
0x184: {  	v52 =	vld [tilespmem:$0x3A0]  }
0x185: {  	v53 =	vld [tilespmem:$0x43A0]  }
0x186: {  	v54 =	vld [tilespmem:$0x3B0]  }
0x187: {  	v55 =	vld [tilespmem:$0x43B0]  }
0x188: {  	v56 =	vld [tilespmem:$0x3C0]  }
0x189: {  	v57 =	vld [tilespmem:$0x43C0]  }
0x18a: {  	v58 =	vld [tilespmem:$0x3D0]  }
0x18b: {  	v62 =	vld [tilespmem:$0x3F0]  }
0x18c: {  	v59 =	vld [tilespmem:$0x43D0]  }
0x18d: {  	v60 =	vld [tilespmem:$0x3E0]  }
0x18e: {  	v61 =	vld [tilespmem:$0x43E0]  }
0x18f: {  	v63 =	vld [tilespmem:$0x43F0]  }
0x190: {  	[tilespmem:$0x1FFA0] =	vst v62;
	v62 =	vld [tilespmem:$0x400]  }
0x191: {  	v0 =	vmul.f32 v1, v0;
	v1 =	vld [tilespmem:$0x4420]  }
0x192: {  	v2 =	vmul.f32 v3, v2;
	v3 =	vld [tilespmem:$0x430]  }
0x193: {  	v9 =	vmul.f32 v9, v8;
	v8 =	vld [tilespmem:$0x4450]  }
0x194: {  	v13 =	vmul.f32 v13, v12;
	v12 =	vld [tilespmem:$0x4470]  }
0x195: {  	v15 =	vmul.f32 v15, v14;
	v14 =	vld [tilespmem:$0x4480]  }
0x196: {  	v17 =	vmul.f32 v17, v16;
	v16 =	vld [tilespmem:$0x4490]  }
0x197: {  	v19 =	vmul.f32 v19, v18;
	v18 =	vld [tilespmem:$0x44A0]  }
0x198: {  	v23 =	vmul.f32 v23, v22;
	v22 =	vld [tilespmem:$0x44C0];
	[tilespmem:$0x200] =	vst v0  }
0x199: {  	v25 =	vmul.f32 v25, v24;
	v24 =	vld [tilespmem:$0x44D0];
	[tilespmem:$0x210] =	vst v2  }
0x19a: {  	v21 =	vmul.f32 v21, v20;
	v27 =	vmul.f32 v27, v26;
	v26 =	vld [tilespmem:$0x44E0];
	[tilespmem:$0x240] =	vst v9  }
0x19b: {  	v31 =	vmul.f32 v31, v30;
	v30 =	vmul.f32 v45, v44;
	v45 =	vld [tilespmem:$0x4530];
	[tilespmem:$0x260] =	vst v13  }
0x19c: {  	v33 =	vmul.f32 v33, v32;
	v32 =	vmul.f32 v49, v48;
	v49 =	vld [tilespmem:$0x4540];
	[tilespmem:$0x270] =	vst v15  }
0x19d: {  	v35 =	vmul.f32 v35, v34;
	v34 =	vmul.f32 v53, v52;
	v53 =	vld [tilespmem:$0x4550];
	[tilespmem:$0x280] =	vst v17  }
0x19e: {  	v37 =	vmul.f32 v37, v36;
	v36 =	vmul.f32 v57, v56;
	v57 =	vld [tilespmem:$0x4560];
	[tilespmem:$0x290] =	vst v19  }
0x19f: {  	v0 =	vmul.f32 v5, v4;
	v4 =	vld [tilespmem:$0x4430];
	[tilespmem:$0x2A0] =	vst v21  }
0x1a0: {  	v5 =	vld [tilespmem:$0x440];
	[tilespmem:$0x2B0] =	vst v23  }
0x1a1: {  	v29 =	vmul.f32 v29, v28;
	v9 =	vld [tilespmem:$0x460];
	[tilespmem:$0x2C0] =	vst v25  }
0x1a2: {  	v13 =	vld [tilespmem:$0x480];
	[tilespmem:$0x2D0] =	vst v27  }
0x1a3: {  	v15 =	vld [tilespmem:$0x490];
	[tilespmem:$0x2E0] =	vst v29  }
0x1a4: {  	v17 =	vld [tilespmem:$0x4A0];
	[tilespmem:$0x2F0] =	vst v31  }
0x1a5: {  	v19 =	vld [tilespmem:$0x4B0];
	[tilespmem:$0x300] =	vst v33  }
0x1a6: {  	v28 =	vmul.f32 v41, v40;
	[tilespmem:$0x310] =	vst v35;
	v21 =	vld [tilespmem:$0x4C0]  }
0x1a7: {  	[tilespmem:$0x320] =	vst v37;
	v23 =	vld [tilespmem:$0x4D0]  }
0x1a8: {  	[tilespmem:$0x340] =	vst v28;
	v25 =	vld [tilespmem:$0x4E0]  }
0x1a9: {  	[tilespmem:$0x360] =	vst v30;
	v28 =	vld [tilespmem:$0x44F0]  }
0x1aa: {  	[tilespmem:$0x380] =	vst v32;
	v30 =	vld [tilespmem:$0x4500]  }
0x1ab: {  	[tilespmem:$0x3A0] =	vst v34;
	v32 =	vld [tilespmem:$0x4510]  }
0x1ac: {  	v27 =	vmul.f32 v39, v38;
	[tilespmem:$0x3C0] =	vst v36;
	v39 =	vld [tilespmem:$0x1FFA0]  }
0x1ad: {  	v34 =	vld [tilespmem:$0x4520];
	[tilespmem:$0x220] =	vst v0  }
0x1ae: {  	v29 =	vmul.f32 v43, v42;
	v31 =	vmul.f32 v47, v46;
	v47 =	vld [tilespmem:$0x540];
	[tilespmem:$0x330] =	vst v27  }
0x1af: {  	[tilespmem:$0x1FFB0] =	vst v62;
	v62 =	vld [tilespmem:$0x4400]  }
0x1b0: {  	v33 =	vmul.f32 v51, v50;
	v51 =	vld [tilespmem:$0x550];
	[tilespmem:$0x350] =	vst v29  }
0x1b1: {  	v35 =	vmul.f32 v55, v54;
	v55 =	vld [tilespmem:$0x560];
	[tilespmem:$0x370] =	vst v31  }
0x1b2: {  	v37 =	vmul.f32 v59, v58;
	v59 =	vld [tilespmem:$0x570];
	[tilespmem:$0x390] =	vst v33  }
0x1b3: {  	v38 =	vmul.f32 v61, v60;
	v61 =	vld [tilespmem:$0x4570];
	[tilespmem:$0x3B0] =	vst v35  }
0x1b4: {  	[tilespmem:$0x1FFC0] =	vst v62;
	v62 =	vld [tilespmem:$0x410]  }
0x1b5: {  	v27 =	vld [tilespmem:$0x4F0];
	[tilespmem:$0x3D0] =	vst v37;
	v2 =	vmul.f32 v63, v39  }
0x1b6: {  	v29 =	vld [tilespmem:$0x500];
	[tilespmem:$0x3E0] =	vst v38;
	v46 =	vmul.f32 v4, v3  }
0x1b7: {  	v31 =	vld [tilespmem:$0x510];
	[tilespmem:$0x3F0] =	vst v2  }
0x1b8: {  	v33 =	vld [tilespmem:$0x520];
	v56 =	vmul.f32 v14, v13;
	[tilespmem:$0x430] =	vst v46  }
0x1b9: {  	v58 =	vmul.f32 v16, v15;
	[tilespmem:$0x1FFD0] =	vst v62;
	v62 =	vld [tilespmem:$0x4410]  }
0x1ba: {  	v35 =	vld [tilespmem:$0x530];
	v60 =	vmul.f32 v18, v17;
	[tilespmem:$0x480] =	vst v56  }
0x1bb: {  	v37 =	vld [tilespmem:$0x5A0];
	v21 =	vmul.f32 v22, v21;
	[tilespmem:$0x490] =	vst v58  }
0x1bc: {  	v40 =	vld [tilespmem:$0x1FFB0];
	[tilespmem:$0x4A0] =	vst v60  }
0x1bd: {  	v23 =	vmul.f32 v24, v23;
	[tilespmem:$0x4C0] =	vst v21;
	v41 =	vld [tilespmem:$0x1FFC0]  }
0x1be: {  	v25 =	vmul.f32 v26, v25;
	[tilespmem:$0x1FFE0] =	vst v62;
	v62 =	vld [tilespmem:$0x420]  }
0x1bf: {  	[tilespmem:$0x4D0] =	vst v23;
	v36 =	vmul.f32 v28, v27;
	v42 =	vld [tilespmem:$0x1FFD0]  }
0x1c0: {  	[tilespmem:$0x4E0] =	vst v25;
	v38 =	vmul.f32 v30, v29;
	v43 =	vld [tilespmem:$0x1FFE0]  }
0x1c1: {  	v63 =	vld [tilespmem:$0x580];
	[tilespmem:$0x4F0] =	vst v36  }
0x1c2: {  	v22 =	vld [tilespmem:$0x4580];
	[tilespmem:$0x500] =	vst v38;
	v0 =	vmul.f32 v41, v40  }
0x1c3: {  	v40 =	vmul.f32 v32, v31;
	[tilespmem:$0x1FFF0] =	vst v62;
	v62 =	vmul.f32 v7, v6;
	v6 =	vld [tilespmem:$0x4440]  }
0x1c4: {  	[tilespmem:$0x400] =	vst v0;
	v7 =	vld [tilespmem:$0x450]  }
0x1c5: {  	[tilespmem:$0x510] =	vst v40;
	v2 =	vmul.f32 v43, v42;
	v44 =	vld [tilespmem:$0x1FFF0]  }
0x1c6: {  	v24 =	vld [tilespmem:$0x590];
	v42 =	vmul.f32 v34, v33;
	[tilespmem:$0x230] =	vst v62  }
0x1c7: {  	v26 =	vld [tilespmem:$0x4590];
	v62 =	vmul.f32 v11, v10;
	[tilespmem:$0x410] =	vst v2  }
0x1c8: {  	v39 =	vld [tilespmem:$0x45A0];
	[tilespmem:$0x520] =	vst v42;
	v48 =	vmul.f32 v6, v5  }
0x1c9: {  	v46 =	vld [tilespmem:$0x45C0];
	[tilespmem:$0x250] =	vst v62;
	v50 =	vmul.f32 v8, v7  }
0x1ca: {  	v56 =	vld [tilespmem:$0x5F0];
	v0 =	vmul.f32 v1, v44;
	[tilespmem:$0x440] =	vst v48  }
0x1cb: {  	v58 =	vld [tilespmem:$0x45F0];
	v1 =	vmul.f32 v45, v35;
	[tilespmem:$0x450] =	vst v50  }
0x1cc: {  	v41 =	vld [tilespmem:$0x5B0];
	v45 =	vmul.f32 v49, v47;
	[tilespmem:$0x420] =	vst v0  }
0x1cd: {  	v10 =	vld [tilespmem:$0x4460];
	v47 =	vmul.f32 v53, v51;
	[tilespmem:$0x530] =	vst v1  }
0x1ce: {  	v11 =	vld [tilespmem:$0x470];
	v49 =	vmul.f32 v57, v55;
	[tilespmem:$0x540] =	vst v45  }
0x1cf: {  	v43 =	vld [tilespmem:$0x45B0];
	v51 =	vmul.f32 v61, v59;
	[tilespmem:$0x550] =	vst v47  }
0x1d0: {  	v62 =	vld [tilespmem:$0x44B0];
	v53 =	vmul.f32 v22, v63;
	[tilespmem:$0x560] =	vst v49  }
0x1d1: {  	v44 =	vld [tilespmem:$0x5C0];
	v55 =	vmul.f32 v26, v24;
	[tilespmem:$0x570] =	vst v51  }
0x1d2: {  	v52 =	vmul.f32 v10, v9;
	v48 =	vld [tilespmem:$0x5D0];
	[tilespmem:$0x580] =	vst v53  }
0x1d3: {  	v54 =	vmul.f32 v12, v11;
	v50 =	vld [tilespmem:$0x45D0];
	[tilespmem:$0x590] =	vst v55  }
0x1d4: {  	v57 =	vmul.f32 v39, v37;
	[tilespmem:$0x460] =	vst v52;
	v52 =	vld [tilespmem:$0x5E0]  }
0x1d5: {  	v59 =	vmul.f32 v43, v41;
	[tilespmem:$0x470] =	vst v54;
	v54 =	vld [tilespmem:$0x45E0]  }
0x1d6: {  	v63 =	vmul.f32 v58, v56;
	[tilespmem:$0x5A0] =	vst v57  }
0x1d7: {  	[tilespmem:$0x5B0] =	vst v59;
	v62 =	vmul.f32 v62, v19  }
0x1d8: {  	[tilespmem:$0x5F0] =	vst v63;
	v60 =	vmul.f32 v46, v44  }
0x1d9: {  	[tilespmem:$0x4B0] =	vst v62;
	v61 =	vmul.f32 v50, v48  }
0x1da: {  	[tilespmem:$0x5C0] =	vst v60;
	v62 =	vmul.f32 v54, v52  }
0x1db: {  	[tilespmem:$0x5D0] =	vst v61  }
0x1dc: {  	s11 =	rddreg [dreg:$0x12];
	[tilespmem:$0x5E0] =	vst v62  }
0x1dd: {  	[hbm4b:s11+s30] =	stream.linear.scatter [tilespmem:s8], [sflag:$0xB], $0x400, $0x38;
	[tilespmem:$0x1C200] =	vst v63  }
0x1de: {  	_ =	swait.ge [sflag:s28], $0x400  }
0x1df: {  	s3 =	rddreg [dreg:$0x16]  }
0x1e0: {  	s26 =	rddreg [dreg:$0x13];
	s3 =	sadd.s32 $0x1, s3  }
0x1e1: {  	p1 =	sne.s32 s3, s26  }
.Ltmp5:
0x1e2: {  	_ = 	snop;
	(pc) =	sbr.rel @p1 .LBB2_1-.Ltmp5, $3  }
0x1e3: {  	_ =	sdelay $0x1  }
0x1e4: {  	[sflag:s28] =	ssyncset.done $0x0  }
0x1e5: {  	[sflag:s28] =	ssyncadd.s32 $0xFFFFFC00  }
0x1e6: {  	_ =	sfence.sel $0x180000  }
0x1e7: {  	[bflag:$0x0] =	sbarrier.arrive $0xFFFF  }
0x1e8: {  	_ =	strace $0x9000004D  }
0x1e9: {  	s0 =	stileid.u32;
	[bflag:$0x2] =	sbarrier.arrive $0xFFFF  }
0x1ea: {  	p0 =	sne.s32 s0, $0x0;
	s0 =	rddreg [dreg:$0x3]  }
0x1eb: {  	s0 =	sadd.s32 @!p0 $0x100000, s0  }
0x1ec: {  	[sflag:s0] =	ssyncadd.tile.s32 @!p0 $0x1;
	_ =	shalt  }
.Lfunc_end2:
_tile_overlayer_lowered:
.L_overlay_start_2:
0x1ed: {  	(tag) =	ssettag $0x2  }
0x1ee: {  	s0 =	rddreg [dreg:$0x0];
	s2 =	stileid.u32  }
0x1ef: {  	s1 =	rddreg [dreg:$0x1];
	p0 =	sne.s32 s2, $0x0  }
0x1f0: {  	s3 =	rddreg [dreg:$0x2];
	[bflag:$0x3] =	sbarrier.arrive $0xFFFF;
	s2 =	simm.s32 @!p0 $0x1C0B  }
0x1f1: {  	[timem:s3], [sflag:s2] =	dma.local @!p0 [hbm:s0], s1  }
0x1f2: {  	s0 =	simm.s32 @!p0 $0xB  }
0x1f3: {  	_ =	swait.ge @!p0 [sflag:s0], s1  }
0x1f4: {  	s1 =	ssub.s32 @!p0 $0x0, s1;
	[sflag:s0] =	ssyncset.done @!p0 $0x0  }
0x1f5: {  	[sflag:s0] =	ssyncadd.s32 @!p0 s1  }
0x1f6: {  	[bflag:$0x3] =	sbarrier.arrive $0xFFFF  }
0x1f7: {  	_ =	shalt  }

// kernel: kernel.8.cloned.1.call-start
scs
__scs_entry_jumppad:
0x0: {  	(pc) =	sbr.rel $0x88, $3  }
0x1: {  	(tag) =	ssettag $0x0;
	lr =	simm.s32 $0x1  }
0x2: {  	[smem:$0x3F9E] =	sst lr;
	_ =	strace $0xD0000000  }
0x3: {  	_ = 	snop  }
0x4: {  	_ = 	snop  }
0x5: {  	_ = 	snop  }
0x6: {  	_ = 	snop  }
0x7: {  	_ = 	snop  }
__scs_overlays_trampoline_lowered:
0x8: {  	[smem:$0x3FAD] =	sst s0  }
0x9: {  	[smem:$0x3FAE] =	sst s1  }
0xa: {  	[smem:$0x3FAF] =	sst s2  }
0xb: {  	[smem:$0x3FB0] =	sst s3  }
0xc: {  	[smem:$0x3FB1] =	sst s4  }
0xd: {  	[smem:$0x3FB2] =	sst s5  }
0xe: {  	[smem:$0x3FB3] =	sst s6  }
0xf: {  	[smem:$0x3FB4] =	sst s7  }
0x10: {  	[smem:$0x3FB5] =	sst s8  }
0x11: {  	[smem:$0x3FB6] =	sst s9;
	s0 =	simm.s32 @!p0 $0x0  }
0x12: {  	s1 =	sld [smem:$0x3F9C];
	s0 =	simm.s32 @p0 $0x1  }
0x13: {  	[smem:$0x3FB7] =	sst s0;
	s0 =	simm.s32 @!p1 $0x0  }
0x14: {  	s2 =	sld [smem:$0x3F9B];
	s0 =	simm.s32 @p1 $0x1  }
0x15: {  	[smem:$0x3FB8] =	sst s0;
	s0 =	simm.s32 @!p2 $0x0  }
0x16: {  	s3 =	sld [smem:$0x3FDB];
	s0 =	simm.s32 @p2 $0x1  }
0x17: {  	s4 =	simm.s32 $0x1BF5;
	[smem:$0x3FBA] =	sst s0  }
0x18: {  	s0 =	sld [smem:$0x3F9D];
	_ =	swait.ge [sflag:s4], $0x0  }
0x19: {  	s7 =	sld [smem:$0x3F9E]  }
0x1a: {  	s8 =	sadd.s32 $0xFFFFE003, lr  }
0x1b: {  	s9 =	sadd.s32 $0xFFFFFEF7, lr;
	s5 =	simm.s32 $0xFFFFFFFF;
	p2 =	slt.u32 s8, $0xFFFFF086  }
0x1c: {  	p1 =	slt.u32 s9, $0xF7A;
	s5 =	simm.s32 @!p2 $0x0  }
0x1d: {  	s5 =	simm.s32 @p1 $0x1;
	p0 =	seq.s32 s7, s2  }
0x1e: {  	s7 =	smul.u32 @!p0 $0xF7A, s2;
	p2 =	seq.s32 @!p0 s5, $0x0  }
0x1f: {  	s9 =	smul.u32 $0xF7A, s1;
	s8 =	simm.s32 @!p0 $0x1BF5;
	p2 =	por !p2, p0  }
0x20: {  	[sflag:s8] =	ssyncset.s32 @!p0 $0xFFFFF086;
	s6 =	sadd.s32 @!p0 s3, s7;
	s7 =	simm.s32 @!p0 $0x108  }
0x21: {  	s3 =	sadd.s32 s3, s9;
	s6 =	sadd.s32 @!p0 $0x88, s6;
	s7 =	simm.s32 @p2 $0x1082  }
0x22: {  	[simem:s7], [sflag:s8] =	dma.local @!p0 [hbm:s6], $0xF7A  }
0x23: {  	s9 =	sor.u32 $0xD0000000, s2;
	s6 =	simm.s32 $0x108;
	_ =	swait.ge @!p0 [sflag:s8], $0x0  }
0x24: {  	s3 =	sadd.s32 $0x88, s3;
	s6 =	simm.s32 @!p1 $0x1082;
	[sflag:s4] =	ssyncset.s32 $0xFFFFF086  }
0x25: {  	[simem:s6], [sflag:s4] =	dma.local [hbm:s3], $0xF7A  }
0x26: {  	[smem:$0x3F9E] =	sst s1;
	(tag) =	ssettag s2;
	_ =	strace s9  }
0x27: {  	s1 =	sld [smem:$0x3FAE]  }
0x28: {  	s2 =	sld [smem:$0x3FAF]  }
0x29: {  	s4 =	sld [smem:$0x3FB1]  }
0x2a: {  	p0 =	seq.s32 s5, $0x0;
	s5 =	sld [smem:$0x3FB2]  }
0x2b: {  	s6 =	sld [smem:$0x3FB3]  }
0x2c: {  	s7 =	sld [smem:$0x3FB4]  }
0x2d: {  	s3 =	simm.s32 $0x108;
	s8 =	sld [smem:$0x3FB5]  }
0x2e: {  	s3 =	simm.s32 @!p0 $0x1082;
	s9 =	sld [smem:$0x3FB6]  }
0x2f: {  	lr =	sadd.s32 s0, s3;
	s0 =	sld [smem:$0x3FAD]  }
0x30: {  	s3 =	sld [smem:$0x3FB0]  }
0x31: {  	[smem:$0x3FB9] =	sst s10  }
0x32: {  	s10 =	sld [smem:$0x3FB7];
	_ =	sdelay $0x3  }
0x33: {  	p0 =	seq.s32 s10, $0x1;
	s10 =	sld [smem:$0x3FB9];
	_ =	sdelay $0x3  }
0x34: {  	[smem:$0x3FB9] =	sst s10  }
0x35: {  	s10 =	sld [smem:$0x3FB8];
	_ =	sdelay $0x3  }
0x36: {  	p1 =	seq.s32 s10, $0x1;
	s10 =	sld [smem:$0x3FB9];
	_ =	sdelay $0x3  }
0x37: {  	[smem:$0x3FB9] =	sst s10  }
0x38: {  	s10 =	sld [smem:$0x3FBA]  }
0x39: {  	_ = 	snop;
	(pc) =	sbr.ind lr, $3  }
0x3a: {  	_ = 	snop  }
0x3b: {  	_ = 	snop  }
0x3c: {  	p2 =	seq.s32 s10, $0x1;
	s10 =	sld [smem:$0x3FB9]  }
0x3d: {  	_ =	shalt  }
0x3e: {  	_ =	shalt  }
0x3f: {  	_ =	shalt  }
0x40: {  	_ =	shalt  }
0x41: {  	_ =	shalt  }
0x42: {  	_ =	shalt  }
0x43: {  	_ =	shalt  }
0x44: {  	_ =	shalt  }
0x45: {  	_ =	shalt  }
0x46: {  	_ =	shalt  }
0x47: {  	_ =	shalt  }
0x48: {  	_ =	shalt  }
0x49: {  	_ =	shalt  }
0x4a: {  	_ =	shalt  }
0x4b: {  	_ =	shalt  }
0x4c: {  	_ =	shalt  }
0x4d: {  	_ =	shalt  }
0x4e: {  	_ =	shalt  }
0x4f: {  	_ =	shalt  }
0x50: {  	_ =	shalt  }
0x51: {  	_ =	shalt  }
0x52: {  	_ =	shalt  }
0x53: {  	_ =	shalt  }
0x54: {  	_ =	shalt  }
0x55: {  	_ =	shalt  }
0x56: {  	_ =	shalt  }
0x57: {  	_ =	shalt  }
0x58: {  	_ =	shalt  }
0x59: {  	_ =	shalt  }
0x5a: {  	_ =	shalt  }
0x5b: {  	_ =	shalt  }
0x5c: {  	_ =	shalt  }
0x5d: {  	_ =	shalt  }
0x5e: {  	_ =	shalt  }
0x5f: {  	_ =	shalt  }
0x60: {  	_ =	shalt  }
0x61: {  	_ =	shalt  }
0x62: {  	_ =	shalt  }
0x63: {  	_ =	shalt  }
0x64: {  	_ =	shalt  }
0x65: {  	_ =	shalt  }
0x66: {  	_ =	shalt  }
0x67: {  	_ =	shalt  }
0x68: {  	_ =	shalt  }
0x69: {  	_ =	shalt  }
0x6a: {  	_ =	shalt  }
0x6b: {  	_ =	shalt  }
0x6c: {  	_ =	shalt  }
0x6d: {  	_ =	shalt  }
0x6e: {  	_ =	shalt  }
0x6f: {  	_ =	shalt  }
0x70: {  	_ =	shalt  }
0x71: {  	_ =	shalt  }
0x72: {  	_ =	shalt  }
0x73: {  	_ =	shalt  }
0x74: {  	_ =	shalt  }
0x75: {  	_ =	shalt  }
0x76: {  	_ =	shalt  }
0x77: {  	_ =	shalt  }
0x78: {  	_ =	shalt  }
0x79: {  	_ =	shalt  }
0x7a: {  	_ =	shalt  }
0x7b: {  	_ =	shalt  }
0x7c: {  	_ =	shalt  }
0x7d: {  	_ =	shalt  }
0x7e: {  	_ =	shalt  }
0x7f: {  	_ =	shalt  }
0x80: {  	_ =	shalt  }
0x81: {  	_ =	shalt  }
0x82: {  	_ =	shalt  }
0x83: {  	_ =	shalt  }
0x84: {  	_ =	shalt  }
0x85: {  	_ =	shalt  }
0x86: {  	_ =	shalt  }
0x87: {  	_ =	shalt  }
.Lfunc_end0:
.L_simem_size_0:
called_computation_lowered:
.L_overlay_start_0:
0x88: {  	s2 =	sld [smem:$0x3FD9]  }
0x89: {  	s3 =	sld [smem:$0x3FFE];
	_ =	sdelay $0x1  }
0x8a: {  	s1 =	srdreg.scid  }
0x8b: {  	s0 =	sand.u32 $0x1, s1  }
0x8c: {  	s14 =	sshll.u32 s0, $0xA;
	s2 =	sadd.s32 s3, s2  }
0x8d: {  	s2 =	sadd.s32 s2, s14  }
0x8e: {  	[smem:$0x3FC5] =	sst s2  }
0x8f: {  	_ = 	snop  }
0x90: {  	s2 =	sld [smem:$0x3FD0];
	_ =	sdelay $0x1  }
0x91: {  	s15 =	sld [smem:$0x3FC9]  }
0x92: {  	s5 =	simm.s32 $0xB;
	s6 =	simm.s32 $0x10;
	s4 =	sld [smem:$0x3FC8]  }
0x93: {  	[smem:s6], [sflag:s5] =	dma.local [hbm:s2], $0x1  }
0x94: {  	_ =	swait.eq [sflag:s5], $0x1  }
0x95: {  	[sflag:s5] =	ssyncset.done $0x0  }
0x96: {  	[sflag:s5] =	ssyncadd.s32 $0xFFFFFFFF  }
0x97: {  	s16 =	sld [smem:$0x11];
	(tm) =	ssettm $0x1  }
0x98: {  	s17 =	sld [smem:$0x3FFB];
	_ =	sdelay $0x3  }
0x99: {  	_ =	strace s17  }
0x9a: {  	s5 =	sld [smem:$0x3FFC];
	_ =	sdelay $0x3  }
0x9b: {  	_ =	strace s5  }
0x9c: {  	s5 =	sld [smem:$0x3FFD];
	_ =	sdelay $0x3  }
0x9d: {  	_ =	strace s5  }
0x9e: {  	_ =	strace $0x8FFFFFFF  }
0x9f: {  	s18 =	sld [smem:$0x3FDB];
	_ =	sdelay $0x1  }
0xa0: {  	s19 =	simm.s32 $_scs_section_size  }
0xa1: {  	s7 =	simm.s32 $_size__tile_overlayer_lowered;
	s8 =	simm.s32 $_tile_overlayer_lowered  }
0xa2: {  	s22 =	simm.s32 $0x1BFF;
	s21 =	sshll.u32 s8, $0x1;
	s5 =	sadd.s32 s19, s18  }
0xa3: {  	s9 =	simm.s32 $0x0;
	s20 =	sshll.u32 s7, $0x1;
	s7 =	sadd.s32 s21, s5  }
0xa4: {  	[timem:s9], [sflag:s22] =	dma.local [hbm:s7], s20  }
0xa5: {  	_ =	swait.ge [sflag:s22], s20  }
0xa6: {  	s6 =	ssub.s32 $0x0, s20;
	[sflag:s22] =	ssyncset.done $0x0  }
0xa7: {  	[sflag:s22] =	ssyncadd.s32 s6;
	_ =	sdelay $0x1  }
0xa8: {  	s23 =	simm.s32 $0x1B8B  }
0xa9: {  	_ =	swait.ge [sflag:s23], $0x1  }
0xaa: {  	[sflag:s23] =	ssyncset.done $0x0  }
0xab: {  	s25 =	simm.s32 $0x1B8E;
	s24 =	sld [smem:$0x3FFE];
	[sflag:s23] =	ssyncadd.s32 $0xFFFFFFFF  }
0xac: {  	s26 =	simm.s32 $execute0_lowered;
	[smem:$0x3FD2] =	sst s25  }
0xad: {  	s7 =	sshll.u32 s26, $0x1;
	_ =	strace $0x80000046;
	[dreg:$0x1] =	wrdreg $0xFFFFFFFF  }
0xae: {  	s28 =	simm.s32 $_size_execute0_lowered;
	s5 =	sadd.s32 s5, s7;
	[dreg:$0x0] =	wrdreg $0x0  }
0xaf: {  	s7 =	sshll.u32 s28, $0x1;
	[dreg:$0x2] =	wrdreg s5  }
0xb0: {  	[dreg:$0x3] =	wrdreg s7  }
0xb1: {  	[dreg:$0x4] =	wrdreg $0xC0  }
0xb2: {  	_ =	task [dreg:s9], $0x5FFFF  }
0xb3: {  	[dreg:$0x1] =	wrdreg $0xFFFFFFFF  }
0xb4: {  	[dreg:$0x0] =	wrdreg $0x60  }
0xb5: {  	[dreg:$0x2] =	wrdreg s15  }
0xb6: {  	[dreg:$0x3] =	wrdreg s4  }
0xb7: {  	[dreg:$0x4] =	wrdreg s24  }
0xb8: {  	[dreg:$0x5] =	wrdreg s16  }
0xb9: {  	[dreg:$0x6] =	wrdreg $0x82800  }
0xba: {  	[dreg:$0x7] =	wrdreg $0x9  }
0xbb: {  	_ =	task.clear_ibuf [dreg:s9], $0x8FFFF;
	_ =	strace $0x90000046  }
0xbc: {  	s29 =	simm.s32 $0x9;
	_ =	strace $0x80000048  }
0xbd: {  	_ =	swait.ge [sflag:s29], $0x1  }
0xbe: {  	[sflag:s29] =	ssyncadd.s32 $0xFFFFFFFF  }
0xbf: {  	_ =	strace $0x90000048  }
0xc0: {  	_ =	sfence  }
0xc1: {  	s30 =	sld [smem:$0x0];
	_ =	sdelay $0x2  }
0xc2: {  	s31 =	sshll.u32 s1, $0xD;
	s1 =	sshrl.u32 s1, $0x2  }
0xc3: {  	s3 =	sand.u32 $0x4000, s31;
	s1 =	sadd.s32 s1, s30  }
0xc4: {  	s0 =	sor.u32 s3, s0;
	s1 =	sshll.u32 s1, $0x11  }
0xc5: {  	s0 =	sor.u32 s1, s0  }
0xc6: {  	s0 =	sadd.s32 $0x8F2B, s0  }
0xc7: {  	[sflag:s0] =	ssyncadd.remote.s32 $0x1  }
0xc8: {  	_ =	sfence.sel $0xFFFF  }
0xc9: {  	[dreg:$0x0] =	wrdreg $0xFFFFFFFF;
	(pc) =	sbr.abs _section_cstart, $3  }
0xca: {  	[dreg:$0x1] =	wrdreg $0xFFFFFFFF  }
0xcb: {  	_ =	task.clear_ibuf [dreg:s9], $0x2FFFF;
	_ =	strace $0x9FFFFFFF  }
0xcc: {  	(tm) =	ssettm $0x7FFFFFFF  }
0xcd: {  	_ =	shalt  }
tec
execute0_lowered:
.L_overlay_start_1:
0x0: {  	(tag) =	ssettag $0x1  }
0x1: {  	s21 =	rddreg [dreg:$0x0]  }
0x2: {  	s19 =	rddreg [dreg:$0x1]  }
0x3: {  	s1 =	rddreg [dreg:$0x2]  }
0x4: {  	s2 =	srdreg.scid;
	s3 =	rddreg [dreg:$0x3]  }
0x5: {  	s4 =	rddreg [dreg:$0x4];
	s12 =	stileid.u32  }
0x6: {  	s13 =	simm.s32 $0x0;
	s28 =	simm.s32 $0x7;
	s29 =	simm.s32 $0x2  }
0x7: {  	s30 =	simm.s32 $0x4;
	s31 =	simm.s32 $0x6;
	s2 =	sand.u32 $0x1, s2  }
0x8: {  	[smem:$0x7FF] =	sst s13;
	s10 =	smul.u32 $0x50000, s12;
	s6 =	sadd.s32 $0xA600, s1  }
0x9: {  	s7 =	sadd.s32 $0x800, s1;
	s0 =	smov.u32 s4;
	s5 =	sshll.u32 s2, $0x4  }
0xa: {  	s9 =	ssub.s32 $0x2, s2;
	s2 =	smul.u32 $0x28000, s2;
	s5 =	sor.u32 s12, s5  }
0xb: {  	_ =	strace $0x80000047;
	s20 =	sshrl.u32 s9, $0x1;
	s8 =	smul.u32 $0x2710, s5  }
0xc: {  	s22 =	sshrl.u32 s10, $0x2;
	s1 =	ssub.s32 s9, s20;
	s5 =	smul.u32 $0x27100, s5  }
0xd: {  	s16 =	sadd.s32 s22, s4;
	s20 =	smul.u32 $0x2800, s12;
	s1 =	smax.u32 s1, $0x1  }
0xe: {  	[dreg:$0x7] =	wrdreg s16;
	s23 =	sadd.s32 $0x40, s8;
	s24 =	sshrl.u32 s8, $0x3  }
0xf: {  	s4 =	sadd.s32 $0x80, s8;
	s5 =	sadd.s32 s19, s5;
	[dreg:$0x17] =	wrdreg s1  }
0x10: {  	s2 =	sadd.s32 s20, s2;
	s20 =	sadd.s32 $0xA000, s16;
	[dreg:$0xc] =	wrdreg s5  }
0x11: {  	s18 =	sadd.s32 $0xC0, s8;
	s14 =	sadd.s32 s7, s24;
	[dreg:$0x1c] =	wrdreg s20  }
0x12: {  	s11 =	sshrl.u32 s23, $0x3;
	s9 =	sadd.s32 s6, s24;
	[dreg:$0x8] =	wrdreg s14  }
0x13: {  	s17 =	sshll.u32 s4, $0x4;
	s2 =	sadd.s32 s3, s2;
	[dreg:$0xa] =	wrdreg s9  }
0x14: {  	s24 =	sshrl.u32 s18, $0x3;
	s25 =	sadd.s32 s7, s11;
	[dreg:$0x13] =	wrdreg s2  }
0x15: {  	s3 =	simm.s32 $0x9;
	s26 =	sadd.s32 s6, s11;
	[dreg:$0x9] =	wrdreg s25  }
0x16: {  	s11 =	sshll.u32 s23, $0x4;
	s23 =	sadd.s32 s19, s17;
	[dreg:$0xb] =	wrdreg s26  }
0x17: {  	s14 =	sshrl.u32 s4, $0x3;
	s17 =	sadd.s32 $0x6000, s16;
	[dreg:$0x10] =	wrdreg s23  }
0x18: {  	s4 =	smov.u32 s18;
	s18 =	sadd.s32 $0x8000, s16;
	[dreg:$0x1a] =	wrdreg s17  }
0x19: {  	s5 =	sadd.s32 s19, s11;
	s15 =	sadd.s32 s6, s14;
	[dreg:$0x1b] =	wrdreg s18  }
0x1a: {  	s22 =	sadd.s32 s7, s14;
	s25 =	sadd.s32 $0x2700, s8;
	[dreg:$0xd] =	wrdreg s5  }
0x1b: {  	s26 =	sadd.s32 $0x100, s8;
	s14 =	sadd.s32 $0x2000, s16;
	[dreg:$0xe] =	wrdreg s15  }
0x1c: {  	s23 =	sadd.s32 $0xC000, s16;
	s17 =	simm.s32 $0x80;
	[dreg:$0xf] =	wrdreg s22  }
0x1d: {  	s18 =	simm.s32 $0x40;
	s5 =	sadd.s32 s6, s24;
	[dreg:$0x12] =	wrdreg s26  }
0x1e: {  	s9 =	sshrl.u32 s25, $0x3;
	s22 =	sadd.s32 $0x140, s8;
	[dreg:$0x18] =	wrdreg s14  }
0x1f: {  	s10 =	sshll.u32 s25, $0x4;
	s15 =	sadd.s32 $0x4000, s16;
	[dreg:$0x1d] =	wrdreg s23  }
0x20: {  	s24 =	sadd.s32 $0xE000, s16;
	s25 =	sadd.s32 $0x10000, s16;
	[dreg:$0x11] =	wrdreg s5  }
0x21: {  	s26 =	sadd.s32 $0x12000, s16;
	s14 =	simm.s32 $0x100;
	[dreg:$0x19] =	wrdreg s15  }
0x22: {  	s23 =	simm.s32 $0x6280;
	s11 =	sadd.s32 s6, s9;
	[dreg:$0x1e] =	wrdreg s24  }
0x23: {  	s2 =	sadd.s32 s7, s9;
	s12 =	sadd.s32 s19, s10;
	[dreg:$0x1f] =	wrdreg s25  }
0x24: {  	[smem:$0x7FD] =	sst s26;
	s10 =	simm.s32 $0xB;
	s15 =	simm.s32 $0x180  }
0x25: {  	s24 =	simm.s32 $0x1;
	s25 =	simm.s32 $0x3;
	[dreg:$0x14] =	wrdreg s11  }
0x26: {  	s26 =	simm.s32 $0x5;
	s9 =	simm.s32 $0xA;
	[dreg:$0x15] =	wrdreg s2  }
0x27: {  	v0 =	vimm.f32 $0.0e+00;
	[dreg:$0x16] =	wrdreg s12;
	s12 =	simm.s32 $0x4280;
	s2 =	simm.s32 $0x8  }
.LBB2_1:
0x28: {  	s1 =	simm.s32 $0x0;
	s5 =	simm.s32 $0x200  }
.LBB2_2:
0x29: {  	p0 =	sne.s32 s5, $0x7E00;
	[tilespmem:s1+$0x42F0] =	vst v0  }
0x2a: {  	[tilespmem:s1+$0x4280] =	vst v0  }
0x2b: {  	[tilespmem:s1+$0x4290] =	vst v0  }
.Ltmp0:
0x2c: {  	[tilespmem:s1+$0x42A0] =	vst v0;
	(pc) =	sbr.rel @p0 .LBB2_2-.Ltmp0, $4  }
0x2d: {  	[tilespmem:s1+$0x42B0] =	vst v0  }
0x2e: {  	[tilespmem:s1+$0x42C0] =	vst v0  }
0x2f: {  	[tilespmem:s1+$0x42D0] =	vst v0  }
0x30: {  	[tilespmem:s1+$0x42E0] =	vst v0;
	s1 =	sshra.s32 s5, $0x2;
	s5 =	sadd.s32 $0x200, s5  }
0x31: {  	[tilespmem:s1+$0x42F0] =	vst v0  }
0x32: {  	[tilespmem:s1+$0x4280] =	vst v0  }
0x33: {  	[tilespmem:s1+$0x4290] =	vst v0  }
0x34: {  	[tilespmem:s1+$0x42A0] =	vst v0  }
0x35: {  	[tilespmem:s1+$0x42B0] =	vst v0  }
0x36: {  	[tilespmem:s1+$0x42C0] =	vst v0  }
0x37: {  	[tilespmem:s1+$0x42D0] =	vst v0  }
0x38: {  	[tilespmem:s1+$0x42E0] =	vst v0  }
0x39: {  	[spmem:s16] =	stream.linear.scatter [tilespmem:s12], [sflag:$0xB], $0x2000, $0x38;
	[tilespmem:$0x1C280] =	vst v63  }
0x3a: {  	_ =	swait.ge [sflag:s10], $0x2000  }
0x3b: {  	[sflag:s10] =	ssyncset.done $0x0  }
0x3c: {  	s16 =	rddreg [dreg:$0x18];
	[sflag:s10] =	ssyncadd.s32 $0xFFFFE000  }
0x3d: {  	[spmem:s16] =	stream.linear.scatter [tilespmem:s12], [sflag:$0xB], $0x2000, $0x38;
	[tilespmem:$0x1C280] =	vst v63  }
0x3e: {  	_ =	swait.ge [sflag:s10], $0x2000  }
0x3f: {  	[sflag:s10] =	ssyncset.done $0x0  }
0x40: {  	s20 =	rddreg [dreg:$0x19];
	[sflag:s10] =	ssyncadd.s32 $0xFFFFE000  }
0x41: {  	[spmem:s20] =	stream.linear.scatter [tilespmem:s12], [sflag:$0xB], $0x2000, $0x38;
	[tilespmem:$0x1C280] =	vst v63  }
0x42: {  	_ =	swait.ge [sflag:s10], $0x2000  }
0x43: {  	[sflag:s10] =	ssyncset.done $0x0  }
0x44: {  	s5 =	rddreg [dreg:$0x1a];
	[sflag:s10] =	ssyncadd.s32 $0xFFFFE000  }
0x45: {  	[spmem:s5] =	stream.linear.scatter [tilespmem:s12], [sflag:$0xB], $0x2000, $0x38;
	[tilespmem:$0x1C280] =	vst v63  }
0x46: {  	_ =	swait.ge [sflag:s10], $0x2000  }
0x47: {  	[sflag:s10] =	ssyncset.done $0x0  }
0x48: {  	s8 =	rddreg [dreg:$0x1b];
	[sflag:s10] =	ssyncadd.s32 $0xFFFFE000  }
0x49: {  	[spmem:s8] =	stream.linear.scatter [tilespmem:s12], [sflag:$0xB], $0x2000, $0x38;
	[tilespmem:$0x1C280] =	vst v63  }
0x4a: {  	_ =	swait.ge [sflag:s10], $0x2000  }
0x4b: {  	[sflag:s10] =	ssyncset.done $0x0  }
0x4c: {  	s11 =	rddreg [dreg:$0x1c];
	[sflag:s10] =	ssyncadd.s32 $0xFFFFE000  }
0x4d: {  	[spmem:s11] =	stream.linear.scatter [tilespmem:s12], [sflag:$0xB], $0x2000, $0x38;
	[tilespmem:$0x1C280] =	vst v63  }
0x4e: {  	_ =	swait.ge [sflag:s10], $0x2000  }
0x4f: {  	[sflag:s10] =	ssyncset.done $0x0  }
0x50: {  	s16 =	rddreg [dreg:$0x1d];
	[sflag:s10] =	ssyncadd.s32 $0xFFFFE000  }
0x51: {  	[spmem:s16] =	stream.linear.scatter [tilespmem:s12], [sflag:$0xB], $0x2000, $0x38;
	[tilespmem:$0x1C280] =	vst v63  }
0x52: {  	_ =	swait.ge [sflag:s10], $0x2000  }
0x53: {  	[sflag:s10] =	ssyncset.done $0x0  }
0x54: {  	s20 =	rddreg [dreg:$0x1e];
	[sflag:s10] =	ssyncadd.s32 $0xFFFFE000  }
0x55: {  	[spmem:s20] =	stream.linear.scatter [tilespmem:s12], [sflag:$0xB], $0x2000, $0x38;
	[tilespmem:$0x1C280] =	vst v63  }
0x56: {  	_ =	swait.ge [sflag:s10], $0x2000  }
0x57: {  	[sflag:s10] =	ssyncset.done $0x0  }
0x58: {  	s5 =	rddreg [dreg:$0x1f];
	[sflag:s10] =	ssyncadd.s32 $0xFFFFE000  }
0x59: {  	[spmem:s5] =	stream.linear.scatter [tilespmem:s12], [sflag:$0xB], $0x2000, $0x38;
	[tilespmem:$0x1C280] =	vst v63  }
0x5a: {  	_ =	swait.ge [sflag:s10], $0x2000  }
0x5b: {  	s8 =	sld [smem:$0x7FD]  }
0x5c: {  	[sflag:s10] =	ssyncset.done $0x0  }
0x5d: {  	[sflag:s10] =	ssyncadd.s32 $0xFFFFE000  }
0x5e: {  	[spmem:s8] =	stream.linear.scatter [tilespmem:s12], [sflag:$0xB], $0x2000, $0x38;
	[tilespmem:$0x1C280] =	vst v63  }
0x5f: {  	_ =	swait.ge [sflag:s10], $0x2000  }
0x60: {  	[sflag:s10] =	ssyncset.done $0x0  }
0x61: {  	[sflag:s10] =	ssyncadd.s32 $0xFFFFE000  }
0x62: {  	[bflag:$0x0] =	sbarrier.arrive $0xFFFF  }
0x63: {  	s1 =	simm.s32 $0x0;
	s5 =	rddreg [dreg:$0x8]  }
0x64: {  	[tilespmem:s14], [sflag:$0xB] =	stream.linear.gather [hbm4b:s5+s1], $0x40, $0x38;
	[tilespmem:$0x1C280] =	vst v63  }
0x65: {  	_ =	swait.ge [sflag:s10], $0x40  }
0x66: {  	[sflag:s10] =	ssyncset.done $0x0  }
0x67: {  	s11 =	rddreg [dreg:$0x9];
	[sflag:s10] =	ssyncadd.s32 $0xFFFFFFC0  }
0x68: {  	[tilespmem:s15], [sflag:$0xB] =	stream.linear.gather [hbm4b:s11+s1], $0x40, $0x38;
	[tilespmem:$0x1C280] =	vst v63  }
0x69: {  	_ =	swait.ge [sflag:s10], $0x40  }
0x6a: {  	[sflag:s10] =	ssyncset.done $0x0  }
0x6b: {  	s16 =	rddreg [dreg:$0xa];
	[sflag:s10] =	ssyncadd.s32 $0xFFFFFFC0  }
0x6c: {  	[tilespmem:s1], [sflag:$0xB] =	stream.linear.gather [hbm4b:s16+s1], $0x40, $0x38;
	[tilespmem:$0x1C280] =	vst v63  }
0x6d: {  	_ =	swait.ge [sflag:s10], $0x40  }
0x6e: {  	[sflag:s10] =	ssyncset.done $0x0  }
0x6f: {  	s20 =	rddreg [dreg:$0xb];
	[sflag:s10] =	ssyncadd.s32 $0xFFFFFFC0  }
0x70: {  	[tilespmem:s17], [sflag:$0xB] =	stream.linear.gather [hbm4b:s20+s1], $0x40, $0x38;
	[tilespmem:$0x1C280] =	vst v63  }
0x71: {  	_ =	swait.ge [sflag:s10], $0x40  }
0x72: {  	[sflag:s10] =	ssyncset.done $0x0  }
0x73: {  	s8 =	simm.s32 $0x280;
	[sflag:s10] =	ssyncadd.s32 $0xFFFFFFC0  }
0x74: {  	[tilespmem:s8], [sflag:$0x1] =	stream.indirect.gather [hbm4b:s21+s18], $0x80, s1, s18, $0xb8;
	[tilespmem:$0x1C280] =	vst v63  }
0x75: {  	s10 =	rddreg [dreg:$0xc]  }
0x76: {  	[tilespmem:s12], [sflag:$0x3] =	stream.linear.gather [hbm4b:s10+s1], $0x2000, $0x38;
	[tilespmem:$0x1C280] =	vst v63  }
0x77: {  	s11 =	simm.s32 $0x2280  }
0x78: {  	[tilespmem:s11], [sflag:$0x2] =	stream.indirect.gather [hbm4b:s21+s18], $0x80, s17, s18, $0xb8;
	[tilespmem:$0x1C280] =	vst v63  }
0x79: {  	s16 =	rddreg [dreg:$0xd]  }
0x7a: {  	[tilespmem:s23], [sflag:$0x4] =	stream.linear.gather [hbm4b:s16+s1], $0x2000, $0x38;
	[tilespmem:$0x1C280] =	vst v63  }
0x7b: {  	_ =	swait.ge [sflag:s24], $0x2000  }
0x7c: {  	[sflag:s24] =	ssyncset.done $0x0  }
0x7d: {  	[sflag:s24] =	ssyncadd.s32 $0xFFFFE000  }
0x7e: {  	_ =	swait.ge [sflag:s25], $0x2000  }
0x7f: {  	[sflag:s25] =	ssyncset.done $0x0  }
0x80: {  	s5 =	simm.s32 $0x0;
	s20 =	rddreg [dreg:$0xe];
	[sflag:s25] =	ssyncadd.s32 $0xFFFFE000  }
0x81: {  	[tilespmem:s1], [sflag:$0x7] =	stream.linear.gather [hbm4b:s20+s1], $0x40, $0x38;
	[tilespmem:$0x1C280] =	vst v63  }
0x82: {  	v8 =	vld [tilespmem:s5+$0x280]  }
0x83: {  	v12 =	vld [tilespmem:s5+$0x290]  }
0x84: {  	v6 =	vld [tilespmem:s5+$0x2A0]  }
0x85: {  	v5 =	vld [tilespmem:s5+$0x2B0]  }
0x86: {  	v4 =	vld [tilespmem:s5+$0x2C0]  }
0x87: {  	v3 =	vld [tilespmem:s5+$0x2D0]  }
0x88: {  	v2 =	vld [tilespmem:s5+$0x2E0]  }
0x89: {  	v1 =	vld [tilespmem:s5+$0x2F0]  }
0x8a: {  	v13 =	vld [tilespmem:s5+$0x4280]  }
0x8b: {  	v14 =	vld [tilespmem:s5+$0x4290]  }
0x8c: {  	v11 =	vld [tilespmem:s5+$0x42A0]  }
0x8d: {  	v10 =	vld [tilespmem:s5+$0x42B0]  }
0x8e: {  	v9 =	vld [tilespmem:s5+$0x42C0]  }
0x8f: {  	v7 =	vld [tilespmem:s5+$0x42D0];
	v13 =	vmul.f32 v8, v13  }
0x90: {  	s8 =	simm.s32 $0x200;
	v12 =	vmul.f32 v12, v14;
	v8 =	vld [tilespmem:s5+$0x42E0]  }
.LBB2_4:
0x91: {  	s1 =	sshra.s32 s8, $0x2;
	p0 =	sne.s32 s8, $0x7E00;
	[tilespmem:s5+$0x4280] =	vst v13;
	v6 =	vmul.f32 v6, v11;
	v11 =	vld [tilespmem:s5+$0x42F0]  }
0x92: {  	v13 =	vld [tilespmem:s1+$0x280];
	[tilespmem:s5+$0x4290] =	vst v12;
	v5 =	vmul.f32 v5, v10  }
0x93: {  	v12 =	vld [tilespmem:s1+$0x290];
	[tilespmem:s5+$0x42A0] =	vst v6;
	v4 =	vmul.f32 v4, v9  }
0x94: {  	v6 =	vld [tilespmem:s1+$0x2A0];
	[tilespmem:s5+$0x42B0] =	vst v5;
	v3 =	vmul.f32 v3, v7  }
0x95: {  	v5 =	vld [tilespmem:s1+$0x2B0];
	[tilespmem:s5+$0x42C0] =	vst v4;
	v2 =	vmul.f32 v2, v8  }
0x96: {  	v4 =	vld [tilespmem:s1+$0x2C0];
	[tilespmem:s5+$0x42D0] =	vst v3;
	v1 =	vmul.f32 v1, v11  }
0x97: {  	v3 =	vld [tilespmem:s1+$0x2D0];
	[tilespmem:s5+$0x42E0] =	vst v2  }
0x98: {  	v2 =	vld [tilespmem:s1+$0x2E0];
	[tilespmem:s5+$0x42F0] =	vst v1;
	s5 =	smov.u32 s1  }
0x99: {  	v1 =	vld [tilespmem:s5+$0x2F0]  }
0x9a: {  	v7 =	vld [tilespmem:s5+$0x4280]  }
0x9b: {  	v8 =	vld [tilespmem:s5+$0x4290]  }
.Ltmp1:
0x9c: {  	v11 =	vld [tilespmem:s5+$0x42A0];
	(pc) =	sbr.rel @p0 .LBB2_4-.Ltmp1, $4  }
0x9d: {  	v10 =	vld [tilespmem:s5+$0x42B0]  }
0x9e: {  	v9 =	vld [tilespmem:s5+$0x42C0]  }
0x9f: {  	v13 =	vmul.f32 v13, v7;
	v7 =	vld [tilespmem:s5+$0x42D0]  }
0xa0: {  	s8 =	sadd.s32 $0x200, s8;
	v12 =	vmul.f32 v12, v8;
	v8 =	vld [tilespmem:s5+$0x42E0]  }
0xa1: {  	[tilespmem:s5+$0x4280] =	vst v13;
	v6 =	vmul.f32 v6, v11;
	v11 =	vld [tilespmem:s5+$0x42F0]  }
0xa2: {  	[tilespmem:s5+$0x4290] =	vst v12;
	v5 =	vmul.f32 v5, v10  }
0xa3: {  	[tilespmem:s5+$0x42A0] =	vst v6;
	v4 =	vmul.f32 v4, v9  }
0xa4: {  	[tilespmem:s5+$0x42B0] =	vst v5;
	v3 =	vmul.f32 v3, v7  }
0xa5: {  	[tilespmem:s5+$0x42C0] =	vst v4;
	v2 =	vmul.f32 v2, v8  }
0xa6: {  	[tilespmem:s5+$0x42D0] =	vst v3;
	v1 =	vmul.f32 v1, v11  }
0xa7: {  	[tilespmem:s5+$0x42E0] =	vst v2  }
0xa8: {  	[dreg:$0x6] =	wrdreg s13;
	[tilespmem:s5+$0x42F0] =	vst v1  }
0xa9: {  	[spmem:s0] =	stream.indirect.scatter.add.f32 [tilespmem:s12], [sflag:$0x5], $0x80, s14, s18, $0xb8;
	[tilespmem:$0x1C280] =	vst v63  }
0xaa: {  	_ =	swait.ge [sflag:s26], $0x2000  }
0xab: {  	[sflag:s26] =	ssyncset.done $0x0  }
0xac: {  	s1 =	simm.s32 $0x0;
	s11 =	rddreg [dreg:$0xf];
	[sflag:s26] =	ssyncadd.s32 $0xFFFFE000  }
0xad: {  	[tilespmem:s14], [sflag:$0x9] =	stream.linear.gather [hbm4b:s11+s1], $0x40, $0x38;
	[tilespmem:$0x1C280] =	vst v63  }
0xae: {  	_ =	swait.ge [sflag:s28], $0x40  }
0xaf: {  	[sflag:s28] =	ssyncset.done $0x0  }
0xb0: {  	s13 =	simm.s32 $0x280;
	[sflag:s28] =	ssyncadd.s32 $0xFFFFFFC0  }
0xb1: {  	[tilespmem:s13], [sflag:$0x1] =	stream.indirect.gather [hbm4b:s21+s18], $0x80, s1, s18, $0xb8;
	[tilespmem:$0x1C280] =	vst v63  }
0xb2: {  	s16 =	rddreg [dreg:$0x10]  }
0xb3: {  	[tilespmem:s12], [sflag:$0x3] =	stream.linear.gather [hbm4b:s16+s1], $0x2000, $0x38;
	[tilespmem:$0x1C280] =	vst v63  }
0xb4: {  	_ =	swait.ge [sflag:s29], $0x2000  }
0xb5: {  	[sflag:s29] =	ssyncset.done $0x0  }
0xb6: {  	[sflag:s29] =	ssyncadd.s32 $0xFFFFE000  }
0xb7: {  	_ =	swait.ge [sflag:s30], $0x2000  }
0xb8: {  	[sflag:s30] =	ssyncset.done $0x0  }
0xb9: {  	s5 =	simm.s32 $0x0;
	s20 =	rddreg [dreg:$0x11];
	[sflag:s30] =	ssyncadd.s32 $0xFFFFE000  }
0xba: {  	[tilespmem:s17], [sflag:$0x8] =	stream.linear.gather [hbm4b:s20+s1], $0x40, $0x38;
	[tilespmem:$0x1C280] =	vst v63  }
0xbb: {  	v8 =	vld [tilespmem:s5+$0x2280]  }
0xbc: {  	v12 =	vld [tilespmem:s5+$0x2290]  }
0xbd: {  	v6 =	vld [tilespmem:s5+$0x22A0]  }
0xbe: {  	v5 =	vld [tilespmem:s5+$0x22B0]  }
0xbf: {  	v4 =	vld [tilespmem:s5+$0x22C0]  }
0xc0: {  	v3 =	vld [tilespmem:s5+$0x22D0]  }
0xc1: {  	v2 =	vld [tilespmem:s5+$0x22E0]  }
0xc2: {  	v1 =	vld [tilespmem:s5+$0x22F0]  }
0xc3: {  	v13 =	vld [tilespmem:s5+$0x6280]  }
0xc4: {  	v14 =	vld [tilespmem:s5+$0x6290]  }
0xc5: {  	v11 =	vld [tilespmem:s5+$0x62A0]  }
0xc6: {  	v10 =	vld [tilespmem:s5+$0x62B0]  }
0xc7: {  	v9 =	vld [tilespmem:s5+$0x62C0]  }
0xc8: {  	v7 =	vld [tilespmem:s5+$0x62D0];
	v13 =	vmul.f32 v8, v13  }
0xc9: {  	s8 =	simm.s32 $0x200;
	v12 =	vmul.f32 v12, v14;
	v8 =	vld [tilespmem:s5+$0x62E0]  }
.LBB2_6:
0xca: {  	s1 =	sshra.s32 s8, $0x2;
	p0 =	sne.s32 s8, $0x7E00;
	[tilespmem:s5+$0x6280] =	vst v13;
	v6 =	vmul.f32 v6, v11;
	v11 =	vld [tilespmem:s5+$0x62F0]  }
0xcb: {  	v13 =	vld [tilespmem:s1+$0x2280];
	[tilespmem:s5+$0x6290] =	vst v12;
	v5 =	vmul.f32 v5, v10  }
0xcc: {  	v12 =	vld [tilespmem:s1+$0x2290];
	[tilespmem:s5+$0x62A0] =	vst v6;
	v4 =	vmul.f32 v4, v9  }
0xcd: {  	v6 =	vld [tilespmem:s1+$0x22A0];
	[tilespmem:s5+$0x62B0] =	vst v5;
	v3 =	vmul.f32 v3, v7  }
0xce: {  	v5 =	vld [tilespmem:s1+$0x22B0];
	[tilespmem:s5+$0x62C0] =	vst v4;
	v2 =	vmul.f32 v2, v8  }
0xcf: {  	v4 =	vld [tilespmem:s1+$0x22C0];
	[tilespmem:s5+$0x62D0] =	vst v3;
	v1 =	vmul.f32 v1, v11  }
0xd0: {  	v3 =	vld [tilespmem:s1+$0x22D0];
	[tilespmem:s5+$0x62E0] =	vst v2  }
0xd1: {  	v2 =	vld [tilespmem:s1+$0x22E0];
	[tilespmem:s5+$0x62F0] =	vst v1;
	s5 =	smov.u32 s1  }
0xd2: {  	v1 =	vld [tilespmem:s5+$0x22F0]  }
0xd3: {  	v7 =	vld [tilespmem:s5+$0x6280]  }
0xd4: {  	v8 =	vld [tilespmem:s5+$0x6290]  }
.Ltmp2:
0xd5: {  	v11 =	vld [tilespmem:s5+$0x62A0];
	(pc) =	sbr.rel @p0 .LBB2_6-.Ltmp2, $4  }
0xd6: {  	v10 =	vld [tilespmem:s5+$0x62B0]  }
0xd7: {  	v9 =	vld [tilespmem:s5+$0x62C0]  }
0xd8: {  	v13 =	vmul.f32 v13, v7;
	v7 =	vld [tilespmem:s5+$0x62D0]  }
0xd9: {  	s8 =	sadd.s32 $0x200, s8;
	v12 =	vmul.f32 v12, v8;
	v8 =	vld [tilespmem:s5+$0x62E0]  }
0xda: {  	[tilespmem:s5+$0x6280] =	vst v13;
	v6 =	vmul.f32 v6, v11;
	v63 =	vld [tilespmem:s5+$0x62F0]  }
0xdb: {  	[tilespmem:s5+$0x6290] =	vst v12;
	v5 =	vmul.f32 v5, v10  }
0xdc: {  	[tilespmem:s5+$0x62A0] =	vst v6;
	v4 =	vmul.f32 v4, v9  }
0xdd: {  	[tilespmem:s5+$0x62B0] =	vst v5;
	v3 =	vmul.f32 v3, v7  }
0xde: {  	[tilespmem:s5+$0x62C0] =	vst v4;
	v2 =	vmul.f32 v2, v8  }
0xdf: {  	[tilespmem:s5+$0x62D0] =	vst v3;
	v1 =	vmul.f32 v1, v63  }
0xe0: {  	[tilespmem:s5+$0x62E0] =	vst v2  }
0xe1: {  	s10 =	simm.s32 $0x0;
	s11 =	simm.s32 $0x0;
	[tilespmem:s5+$0x62F0] =	vst v1  }
0xe2: {  	[spmem:s0] =	stream.indirect.scatter.add.f32 [tilespmem:s23], [sflag:$0x6], $0x80, s15, s18, $0xb8;
	[tilespmem:$0x1C280] =	vst v63  }
.LBB2_8:
0xe3: {  	s1 =	sshll.u32 s11, $0x7  }
0xe4: {  	_ =	swait.ge [sflag:s31], $0x2000;
	s1 =	sadd.s32 s1, s4  }
0xe5: {  	[sflag:s31] =	ssyncset.done $0x0;
	s5 =	sshrl.u32 s1, $0x3  }
0xe6: {  	[sflag:s31] =	ssyncadd.s32 $0xFFFFE000;
	s5 =	sadd.s32 s7, s5  }
0xe7: {  	[tilespmem:s15], [sflag:$0xA] =	stream.linear.gather [hbm4b:s5+s10], $0x40, $0x38;
	[tilespmem:$0x1C280] =	vst v63  }
0xe8: {  	_ =	swait.ge [sflag:s2], $0x40  }
0xe9: {  	[sflag:s2] =	ssyncset.done $0x0  }
0xea: {  	s16 =	simm.s32 $0x2280;
	s1 =	sshll.u32 s1, $0x4;
	[sflag:s2] =	ssyncadd.s32 $0xFFFFFFC0  }
0xeb: {  	[tilespmem:s16], [sflag:$0x2] =	stream.indirect.gather [hbm4b:s21+s18], $0x80, s17, s18, $0xb8;
	[tilespmem:$0x1C280] =	vst v63  }
0xec: {  	s1 =	sadd.s32 s19, s1  }
0xed: {  	[tilespmem:s23], [sflag:$0x4] =	stream.linear.gather [hbm4b:s1+s10], $0x2000, $0x38;
	[tilespmem:$0x1C280] =	vst v63  }
0xee: {  	_ =	swait.ge [sflag:s24], $0x2000  }
0xef: {  	[sflag:s24] =	ssyncset.done $0x0  }
0xf0: {  	s8 =	sshll.u32 s11, $0x1;
	[sflag:s24] =	ssyncadd.s32 $0xFFFFE000  }
0xf1: {  	s5 =	smin.u32 s8, $0x97;
	_ =	swait.ge [sflag:s25], $0x2000  }
0xf2: {  	s1 =	sshll.u32 s5, $0x6;
	s13 =	rddreg [dreg:$0x12]  }
0xf3: {  	s5 =	sadd.s32 s1, s13  }
0xf4: {  	s20 =	smov.u32 s21;
	[sflag:s25] =	ssyncset.done $0x0;
	s21 =	sshrl.u32 s5, $0x3  }
0xf5: {  	s16 =	smov.u32 s19;
	[sflag:s25] =	ssyncadd.s32 $0xFFFFE000;
	s19 =	sadd.s32 s6, s21  }
0xf6: {  	[tilespmem:s10], [sflag:$0x7] =	stream.linear.gather [hbm4b:s19+s10], $0x40, $0x38;
	[tilespmem:$0x1C280] =	vst v63  }
0xf7: {  	s19 =	simm.s32 $0x0  }
0xf8: {  	v8 =	vld [tilespmem:s19+$0x280]  }
0xf9: {  	v12 =	vld [tilespmem:s19+$0x290]  }
0xfa: {  	v6 =	vld [tilespmem:s19+$0x2A0]  }
0xfb: {  	v5 =	vld [tilespmem:s19+$0x2B0]  }
0xfc: {  	v4 =	vld [tilespmem:s19+$0x2C0]  }
0xfd: {  	v3 =	vld [tilespmem:s19+$0x2D0]  }
0xfe: {  	v2 =	vld [tilespmem:s19+$0x2E0]  }
0xff: {  	v1 =	vld [tilespmem:s19+$0x2F0]  }
0x100: {  	v13 =	vld [tilespmem:s19+$0x4280]  }
0x101: {  	v14 =	vld [tilespmem:s19+$0x4290]  }
0x102: {  	v11 =	vld [tilespmem:s19+$0x42A0]  }
0x103: {  	v10 =	vld [tilespmem:s19+$0x42B0]  }
0x104: {  	v9 =	vld [tilespmem:s19+$0x42C0]  }
0x105: {  	v7 =	vld [tilespmem:s19+$0x42D0];
	v13 =	vmul.f32 v8, v13  }
0x106: {  	s1 =	simm.s32 $0x200;
	v12 =	vmul.f32 v12, v14;
	v8 =	vld [tilespmem:s19+$0x42E0]  }
.LBB2_9:
0x107: {  	s13 =	sshra.s32 s1, $0x2;
	p0 =	sne.s32 s1, $0x7E00;
	[tilespmem:s19+$0x4280] =	vst v13;
	v6 =	vmul.f32 v6, v11;
	v11 =	vld [tilespmem:s19+$0x42F0]  }
0x108: {  	v13 =	vld [tilespmem:s13+$0x280];
	[tilespmem:s19+$0x4290] =	vst v12;
	v5 =	vmul.f32 v5, v10  }
0x109: {  	v12 =	vld [tilespmem:s13+$0x290];
	[tilespmem:s19+$0x42A0] =	vst v6;
	v4 =	vmul.f32 v4, v9  }
0x10a: {  	v6 =	vld [tilespmem:s13+$0x2A0];
	[tilespmem:s19+$0x42B0] =	vst v5;
	v3 =	vmul.f32 v3, v7  }
0x10b: {  	v5 =	vld [tilespmem:s13+$0x2B0];
	[tilespmem:s19+$0x42C0] =	vst v4;
	v2 =	vmul.f32 v2, v8  }
0x10c: {  	v4 =	vld [tilespmem:s13+$0x2C0];
	[tilespmem:s19+$0x42D0] =	vst v3;
	v1 =	vmul.f32 v1, v11  }
0x10d: {  	v3 =	vld [tilespmem:s13+$0x2D0];
	[tilespmem:s19+$0x42E0] =	vst v2  }
0x10e: {  	v2 =	vld [tilespmem:s13+$0x2E0];
	[tilespmem:s19+$0x42F0] =	vst v1;
	s19 =	smov.u32 s13  }
0x10f: {  	v1 =	vld [tilespmem:s19+$0x2F0]  }
0x110: {  	v7 =	vld [tilespmem:s19+$0x4280]  }
0x111: {  	v8 =	vld [tilespmem:s19+$0x4290]  }
.Ltmp3:
0x112: {  	v11 =	vld [tilespmem:s19+$0x42A0];
	(pc) =	sbr.rel @p0 .LBB2_9-.Ltmp3, $4  }
0x113: {  	v10 =	vld [tilespmem:s19+$0x42B0]  }
0x114: {  	v9 =	vld [tilespmem:s19+$0x42C0]  }
0x115: {  	v13 =	vmul.f32 v13, v7;
	v7 =	vld [tilespmem:s19+$0x42D0]  }
0x116: {  	s1 =	sadd.s32 $0x200, s1;
	v12 =	vmul.f32 v12, v8;
	v8 =	vld [tilespmem:s19+$0x42E0]  }
0x117: {  	[tilespmem:s19+$0x4280] =	vst v13;
	v6 =	vmul.f32 v6, v11;
	v11 =	vld [tilespmem:s19+$0x42F0]  }
0x118: {  	[tilespmem:s19+$0x4290] =	vst v12;
	v5 =	vmul.f32 v5, v10  }
0x119: {  	[tilespmem:s19+$0x42A0] =	vst v6;
	v4 =	vmul.f32 v4, v9  }
0x11a: {  	[tilespmem:s19+$0x42B0] =	vst v5;
	v3 =	vmul.f32 v3, v7  }
0x11b: {  	[tilespmem:s19+$0x42C0] =	vst v4;
	v2 =	vmul.f32 v2, v8  }
0x11c: {  	[tilespmem:s19+$0x42D0] =	vst v3;
	v1 =	vmul.f32 v1, v11  }
0x11d: {  	[tilespmem:s19+$0x42E0] =	vst v2  }
0x11e: {  	[tilespmem:s19+$0x42F0] =	vst v1  }
0x11f: {  	_ =	swait.ge [sflag:s3], $0x40  }
0x120: {  	[sflag:s3] =	ssyncset.done $0x0  }
0x121: {  	[sflag:s3] =	ssyncadd.s32 $0xFFFFFFC0  }
0x122: {  	[spmem:s0] =	stream.indirect.scatter.add.f32 [tilespmem:s12], [sflag:$0x5], $0x80, s14, s18, $0xb8;
	[tilespmem:$0x1C280] =	vst v63  }
0x123: {  	_ =	swait.ge [sflag:s26], $0x2000  }
0x124: {  	[sflag:s26] =	ssyncset.done $0x0  }
0x125: {  	s1 =	sadd.s32 s7, s21;
	s13 =	simm.s32 $0x0;
	[sflag:s26] =	ssyncadd.s32 $0xFFFFE000  }
0x126: {  	[tilespmem:s14], [sflag:$0x9] =	stream.linear.gather [hbm4b:s1+s13], $0x40, $0x38;
	[tilespmem:$0x1C280] =	vst v63  }
0x127: {  	_ =	swait.ge [sflag:s28], $0x40  }
0x128: {  	[sflag:s28] =	ssyncset.done $0x0  }
0x129: {  	s5 =	sshll.u32 s5, $0x4;
	s19 =	simm.s32 $0x280;
	[sflag:s28] =	ssyncadd.s32 $0xFFFFFFC0  }
0x12a: {  	[tilespmem:s19], [sflag:$0x1] =	stream.indirect.gather [hbm4b:s20+s18], $0x80, s13, s18, $0xb8;
	[tilespmem:$0x1C280] =	vst v63  }
0x12b: {  	s1 =	sadd.s32 s16, s5  }
0x12c: {  	[tilespmem:s12], [sflag:$0x3] =	stream.linear.gather [hbm4b:s1+s13], $0x2000, $0x38;
	[tilespmem:$0x1C280] =	vst v63  }
0x12d: {  	_ =	swait.ge [sflag:s29], $0x2000  }
0x12e: {  	s21 =	smov.u32 s20;
	s20 =	smin.u32 s8, $0x96;
	[sflag:s29] =	ssyncset.done $0x0  }
0x12f: {  	s1 =	sshll.u32 s20, $0x6;
	[sflag:s29] =	ssyncadd.s32 $0xFFFFE000  }
0x130: {  	s1 =	sadd.s32 s1, s22;
	_ =	swait.ge [sflag:s30], $0x2000  }
0x131: {  	s1 =	sshrl.u32 s1, $0x3;
	[sflag:s30] =	ssyncset.done $0x0  }
0x132: {  	s5 =	simm.s32 $0x0;
	s1 =	sadd.s32 s6, s1;
	[sflag:s30] =	ssyncadd.s32 $0xFFFFE000  }
0x133: {  	[tilespmem:s17], [sflag:$0x8] =	stream.linear.gather [hbm4b:s1+s13], $0x40, $0x38;
	[tilespmem:$0x1C280] =	vst v63  }
0x134: {  	v8 =	vld [tilespmem:s5+$0x2280]  }
0x135: {  	v12 =	vld [tilespmem:s5+$0x2290]  }
0x136: {  	v6 =	vld [tilespmem:s5+$0x22A0]  }
0x137: {  	v5 =	vld [tilespmem:s5+$0x22B0]  }
0x138: {  	v4 =	vld [tilespmem:s5+$0x22C0]  }
0x139: {  	v3 =	vld [tilespmem:s5+$0x22D0]  }
0x13a: {  	v2 =	vld [tilespmem:s5+$0x22E0]  }
0x13b: {  	v1 =	vld [tilespmem:s5+$0x22F0]  }
0x13c: {  	v13 =	vld [tilespmem:s5+$0x6280]  }
0x13d: {  	v14 =	vld [tilespmem:s5+$0x6290]  }
0x13e: {  	v11 =	vld [tilespmem:s5+$0x62A0]  }
0x13f: {  	v10 =	vld [tilespmem:s5+$0x62B0]  }
0x140: {  	v9 =	vld [tilespmem:s5+$0x62C0]  }
0x141: {  	v7 =	vld [tilespmem:s5+$0x62D0];
	v13 =	vmul.f32 v8, v13  }
0x142: {  	s19 =	smov.u32 s16;
	s1 =	simm.s32 $0x200;
	v12 =	vmul.f32 v12, v14;
	v8 =	vld [tilespmem:s5+$0x62E0]  }
.LBB2_11:
0x143: {  	s8 =	sshra.s32 s1, $0x2;
	p0 =	sne.s32 s1, $0x7E00;
	[tilespmem:s5+$0x6280] =	vst v13;
	v6 =	vmul.f32 v6, v11;
	v11 =	vld [tilespmem:s5+$0x62F0]  }
0x144: {  	v13 =	vld [tilespmem:s8+$0x2280];
	[tilespmem:s5+$0x6290] =	vst v12;
	v5 =	vmul.f32 v5, v10  }
0x145: {  	v12 =	vld [tilespmem:s8+$0x2290];
	[tilespmem:s5+$0x62A0] =	vst v6;
	v4 =	vmul.f32 v4, v9  }
0x146: {  	v6 =	vld [tilespmem:s8+$0x22A0];
	[tilespmem:s5+$0x62B0] =	vst v5;
	v3 =	vmul.f32 v3, v7  }
0x147: {  	v5 =	vld [tilespmem:s8+$0x22B0];
	[tilespmem:s5+$0x62C0] =	vst v4;
	v2 =	vmul.f32 v2, v8  }
0x148: {  	v4 =	vld [tilespmem:s8+$0x22C0];
	[tilespmem:s5+$0x62D0] =	vst v3;
	v1 =	vmul.f32 v1, v11  }
0x149: {  	v3 =	vld [tilespmem:s8+$0x22D0];
	[tilespmem:s5+$0x62E0] =	vst v2  }
0x14a: {  	v2 =	vld [tilespmem:s8+$0x22E0];
	[tilespmem:s5+$0x62F0] =	vst v1;
	s5 =	smov.u32 s8  }
0x14b: {  	v1 =	vld [tilespmem:s5+$0x22F0]  }
0x14c: {  	v7 =	vld [tilespmem:s5+$0x6280]  }
0x14d: {  	v8 =	vld [tilespmem:s5+$0x6290]  }
.Ltmp4:
0x14e: {  	v11 =	vld [tilespmem:s5+$0x62A0];
	(pc) =	sbr.rel @p0 .LBB2_11-.Ltmp4, $4  }
0x14f: {  	v10 =	vld [tilespmem:s5+$0x62B0]  }
0x150: {  	v9 =	vld [tilespmem:s5+$0x62C0]  }
0x151: {  	v13 =	vmul.f32 v13, v7;
	v7 =	vld [tilespmem:s5+$0x62D0]  }
0x152: {  	s1 =	sadd.s32 $0x200, s1;
	v12 =	vmul.f32 v12, v8;
	v8 =	vld [tilespmem:s5+$0x62E0]  }
0x153: {  	[tilespmem:s5+$0x6280] =	vst v13;
	v6 =	vmul.f32 v6, v11;
	v63 =	vld [tilespmem:s5+$0x62F0]  }
0x154: {  	[tilespmem:s5+$0x6290] =	vst v12;
	v5 =	vmul.f32 v5, v10  }
0x155: {  	[tilespmem:s5+$0x62A0] =	vst v6;
	v4 =	vmul.f32 v4, v9  }
0x156: {  	[tilespmem:s5+$0x62B0] =	vst v5;
	v3 =	vmul.f32 v3, v7  }
0x157: {  	[tilespmem:s5+$0x62C0] =	vst v4;
	v2 =	vmul.f32 v2, v8  }
0x158: {  	s11 =	sadd.s32 $0x1, s11;
	[tilespmem:s5+$0x62D0] =	vst v3;
	v1 =	vmul.f32 v1, v63  }
0x159: {  	p0 =	sne.s32 s11, $0x4D;
	[tilespmem:s5+$0x62E0] =	vst v2  }
.Ltmp5:
0x15a: {  	[tilespmem:s5+$0x62F0] =	vst v1;
	(pc) =	sbr.rel @p0 .LBB2_8-.Ltmp5, $4  }
0x15b: {  	_ =	swait.ge [sflag:s9], $0x40  }
0x15c: {  	[sflag:s9] =	ssyncset.done $0x0  }
0x15d: {  	[sflag:s9] =	ssyncadd.s32 $0xFFFFFFC0  }
0x15e: {  	[spmem:s0] =	stream.indirect.scatter.add.f32 [tilespmem:s23], [sflag:$0x6], $0x80, s15, s18, $0xb8;
	[tilespmem:$0x1C280] =	vst v63  }
0x15f: {  	_ =	swait.ge [sflag:s31], $0x2000  }
0x160: {  	[sflag:s31] =	ssyncset.done $0x0  }
0x161: {  	[sflag:s31] =	ssyncadd.s32 $0xFFFFE000  }
0x162: {  	_ =	swait.ge [sflag:s3], $0x40  }
0x163: {  	[sflag:s3] =	ssyncset.done $0x0  }
0x164: {  	[sflag:s3] =	ssyncadd.s32 $0xFFFFFFC0  }
0x165: {  	_ =	swait.ge [sflag:s2], $0x40  }
0x166: {  	[sflag:s2] =	ssyncset.done $0x0  }
0x167: {  	[sflag:s2] =	ssyncadd.s32 $0xFFFFFFC0  }
0x168: {  	_ =	swait.ge [sflag:s24], $0x2000  }
0x169: {  	[sflag:s24] =	ssyncset.done $0x0  }
0x16a: {  	[sflag:s24] =	ssyncadd.s32 $0xFFFFE000  }
0x16b: {  	_ =	swait.ge [sflag:s25], $0x2000  }
0x16c: {  	s1 =	simm.s32 $0x0;
	[sflag:s25] =	ssyncset.done $0x0  }
0x16d: {  	s10 =	simm.s32 $0xB;
	s5 =	rddreg [dreg:$0x14];
	[sflag:s25] =	ssyncadd.s32 $0xFFFFE000  }
0x16e: {  	[tilespmem:s1], [sflag:$0xB] =	stream.linear.gather [hbm4b:s5+s1], $0x10, $0x38;
	[tilespmem:$0x1C280] =	vst v63  }
0x16f: {  	_ =	swait.ge [sflag:s10], $0x10  }
0x170: {  	[sflag:s10] =	ssyncset.done $0x0  }
0x171: {  	s11 =	simm.s32 $0x200;
	s13 =	rddreg [dreg:$0x15];
	[sflag:s10] =	ssyncadd.s32 $0xFFFFFFF0  }
0x172: {  	[tilespmem:s11], [sflag:$0xB] =	stream.linear.gather [hbm4b:s13+s1], $0x10, $0x38;
	[tilespmem:$0x1C280] =	vst v63  }
0x173: {  	_ =	swait.ge [sflag:s10], $0x10  }
0x174: {  	[sflag:s10] =	ssyncset.done $0x0  }
0x175: {  	s16 =	simm.s32 $0x280;
	s13 =	simm.s32 $0x10;
	[sflag:s10] =	ssyncadd.s32 $0xFFFFFFF0  }
0x176: {  	[tilespmem:s16], [sflag:$0xB] =	stream.indirect.gather [hbm4b:s21+s13], $0x80, s1, s13, $0xb8;
	[tilespmem:$0x1C280] =	vst v63  }
0x177: {  	_ =	swait.ge [sflag:s10], $0x800  }
0x178: {  	[sflag:s10] =	ssyncset.done $0x0  }
0x179: {  	s20 =	rddreg [dreg:$0x16];
	[sflag:s10] =	ssyncadd.s32 $0xFFFFF800  }
0x17a: {  	[tilespmem:s12], [sflag:$0xB] =	stream.linear.gather [hbm4b:s20+s1], $0x800, $0x38;
	[tilespmem:$0x1C280] =	vst v63  }
0x17b: {  	_ =	swait.ge [sflag:s10], $0x800  }
0x17c: {  	[sflag:s10] =	ssyncset.done $0x0  }
0x17d: {  	s5 =	simm.s32 $0x0;
	[sflag:s10] =	ssyncadd.s32 $0xFFFFF800  }
0x17e: {  	v8 =	vld [tilespmem:s5+$0x280]  }
0x17f: {  	v12 =	vld [tilespmem:s5+$0x290]  }
0x180: {  	v6 =	vld [tilespmem:s5+$0x2A0]  }
0x181: {  	v5 =	vld [tilespmem:s5+$0x2B0]  }
0x182: {  	v4 =	vld [tilespmem:s5+$0x2C0]  }
0x183: {  	v3 =	vld [tilespmem:s5+$0x2D0]  }
0x184: {  	v2 =	vld [tilespmem:s5+$0x2E0]  }
0x185: {  	v1 =	vld [tilespmem:s5+$0x2F0]  }
0x186: {  	v13 =	vld [tilespmem:s5+$0x4280]  }
0x187: {  	v14 =	vld [tilespmem:s5+$0x4290]  }
0x188: {  	v11 =	vld [tilespmem:s5+$0x42A0]  }
0x189: {  	v10 =	vld [tilespmem:s5+$0x42B0]  }
0x18a: {  	v9 =	vld [tilespmem:s5+$0x42C0]  }
0x18b: {  	v7 =	vld [tilespmem:s5+$0x42D0];
	v13 =	vmul.f32 v8, v13  }
0x18c: {  	s1 =	simm.s32 $0x200;
	v12 =	vmul.f32 v12, v14;
	v8 =	vld [tilespmem:s5+$0x42E0]  }
.LBB2_14:
0x18d: {  	s8 =	sshra.s32 s1, $0x2;
	p0 =	sne.s32 s1, $0x1E00;
	[tilespmem:s5+$0x4280] =	vst v13;
	v6 =	vmul.f32 v6, v11;
	v11 =	vld [tilespmem:s5+$0x42F0]  }
0x18e: {  	v13 =	vld [tilespmem:s8+$0x280];
	[tilespmem:s5+$0x4290] =	vst v12;
	v5 =	vmul.f32 v5, v10  }
0x18f: {  	v12 =	vld [tilespmem:s8+$0x290];
	[tilespmem:s5+$0x42A0] =	vst v6;
	v4 =	vmul.f32 v4, v9  }
0x190: {  	v6 =	vld [tilespmem:s8+$0x2A0];
	[tilespmem:s5+$0x42B0] =	vst v5;
	v3 =	vmul.f32 v3, v7  }
0x191: {  	v5 =	vld [tilespmem:s8+$0x2B0];
	[tilespmem:s5+$0x42C0] =	vst v4;
	v2 =	vmul.f32 v2, v8  }
0x192: {  	v4 =	vld [tilespmem:s8+$0x2C0];
	[tilespmem:s5+$0x42D0] =	vst v3;
	v1 =	vmul.f32 v1, v11  }
0x193: {  	v3 =	vld [tilespmem:s8+$0x2D0];
	[tilespmem:s5+$0x42E0] =	vst v2  }
0x194: {  	v2 =	vld [tilespmem:s8+$0x2E0];
	[tilespmem:s5+$0x42F0] =	vst v1;
	s5 =	smov.u32 s8  }
0x195: {  	v1 =	vld [tilespmem:s5+$0x2F0]  }
0x196: {  	v7 =	vld [tilespmem:s5+$0x4280]  }
0x197: {  	v8 =	vld [tilespmem:s5+$0x4290]  }
.Ltmp6:
0x198: {  	v11 =	vld [tilespmem:s5+$0x42A0];
	(pc) =	sbr.rel @p0 .LBB2_14-.Ltmp6, $4  }
0x199: {  	v10 =	vld [tilespmem:s5+$0x42B0]  }
0x19a: {  	v9 =	vld [tilespmem:s5+$0x42C0]  }
0x19b: {  	v13 =	vmul.f32 v13, v7;
	v7 =	vld [tilespmem:s5+$0x42D0]  }
0x19c: {  	s1 =	sadd.s32 $0x200, s1;
	v12 =	vmul.f32 v12, v8;
	v8 =	vld [tilespmem:s5+$0x42E0]  }
0x19d: {  	[tilespmem:s5+$0x4280] =	vst v13;
	v6 =	vmul.f32 v6, v11;
	v63 =	vld [tilespmem:s5+$0x42F0]  }
0x19e: {  	[tilespmem:s5+$0x4290] =	vst v12;
	v5 =	vmul.f32 v5, v10  }
0x19f: {  	[tilespmem:s5+$0x42A0] =	vst v6;
	v4 =	vmul.f32 v4, v9  }
0x1a0: {  	[tilespmem:s5+$0x42B0] =	vst v5;
	v3 =	vmul.f32 v3, v7  }
0x1a1: {  	[tilespmem:s5+$0x42C0] =	vst v4;
	v2 =	vmul.f32 v2, v8  }
0x1a2: {  	[tilespmem:s5+$0x42D0] =	vst v3;
	v1 =	vmul.f32 v1, v63  }
0x1a3: {  	[tilespmem:s5+$0x42E0] =	vst v2  }
0x1a4: {  	[tilespmem:s5+$0x42F0] =	vst v1  }
0x1a5: {  	[spmem:s0] =	stream.indirect.scatter.add.f32 [tilespmem:s12], [sflag:$0xB], $0x80, s11, s13, $0xb8;
	[tilespmem:$0x1C280] =	vst v63  }
0x1a6: {  	_ =	swait.ge [sflag:s10], $0x800  }
0x1a7: {  	[sflag:s10] =	ssyncset.done $0x0  }
0x1a8: {  	[sflag:s10] =	ssyncadd.s32 $0xFFFFF800  }
0x1a9: {  	s1 =	stileid.u32;
	[bflag:$0x0] =	sbarrier.arrive $0xFFFF  }
0x1aa: {  	s1 =	sshll.u32 s1, $0x6;
	s16 =	rddreg [dreg:$0x7]  }
0x1ab: {  	s1 =	sor.u32 $0x1C0B, s1;
	s8 =	rddreg [dreg:$0x13];
	s20 =	sshrl.u32 s16, $0x3  }
0x1ac: {  	[hbm:s8], [sflag:s1] =	dma.local [spmem:s20], $0x2800  }
0x1ad: {  	_ =	swait.ge [sflag:s10], $0x2800  }
0x1ae: {  	s11 =	rddreg [dreg:$0x6]  }
0x1af: {  	s20 =	rddreg [dreg:$0x17];
	s13 =	sadd.s32 $0x1, s11  }
0x1b0: {  	p0 =	sne.s32 s13, s20  }
.Ltmp7:
0x1b1: {  	_ = 	snop;
	(pc) =	sbr.rel @p0 .LBB2_1-.Ltmp7, $3  }
0x1b2: {  	_ =	sdelay $0x1  }
0x1b3: {  	[sflag:s10] =	ssyncset.done $0x0  }
0x1b4: {  	[sflag:s10] =	ssyncadd.s32 $0xFFFFD800  }
0x1b5: {  	_ =	sfence.sel $0x180000  }
0x1b6: {  	[bflag:$0x0] =	sbarrier.arrive $0xFFFF  }
0x1b7: {  	_ =	strace $0x90000047  }
0x1b8: {  	s0 =	stileid.u32;
	[bflag:$0x2] =	sbarrier.arrive $0xFFFF  }
0x1b9: {  	p0 =	sne.s32 s0, $0x0;
	s0 =	rddreg [dreg:$0x5]  }
0x1ba: {  	s0 =	sadd.s32 @!p0 $0x100000, s0  }
0x1bb: {  	[sflag:s0] =	ssyncadd.tile.s32 @!p0 $0x1;
	_ =	shalt  }
.Lfunc_end2:
_tile_overlayer_lowered:
.L_overlay_start_2:
0x1bc: {  	(tag) =	ssettag $0x2  }
0x1bd: {  	s0 =	rddreg [dreg:$0x0];
	s2 =	stileid.u32  }
0x1be: {  	s1 =	rddreg [dreg:$0x1];
	p0 =	sne.s32 s2, $0x0  }
0x1bf: {  	s3 =	rddreg [dreg:$0x2];
	[bflag:$0x3] =	sbarrier.arrive $0xFFFF;
	s2 =	simm.s32 @!p0 $0x1C0B  }
0x1c0: {  	[timem:s3], [sflag:s2] =	dma.local @!p0 [hbm:s0], s1  }
0x1c1: {  	s0 =	simm.s32 @!p0 $0xB  }
0x1c2: {  	_ =	swait.ge @!p0 [sflag:s0], s1  }
0x1c3: {  	s1 =	ssub.s32 @!p0 $0x0, s1;
	[sflag:s0] =	ssyncset.done @!p0 $0x0  }
0x1c4: {  	[sflag:s0] =	ssyncadd.s32 @!p0 s1  }
0x1c5: {  	[bflag:$0x3] =	sbarrier.arrive $0xFFFF  }
0x1c6: {  	_ =	shalt  }

</sc_bundles>
